<compile_context>
chip_gen: v7x
topology: tpu7x:2x2x1
jax: 0.10.2.dev20260603
libtpu: 0.0.44.dev20260713+nightly
codegen_flags: <defaults>
</compile_context>

<pallas_src>
import functools

import jax
import jax.numpy as jnp
from jax import lax
from jax.experimental import pallas as pl
from jax.experimental.pallas import tpu as pltpu
from jax.experimental.pallas import tpu_sc as plsc

_VOCAB = 1000
_D = 1000
_B = 1024
_H = 20
_NSEG = 5
_SEG = _D // _NSEG
_NC = 2
_NS = 16
_NW = _NC * _NS
_NBLK = _H * (_B // 128)
_BPW = _NBLK // _NW
_NU = _BPW * _NSEG
_TLP = _SEG // 8
_STG = _TLP * 1024


def _body(tab_hbm, xv_hbm, out_hbm, xv, ib0, ib1, ib2, id0, id1, id2,
          st0, st1, sg0, sg1, sg2, sw0, sw1):
    w = lax.axis_index("s") * _NC + lax.axis_index("c")
    pltpu.sync_copy(xv_hbm.at[pl.ds(w * (_BPW * 128), _BPW * 128)], xv)

    inb = (ib0, ib1, ib2)
    idxb = (id0, id1, id2)
    stg = (st0, st1)
    sg = (sg0, sg1, sg2)
    sw = (sw0, sw1)

    iota = jnp.arange(16, dtype=jnp.int32)
    rowv = [iota + c0 for c0 in range(0, 128, 16)]

    def fire_gather(u, g):
        bidl = u // _NSEG
        k = u % _NSEG
        for j in range(8):
            xs = xv[pl.ds(bidl * 128 + j * 16, 16)]
            idxb[g][pl.ds(j * 16, 16)] = xs * _NSEG + k
        pltpu.async_copy(tab_hbm.at[idxb[g]], inb[g], sg[g])

    def wait_gather(g):
        pltpu.make_async_copy(tab_hbm.at[idxb[g]], inb[g], sg[g]).wait()

    def unit_base(u):
        bid = w * _BPW + u // _NSEG
        k = u % _NSEG
        h = bid // 8
        tc = bid % 8
        return ((h * 125 + k * _TLP) * 8 + tc) * 1024

    def transpose(g, p):
        @plsc.parallel_loop(0, _SEG, step=1, unroll=20)
        def tbody(vv):
            col = jnp.zeros((16,), jnp.int32) + vv
            pos = (vv // 8) * 1024 + (vv % 8) * 128
            for j in range(8):
                val = plsc.load_gather(inb[g], [rowv[j], col])
                stg[p][pl.ds(pos + j * 16, 16)] = val

    def write_unit(u, p):
        base = unit_base(u)
        def wbody(tl, c):
            pltpu.async_copy(stg[p].at[pl.ds(tl * 1024, 1024)],
                             out_hbm.at[pl.ds(base + tl * 8192, 1024)],
                             sw[p])
            return c
        lax.fori_loop(0, _TLP, wbody, 0, unroll=False)

    def drain_writes(p):
        pltpu.make_async_copy(out_hbm.at[pl.ds(0, _STG)], stg[p], sw[p]).wait()

    for u0 in range(3):
        fire_gather(u0, u0)

    def step(j, c):
        for t in range(6):
            u = j * 6 + t
            g = t % 3
            p = t % 2
            wait_gather(g)
            if t < 2:
                @pl.when(j > 0)
                def _():
                    drain_writes(p)
            else:
                drain_writes(p)
            transpose(g, p)
            @pl.when(u + 3 < _NU)
            def _():
                fire_gather(u + 3, g)
            write_unit(u, p)
        return c

    lax.fori_loop(0, (_NU - 1) // 6, step, 0, unroll=False)

    wait_gather(0)
    drain_writes(0)
    transpose(0, 0)
    write_unit(_NU - 1, 0)
    drain_writes(1)
    drain_writes(0)


@functools.partial(
    pl.kernel,
    mesh=plsc.VectorSubcoreMesh(core_axis_name="c", subcore_axis_name="s"),
    out_type=jax.ShapeDtypeStruct((_B * _H * _D,), jnp.float32),
    compiler_params=pltpu.CompilerParams(use_tc_tiling_on_sc=False,
                                        needs_layout_passes=False),
    scratch_types=[
        pltpu.VMEM((_BPW * 128,), jnp.int32),
        pltpu.VMEM((128, _SEG), jnp.float32),
        pltpu.VMEM((128, _SEG), jnp.float32),
        pltpu.VMEM((128, _SEG), jnp.float32),
        pltpu.VMEM((128,), jnp.int32),
        pltpu.VMEM((128,), jnp.int32),
        pltpu.VMEM((128,), jnp.int32),
        pltpu.VMEM((_STG,), jnp.float32),
        pltpu.VMEM((_STG,), jnp.float32),
        pltpu.SemaphoreType.DMA,
        pltpu.SemaphoreType.DMA,
        pltpu.SemaphoreType.DMA,
        pltpu.SemaphoreType.DMA,
        pltpu.SemaphoreType.DMA,
    ],
)
def _sc_gather(tab_hbm, xv_hbm, out_hbm, xv, ib0, ib1, ib2, id0, id1, id2,
               st0, st1, sg0, sg1, sg2, sw0, sw1):
    _body(tab_hbm, xv_hbm, out_hbm, xv, ib0, ib1, ib2, id0, id1, id2,
          st0, st1, sg0, sg1, sg2, sw0, sw1)


def kernel(x, logits):
    xi = x.astype(jnp.int32)
    xarr = xi.T.reshape(_H, 8, 128).reshape(-1)
    tab5 = logits.reshape(_VOCAB * _NSEG, _SEG)
    o1 = _sc_gather(tab5, xarr)
    o5 = o1.reshape(_H, 125, 8, 8, 128)
    return o5.transpose(2, 4, 0, 1, 3).reshape(_B, _H, _D)

# --- scband reference (transcript-rebuilt; emitter-appended) ---
"""Pipeline reference for scband-bi-gram-17557826306503 (READ-ONLY COPY).

The authoritative reference and input builder live on the scoring server;
editing this copy changes nothing except your own understanding.
"""

import jax, jax.numpy as jnp
import numpy as np

VOCAB = 1000
BATCH = 1024
HIST = 20

def setup_inputs(seed: int = 0) -> dict:
    key = jax.random.key(seed)
    k1, k2 = jax.random.split(key)
    x = jax.random.randint(k1, (BATCH, HIST), 0, VOCAB, dtype=jnp.int64)
    logits = jax.random.normal(k2, (VOCAB, VOCAB), dtype=jnp.float32) * 0.02
    return {"x": x, "logits": logits}

def reference(x, logits):
    # BiGram forward: row gather from the [vocab, vocab] logits table
    return jnp.take(logits, x, axis=0)

if __name__ == "__main__":
    import jax
    _d = setup_inputs()
    print(jax.jit(kernel)(*tuple(_d.values())))

</pallas_src>

<mosaic_0001>
#map = affine_map<(d0, d1) -> (0, 0)>
#map1 = affine_map<(d0, d1) -> (0)>
module attributes {stable_mosaic.version = 14 : i64} {
  func.func @_sc_gather(%arg0: i32, %arg1: i32, %arg2: memref<5000x200xf32, #tpu.memory_space<hbm>>, %arg3: memref<20480xi32, #tpu.memory_space<hbm>>, %arg4: memref<20480000xf32, #tpu.memory_space<hbm>>, %arg5: memref<640xi32, #tpu.memory_space<vmem>>, %arg6: memref<128x200xf32, #tpu.memory_space<vmem>>, %arg7: memref<128x200xf32, #tpu.memory_space<vmem>>, %arg8: memref<128x200xf32, #tpu.memory_space<vmem>>, %arg9: memref<128xi32, #tpu.memory_space<vmem>>, %arg10: memref<128xi32, #tpu.memory_space<vmem>>, %arg11: memref<128xi32, #tpu.memory_space<vmem>>, %arg12: memref<25600xf32, #tpu.memory_space<vmem>>, %arg13: memref<25600xf32, #tpu.memory_space<vmem>>, %arg14: memref<!tpu.dma_semaphore, #tpu.memory_space<semaphore_mem>>, %arg15: memref<!tpu.dma_semaphore, #tpu.memory_space<semaphore_mem>>, %arg16: memref<!tpu.dma_semaphore, #tpu.memory_space<semaphore_mem>>, %arg17: memref<!tpu.dma_semaphore, #tpu.memory_space<semaphore_mem>>, %arg18: memref<!tpu.dma_semaphore, #tpu.memory_space<semaphore_mem>>) attributes {dimension_semantics = [#tpu.dimension_semantics<core_parallel>, #tpu.dimension_semantics<subcore_parallel>], iteration_bounds = array<i64: 2, 16>, scalar_prefetch = 0 : i64, scratch_operands = 14 : i64, tpu.core_type = #tpu.core_type<sc_vector_subcore>, window_params = [{transform_indices = #map}, {transform_indices = #map1}, {transform_indices = #map1}]} {
    %mul3A = arith.constant 2 : i32
    %mul3A_0 = arith.muli %arg1, %mul3A : i32
    %add3A = arith.addi %mul3A_0, %arg0 : i32
    %mul3A_1 = arith.constant 640 : i32
    %mul3A_2 = arith.muli %add3A, %mul3A_1 : i32
    "tpu.region"() ({
      %run_scoped3A = tpu.sem_alloc : memref<!tpu.dma_semaphore, #tpu.memory_space<semaphore_mem>>
      %dma_start3A_343 = tpu.memref_slice %arg3[%mul3A_2] : memref<20480xi32, #tpu.memory_space<hbm>> -> memref<640xi32, #tpu.memory_space<hbm>>
      %dma_start3A_344 = tpu.memref_slice %arg3[%mul3A_2] : memref<20480xi32, #tpu.memory_space<hbm>> -> memref<640xi32, #tpu.memory_space<hbm>>
      tpu.enqueue_dma source(%dma_start3A_344 : memref<640xi32, #tpu.memory_space<hbm>>) target(%arg5 : memref<640xi32, #tpu.memory_space<vmem>>) target_semaphore(%run_scoped3A : memref<!tpu.dma_semaphore, #tpu.memory_space<semaphore_mem>>)
      %dma_wait3A_345 = tpu.memref_slice %arg3[%mul3A_2] : memref<20480xi32, #tpu.memory_space<hbm>> -> memref<640xi32, #tpu.memory_space<hbm>>
      %dma_wait3A_346 = tpu.memref_slice %arg3[%mul3A_2] : memref<20480xi32, #tpu.memory_space<hbm>> -> memref<640xi32, #tpu.memory_space<hbm>>
      tpu.wait_dma2 semaphore(%run_scoped3A : memref<!tpu.dma_semaphore, #tpu.memory_space<semaphore_mem>>) src(%dma_wait3A_346 : memref<640xi32, #tpu.memory_space<hbm>>) dst(%arg5 : memref<640xi32, #tpu.memory_space<vmem>>)
      tpu.yield
    }) : () -> ()
    %iota3A = tpu.iota {dimensions = array<i32: 0>} : vector<16xi32>
    %add3A_3 = arith.constant 0 : i32
    %add3A_4 = vector.broadcast %add3A_3 : i32 to vector<16xi32>
    %add3A_5 = arith.addi %iota3A, %add3A_4 : vector<16xi32>
    %add3A_6 = arith.constant 16 : i32
    %add3A_7 = vector.broadcast %add3A_6 : i32 to vector<16xi32>
    %add3A_8 = arith.addi %iota3A, %add3A_7 : vector<16xi32>
    %add3A_9 = arith.constant 32 : i32
    %add3A_10 = vector.broadcast %add3A_9 : i32 to vector<16xi32>
    %add3A_11 = arith.addi %iota3A, %add3A_10 : vector<16xi32>
    %add3A_12 = arith.constant 48 : i32
    %add3A_13 = vector.broadcast %add3A_12 : i32 to vector<16xi32>
    %add3A_14 = arith.addi %iota3A, %add3A_13 : vector<16xi32>
    %add3A_15 = arith.constant 64 : i32
    %add3A_16 = vector.broadcast %add3A_15 : i32 to vector<16xi32>
    %add3A_17 = arith.addi %iota3A, %add3A_16 : vector<16xi32>
    %add3A_18 = arith.constant 80 : i32
    %add3A_19 = vector.broadcast %add3A_18 : i32 to vector<16xi32>
    %add3A_20 = arith.addi %iota3A, %add3A_19 : vector<16xi32>
    %add3A_21 = arith.constant 96 : i32
    %add3A_22 = vector.broadcast %add3A_21 : i32 to vector<16xi32>
    %add3A_23 = arith.addi %iota3A, %add3A_22 : vector<16xi32>
    %add3A_24 = arith.constant 112 : i32
    %add3A_25 = vector.broadcast %add3A_24 : i32 to vector<16xi32>
    %add3A_26 = arith.addi %iota3A, %add3A_25 : vector<16xi32>
    %get3A = arith.constant 0 : index
    %get3A_27 = tpu.vector_load %arg5[%get3A] {strides = array<i32>} : memref<640xi32, #tpu.memory_space<vmem>>, vector<16xi32>,
    %mul3A_28 = arith.constant 5 : i32
    %mul3A_29 = vector.broadcast %mul3A_28 : i32 to vector<16xi32>
    %mul3A_30 = arith.muli %get3A_27, %mul3A_29 : vector<16xi32>
    %add3A_31 = arith.constant 0 : i32
    %add3A_32 = vector.broadcast %add3A_31 : i32 to vector<16xi32>
    %add3A_33 = arith.addi %mul3A_30, %add3A_32 : vector<16xi32>
    %swap3A = arith.constant 0 : index
    %swap3A_34 = tpu.vector_load %arg9[%swap3A] {strides = array<i32>} : memref<128xi32, #tpu.memory_space<vmem>>, vector<16xi32>,
    tpu.vector_store %arg9[%swap3A], %add3A_33 {strides = array<i32>} : memref<128xi32, #tpu.memory_space<vmem>>, vector<16xi32>,
    %get3A_35 = arith.constant 16 : index
    %get3A_36 = tpu.vector_load %arg5[%get3A_35] {strides = array<i32>} : memref<640xi32, #tpu.memory_space<vmem>>, vector<16xi32>,
    %mul3A_37 = arith.constant 5 : i32
    %mul3A_38 = vector.broadcast %mul3A_37 : i32 to vector<16xi32>
    %mul3A_39 = arith.muli %get3A_36, %mul3A_38 : vector<16xi32>
    %add3A_40 = arith.constant 0 : i32
    %add3A_41 = vector.broadcast %add3A_40 : i32 to vector<16xi32>
    %add3A_42 = arith.addi %mul3A_39, %add3A_41 : vector<16xi32>
    %swap3A_43 = arith.constant 16 : index
    %swap3A_44 = tpu.vector_load %arg9[%swap3A_43] {strides = array<i32>} : memref<128xi32, #tpu.memory_space<vmem>>, vector<16xi32>,
    tpu.vector_store %arg9[%swap3A_43], %add3A_42 {strides = array<i32>} : memref<128xi32, #tpu.memory_space<vmem>>, vector<16xi32>,
    %get3A_45 = arith.constant 32 : index
    %get3A_46 = tpu.vector_load %arg5[%get3A_45] {strides = array<i32>} : memref<640xi32, #tpu.memory_space<vmem>>, vector<16xi32>,
    %mul3A_47 = arith.constant 5 : i32
    %mul3A_48 = vector.broadcast %mul3A_47 : i32 to vector<16xi32>
    %mul3A_49 = arith.muli %get3A_46, %mul3A_48 : vector<16xi32>
    %add3A_50 = arith.constant 0 : i32
    %add3A_51 = vector.broadcast %add3A_50 : i32 to vector<16xi32>
    %add3A_52 = arith.addi %mul3A_49, %add3A_51 : vector<16xi32>
    %swap3A_53 = arith.constant 32 : index
    %swap3A_54 = tpu.vector_load %arg9[%swap3A_53] {strides = array<i32>} : memref<128xi32, #tpu.memory_space<vmem>>, vector<16xi32>,
    tpu.vector_store %arg9[%swap3A_53], %add3A_52 {strides = array<i32>} : memref<128xi32, #tpu.memory_space<vmem>>, vector<16xi32>,
    %get3A_55 = arith.constant 48 : index
    %get3A_56 = tpu.vector_load %arg5[%get3A_55] {strides = array<i32>} : memref<640xi32, #tpu.memory_space<vmem>>, vector<16xi32>,
    %mul3A_57 = arith.constant 5 : i32
    %mul3A_58 = vector.broadcast %mul3A_57 : i32 to vector<16xi32>
    %mul3A_59 = arith.muli %get3A_56, %mul3A_58 : vector<16xi32>
    %add3A_60 = arith.constant 0 : i32
    %add3A_61 = vector.broadcast %add3A_60 : i32 to vector<16xi32>
    %add3A_62 = arith.addi %mul3A_59, %add3A_61 : vector<16xi32>
    %swap3A_63 = arith.constant 48 : index
    %swap3A_64 = tpu.vector_load %arg9[%swap3A_63] {strides = array<i32>} : memref<128xi32, #tpu.memory_space<vmem>>, vector<16xi32>,
    tpu.vector_store %arg9[%swap3A_63], %add3A_62 {strides = array<i32>} : memref<128xi32, #tpu.memory_space<vmem>>, vector<16xi32>,
    %get3A_65 = arith.constant 64 : index
    %get3A_66 = tpu.vector_load %arg5[%get3A_65] {strides = array<i32>} : memref<640xi32, #tpu.memory_space<vmem>>, vector<16xi32>,
    %mul3A_67 = arith.constant 5 : i32
    %mul3A_68 = vector.broadcast %mul3A_67 : i32 to vector<16xi32>
    %mul3A_69 = arith.muli %get3A_66, %mul3A_68 : vector<16xi32>
    %add3A_70 = arith.constant 0 : i32
    %add3A_71 = vector.broadcast %add3A_70 : i32 to vector<16xi32>
    %add3A_72 = arith.addi %mul3A_69, %add3A_71 : vector<16xi32>
    %swap3A_73 = arith.constant 64 : index
    %swap3A_74 = tpu.vector_load %arg9[%swap3A_73] {strides = array<i32>} : memref<128xi32, #tpu.memory_space<vmem>>, vector<16xi32>,
    tpu.vector_store %arg9[%swap3A_73], %add3A_72 {strides = array<i32>} : memref<128xi32, #tpu.memory_space<vmem>>, vector<16xi32>,
    %get3A_75 = arith.constant 80 : index
    %get3A_76 = tpu.vector_load %arg5[%get3A_75] {strides = array<i32>} : memref<640xi32, #tpu.memory_space<vmem>>, vector<16xi32>,
    %mul3A_77 = arith.constant 5 : i32
    %mul3A_78 = vector.broadcast %mul3A_77 : i32 to vector<16xi32>
    %mul3A_79 = arith.muli %get3A_76, %mul3A_78 : vector<16xi32>
    %add3A_80 = arith.constant 0 : i32
    %add3A_81 = vector.broadcast %add3A_80 : i32 to vector<16xi32>
    %add3A_82 = arith.addi %mul3A_79, %add3A_81 : vector<16xi32>
    %swap3A_83 = arith.constant 80 : index
    %swap3A_84 = tpu.vector_load %arg9[%swap3A_83] {strides = array<i32>} : memref<128xi32, #tpu.memory_space<vmem>>, vector<16xi32>,
    tpu.vector_store %arg9[%swap3A_83], %add3A_82 {strides = array<i32>} : memref<128xi32, #tpu.memory_space<vmem>>, vector<16xi32>,
    %get3A_85 = arith.constant 96 : index
    %get3A_86 = tpu.vector_load %arg5[%get3A_85] {strides = array<i32>} : memref<640xi32, #tpu.memory_space<vmem>>, vector<16xi32>,
    %mul3A_87 = arith.constant 5 : i32
    %mul3A_88 = vector.broadcast %mul3A_87 : i32 to vector<16xi32>
    %mul3A_89 = arith.muli %get3A_86, %mul3A_88 : vector<16xi32>
    %add3A_90 = arith.constant 0 : i32
    %add3A_91 = vector.broadcast %add3A_90 : i32 to vector<16xi32>
    %add3A_92 = arith.addi %mul3A_89, %add3A_91 : vector<16xi32>
    %swap3A_93 = arith.constant 96 : index
    %swap3A_94 = tpu.vector_load %arg9[%swap3A_93] {strides = array<i32>} : memref<128xi32, #tpu.memory_space<vmem>>, vector<16xi32>,
    tpu.vector_store %arg9[%swap3A_93], %add3A_92 {strides = array<i32>} : memref<128xi32, #tpu.memory_space<vmem>>, vector<16xi32>,
    %get3A_95 = arith.constant 112 : index
    %get3A_96 = tpu.vector_load %arg5[%get3A_95] {strides = array<i32>} : memref<640xi32, #tpu.memory_space<vmem>>, vector<16xi32>,
    %mul3A_97 = arith.constant 5 : i32
    %mul3A_98 = vector.broadcast %mul3A_97 : i32 to vector<16xi32>
    %mul3A_99 = arith.muli %get3A_96, %mul3A_98 : vector<16xi32>
    %add3A_100 = arith.constant 0 : i32
    %add3A_101 = vector.broadcast %add3A_100 : i32 to vector<16xi32>
    %add3A_102 = arith.addi %mul3A_99, %add3A_101 : vector<16xi32>
    %swap3A_103 = arith.constant 112 : index
    %swap3A_104 = tpu.vector_load %arg9[%swap3A_103] {strides = array<i32>} : memref<128xi32, #tpu.memory_space<vmem>>, vector<16xi32>,
    tpu.vector_store %arg9[%swap3A_103], %add3A_102 {strides = array<i32>} : memref<128xi32, #tpu.memory_space<vmem>>, vector<16xi32>,
    %dma_start3A = arith.constant 0 : i32
    %dma_start3A_105 = arith.constant 0 : i32
    %dma_start3A_106 = tpu.memref_slice %arg2[%dma_start3A, %dma_start3A_105] : memref<5000x200xf32, #tpu.memory_space<hbm>> -> memref<5000x200xf32, #tpu.memory_space<hbm>>
    tpu.enqueue_indirect_dma source(%dma_start3A_106 : memref<5000x200xf32, #tpu.memory_space<hbm>>) target(%arg6 : memref<128x200xf32, #tpu.memory_space<vmem>>) offsets(%arg9 : memref<128xi32, #tpu.memory_space<vmem>>) semaphore(%arg14 : memref<!tpu.dma_semaphore, #tpu.memory_space<semaphore_mem>>)
    %get3A_107 = arith.constant 0 : index
    %get3A_108 = tpu.vector_load %arg5[%get3A_107] {strides = array<i32>} : memref<640xi32, #tpu.memory_space<vmem>>, vector<16xi32>,
    %mul3A_109 = arith.constant 5 : i32
    %mul3A_110 = vector.broadcast %mul3A_109 : i32 to vector<16xi32>
    %mul3A_111 = arith.muli %get3A_108, %mul3A_110 : vector<16xi32>
    %add3A_112 = arith.constant 1 : i32
    %add3A_113 = vector.broadcast %add3A_112 : i32 to vector<16xi32>
    %add3A_114 = arith.addi %mul3A_111, %add3A_113 : vector<16xi32>
    %swap3A_115 = arith.constant 0 : index
    %swap3A_116 = tpu.vector_load %arg10[%swap3A_115] {strides = array<i32>} : memref<128xi32, #tpu.memory_space<vmem>>, vector<16xi32>,
    tpu.vector_store %arg10[%swap3A_115], %add3A_114 {strides = array<i32>} : memref<128xi32, #tpu.memory_space<vmem>>, vector<16xi32>,
    %get3A_117 = arith.constant 16 : index
    %get3A_118 = tpu.vector_load %arg5[%get3A_117] {strides = array<i32>} : memref<640xi32, #tpu.memory_space<vmem>>, vector<16xi32>,
    %mul3A_119 = arith.constant 5 : i32
    %mul3A_120 = vector.broadcast %mul3A_119 : i32 to vector<16xi32>
    %mul3A_121 = arith.muli %get3A_118, %mul3A_120 : vector<16xi32>
    %add3A_122 = arith.constant 1 : i32
    %add3A_123 = vector.broadcast %add3A_122 : i32 to vector<16xi32>
    %add3A_124 = arith.addi %mul3A_121, %add3A_123 : vector<16xi32>
    %swap3A_125 = arith.constant 16 : index
    %swap3A_126 = tpu.vector_load %arg10[%swap3A_125] {strides = array<i32>} : memref<128xi32, #tpu.memory_space<vmem>>, vector<16xi32>,
    tpu.vector_store %arg10[%swap3A_125], %add3A_124 {strides = array<i32>} : memref<128xi32, #tpu.memory_space<vmem>>, vector<16xi32>,
    %get3A_127 = arith.constant 32 : index
    %get3A_128 = tpu.vector_load %arg5[%get3A_127] {strides = array<i32>} : memref<640xi32, #tpu.memory_space<vmem>>, vector<16xi32>,
    %mul3A_129 = arith.constant 5 : i32
    %mul3A_130 = vector.broadcast %mul3A_129 : i32 to vector<16xi32>
    %mul3A_131 = arith.muli %get3A_128, %mul3A_130 : vector<16xi32>
    %add3A_132 = arith.constant 1 : i32
    %add3A_133 = vector.broadcast %add3A_132 : i32 to vector<16xi32>
    %add3A_134 = arith.addi %mul3A_131, %add3A_133 : vector<16xi32>
    %swap3A_135 = arith.constant 32 : index
    %swap3A_136 = tpu.vector_load %arg10[%swap3A_135] {strides = array<i32>} : memref<128xi32, #tpu.memory_space<vmem>>, vector<16xi32>,
    tpu.vector_store %arg10[%swap3A_135], %add3A_134 {strides = array<i32>} : memref<128xi32, #tpu.memory_space<vmem>>, vector<16xi32>,
    %get3A_137 = arith.constant 48 : index
    %get3A_138 = tpu.vector_load %arg5[%get3A_137] {strides = array<i32>} : memref<640xi32, #tpu.memory_space<vmem>>, vector<16xi32>,
    %mul3A_139 = arith.constant 5 : i32
    %mul3A_140 = vector.broadcast %mul3A_139 : i32 to vector<16xi32>
    %mul3A_141 = arith.muli %get3A_138, %mul3A_140 : vector<16xi32>
    %add3A_142 = arith.constant 1 : i32
    %add3A_143 = vector.broadcast %add3A_142 : i32 to vector<16xi32>
    %add3A_144 = arith.addi %mul3A_141, %add3A_143 : vector<16xi32>
    %swap3A_145 = arith.constant 48 : index
    %swap3A_146 = tpu.vector_load %arg10[%swap3A_145] {strides = array<i32>} : memref<128xi32, #tpu.memory_space<vmem>>, vector<16xi32>,
    tpu.vector_store %arg10[%swap3A_145], %add3A_144 {strides = array<i32>} : memref<128xi32, #tpu.memory_space<vmem>>, vector<16xi32>,
    %get3A_147 = arith.constant 64 : index
    %get3A_148 = tpu.vector_load %arg5[%get3A_147] {strides = array<i32>} : memref<640xi32, #tpu.memory_space<vmem>>, vector<16xi32>,
    %mul3A_149 = arith.constant 5 : i32
    %mul3A_150 = vector.broadcast %mul3A_149 : i32 to vector<16xi32>
    %mul3A_151 = arith.muli %get3A_148, %mul3A_150 : vector<16xi32>
    %add3A_152 = arith.constant 1 : i32
    %add3A_153 = vector.broadcast %add3A_152 : i32 to vector<16xi32>
    %add3A_154 = arith.addi %mul3A_151, %add3A_153 : vector<16xi32>
    %swap3A_155 = arith.constant 64 : index
    %swap3A_156 = tpu.vector_load %arg10[%swap3A_155] {strides = array<i32>} : memref<128xi32, #tpu.memory_space<vmem>>, vector<16xi32>,
    tpu.vector_store %arg10[%swap3A_155], %add3A_154 {strides = array<i32>} : memref<128xi32, #tpu.memory_space<vmem>>, vector<16xi32>,
    %get3A_157 = arith.constant 80 : index
    %get3A_158 = tpu.vector_load %arg5[%get3A_157] {strides = array<i32>} : memref<640xi32, #tpu.memory_space<vmem>>, vector<16xi32>,
    %mul3A_159 = arith.constant 5 : i32
    %mul3A_160 = vector.broadcast %mul3A_159 : i32 to vector<16xi32>
    %mul3A_161 = arith.muli %get3A_158, %mul3A_160 : vector<16xi32>
    %add3A_162 = arith.constant 1 : i32
    %add3A_163 = vector.broadcast %add3A_162 : i32 to vector<16xi32>
    %add3A_164 = arith.addi %mul3A_161, %add3A_163 : vector<16xi32>
    %swap3A_165 = arith.constant 80 : index
    %swap3A_166 = tpu.vector_load %arg10[%swap3A_165] {strides = array<i32>} : memref<128xi32, #tpu.memory_space<vmem>>, vector<16xi32>,
    tpu.vector_store %arg10[%swap3A_165], %add3A_164 {strides = array<i32>} : memref<128xi32, #tpu.memory_space<vmem>>, vector<16xi32>,
    %get3A_167 = arith.constant 96 : index
    %get3A_168 = tpu.vector_load %arg5[%get3A_167] {strides = array<i32>} : memref<640xi32, #tpu.memory_space<vmem>>, vector<16xi32>,
    %mul3A_169 = arith.constant 5 : i32
    %mul3A_170 = vector.broadcast %mul3A_169 : i32 to vector<16xi32>
    %mul3A_171 = arith.muli %get3A_168, %mul3A_170 : vector<16xi32>
    %add3A_172 = arith.constant 1 : i32
    %add3A_173 = vector.broadcast %add3A_172 : i32 to vector<16xi32>
    %add3A_174 = arith.addi %mul3A_171, %add3A_173 : vector<16xi32>
    %swap3A_175 = arith.constant 96 : index
    %swap3A_176 = tpu.vector_load %arg10[%swap3A_175] {strides = array<i32>} : memref<128xi32, #tpu.memory_space<vmem>>, vector<16xi32>,
    tpu.vector_store %arg10[%swap3A_175], %add3A_174 {strides = array<i32>} : memref<128xi32, #tpu.memory_space<vmem>>, vector<16xi32>,
    %get3A_177 = arith.constant 112 : index
    %get3A_178 = tpu.vector_load %arg5[%get3A_177] {strides = array<i32>} : memref<640xi32, #tpu.memory_space<vmem>>, vector<16xi32>,
    %mul3A_179 = arith.constant 5 : i32
    %mul3A_180 = vector.broadcast %mul3A_179 : i32 to vector<16xi32>
    %mul3A_181 = arith.muli %get3A_178, %mul3A_180 : vector<16xi32>
    %add3A_182 = arith.constant 1 : i32
    %add3A_183 = vector.broadcast %add3A_182 : i32 to vector<16xi32>
    %add3A_184 = arith.addi %mul3A_181, %add3A_183 : vector<16xi32>
    %swap3A_185 = arith.constant 112 : index
    %swap3A_186 = tpu.vector_load %arg10[%swap3A_185] {strides = array<i32>} : memref<128xi32, #tpu.memory_space<vmem>>, vector<16xi32>,
    tpu.vector_store %arg10[%swap3A_185], %add3A_184 {strides = array<i32>} : memref<128xi32, #tpu.memory_space<vmem>>, vector<16xi32>,
    %dma_start3A_187 = arith.constant 0 : i32
    %dma_start3A_188 = arith.constant 0 : i32
    %dma_start3A_189 = tpu.memref_slice %arg2[%dma_start3A_187, %dma_start3A_188] : memref<5000x200xf32, #tpu.memory_space<hbm>> -> memref<5000x200xf32, #tpu.memory_space<hbm>>
    tpu.enqueue_indirect_dma source(%dma_start3A_189 : memref<5000x200xf32, #tpu.memory_space<hbm>>) target(%arg7 : memref<128x200xf32, #tpu.memory_space<vmem>>) offsets(%arg10 : memref<128xi32, #tpu.memory_space<vmem>>) semaphore(%arg15 : memref<!tpu.dma_semaphore, #tpu.memory_space<semaphore_mem>>)
    %get3A_190 = arith.constant 0 : index
    %get3A_191 = tpu.vector_load %arg5[%get3A_190] {strides = array<i32>} : memref<640xi32, #tpu.memory_space<vmem>>, vector<16xi32>,
    %mul3A_192 = arith.constant 5 : i32
    %mul3A_193 = vector.broadcast %mul3A_192 : i32 to vector<16xi32>
    %mul3A_194 = arith.muli %get3A_191, %mul3A_193 : vector<16xi32>
    %add3A_195 = arith.constant 2 : i32
    %add3A_196 = vector.broadcast %add3A_195 : i32 to vector<16xi32>
    %add3A_197 = arith.addi %mul3A_194, %add3A_196 : vector<16xi32>
    %swap3A_198 = arith.constant 0 : index
    %swap3A_199 = tpu.vector_load %arg11[%swap3A_198] {strides = array<i32>} : memref<128xi32, #tpu.memory_space<vmem>>, vector<16xi32>,
    tpu.vector_store %arg11[%swap3A_198], %add3A_197 {strides = array<i32>} : memref<128xi32, #tpu.memory_space<vmem>>, vector<16xi32>,
    %get3A_200 = arith.constant 16 : index
    %get3A_201 = tpu.vector_load %arg5[%get3A_200] {strides = array<i32>} : memref<640xi32, #tpu.memory_space<vmem>>, vector<16xi32>,
    %mul3A_202 = arith.constant 5 : i32
    %mul3A_203 = vector.broadcast %mul3A_202 : i32 to vector<16xi32>
    %mul3A_204 = arith.muli %get3A_201, %mul3A_203 : vector<16xi32>
    %add3A_205 = arith.constant 2 : i32
    %add3A_206 = vector.broadcast %add3A_205 : i32 to vector<16xi32>
    %add3A_207 = arith.addi %mul3A_204, %add3A_206 : vector<16xi32>
    %swap3A_208 = arith.constant 16 : index
    %swap3A_209 = tpu.vector_load %arg11[%swap3A_208] {strides = array<i32>} : memref<128xi32, #tpu.memory_space<vmem>>, vector<16xi32>,
    tpu.vector_store %arg11[%swap3A_208], %add3A_207 {strides = array<i32>} : memref<128xi32, #tpu.memory_space<vmem>>, vector<16xi32>,
    %get3A_210 = arith.constant 32 : index
    %get3A_211 = tpu.vector_load %arg5[%get3A_210] {strides = array<i32>} : memref<640xi32, #tpu.memory_space<vmem>>, vector<16xi32>,
    %mul3A_212 = arith.constant 5 : i32
    %mul3A_213 = vector.broadcast %mul3A_212 : i32 to vector<16xi32>
    %mul3A_214 = arith.muli %get3A_211, %mul3A_213 : vector<16xi32>
    %add3A_215 = arith.constant 2 : i32
    %add3A_216 = vector.broadcast %add3A_215 : i32 to vector<16xi32>
    %add3A_217 = arith.addi %mul3A_214, %add3A_216 : vector<16xi32>
    %swap3A_218 = arith.constant 32 : index
    %swap3A_219 = tpu.vector_load %arg11[%swap3A_218] {strides = array<i32>} : memref<128xi32, #tpu.memory_space<vmem>>, vector<16xi32>,
    tpu.vector_store %arg11[%swap3A_218], %add3A_217 {strides = array<i32>} : memref<128xi32, #tpu.memory_space<vmem>>, vector<16xi32>,
    %get3A_220 = arith.constant 48 : index
    %get3A_221 = tpu.vector_load %arg5[%get3A_220] {strides = array<i32>} : memref<640xi32, #tpu.memory_space<vmem>>, vector<16xi32>,
    %mul3A_222 = arith.constant 5 : i32
    %mul3A_223 = vector.broadcast %mul3A_222 : i32 to vector<16xi32>
    %mul3A_224 = arith.muli %get3A_221, %mul3A_223 : vector<16xi32>
    %add3A_225 = arith.constant 2 : i32
    %add3A_226 = vector.broadcast %add3A_225 : i32 to vector<16xi32>
    %add3A_227 = arith.addi %mul3A_224, %add3A_226 : vector<16xi32>
    %swap3A_228 = arith.constant 48 : index
    %swap3A_229 = tpu.vector_load %arg11[%swap3A_228] {strides = array<i32>} : memref<128xi32, #tpu.memory_space<vmem>>, vector<16xi32>,
    tpu.vector_store %arg11[%swap3A_228], %add3A_227 {strides = array<i32>} : memref<128xi32, #tpu.memory_space<vmem>>, vector<16xi32>,
    %get3A_230 = arith.constant 64 : index
    %get3A_231 = tpu.vector_load %arg5[%get3A_230] {strides = array<i32>} : memref<640xi32, #tpu.memory_space<vmem>>, vector<16xi32>,
    %mul3A_232 = arith.constant 5 : i32
    %mul3A_233 = vector.broadcast %mul3A_232 : i32 to vector<16xi32>
    %mul3A_234 = arith.muli %get3A_231, %mul3A_233 : vector<16xi32>
    %add3A_235 = arith.constant 2 : i32
    %add3A_236 = vector.broadcast %add3A_235 : i32 to vector<16xi32>
    %add3A_237 = arith.addi %mul3A_234, %add3A_236 : vector<16xi32>
    %swap3A_238 = arith.constant 64 : index
    %swap3A_239 = tpu.vector_load %arg11[%swap3A_238] {strides = array<i32>} : memref<128xi32, #tpu.memory_space<vmem>>, vector<16xi32>,
    tpu.vector_store %arg11[%swap3A_238], %add3A_237 {strides = array<i32>} : memref<128xi32, #tpu.memory_space<vmem>>, vector<16xi32>,
    %get3A_240 = arith.constant 80 : index
    %get3A_241 = tpu.vector_load %arg5[%get3A_240] {strides = array<i32>} : memref<640xi32, #tpu.memory_space<vmem>>, vector<16xi32>,
    %mul3A_242 = arith.constant 5 : i32
    %mul3A_243 = vector.broadcast %mul3A_242 : i32 to vector<16xi32>
    %mul3A_244 = arith.muli %get3A_241, %mul3A_243 : vector<16xi32>
    %add3A_245 = arith.constant 2 : i32
    %add3A_246 = vector.broadcast %add3A_245 : i32 to vector<16xi32>
    %add3A_247 = arith.addi %mul3A_244, %add3A_246 : vector<16xi32>
    %swap3A_248 = arith.constant 80 : index
    %swap3A_249 = tpu.vector_load %arg11[%swap3A_248] {strides = array<i32>} : memref<128xi32, #tpu.memory_space<vmem>>, vector<16xi32>,
    tpu.vector_store %arg11[%swap3A_248], %add3A_247 {strides = array<i32>} : memref<128xi32, #tpu.memory_space<vmem>>, vector<16xi32>,
    %get3A_250 = arith.constant 96 : index
    %get3A_251 = tpu.vector_load %arg5[%get3A_250] {strides = array<i32>} : memref<640xi32, #tpu.memory_space<vmem>>, vector<16xi32>,
    %mul3A_252 = arith.constant 5 : i32
    %mul3A_253 = vector.broadcast %mul3A_252 : i32 to vector<16xi32>
    %mul3A_254 = arith.muli %get3A_251, %mul3A_253 : vector<16xi32>
    %add3A_255 = arith.constant 2 : i32
    %add3A_256 = vector.broadcast %add3A_255 : i32 to vector<16xi32>
    %add3A_257 = arith.addi %mul3A_254, %add3A_256 : vector<16xi32>
    %swap3A_258 = arith.constant 96 : index
    %swap3A_259 = tpu.vector_load %arg11[%swap3A_258] {strides = array<i32>} : memref<128xi32, #tpu.memory_space<vmem>>, vector<16xi32>,
    tpu.vector_store %arg11[%swap3A_258], %add3A_257 {strides = array<i32>} : memref<128xi32, #tpu.memory_space<vmem>>, vector<16xi32>,
    %get3A_260 = arith.constant 112 : index
    %get3A_261 = tpu.vector_load %arg5[%get3A_260] {strides = array<i32>} : memref<640xi32, #tpu.memory_space<vmem>>, vector<16xi32>,
    %mul3A_262 = arith.constant 5 : i32
    %mul3A_263 = vector.broadcast %mul3A_262 : i32 to vector<16xi32>
    %mul3A_264 = arith.muli %get3A_261, %mul3A_263 : vector<16xi32>
    %add3A_265 = arith.constant 2 : i32
    %add3A_266 = vector.broadcast %add3A_265 : i32 to vector<16xi32>
    %add3A_267 = arith.addi %mul3A_264, %add3A_266 : vector<16xi32>
    %swap3A_268 = arith.constant 112 : index
    %swap3A_269 = tpu.vector_load %arg11[%swap3A_268] {strides = array<i32>} : memref<128xi32, #tpu.memory_space<vmem>>, vector<16xi32>,
    tpu.vector_store %arg11[%swap3A_268], %add3A_267 {strides = array<i32>} : memref<128xi32, #tpu.memory_space<vmem>>, vector<16xi32>,
    %dma_start3A_270 = arith.constant 0 : i32
    %dma_start3A_271 = arith.constant 0 : i32
    %dma_start3A_272 = tpu.memref_slice %arg2[%dma_start3A_270, %dma_start3A_271] : memref<5000x200xf32, #tpu.memory_space<hbm>> -> memref<5000x200xf32, #tpu.memory_space<hbm>>
    tpu.enqueue_indirect_dma source(%dma_start3A_272 : memref<5000x200xf32, #tpu.memory_space<hbm>>) target(%arg8 : memref<128x200xf32, #tpu.memory_space<vmem>>) offsets(%arg11 : memref<128xi32, #tpu.memory_space<vmem>>) semaphore(%arg16 : memref<!tpu.dma_semaphore, #tpu.memory_space<semaphore_mem>>)
    %scan3A = arith.constant 0 : i32
    %scan3A_273 = arith.constant 0 : i32
    %scan3A_274 = arith.constant 4 : i32
    %scan3A_275 = arith.addi %scan3A_273, %scan3A_274 : i32
    %scan3A_276 = arith.constant 1 : i32
    scf.for %scan3A_343 = %scan3A_273 to %scan3A_275 step %scan3A_276  : i32 {
      %mul3A_344 = arith.constant 6 : i32
      %mul3A_345 = arith.muli %scan3A_343, %mul3A_344 : i32
      %add3A_346 = arith.constant 0 : i32
      %add3A_347 = arith.addi %mul3A_345, %add3A_346 : i32
      %dma_wait3A_348 = arith.constant 0 : i32
      %dma_wait3A_349 = arith.constant 0 : i32
      %dma_wait3A_350 = tpu.memref_slice %arg2[%dma_wait3A_348, %dma_wait3A_349] : memref<5000x200xf32, #tpu.memory_space<hbm>> -> memref<5000x200xf32, #tpu.memory_space<hbm>>
      tpu.wait_indirect_dma semaphore(%arg14 : memref<!tpu.dma_semaphore, #tpu.memory_space<semaphore_mem>>) src(%dma_wait3A_350 : memref<5000x200xf32, #tpu.memory_space<hbm>>) dst(%arg6 : memref<128x200xf32, #tpu.memory_space<vmem>>)
      %gt3A = arith.constant 0 : i32
      %gt3A_351 = arith.cmpi sgt, %scan3A_343, %gt3A : i32
      %convert_element_type3A = arith.extui %gt3A_351 : i1 to i32
      %cond3A = arith.constant 0 : i32
      %cond3A_352 = arith.cmpi ne, %convert_element_type3A, %cond3A : i32
      scf.if %cond3A_352 {
        %dma_wait3A_1063 = arith.constant 0 : i32
        %dma_wait3A_1064 = tpu.memref_slice %arg4[%dma_wait3A_1063] : memref<20480000xf32, #tpu.memory_space<hbm>> -> memref<25600xf32, #tpu.memory_space<hbm>>
        %dma_wait3A_1065 = arith.constant 0 : i32
        %dma_wait3A_1066 = tpu.memref_slice %arg4[%dma_wait3A_1065] : memref<20480000xf32, #tpu.memory_space<hbm>> -> memref<25600xf32, #tpu.memory_space<hbm>>
        tpu.wait_dma2 semaphore(%arg17 : memref<!tpu.dma_semaphore, #tpu.memory_space<semaphore_mem>>) src(%dma_wait3A_1066 : memref<25600xf32, #tpu.memory_space<hbm>>) dst(%arg12 : memref<25600xf32, #tpu.memory_space<vmem>>)
      } else {
      }
      %parallel_loop3A_353 = arith.constant 0 : i32
      %parallel_loop3A_354 = arith.constant 200 : i32
      %parallel_loop3A_355 = arith.constant 1 : i32
      scf.for %parallel_loop3A_1063 = %parallel_loop3A_353 to %parallel_loop3A_354 step %parallel_loop3A_355  : i32 {
        %parallel_loop3A_1064 = arith.constant 0 : i32
        %parallel_loop3A_1065 = vector.broadcast %parallel_loop3A_1064 : i32 to vector<16xi32>
        %parallel_loop3A_1066 = vector.broadcast %parallel_loop3A_1063 : i32 to vector<16xi32>
        %parallel_loop3A_1067 = arith.addi %parallel_loop3A_1065, %parallel_loop3A_1066 : vector<16xi32>
        %parallel_loop3A_1068 = arith.constant 8 : i32
        %parallel_loop3A_1069 = arith.divsi %parallel_loop3A_1063, %parallel_loop3A_1068 : i32
        %parallel_loop3A_1070 = arith.constant 0 : i32
        %parallel_loop3A_1071 = arith.cmpi sgt, %parallel_loop3A_1063, %parallel_loop3A_1070 : i32
        %parallel_loop3A_1072 = arith.extui %parallel_loop3A_1071 : i1 to i32
        %parallel_loop3A_1073 = arith.constant 0 : i32
        %parallel_loop3A_1074 = arith.cmpi slt, %parallel_loop3A_1063, %parallel_loop3A_1073 : i32
        %parallel_loop3A_1075 = arith.extui %parallel_loop3A_1074 : i1 to i32
        %parallel_loop3A_1076 = arith.subi %parallel_loop3A_1072, %parallel_loop3A_1075 : i32
        %parallel_loop3A_1077 = arith.constant 0 : i32
        %parallel_loop3A_1078 = arith.cmpi sgt, %parallel_loop3A_1068, %parallel_loop3A_1077 : i32
        %parallel_loop3A_1079 = arith.extui %parallel_loop3A_1078 : i1 to i32
        %parallel_loop3A_1080 = arith.constant 0 : i32
        %parallel_loop3A_1081 = arith.cmpi slt, %parallel_loop3A_1068, %parallel_loop3A_1080 : i32
        %parallel_loop3A_1082 = arith.extui %parallel_loop3A_1081 : i1 to i32
        %parallel_loop3A_1083 = arith.subi %parallel_loop3A_1079, %parallel_loop3A_1082 : i32
        %parallel_loop3A_1084 = arith.cmpi ne, %parallel_loop3A_1076, %parallel_loop3A_1083 : i32
        %parallel_loop3A_1085 = arith.remsi %parallel_loop3A_1063, %parallel_loop3A_1068 : i32
        %parallel_loop3A_1086 = arith.constant 0 : i32
        %parallel_loop3A_1087 = arith.cmpi ne, %parallel_loop3A_1085, %parallel_loop3A_1086 : i32
        %parallel_loop3A_1088 = arith.andi %parallel_loop3A_1084, %parallel_loop3A_1087 : i1
        %parallel_loop3A_1089 = arith.constant 1 : i32
        %parallel_loop3A_1090 = arith.subi %parallel_loop3A_1069, %parallel_loop3A_1089 : i32
        %parallel_loop3A_1091 = arith.select %parallel_loop3A_1088, %parallel_loop3A_1090, %parallel_loop3A_1069 : i32
        %parallel_loop3A_1092 = arith.constant 1024 : i32
        %parallel_loop3A_1093 = arith.muli %parallel_loop3A_1091, %parallel_loop3A_1092 : i32
        %parallel_loop3A_1094 = arith.constant 8 : i32
        %parallel_loop3A_1095 = arith.constant 0 : i32
        %parallel_loop3A_1096 = arith.cmpi eq, %parallel_loop3A_1094, %parallel_loop3A_1095 : i32
        %parallel_loop3A_1097 = arith.constant 1 : i32
        %parallel_loop3A_1098 = arith.select %parallel_loop3A_1096, %parallel_loop3A_1097, %parallel_loop3A_1094 : i32
        %parallel_loop3A_1099 = arith.remsi %parallel_loop3A_1063, %parallel_loop3A_1098 : i32
        %parallel_loop3A_1100 = arith.constant 0 : i32
        %parallel_loop3A_1101 = arith.cmpi ne, %parallel_loop3A_1099, %parallel_loop3A_1100 : i32
        %parallel_loop3A_1102 = arith.constant 0 : i32
        %parallel_loop3A_1103 = arith.cmpi slt, %parallel_loop3A_1099, %parallel_loop3A_1102 : i32
        %parallel_loop3A_1104 = arith.constant 0 : i32
        %parallel_loop3A_1105 = arith.cmpi slt, %parallel_loop3A_1098, %parallel_loop3A_1104 : i32
        %parallel_loop3A_1106 = arith.xori %parallel_loop3A_1103, %parallel_loop3A_1105 : i1
        %parallel_loop3A_1107 = arith.andi %parallel_loop3A_1106, %parallel_loop3A_1101 : i1
        %parallel_loop3A_1108 = arith.addi %parallel_loop3A_1099, %parallel_loop3A_1098 : i32
        %parallel_loop3A_1109 = arith.select %parallel_loop3A_1107, %parallel_loop3A_1108, %parallel_loop3A_1099 : i32
        %parallel_loop3A_1110 = arith.constant 128 : i32
        %parallel_loop3A_1111 = arith.muli %parallel_loop3A_1109, %parallel_loop3A_1110 : i32
        %parallel_loop3A_1112 = arith.addi %parallel_loop3A_1093, %parallel_loop3A_1111 : i32
        %parallel_loop3A_1113 = tpu.vector_load_idx %arg6[%add3A_5, %parallel_loop3A_1067] : memref<128x200xf32, #tpu.memory_space<vmem>>[vector<16xi32>, vector<16xi32>], vector<16xf32>,
        %parallel_loop3A_1114 = arith.constant 0 : i32
        %parallel_loop3A_1115 = arith.addi %parallel_loop3A_1112, %parallel_loop3A_1114 : i32
        %parallel_loop3A_1116 = arith.index_cast %parallel_loop3A_1115 : i32 to index
        %parallel_loop3A_1117 = tpu.vector_load %arg12[%parallel_loop3A_1116] {strides = array<i32>} : memref<25600xf32, #tpu.memory_space<vmem>>, vector<16xf32>,
        tpu.vector_store %arg12[%parallel_loop3A_1116], %parallel_loop3A_1113 {strides = array<i32>} : memref<25600xf32, #tpu.memory_space<vmem>>, vector<16xf32>,
        %parallel_loop3A_1118 = tpu.vector_load_idx %arg6[%add3A_8, %parallel_loop3A_1067] : memref<128x200xf32, #tpu.memory_space<vmem>>[vector<16xi32>, vector<16xi32>], vector<16xf32>,
        %parallel_loop3A_1119 = arith.constant 16 : i32
        %parallel_loop3A_1120 = arith.addi %parallel_loop3A_1112, %parallel_loop3A_1119 : i32
        %parallel_loop3A_1121 = arith.index_cast %parallel_loop3A_1120 : i32 to index
        %parallel_loop3A_1122 = tpu.vector_load %arg12[%parallel_loop3A_1121] {strides = array<i32>} : memref<25600xf32, #tpu.memory_space<vmem>>, vector<16xf32>,
        tpu.vector_store %arg12[%parallel_loop3A_1121], %parallel_loop3A_1118 {strides = array<i32>} : memref<25600xf32, #tpu.memory_space<vmem>>, vector<16xf32>,
        %parallel_loop3A_1123 = tpu.vector_load_idx %arg6[%add3A_11, %parallel_loop3A_1067] : memref<128x200xf32, #tpu.memory_space<vmem>>[vector<16xi32>, vector<16xi32>], vector<16xf32>,
        %parallel_loop3A_1124 = arith.constant 32 : i32
        %parallel_loop3A_1125 = arith.addi %parallel_loop3A_1112, %parallel_loop3A_1124 : i32
        %parallel_loop3A_1126 = arith.index_cast %parallel_loop3A_1125 : i32 to index
        %parallel_loop3A_1127 = tpu.vector_load %arg12[%parallel_loop3A_1126] {strides = array<i32>} : memref<25600xf32, #tpu.memory_space<vmem>>, vector<16xf32>,
        tpu.vector_store %arg12[%parallel_loop3A_1126], %parallel_loop3A_1123 {strides = array<i32>} : memref<25600xf32, #tpu.memory_space<vmem>>, vector<16xf32>,
        %parallel_loop3A_1128 = tpu.vector_load_idx %arg6[%add3A_14, %parallel_loop3A_1067] : memref<128x200xf32, #tpu.memory_space<vmem>>[vector<16xi32>, vector<16xi32>], vector<16xf32>,
        %parallel_loop3A_1129 = arith.constant 48 : i32
        %parallel_loop3A_1130 = arith.addi %parallel_loop3A_1112, %parallel_loop3A_1129 : i32
        %parallel_loop3A_1131 = arith.index_cast %parallel_loop3A_1130 : i32 to index
        %parallel_loop3A_1132 = tpu.vector_load %arg12[%parallel_loop3A_1131] {strides = array<i32>} : memref<25600xf32, #tpu.memory_space<vmem>>, vector<16xf32>,
        tpu.vector_store %arg12[%parallel_loop3A_1131], %parallel_loop3A_1128 {strides = array<i32>} : memref<25600xf32, #tpu.memory_space<vmem>>, vector<16xf32>,
        %parallel_loop3A_1133 = tpu.vector_load_idx %arg6[%add3A_17, %parallel_loop3A_1067] : memref<128x200xf32, #tpu.memory_space<vmem>>[vector<16xi32>, vector<16xi32>], vector<16xf32>,
        %parallel_loop3A_1134 = arith.constant 64 : i32
        %parallel_loop3A_1135 = arith.addi %parallel_loop3A_1112, %parallel_loop3A_1134 : i32
        %parallel_loop3A_1136 = arith.index_cast %parallel_loop3A_1135 : i32 to index
        %parallel_loop3A_1137 = tpu.vector_load %arg12[%parallel_loop3A_1136] {strides = array<i32>} : memref<25600xf32, #tpu.memory_space<vmem>>, vector<16xf32>,
        tpu.vector_store %arg12[%parallel_loop3A_1136], %parallel_loop3A_1133 {strides = array<i32>} : memref<25600xf32, #tpu.memory_space<vmem>>, vector<16xf32>,
        %parallel_loop3A_1138 = tpu.vector_load_idx %arg6[%add3A_20, %parallel_loop3A_1067] : memref<128x200xf32, #tpu.memory_space<vmem>>[vector<16xi32>, vector<16xi32>], vector<16xf32>,
        %parallel_loop3A_1139 = arith.constant 80 : i32
        %parallel_loop3A_1140 = arith.addi %parallel_loop3A_1112, %parallel_loop3A_1139 : i32
        %parallel_loop3A_1141 = arith.index_cast %parallel_loop3A_1140 : i32 to index
        %parallel_loop3A_1142 = tpu.vector_load %arg12[%parallel_loop3A_1141] {strides = array<i32>} : memref<25600xf32, #tpu.memory_space<vmem>>, vector<16xf32>,
        tpu.vector_store %arg12[%parallel_loop3A_1141], %parallel_loop3A_1138 {strides = array<i32>} : memref<25600xf32, #tpu.memory_space<vmem>>, vector<16xf32>,
        %parallel_loop3A_1143 = tpu.vector_load_idx %arg6[%add3A_23, %parallel_loop3A_1067] : memref<128x200xf32, #tpu.memory_space<vmem>>[vector<16xi32>, vector<16xi32>], vector<16xf32>,
        %parallel_loop3A_1144 = arith.constant 96 : i32
        %parallel_loop3A_1145 = arith.addi %parallel_loop3A_1112, %parallel_loop3A_1144 : i32
        %parallel_loop3A_1146 = arith.index_cast %parallel_loop3A_1145 : i32 to index
        %parallel_loop3A_1147 = tpu.vector_load %arg12[%parallel_loop3A_1146] {strides = array<i32>} : memref<25600xf32, #tpu.memory_space<vmem>>, vector<16xf32>,
        tpu.vector_store %arg12[%parallel_loop3A_1146], %parallel_loop3A_1143 {strides = array<i32>} : memref<25600xf32, #tpu.memory_space<vmem>>, vector<16xf32>,
        %parallel_loop3A_1148 = tpu.vector_load_idx %arg6[%add3A_26, %parallel_loop3A_1067] : memref<128x200xf32, #tpu.memory_space<vmem>>[vector<16xi32>, vector<16xi32>], vector<16xf32>,
        %parallel_loop3A_1149 = arith.constant 112 : i32
        %parallel_loop3A_1150 = arith.addi %parallel_loop3A_1112, %parallel_loop3A_1149 : i32
        %parallel_loop3A_1151 = arith.index_cast %parallel_loop3A_1150 : i32 to index
        %parallel_loop3A_1152 = tpu.vector_load %arg12[%parallel_loop3A_1151] {strides = array<i32>} : memref<25600xf32, #tpu.memory_space<vmem>>, vector<16xf32>,
        tpu.vector_store %arg12[%parallel_loop3A_1151], %parallel_loop3A_1148 {strides = array<i32>} : memref<25600xf32, #tpu.memory_space<vmem>>, vector<16xf32>,
      } {sc.loop_unroll_factor = 20 : i64, sc.parallel_access}
      %add3A_356 = arith.constant 3 : i32
      %add3A_357 = arith.addi %add3A_347, %add3A_356 : i32
      %lt3A_358 = arith.constant 25 : i32
      %lt3A_359 = arith.cmpi slt, %add3A_357, %lt3A_358 : i32
      %convert_element_type3A_360 = arith.extui %lt3A_359 : i1 to i32
      %cond3A_361 = arith.constant 0 : i32
      %cond3A_362 = arith.cmpi ne, %convert_element_type3A_360, %cond3A_361 : i32
      scf.if %cond3A_362 {
        %add3A_1063 = arith.constant 3 : i32
        %add3A_1064 = arith.addi %add3A_347, %add3A_1063 : i32
        %jit3A_1065 = arith.constant 5 : i32
        %div3A_1066 = arith.divsi %add3A_1064, %jit3A_1065 : i32
        %sign3A_1067 = arith.constant 0 : i32
        %sign3A_1068 = arith.cmpi sgt, %add3A_1064, %sign3A_1067 : i32
        %sign3A_1069 = arith.extui %sign3A_1068 : i1 to i32
        %sign3A_1070 = arith.constant 0 : i32
        %sign3A_1071 = arith.cmpi slt, %add3A_1064, %sign3A_1070 : i32
        %sign3A_1072 = arith.extui %sign3A_1071 : i1 to i32
        %sign3A_1073 = arith.subi %sign3A_1069, %sign3A_1072 : i32
        %sign3A_1074 = arith.constant 0 : i32
        %sign3A_1075 = arith.cmpi sgt, %jit3A_1065, %sign3A_1074 : i32
        %sign3A_1076 = arith.extui %sign3A_1075 : i1 to i32
        %sign3A_1077 = arith.constant 0 : i32
        %sign3A_1078 = arith.cmpi slt, %jit3A_1065, %sign3A_1077 : i32
        %sign3A_1079 = arith.extui %sign3A_1078 : i1 to i32
        %sign3A_1080 = arith.subi %sign3A_1076, %sign3A_1079 : i32
        %ne3A_1081 = arith.cmpi ne, %sign3A_1073, %sign3A_1080 : i32
        %rem3A_1082 = arith.remsi %add3A_1064, %jit3A_1065 : i32
        %ne3A_1083 = arith.constant 0 : i32
        %ne3A_1084 = arith.cmpi ne, %rem3A_1082, %ne3A_1083 : i32
        %and3A_1085 = arith.andi %ne3A_1081, %ne3A_1084 : i1
        %sub3A_1086 = arith.constant 1 : i32
        %sub3A_1087 = arith.subi %div3A_1066, %sub3A_1086 : i32
        %select_n3A_1088 = arith.select %and3A_1085, %sub3A_1087, %div3A_1066 : i32
        %jit3A_1089 = arith.constant 5 : i32
        %eq3A_1090 = arith.constant 0 : i32
        %eq3A_1091 = arith.cmpi eq, %jit3A_1089, %eq3A_1090 : i32
        %jit3A_1092 = arith.constant 1 : i32
        %select_n3A_1093 = arith.select %eq3A_1091, %jit3A_1092, %jit3A_1089 : i32
        %rem3A_1094 = arith.remsi %add3A_1064, %select_n3A_1093 : i32
        %ne3A_1095 = arith.constant 0 : i32
        %ne3A_1096 = arith.cmpi ne, %rem3A_1094, %ne3A_1095 : i32
        %lt3A_1097 = arith.constant 0 : i32
        %lt3A_1098 = arith.cmpi slt, %rem3A_1094, %lt3A_1097 : i32
        %lt3A_1099 = arith.constant 0 : i32
        %lt3A_1100 = arith.cmpi slt, %select_n3A_1093, %lt3A_1099 : i32
        %ne3A_1101 = arith.xori %lt3A_1098, %lt3A_1100 : i1
        %and3A_1102 = arith.andi %ne3A_1101, %ne3A_1096 : i1
        %add3A_1103 = arith.addi %rem3A_1094, %select_n3A_1093 : i32
        %select_n3A_1104 = arith.select %and3A_1102, %add3A_1103, %rem3A_1094 : i32
        %mul3A_1105 = arith.constant 128 : i32
        %mul3A_1106 = arith.muli %select_n3A_1088, %mul3A_1105 : i32
        %add3A_1107 = arith.constant 0 : i32
        %add3A_1108 = arith.addi %mul3A_1106, %add3A_1107 : i32
        %get3A_1109 = arith.index_cast %add3A_1108 : i32 to index
        %get3A_1110 = tpu.vector_load %arg5[%get3A_1109] {strides = array<i32>} : memref<640xi32, #tpu.memory_space<vmem>>, vector<16xi32>,
        %mul3A_1111 = arith.constant 5 : i32
        %mul3A_1112 = vector.broadcast %mul3A_1111 : i32 to vector<16xi32>
        %mul3A_1113 = arith.muli %get3A_1110, %mul3A_1112 : vector<16xi32>
        %add3A_1114 = vector.broadcast %select_n3A_1104 : i32 to vector<16xi32>
        %add3A_1115 = arith.addi %mul3A_1113, %add3A_1114 : vector<16xi32>
        %swap3A_1116 = arith.constant 0 : index
        %swap3A_1117 = tpu.vector_load %arg9[%swap3A_1116] {strides = array<i32>} : memref<128xi32, #tpu.memory_space<vmem>>, vector<16xi32>,
        tpu.vector_store %arg9[%swap3A_1116], %add3A_1115 {strides = array<i32>} : memref<128xi32, #tpu.memory_space<vmem>>, vector<16xi32>,
        %mul3A_1118 = arith.constant 128 : i32
        %mul3A_1119 = arith.muli %select_n3A_1088, %mul3A_1118 : i32
        %add3A_1120 = arith.constant 16 : i32
        %add3A_1121 = arith.addi %mul3A_1119, %add3A_1120 : i32
        %get3A_1122 = arith.index_cast %add3A_1121 : i32 to index
        %get3A_1123 = tpu.vector_load %arg5[%get3A_1122] {strides = array<i32>} : memref<640xi32, #tpu.memory_space<vmem>>, vector<16xi32>,
        %mul3A_1124 = arith.constant 5 : i32
        %mul3A_1125 = vector.broadcast %mul3A_1124 : i32 to vector<16xi32>
        %mul3A_1126 = arith.muli %get3A_1123, %mul3A_1125 : vector<16xi32>
        %add3A_1127 = vector.broadcast %select_n3A_1104 : i32 to vector<16xi32>
        %add3A_1128 = arith.addi %mul3A_1126, %add3A_1127 : vector<16xi32>
        %swap3A_1129 = arith.constant 16 : index
        %swap3A_1130 = tpu.vector_load %arg9[%swap3A_1129] {strides = array<i32>} : memref<128xi32, #tpu.memory_space<vmem>>, vector<16xi32>,
        tpu.vector_store %arg9[%swap3A_1129], %add3A_1128 {strides = array<i32>} : memref<128xi32, #tpu.memory_space<vmem>>, vector<16xi32>,
        %mul3A_1131 = arith.constant 128 : i32
        %mul3A_1132 = arith.muli %select_n3A_1088, %mul3A_1131 : i32
        %add3A_1133 = arith.constant 32 : i32
        %add3A_1134 = arith.addi %mul3A_1132, %add3A_1133 : i32
        %get3A_1135 = arith.index_cast %add3A_1134 : i32 to index
        %get3A_1136 = tpu.vector_load %arg5[%get3A_1135] {strides = array<i32>} : memref<640xi32, #tpu.memory_space<vmem>>, vector<16xi32>,
        %mul3A_1137 = arith.constant 5 : i32
        %mul3A_1138 = vector.broadcast %mul3A_1137 : i32 to vector<16xi32>
        %mul3A_1139 = arith.muli %get3A_1136, %mul3A_1138 : vector<16xi32>
        %add3A_1140 = vector.broadcast %select_n3A_1104 : i32 to vector<16xi32>
        %add3A_1141 = arith.addi %mul3A_1139, %add3A_1140 : vector<16xi32>
        %swap3A_1142 = arith.constant 32 : index
        %swap3A_1143 = tpu.vector_load %arg9[%swap3A_1142] {strides = array<i32>} : memref<128xi32, #tpu.memory_space<vmem>>, vector<16xi32>,
        tpu.vector_store %arg9[%swap3A_1142], %add3A_1141 {strides = array<i32>} : memref<128xi32, #tpu.memory_space<vmem>>, vector<16xi32>,
        %mul3A_1144 = arith.constant 128 : i32
        %mul3A_1145 = arith.muli %select_n3A_1088, %mul3A_1144 : i32
        %add3A_1146 = arith.constant 48 : i32
        %add3A_1147 = arith.addi %mul3A_1145, %add3A_1146 : i32
        %get3A_1148 = arith.index_cast %add3A_1147 : i32 to index
        %get3A_1149 = tpu.vector_load %arg5[%get3A_1148] {strides = array<i32>} : memref<640xi32, #tpu.memory_space<vmem>>, vector<16xi32>,
        %mul3A_1150 = arith.constant 5 : i32
        %mul3A_1151 = vector.broadcast %mul3A_1150 : i32 to vector<16xi32>
        %mul3A_1152 = arith.muli %get3A_1149, %mul3A_1151 : vector<16xi32>
        %add3A_1153 = vector.broadcast %select_n3A_1104 : i32 to vector<16xi32>
        %add3A_1154 = arith.addi %mul3A_1152, %add3A_1153 : vector<16xi32>
        %swap3A_1155 = arith.constant 48 : index
        %swap3A_1156 = tpu.vector_load %arg9[%swap3A_1155] {strides = array<i32>} : memref<128xi32, #tpu.memory_space<vmem>>, vector<16xi32>,
        tpu.vector_store %arg9[%swap3A_1155], %add3A_1154 {strides = array<i32>} : memref<128xi32, #tpu.memory_space<vmem>>, vector<16xi32>,
        %mul3A_1157 = arith.constant 128 : i32
        %mul3A_1158 = arith.muli %select_n3A_1088, %mul3A_1157 : i32
        %add3A_1159 = arith.constant 64 : i32
        %add3A_1160 = arith.addi %mul3A_1158, %add3A_1159 : i32
        %get3A_1161 = arith.index_cast %add3A_1160 : i32 to index
        %get3A_1162 = tpu.vector_load %arg5[%get3A_1161] {strides = array<i32>} : memref<640xi32, #tpu.memory_space<vmem>>, vector<16xi32>,
        %mul3A_1163 = arith.constant 5 : i32
        %mul3A_1164 = vector.broadcast %mul3A_1163 : i32 to vector<16xi32>
        %mul3A_1165 = arith.muli %get3A_1162, %mul3A_1164 : vector<16xi32>
        %add3A_1166 = vector.broadcast %select_n3A_1104 : i32 to vector<16xi32>
        %add3A_1167 = arith.addi %mul3A_1165, %add3A_1166 : vector<16xi32>
        %swap3A_1168 = arith.constant 64 : index
        %swap3A_1169 = tpu.vector_load %arg9[%swap3A_1168] {strides = array<i32>} : memref<128xi32, #tpu.memory_space<vmem>>, vector<16xi32>,
        tpu.vector_store %arg9[%swap3A_1168], %add3A_1167 {strides = array<i32>} : memref<128xi32, #tpu.memory_space<vmem>>, vector<16xi32>,
        %mul3A_1170 = arith.constant 128 : i32
        %mul3A_1171 = arith.muli %select_n3A_1088, %mul3A_1170 : i32
        %add3A_1172 = arith.constant 80 : i32
        %add3A_1173 = arith.addi %mul3A_1171, %add3A_1172 : i32
        %get3A_1174 = arith.index_cast %add3A_1173 : i32 to index
        %get3A_1175 = tpu.vector_load %arg5[%get3A_1174] {strides = array<i32>} : memref<640xi32, #tpu.memory_space<vmem>>, vector<16xi32>,
        %mul3A_1176 = arith.constant 5 : i32
        %mul3A_1177 = vector.broadcast %mul3A_1176 : i32 to vector<16xi32>
        %mul3A_1178 = arith.muli %get3A_1175, %mul3A_1177 : vector<16xi32>
        %add3A_1179 = vector.broadcast %select_n3A_1104 : i32 to vector<16xi32>
        %add3A_1180 = arith.addi %mul3A_1178, %add3A_1179 : vector<16xi32>
        %swap3A_1181 = arith.constant 80 : index
        %swap3A_1182 = tpu.vector_load %arg9[%swap3A_1181] {strides = array<i32>} : memref<128xi32, #tpu.memory_space<vmem>>, vector<16xi32>,
        tpu.vector_store %arg9[%swap3A_1181], %add3A_1180 {strides = array<i32>} : memref<128xi32, #tpu.memory_space<vmem>>, vector<16xi32>,
        %mul3A_1183 = arith.constant 128 : i32
        %mul3A_1184 = arith.muli %select_n3A_1088, %mul3A_1183 : i32
        %add3A_1185 = arith.constant 96 : i32
        %add3A_1186 = arith.addi %mul3A_1184, %add3A_1185 : i32
        %get3A_1187 = arith.index_cast %add3A_1186 : i32 to index
        %get3A_1188 = tpu.vector_load %arg5[%get3A_1187] {strides = array<i32>} : memref<640xi32, #tpu.memory_space<vmem>>, vector<16xi32>,
        %mul3A_1189 = arith.constant 5 : i32
        %mul3A_1190 = vector.broadcast %mul3A_1189 : i32 to vector<16xi32>
        %mul3A_1191 = arith.muli %get3A_1188, %mul3A_1190 : vector<16xi32>
        %add3A_1192 = vector.broadcast %select_n3A_1104 : i32 to vector<16xi32>
        %add3A_1193 = arith.addi %mul3A_1191, %add3A_1192 : vector<16xi32>
        %swap3A_1194 = arith.constant 96 : index
        %swap3A_1195 = tpu.vector_load %arg9[%swap3A_1194] {strides = array<i32>} : memref<128xi32, #tpu.memory_space<vmem>>, vector<16xi32>,
        tpu.vector_store %arg9[%swap3A_1194], %add3A_1193 {strides = array<i32>} : memref<128xi32, #tpu.memory_space<vmem>>, vector<16xi32>,
        %mul3A_1196 = arith.constant 128 : i32
        %mul3A_1197 = arith.muli %select_n3A_1088, %mul3A_1196 : i32
        %add3A_1198 = arith.constant 112 : i32
        %add3A_1199 = arith.addi %mul3A_1197, %add3A_1198 : i32
        %get3A_1200 = arith.index_cast %add3A_1199 : i32 to index
        %get3A_1201 = tpu.vector_load %arg5[%get3A_1200] {strides = array<i32>} : memref<640xi32, #tpu.memory_space<vmem>>, vector<16xi32>,
        %mul3A_1202 = arith.constant 5 : i32
        %mul3A_1203 = vector.broadcast %mul3A_1202 : i32 to vector<16xi32>
        %mul3A_1204 = arith.muli %get3A_1201, %mul3A_1203 : vector<16xi32>
        %add3A_1205 = vector.broadcast %select_n3A_1104 : i32 to vector<16xi32>
        %add3A_1206 = arith.addi %mul3A_1204, %add3A_1205 : vector<16xi32>
        %swap3A_1207 = arith.constant 112 : index
        %swap3A_1208 = tpu.vector_load %arg9[%swap3A_1207] {strides = array<i32>} : memref<128xi32, #tpu.memory_space<vmem>>, vector<16xi32>,
        tpu.vector_store %arg9[%swap3A_1207], %add3A_1206 {strides = array<i32>} : memref<128xi32, #tpu.memory_space<vmem>>, vector<16xi32>,
        %dma_start3A_1209 = arith.constant 0 : i32
        %dma_start3A_1210 = arith.constant 0 : i32
        %dma_start3A_1211 = tpu.memref_slice %arg2[%dma_start3A_1209, %dma_start3A_1210] : memref<5000x200xf32, #tpu.memory_space<hbm>> -> memref<5000x200xf32, #tpu.memory_space<hbm>>
        tpu.enqueue_indirect_dma source(%dma_start3A_1211 : memref<5000x200xf32, #tpu.memory_space<hbm>>) target(%arg6 : memref<128x200xf32, #tpu.memory_space<vmem>>) offsets(%arg9 : memref<128xi32, #tpu.memory_space<vmem>>) semaphore(%arg14 : memref<!tpu.dma_semaphore, #tpu.memory_space<semaphore_mem>>)
      } else {
      }
      %mul3A_363 = arith.constant 5 : i32
      %mul3A_364 = arith.muli %add3A, %mul3A_363 : i32
      %jit3A_365 = arith.constant 5 : i32
      %div3A_366 = arith.divsi %add3A_347, %jit3A_365 : i32
      %sign3A_367 = arith.constant 0 : i32
      %sign3A_368 = arith.cmpi sgt, %add3A_347, %sign3A_367 : i32
      %sign3A_369 = arith.extui %sign3A_368 : i1 to i32
      %sign3A_370 = arith.constant 0 : i32
      %sign3A_371 = arith.cmpi slt, %add3A_347, %sign3A_370 : i32
      %sign3A_372 = arith.extui %sign3A_371 : i1 to i32
      %sign3A_373 = arith.subi %sign3A_369, %sign3A_372 : i32
      %sign3A_374 = arith.constant 0 : i32
      %sign3A_375 = arith.cmpi sgt, %jit3A_365, %sign3A_374 : i32
      %sign3A_376 = arith.extui %sign3A_375 : i1 to i32
      %sign3A_377 = arith.constant 0 : i32
      %sign3A_378 = arith.cmpi slt, %jit3A_365, %sign3A_377 : i32
      %sign3A_379 = arith.extui %sign3A_378 : i1 to i32
      %sign3A_380 = arith.subi %sign3A_376, %sign3A_379 : i32
      %ne3A_381 = arith.cmpi ne, %sign3A_373, %sign3A_380 : i32
      %rem3A_382 = arith.remsi %add3A_347, %jit3A_365 : i32
      %ne3A_383 = arith.constant 0 : i32
      %ne3A_384 = arith.cmpi ne, %rem3A_382, %ne3A_383 : i32
      %and3A_385 = arith.andi %ne3A_381, %ne3A_384 : i1
      %sub3A_386 = arith.constant 1 : i32
      %sub3A_387 = arith.subi %div3A_366, %sub3A_386 : i32
      %select_n3A_388 = arith.select %and3A_385, %sub3A_387, %div3A_366 : i32
      %add3A_389 = arith.addi %mul3A_364, %select_n3A_388 : i32
      %jit3A_390 = arith.constant 5 : i32
      %eq3A_391 = arith.constant 0 : i32
      %eq3A_392 = arith.cmpi eq, %jit3A_390, %eq3A_391 : i32
      %jit3A_393 = arith.constant 1 : i32
      %select_n3A_394 = arith.select %eq3A_392, %jit3A_393, %jit3A_390 : i32
      %rem3A_395 = arith.remsi %add3A_347, %select_n3A_394 : i32
      %ne3A_396 = arith.constant 0 : i32
      %ne3A_397 = arith.cmpi ne, %rem3A_395, %ne3A_396 : i32
      %lt3A_398 = arith.constant 0 : i32
      %lt3A_399 = arith.cmpi slt, %rem3A_395, %lt3A_398 : i32
      %lt3A_400 = arith.constant 0 : i32
      %lt3A_401 = arith.cmpi slt, %select_n3A_394, %lt3A_400 : i32
      %ne3A_402 = arith.xori %lt3A_399, %lt3A_401 : i1
      %and3A_403 = arith.andi %ne3A_402, %ne3A_397 : i1
      %add3A_404 = arith.addi %rem3A_395, %select_n3A_394 : i32
      %select_n3A_405 = arith.select %and3A_403, %add3A_404, %rem3A_395 : i32
      %jit3A_406 = arith.constant 8 : i32
      %div3A_407 = arith.divsi %add3A_389, %jit3A_406 : i32
      %sign3A_408 = arith.constant 0 : i32
      %sign3A_409 = arith.cmpi sgt, %add3A_389, %sign3A_408 : i32
      %sign3A_410 = arith.extui %sign3A_409 : i1 to i32
      %sign3A_411 = arith.constant 0 : i32
      %sign3A_412 = arith.cmpi slt, %add3A_389, %sign3A_411 : i32
      %sign3A_413 = arith.extui %sign3A_412 : i1 to i32
      %sign3A_414 = arith.subi %sign3A_410, %sign3A_413 : i32
      %sign3A_415 = arith.constant 0 : i32
      %sign3A_416 = arith.cmpi sgt, %jit3A_406, %sign3A_415 : i32
      %sign3A_417 = arith.extui %sign3A_416 : i1 to i32
      %sign3A_418 = arith.constant 0 : i32
      %sign3A_419 = arith.cmpi slt, %jit3A_406, %sign3A_418 : i32
      %sign3A_420 = arith.extui %sign3A_419 : i1 to i32
      %sign3A_421 = arith.subi %sign3A_417, %sign3A_420 : i32
      %ne3A_422 = arith.cmpi ne, %sign3A_414, %sign3A_421 : i32
      %rem3A_423 = arith.remsi %add3A_389, %jit3A_406 : i32
      %ne3A_424 = arith.constant 0 : i32
      %ne3A_425 = arith.cmpi ne, %rem3A_423, %ne3A_424 : i32
      %and3A_426 = arith.andi %ne3A_422, %ne3A_425 : i1
      %sub3A_427 = arith.constant 1 : i32
      %sub3A_428 = arith.subi %div3A_407, %sub3A_427 : i32
      %select_n3A_429 = arith.select %and3A_426, %sub3A_428, %div3A_407 : i32
      %jit3A_430 = arith.constant 8 : i32
      %eq3A_431 = arith.constant 0 : i32
      %eq3A_432 = arith.cmpi eq, %jit3A_430, %eq3A_431 : i32
      %jit3A_433 = arith.constant 1 : i32
      %select_n3A_434 = arith.select %eq3A_432, %jit3A_433, %jit3A_430 : i32
      %rem3A_435 = arith.remsi %add3A_389, %select_n3A_434 : i32
      %ne3A_436 = arith.constant 0 : i32
      %ne3A_437 = arith.cmpi ne, %rem3A_435, %ne3A_436 : i32
      %lt3A_438 = arith.constant 0 : i32
      %lt3A_439 = arith.cmpi slt, %rem3A_435, %lt3A_438 : i32
      %lt3A_440 = arith.constant 0 : i32
      %lt3A_441 = arith.cmpi slt, %select_n3A_434, %lt3A_440 : i32
      %ne3A_442 = arith.xori %lt3A_439, %lt3A_441 : i1
      %and3A_443 = arith.andi %ne3A_442, %ne3A_437 : i1
      %add3A_444 = arith.addi %rem3A_435, %select_n3A_434 : i32
      %select_n3A_445 = arith.select %and3A_443, %add3A_444, %rem3A_435 : i32
      %mul3A_446 = arith.constant 125 : i32
      %mul3A_447 = arith.muli %select_n3A_429, %mul3A_446 : i32
      %mul3A_448 = arith.constant 25 : i32
      %mul3A_449 = arith.muli %select_n3A_405, %mul3A_448 : i32
      %add3A_450 = arith.addi %mul3A_447, %mul3A_449 : i32
      %mul3A_451 = arith.constant 8 : i32
      %mul3A_452 = arith.muli %add3A_450, %mul3A_451 : i32
      %add3A_453 = arith.addi %mul3A_452, %select_n3A_445 : i32
      %mul3A_454 = arith.constant 1024 : i32
      %mul3A_455 = arith.muli %add3A_453, %mul3A_454 : i32
      %scan3A_456 = arith.constant 0 : i32
      %scan3A_457 = arith.constant 0 : i32
      %scan3A_458 = arith.constant 25 : i32
      %scan3A_459 = arith.addi %scan3A_457, %scan3A_458 : i32
      %scan3A_460 = arith.constant 1 : i32
      scf.for %scan3A_1063 = %scan3A_457 to %scan3A_459 step %scan3A_460  : i32 {
        %mul3A_1064 = arith.constant 1024 : i32
        %mul3A_1065 = arith.muli %scan3A_1063, %mul3A_1064 : i32
        %mul3A_1066 = arith.constant 8192 : i32
        %mul3A_1067 = arith.muli %scan3A_1063, %mul3A_1066 : i32
        %add3A_1068 = arith.addi %mul3A_455, %mul3A_1067 : i32
        %dma_start3A_1069 = tpu.memref_slice %arg12[%mul3A_1065] : memref<25600xf32, #tpu.memory_space<vmem>> -> memref<1024xf32, #tpu.memory_space<vmem>>
        %dma_start3A_1070 = tpu.memref_slice %arg4[%add3A_1068] : memref<20480000xf32, #tpu.memory_space<hbm>> -> memref<1024xf32, #tpu.memory_space<hbm>>
        %dma_start3A_1071 = tpu.memref_slice %arg4[%add3A_1068] : memref<20480000xf32, #tpu.memory_space<hbm>> -> memref<1024xf32, #tpu.memory_space<hbm>>
        %dma_start3A_1072 = tpu.memref_slice %arg12[%mul3A_1065] : memref<25600xf32, #tpu.memory_space<vmem>> -> memref<1024xf32, #tpu.memory_space<vmem>>
        tpu.enqueue_dma source(%dma_start3A_1072 : memref<1024xf32, #tpu.memory_space<vmem>>) target(%dma_start3A_1071 : memref<1024xf32, #tpu.memory_space<hbm>>) target_semaphore(%arg17 : memref<!tpu.dma_semaphore, #tpu.memory_space<semaphore_mem>>)
      }
      %scan3A_461 = arith.constant 25 : i32
      %mul3A_462 = arith.constant 6 : i32
      %mul3A_463 = arith.muli %scan3A_343, %mul3A_462 : i32
      %add3A_464 = arith.constant 1 : i32
      %add3A_465 = arith.addi %mul3A_463, %add3A_464 : i32
      %dma_wait3A_466 = arith.constant 0 : i32
      %dma_wait3A_467 = arith.constant 0 : i32
      %dma_wait3A_468 = tpu.memref_slice %arg2[%dma_wait3A_466, %dma_wait3A_467] : memref<5000x200xf32, #tpu.memory_space<hbm>> -> memref<5000x200xf32, #tpu.memory_space<hbm>>
      tpu.wait_indirect_dma semaphore(%arg15 : memref<!tpu.dma_semaphore, #tpu.memory_space<semaphore_mem>>) src(%dma_wait3A_468 : memref<5000x200xf32, #tpu.memory_space<hbm>>) dst(%arg7 : memref<128x200xf32, #tpu.memory_space<vmem>>)
      %gt3A_469 = arith.constant 0 : i32
      %gt3A_470 = arith.cmpi sgt, %scan3A_343, %gt3A_469 : i32
      %convert_element_type3A_471 = arith.extui %gt3A_470 : i1 to i32
      %cond3A_472 = arith.constant 0 : i32
      %cond3A_473 = arith.cmpi ne, %convert_element_type3A_471, %cond3A_472 : i32
      scf.if %cond3A_473 {
        %dma_wait3A_1063 = arith.constant 0 : i32
        %dma_wait3A_1064 = tpu.memref_slice %arg4[%dma_wait3A_1063] : memref<20480000xf32, #tpu.memory_space<hbm>> -> memref<25600xf32, #tpu.memory_space<hbm>>
        %dma_wait3A_1065 = arith.constant 0 : i32
        %dma_wait3A_1066 = tpu.memref_slice %arg4[%dma_wait3A_1065] : memref<20480000xf32, #tpu.memory_space<hbm>> -> memref<25600xf32, #tpu.memory_space<hbm>>
        tpu.wait_dma2 semaphore(%arg18 : memref<!tpu.dma_semaphore, #tpu.memory_space<semaphore_mem>>) src(%dma_wait3A_1066 : memref<25600xf32, #tpu.memory_space<hbm>>) dst(%arg13 : memref<25600xf32, #tpu.memory_space<vmem>>)
      } else {
      }
      %parallel_loop3A_474 = arith.constant 0 : i32
      %parallel_loop3A_475 = arith.constant 200 : i32
      %parallel_loop3A_476 = arith.constant 1 : i32
      scf.for %parallel_loop3A_1063 = %parallel_loop3A_474 to %parallel_loop3A_475 step %parallel_loop3A_476  : i32 {
        %parallel_loop3A_1064 = arith.constant 0 : i32
        %parallel_loop3A_1065 = vector.broadcast %parallel_loop3A_1064 : i32 to vector<16xi32>
        %parallel_loop3A_1066 = vector.broadcast %parallel_loop3A_1063 : i32 to vector<16xi32>
        %parallel_loop3A_1067 = arith.addi %parallel_loop3A_1065, %parallel_loop3A_1066 : vector<16xi32>
        %parallel_loop3A_1068 = arith.constant 8 : i32
        %parallel_loop3A_1069 = arith.divsi %parallel_loop3A_1063, %parallel_loop3A_1068 : i32
        %parallel_loop3A_1070 = arith.constant 0 : i32
        %parallel_loop3A_1071 = arith.cmpi sgt, %parallel_loop3A_1063, %parallel_loop3A_1070 : i32
        %parallel_loop3A_1072 = arith.extui %parallel_loop3A_1071 : i1 to i32
        %parallel_loop3A_1073 = arith.constant 0 : i32
        %parallel_loop3A_1074 = arith.cmpi slt, %parallel_loop3A_1063, %parallel_loop3A_1073 : i32
        %parallel_loop3A_1075 = arith.extui %parallel_loop3A_1074 : i1 to i32
        %parallel_loop3A_1076 = arith.subi %parallel_loop3A_1072, %parallel_loop3A_1075 : i32
        %parallel_loop3A_1077 = arith.constant 0 : i32
        %parallel_loop3A_1078 = arith.cmpi sgt, %parallel_loop3A_1068, %parallel_loop3A_1077 : i32
        %parallel_loop3A_1079 = arith.extui %parallel_loop3A_1078 : i1 to i32
        %parallel_loop3A_1080 = arith.constant 0 : i32
        %parallel_loop3A_1081 = arith.cmpi slt, %parallel_loop3A_1068, %parallel_loop3A_1080 : i32
        %parallel_loop3A_1082 = arith.extui %parallel_loop3A_1081 : i1 to i32
        %parallel_loop3A_1083 = arith.subi %parallel_loop3A_1079, %parallel_loop3A_1082 : i32
        %parallel_loop3A_1084 = arith.cmpi ne, %parallel_loop3A_1076, %parallel_loop3A_1083 : i32
        %parallel_loop3A_1085 = arith.remsi %parallel_loop3A_1063, %parallel_loop3A_1068 : i32
        %parallel_loop3A_1086 = arith.constant 0 : i32
        %parallel_loop3A_1087 = arith.cmpi ne, %parallel_loop3A_1085, %parallel_loop3A_1086 : i32
        %parallel_loop3A_1088 = arith.andi %parallel_loop3A_1084, %parallel_loop3A_1087 : i1
        %parallel_loop3A_1089 = arith.constant 1 : i32
        %parallel_loop3A_1090 = arith.subi %parallel_loop3A_1069, %parallel_loop3A_1089 : i32
        %parallel_loop3A_1091 = arith.select %parallel_loop3A_1088, %parallel_loop3A_1090, %parallel_loop3A_1069 : i32
        %parallel_loop3A_1092 = arith.constant 1024 : i32
        %parallel_loop3A_1093 = arith.muli %parallel_loop3A_1091, %parallel_loop3A_1092 : i32
        %parallel_loop3A_1094 = arith.constant 8 : i32
        %parallel_loop3A_1095 = arith.constant 0 : i32
        %parallel_loop3A_1096 = arith.cmpi eq, %parallel_loop3A_1094, %parallel_loop3A_1095 : i32
        %parallel_loop3A_1097 = arith.constant 1 : i32
        %parallel_loop3A_1098 = arith.select %parallel_loop3A_1096, %parallel_loop3A_1097, %parallel_loop3A_1094 : i32
        %parallel_loop3A_1099 = arith.remsi %parallel_loop3A_1063, %parallel_loop3A_1098 : i32
        %parallel_loop3A_1100 = arith.constant 0 : i32
        %parallel_loop3A_1101 = arith.cmpi ne, %parallel_loop3A_1099, %parallel_loop3A_1100 : i32
        %parallel_loop3A_1102 = arith.constant 0 : i32
        %parallel_loop3A_1103 = arith.cmpi slt, %parallel_loop3A_1099, %parallel_loop3A_1102 : i32
        %parallel_loop3A_1104 = arith.constant 0 : i32
        %parallel_loop3A_1105 = arith.cmpi slt, %parallel_loop3A_1098, %parallel_loop3A_1104 : i32
        %parallel_loop3A_1106 = arith.xori %parallel_loop3A_1103, %parallel_loop3A_1105 : i1
        %parallel_loop3A_1107 = arith.andi %parallel_loop3A_1106, %parallel_loop3A_1101 : i1
        %parallel_loop3A_1108 = arith.addi %parallel_loop3A_1099, %parallel_loop3A_1098 : i32
        %parallel_loop3A_1109 = arith.select %parallel_loop3A_1107, %parallel_loop3A_1108, %parallel_loop3A_1099 : i32
        %parallel_loop3A_1110 = arith.constant 128 : i32
        %parallel_loop3A_1111 = arith.muli %parallel_loop3A_1109, %parallel_loop3A_1110 : i32
        %parallel_loop3A_1112 = arith.addi %parallel_loop3A_1093, %parallel_loop3A_1111 : i32
        %parallel_loop3A_1113 = tpu.vector_load_idx %arg7[%add3A_5, %parallel_loop3A_1067] : memref<128x200xf32, #tpu.memory_space<vmem>>[vector<16xi32>, vector<16xi32>], vector<16xf32>,
        %parallel_loop3A_1114 = arith.constant 0 : i32
        %parallel_loop3A_1115 = arith.addi %parallel_loop3A_1112, %parallel_loop3A_1114 : i32
        %parallel_loop3A_1116 = arith.index_cast %parallel_loop3A_1115 : i32 to index
        %parallel_loop3A_1117 = tpu.vector_load %arg13[%parallel_loop3A_1116] {strides = array<i32>} : memref<25600xf32, #tpu.memory_space<vmem>>, vector<16xf32>,
        tpu.vector_store %arg13[%parallel_loop3A_1116], %parallel_loop3A_1113 {strides = array<i32>} : memref<25600xf32, #tpu.memory_space<vmem>>, vector<16xf32>,
        %parallel_loop3A_1118 = tpu.vector_load_idx %arg7[%add3A_8, %parallel_loop3A_1067] : memref<128x200xf32, #tpu.memory_space<vmem>>[vector<16xi32>, vector<16xi32>], vector<16xf32>,
        %parallel_loop3A_1119 = arith.constant 16 : i32
        %parallel_loop3A_1120 = arith.addi %parallel_loop3A_1112, %parallel_loop3A_1119 : i32
        %parallel_loop3A_1121 = arith.index_cast %parallel_loop3A_1120 : i32 to index
        %parallel_loop3A_1122 = tpu.vector_load %arg13[%parallel_loop3A_1121] {strides = array<i32>} : memref<25600xf32, #tpu.memory_space<vmem>>, vector<16xf32>,
        tpu.vector_store %arg13[%parallel_loop3A_1121], %parallel_loop3A_1118 {strides = array<i32>} : memref<25600xf32, #tpu.memory_space<vmem>>, vector<16xf32>,
        %parallel_loop3A_1123 = tpu.vector_load_idx %arg7[%add3A_11, %parallel_loop3A_1067] : memref<128x200xf32, #tpu.memory_space<vmem>>[vector<16xi32>, vector<16xi32>], vector<16xf32>,
        %parallel_loop3A_1124 = arith.constant 32 : i32
        %parallel_loop3A_1125 = arith.addi %parallel_loop3A_1112, %parallel_loop3A_1124 : i32
        %parallel_loop3A_1126 = arith.index_cast %parallel_loop3A_1125 : i32 to index
        %parallel_loop3A_1127 = tpu.vector_load %arg13[%parallel_loop3A_1126] {strides = array<i32>} : memref<25600xf32, #tpu.memory_space<vmem>>, vector<16xf32>,
        tpu.vector_store %arg13[%parallel_loop3A_1126], %parallel_loop3A_1123 {strides = array<i32>} : memref<25600xf32, #tpu.memory_space<vmem>>, vector<16xf32>,
        %parallel_loop3A_1128 = tpu.vector_load_idx %arg7[%add3A_14, %parallel_loop3A_1067] : memref<128x200xf32, #tpu.memory_space<vmem>>[vector<16xi32>, vector<16xi32>], vector<16xf32>,
        %parallel_loop3A_1129 = arith.constant 48 : i32
        %parallel_loop3A_1130 = arith.addi %parallel_loop3A_1112, %parallel_loop3A_1129 : i32
        %parallel_loop3A_1131 = arith.index_cast %parallel_loop3A_1130 : i32 to index
        %parallel_loop3A_1132 = tpu.vector_load %arg13[%parallel_loop3A_1131] {strides = array<i32>} : memref<25600xf32, #tpu.memory_space<vmem>>, vector<16xf32>,
        tpu.vector_store %arg13[%parallel_loop3A_1131], %parallel_loop3A_1128 {strides = array<i32>} : memref<25600xf32, #tpu.memory_space<vmem>>, vector<16xf32>,
        %parallel_loop3A_1133 = tpu.vector_load_idx %arg7[%add3A_17, %parallel_loop3A_1067] : memref<128x200xf32, #tpu.memory_space<vmem>>[vector<16xi32>, vector<16xi32>], vector<16xf32>,
        %parallel_loop3A_1134 = arith.constant 64 : i32
        %parallel_loop3A_1135 = arith.addi %parallel_loop3A_1112, %parallel_loop3A_1134 : i32
        %parallel_loop3A_1136 = arith.index_cast %parallel_loop3A_1135 : i32 to index
        %parallel_loop3A_1137 = tpu.vector_load %arg13[%parallel_loop3A_1136] {strides = array<i32>} : memref<25600xf32, #tpu.memory_space<vmem>>, vector<16xf32>,
        tpu.vector_store %arg13[%parallel_loop3A_1136], %parallel_loop3A_1133 {strides = array<i32>} : memref<25600xf32, #tpu.memory_space<vmem>>, vector<16xf32>,
        %parallel_loop3A_1138 = tpu.vector_load_idx %arg7[%add3A_20, %parallel_loop3A_1067] : memref<128x200xf32, #tpu.memory_space<vmem>>[vector<16xi32>, vector<16xi32>], vector<16xf32>,
        %parallel_loop3A_1139 = arith.constant 80 : i32
        %parallel_loop3A_1140 = arith.addi %parallel_loop3A_1112, %parallel_loop3A_1139 : i32
        %parallel_loop3A_1141 = arith.index_cast %parallel_loop3A_1140 : i32 to index
        %parallel_loop3A_1142 = tpu.vector_load %arg13[%parallel_loop3A_1141] {strides = array<i32>} : memref<25600xf32, #tpu.memory_space<vmem>>, vector<16xf32>,
        tpu.vector_store %arg13[%parallel_loop3A_1141], %parallel_loop3A_1138 {strides = array<i32>} : memref<25600xf32, #tpu.memory_space<vmem>>, vector<16xf32>,
        %parallel_loop3A_1143 = tpu.vector_load_idx %arg7[%add3A_23, %parallel_loop3A_1067] : memref<128x200xf32, #tpu.memory_space<vmem>>[vector<16xi32>, vector<16xi32>], vector<16xf32>,
        %parallel_loop3A_1144 = arith.constant 96 : i32
        %parallel_loop3A_1145 = arith.addi %parallel_loop3A_1112, %parallel_loop3A_1144 : i32
        %parallel_loop3A_1146 = arith.index_cast %parallel_loop3A_1145 : i32 to index
        %parallel_loop3A_1147 = tpu.vector_load %arg13[%parallel_loop3A_1146] {strides = array<i32>} : memref<25600xf32, #tpu.memory_space<vmem>>, vector<16xf32>,
        tpu.vector_store %arg13[%parallel_loop3A_1146], %parallel_loop3A_1143 {strides = array<i32>} : memref<25600xf32, #tpu.memory_space<vmem>>, vector<16xf32>,
        %parallel_loop3A_1148 = tpu.vector_load_idx %arg7[%add3A_26, %parallel_loop3A_1067] : memref<128x200xf32, #tpu.memory_space<vmem>>[vector<16xi32>, vector<16xi32>], vector<16xf32>,
        %parallel_loop3A_1149 = arith.constant 112 : i32
        %parallel_loop3A_1150 = arith.addi %parallel_loop3A_1112, %parallel_loop3A_1149 : i32
        %parallel_loop3A_1151 = arith.index_cast %parallel_loop3A_1150 : i32 to index
        %parallel_loop3A_1152 = tpu.vector_load %arg13[%parallel_loop3A_1151] {strides = array<i32>} : memref<25600xf32, #tpu.memory_space<vmem>>, vector<16xf32>,
        tpu.vector_store %arg13[%parallel_loop3A_1151], %parallel_loop3A_1148 {strides = array<i32>} : memref<25600xf32, #tpu.memory_space<vmem>>, vector<16xf32>,
      } {sc.loop_unroll_factor = 20 : i64, sc.parallel_access}
      %add3A_477 = arith.constant 3 : i32
      %add3A_478 = arith.addi %add3A_465, %add3A_477 : i32
      %lt3A_479 = arith.constant 25 : i32
      %lt3A_480 = arith.cmpi slt, %add3A_478, %lt3A_479 : i32
      %convert_element_type3A_481 = arith.extui %lt3A_480 : i1 to i32
      %cond3A_482 = arith.constant 0 : i32
      %cond3A_483 = arith.cmpi ne, %convert_element_type3A_481, %cond3A_482 : i32
      scf.if %cond3A_483 {
        %add3A_1063 = arith.constant 3 : i32
        %add3A_1064 = arith.addi %add3A_465, %add3A_1063 : i32
        %jit3A_1065 = arith.constant 5 : i32
        %div3A_1066 = arith.divsi %add3A_1064, %jit3A_1065 : i32
        %sign3A_1067 = arith.constant 0 : i32
        %sign3A_1068 = arith.cmpi sgt, %add3A_1064, %sign3A_1067 : i32
        %sign3A_1069 = arith.extui %sign3A_1068 : i1 to i32
        %sign3A_1070 = arith.constant 0 : i32
        %sign3A_1071 = arith.cmpi slt, %add3A_1064, %sign3A_1070 : i32
        %sign3A_1072 = arith.extui %sign3A_1071 : i1 to i32
        %sign3A_1073 = arith.subi %sign3A_1069, %sign3A_1072 : i32
        %sign3A_1074 = arith.constant 0 : i32
        %sign3A_1075 = arith.cmpi sgt, %jit3A_1065, %sign3A_1074 : i32
        %sign3A_1076 = arith.extui %sign3A_1075 : i1 to i32
        %sign3A_1077 = arith.constant 0 : i32
        %sign3A_1078 = arith.cmpi slt, %jit3A_1065, %sign3A_1077 : i32
        %sign3A_1079 = arith.extui %sign3A_1078 : i1 to i32
        %sign3A_1080 = arith.subi %sign3A_1076, %sign3A_1079 : i32
        %ne3A_1081 = arith.cmpi ne, %sign3A_1073, %sign3A_1080 : i32
        %rem3A_1082 = arith.remsi %add3A_1064, %jit3A_1065 : i32
        %ne3A_1083 = arith.constant 0 : i32
        %ne3A_1084 = arith.cmpi ne, %rem3A_1082, %ne3A_1083 : i32
        %and3A_1085 = arith.andi %ne3A_1081, %ne3A_1084 : i1
        %sub3A_1086 = arith.constant 1 : i32
        %sub3A_1087 = arith.subi %div3A_1066, %sub3A_1086 : i32
        %select_n3A_1088 = arith.select %and3A_1085, %sub3A_1087, %div3A_1066 : i32
        %jit3A_1089 = arith.constant 5 : i32
        %eq3A_1090 = arith.constant 0 : i32
        %eq3A_1091 = arith.cmpi eq, %jit3A_1089, %eq3A_1090 : i32
        %jit3A_1092 = arith.constant 1 : i32
        %select_n3A_1093 = arith.select %eq3A_1091, %jit3A_1092, %jit3A_1089 : i32
        %rem3A_1094 = arith.remsi %add3A_1064, %select_n3A_1093 : i32
        %ne3A_1095 = arith.constant 0 : i32
        %ne3A_1096 = arith.cmpi ne, %rem3A_1094, %ne3A_1095 : i32
        %lt3A_1097 = arith.constant 0 : i32
        %lt3A_1098 = arith.cmpi slt, %rem3A_1094, %lt3A_1097 : i32
        %lt3A_1099 = arith.constant 0 : i32
        %lt3A_1100 = arith.cmpi slt, %select_n3A_1093, %lt3A_1099 : i32
        %ne3A_1101 = arith.xori %lt3A_1098, %lt3A_1100 : i1
        %and3A_1102 = arith.andi %ne3A_1101, %ne3A_1096 : i1
        %add3A_1103 = arith.addi %rem3A_1094, %select_n3A_1093 : i32
        %select_n3A_1104 = arith.select %and3A_1102, %add3A_1103, %rem3A_1094 : i32
        %mul3A_1105 = arith.constant 128 : i32
        %mul3A_1106 = arith.muli %select_n3A_1088, %mul3A_1105 : i32
        %add3A_1107 = arith.constant 0 : i32
        %add3A_1108 = arith.addi %mul3A_1106, %add3A_1107 : i32
        %get3A_1109 = arith.index_cast %add3A_1108 : i32 to index
        %get3A_1110 = tpu.vector_load %arg5[%get3A_1109] {strides = array<i32>} : memref<640xi32, #tpu.memory_space<vmem>>, vector<16xi32>,
        %mul3A_1111 = arith.constant 5 : i32
        %mul3A_1112 = vector.broadcast %mul3A_1111 : i32 to vector<16xi32>
        %mul3A_1113 = arith.muli %get3A_1110, %mul3A_1112 : vector<16xi32>
        %add3A_1114 = vector.broadcast %select_n3A_1104 : i32 to vector<16xi32>
        %add3A_1115 = arith.addi %mul3A_1113, %add3A_1114 : vector<16xi32>
        %swap3A_1116 = arith.constant 0 : index
        %swap3A_1117 = tpu.vector_load %arg10[%swap3A_1116] {strides = array<i32>} : memref<128xi32, #tpu.memory_space<vmem>>, vector<16xi32>,
        tpu.vector_store %arg10[%swap3A_1116], %add3A_1115 {strides = array<i32>} : memref<128xi32, #tpu.memory_space<vmem>>, vector<16xi32>,
        %mul3A_1118 = arith.constant 128 : i32
        %mul3A_1119 = arith.muli %select_n3A_1088, %mul3A_1118 : i32
        %add3A_1120 = arith.constant 16 : i32
        %add3A_1121 = arith.addi %mul3A_1119, %add3A_1120 : i32
        %get3A_1122 = arith.index_cast %add3A_1121 : i32 to index
        %get3A_1123 = tpu.vector_load %arg5[%get3A_1122] {strides = array<i32>} : memref<640xi32, #tpu.memory_space<vmem>>, vector<16xi32>,
        %mul3A_1124 = arith.constant 5 : i32
        %mul3A_1125 = vector.broadcast %mul3A_1124 : i32 to vector<16xi32>
        %mul3A_1126 = arith.muli %get3A_1123, %mul3A_1125 : vector<16xi32>
        %add3A_1127 = vector.broadcast %select_n3A_1104 : i32 to vector<16xi32>
        %add3A_1128 = arith.addi %mul3A_1126, %add3A_1127 : vector<16xi32>
        %swap3A_1129 = arith.constant 16 : index
        %swap3A_1130 = tpu.vector_load %arg10[%swap3A_1129] {strides = array<i32>} : memref<128xi32, #tpu.memory_space<vmem>>, vector<16xi32>,
        tpu.vector_store %arg10[%swap3A_1129], %add3A_1128 {strides = array<i32>} : memref<128xi32, #tpu.memory_space<vmem>>, vector<16xi32>,
        %mul3A_1131 = arith.constant 128 : i32
        %mul3A_1132 = arith.muli %select_n3A_1088, %mul3A_1131 : i32
        %add3A_1133 = arith.constant 32 : i32
        %add3A_1134 = arith.addi %mul3A_1132, %add3A_1133 : i32
        %get3A_1135 = arith.index_cast %add3A_1134 : i32 to index
        %get3A_1136 = tpu.vector_load %arg5[%get3A_1135] {strides = array<i32>} : memref<640xi32, #tpu.memory_space<vmem>>, vector<16xi32>,
        %mul3A_1137 = arith.constant 5 : i32
        %mul3A_1138 = vector.broadcast %mul3A_1137 : i32 to vector<16xi32>
        %mul3A_1139 = arith.muli %get3A_1136, %mul3A_1138 : vector<16xi32>
        %add3A_1140 = vector.broadcast %select_n3A_1104 : i32 to vector<16xi32>
        %add3A_1141 = arith.addi %mul3A_1139, %add3A_1140 : vector<16xi32>
        %swap3A_1142 = arith.constant 32 : index
        %swap3A_1143 = tpu.vector_load %arg10[%swap3A_1142] {strides = array<i32>} : memref<128xi32, #tpu.memory_space<vmem>>, vector<16xi32>,
        tpu.vector_store %arg10[%swap3A_1142], %add3A_1141 {strides = array<i32>} : memref<128xi32, #tpu.memory_space<vmem>>, vector<16xi32>,
        %mul3A_1144 = arith.constant 128 : i32
        %mul3A_1145 = arith.muli %select_n3A_1088, %mul3A_1144 : i32
        %add3A_1146 = arith.constant 48 : i32
        %add3A_1147 = arith.addi %mul3A_1145, %add3A_1146 : i32
        %get3A_1148 = arith.index_cast %add3A_1147 : i32 to index
        %get3A_1149 = tpu.vector_load %arg5[%get3A_1148] {strides = array<i32>} : memref<640xi32, #tpu.memory_space<vmem>>, vector<16xi32>,
        %mul3A_1150 = arith.constant 5 : i32
        %mul3A_1151 = vector.broadcast %mul3A_1150 : i32 to vector<16xi32>
        %mul3A_1152 = arith.muli %get3A_1149, %mul3A_1151 : vector<16xi32>
        %add3A_1153 = vector.broadcast %select_n3A_1104 : i32 to vector<16xi32>
        %add3A_1154 = arith.addi %mul3A_1152, %add3A_1153 : vector<16xi32>
        %swap3A_1155 = arith.constant 48 : index
        %swap3A_1156 = tpu.vector_load %arg10[%swap3A_1155] {strides = array<i32>} : memref<128xi32, #tpu.memory_space<vmem>>, vector<16xi32>,
        tpu.vector_store %arg10[%swap3A_1155], %add3A_1154 {strides = array<i32>} : memref<128xi32, #tpu.memory_space<vmem>>, vector<16xi32>,
        %mul3A_1157 = arith.constant 128 : i32
        %mul3A_1158 = arith.muli %select_n3A_1088, %mul3A_1157 : i32
        %add3A_1159 = arith.constant 64 : i32
        %add3A_1160 = arith.addi %mul3A_1158, %add3A_1159 : i32
        %get3A_1161 = arith.index_cast %add3A_1160 : i32 to index
        %get3A_1162 = tpu.vector_load %arg5[%get3A_1161] {strides = array<i32>} : memref<640xi32, #tpu.memory_space<vmem>>, vector<16xi32>,
        %mul3A_1163 = arith.constant 5 : i32
        %mul3A_1164 = vector.broadcast %mul3A_1163 : i32 to vector<16xi32>
        %mul3A_1165 = arith.muli %get3A_1162, %mul3A_1164 : vector<16xi32>
        %add3A_1166 = vector.broadcast %select_n3A_1104 : i32 to vector<16xi32>
        %add3A_1167 = arith.addi %mul3A_1165, %add3A_1166 : vector<16xi32>
        %swap3A_1168 = arith.constant 64 : index
        %swap3A_1169 = tpu.vector_load %arg10[%swap3A_1168] {strides = array<i32>} : memref<128xi32, #tpu.memory_space<vmem>>, vector<16xi32>,
        tpu.vector_store %arg10[%swap3A_1168], %add3A_1167 {strides = array<i32>} : memref<128xi32, #tpu.memory_space<vmem>>, vector<16xi32>,
        %mul3A_1170 = arith.constant 128 : i32
        %mul3A_1171 = arith.muli %select_n3A_1088, %mul3A_1170 : i32
        %add3A_1172 = arith.constant 80 : i32
        %add3A_1173 = arith.addi %mul3A_1171, %add3A_1172 : i32
        %get3A_1174 = arith.index_cast %add3A_1173 : i32 to index
        %get3A_1175 = tpu.vector_load %arg5[%get3A_1174] {strides = array<i32>} : memref<640xi32, #tpu.memory_space<vmem>>, vector<16xi32>,
        %mul3A_1176 = arith.constant 5 : i32
        %mul3A_1177 = vector.broadcast %mul3A_1176 : i32 to vector<16xi32>
        %mul3A_1178 = arith.muli %get3A_1175, %mul3A_1177 : vector<16xi32>
        %add3A_1179 = vector.broadcast %select_n3A_1104 : i32 to vector<16xi32>
        %add3A_1180 = arith.addi %mul3A_1178, %add3A_1179 : vector<16xi32>
        %swap3A_1181 = arith.constant 80 : index
        %swap3A_1182 = tpu.vector_load %arg10[%swap3A_1181] {strides = array<i32>} : memref<128xi32, #tpu.memory_space<vmem>>, vector<16xi32>,
        tpu.vector_store %arg10[%swap3A_1181], %add3A_1180 {strides = array<i32>} : memref<128xi32, #tpu.memory_space<vmem>>, vector<16xi32>,
        %mul3A_1183 = arith.constant 128 : i32
        %mul3A_1184 = arith.muli %select_n3A_1088, %mul3A_1183 : i32
        %add3A_1185 = arith.constant 96 : i32
        %add3A_1186 = arith.addi %mul3A_1184, %add3A_1185 : i32
        %get3A_1187 = arith.index_cast %add3A_1186 : i32 to index
        %get3A_1188 = tpu.vector_load %arg5[%get3A_1187] {strides = array<i32>} : memref<640xi32, #tpu.memory_space<vmem>>, vector<16xi32>,
        %mul3A_1189 = arith.constant 5 : i32
        %mul3A_1190 = vector.broadcast %mul3A_1189 : i32 to vector<16xi32>
        %mul3A_1191 = arith.muli %get3A_1188, %mul3A_1190 : vector<16xi32>
        %add3A_1192 = vector.broadcast %select_n3A_1104 : i32 to vector<16xi32>
        %add3A_1193 = arith.addi %mul3A_1191, %add3A_1192 : vector<16xi32>
        %swap3A_1194 = arith.constant 96 : index
        %swap3A_1195 = tpu.vector_load %arg10[%swap3A_1194] {strides = array<i32>} : memref<128xi32, #tpu.memory_space<vmem>>, vector<16xi32>,
        tpu.vector_store %arg10[%swap3A_1194], %add3A_1193 {strides = array<i32>} : memref<128xi32, #tpu.memory_space<vmem>>, vector<16xi32>,
        %mul3A_1196 = arith.constant 128 : i32
        %mul3A_1197 = arith.muli %select_n3A_1088, %mul3A_1196 : i32
        %add3A_1198 = arith.constant 112 : i32
        %add3A_1199 = arith.addi %mul3A_1197, %add3A_1198 : i32
        %get3A_1200 = arith.index_cast %add3A_1199 : i32 to index
        %get3A_1201 = tpu.vector_load %arg5[%get3A_1200] {strides = array<i32>} : memref<640xi32, #tpu.memory_space<vmem>>, vector<16xi32>,
        %mul3A_1202 = arith.constant 5 : i32
        %mul3A_1203 = vector.broadcast %mul3A_1202 : i32 to vector<16xi32>
        %mul3A_1204 = arith.muli %get3A_1201, %mul3A_1203 : vector<16xi32>
        %add3A_1205 = vector.broadcast %select_n3A_1104 : i32 to vector<16xi32>
        %add3A_1206 = arith.addi %mul3A_1204, %add3A_1205 : vector<16xi32>
        %swap3A_1207 = arith.constant 112 : index
        %swap3A_1208 = tpu.vector_load %arg10[%swap3A_1207] {strides = array<i32>} : memref<128xi32, #tpu.memory_space<vmem>>, vector<16xi32>,
        tpu.vector_store %arg10[%swap3A_1207], %add3A_1206 {strides = array<i32>} : memref<128xi32, #tpu.memory_space<vmem>>, vector<16xi32>,
        %dma_start3A_1209 = arith.constant 0 : i32
        %dma_start3A_1210 = arith.constant 0 : i32
        %dma_start3A_1211 = tpu.memref_slice %arg2[%dma_start3A_1209, %dma_start3A_1210] : memref<5000x200xf32, #tpu.memory_space<hbm>> -> memref<5000x200xf32, #tpu.memory_space<hbm>>
        tpu.enqueue_indirect_dma source(%dma_start3A_1211 : memref<5000x200xf32, #tpu.memory_space<hbm>>) target(%arg7 : memref<128x200xf32, #tpu.memory_space<vmem>>) offsets(%arg10 : memref<128xi32, #tpu.memory_space<vmem>>) semaphore(%arg15 : memref<!tpu.dma_semaphore, #tpu.memory_space<semaphore_mem>>)
      } else {
      }
      %mul3A_484 = arith.constant 5 : i32
      %mul3A_485 = arith.muli %add3A, %mul3A_484 : i32
      %jit3A_486 = arith.constant 5 : i32
      %div3A_487 = arith.divsi %add3A_465, %jit3A_486 : i32
      %sign3A_488 = arith.constant 0 : i32
      %sign3A_489 = arith.cmpi sgt, %add3A_465, %sign3A_488 : i32
      %sign3A_490 = arith.extui %sign3A_489 : i1 to i32
      %sign3A_491 = arith.constant 0 : i32
      %sign3A_492 = arith.cmpi slt, %add3A_465, %sign3A_491 : i32
      %sign3A_493 = arith.extui %sign3A_492 : i1 to i32
      %sign3A_494 = arith.subi %sign3A_490, %sign3A_493 : i32
      %sign3A_495 = arith.constant 0 : i32
      %sign3A_496 = arith.cmpi sgt, %jit3A_486, %sign3A_495 : i32
      %sign3A_497 = arith.extui %sign3A_496 : i1 to i32
      %sign3A_498 = arith.constant 0 : i32
      %sign3A_499 = arith.cmpi slt, %jit3A_486, %sign3A_498 : i32
      %sign3A_500 = arith.extui %sign3A_499 : i1 to i32
      %sign3A_501 = arith.subi %sign3A_497, %sign3A_500 : i32
      %ne3A_502 = arith.cmpi ne, %sign3A_494, %sign3A_501 : i32
      %rem3A_503 = arith.remsi %add3A_465, %jit3A_486 : i32
      %ne3A_504 = arith.constant 0 : i32
      %ne3A_505 = arith.cmpi ne, %rem3A_503, %ne3A_504 : i32
      %and3A_506 = arith.andi %ne3A_502, %ne3A_505 : i1
      %sub3A_507 = arith.constant 1 : i32
      %sub3A_508 = arith.subi %div3A_487, %sub3A_507 : i32
      %select_n3A_509 = arith.select %and3A_506, %sub3A_508, %div3A_487 : i32
      %add3A_510 = arith.addi %mul3A_485, %select_n3A_509 : i32
      %jit3A_511 = arith.constant 5 : i32
      %eq3A_512 = arith.constant 0 : i32
      %eq3A_513 = arith.cmpi eq, %jit3A_511, %eq3A_512 : i32
      %jit3A_514 = arith.constant 1 : i32
      %select_n3A_515 = arith.select %eq3A_513, %jit3A_514, %jit3A_511 : i32
      %rem3A_516 = arith.remsi %add3A_465, %select_n3A_515 : i32
      %ne3A_517 = arith.constant 0 : i32
      %ne3A_518 = arith.cmpi ne, %rem3A_516, %ne3A_517 : i32
      %lt3A_519 = arith.constant 0 : i32
      %lt3A_520 = arith.cmpi slt, %rem3A_516, %lt3A_519 : i32
      %lt3A_521 = arith.constant 0 : i32
      %lt3A_522 = arith.cmpi slt, %select_n3A_515, %lt3A_521 : i32
      %ne3A_523 = arith.xori %lt3A_520, %lt3A_522 : i1
      %and3A_524 = arith.andi %ne3A_523, %ne3A_518 : i1
      %add3A_525 = arith.addi %rem3A_516, %select_n3A_515 : i32
      %select_n3A_526 = arith.select %and3A_524, %add3A_525, %rem3A_516 : i32
      %jit3A_527 = arith.constant 8 : i32
      %div3A_528 = arith.divsi %add3A_510, %jit3A_527 : i32
      %sign3A_529 = arith.constant 0 : i32
      %sign3A_530 = arith.cmpi sgt, %add3A_510, %sign3A_529 : i32
      %sign3A_531 = arith.extui %sign3A_530 : i1 to i32
      %sign3A_532 = arith.constant 0 : i32
      %sign3A_533 = arith.cmpi slt, %add3A_510, %sign3A_532 : i32
      %sign3A_534 = arith.extui %sign3A_533 : i1 to i32
      %sign3A_535 = arith.subi %sign3A_531, %sign3A_534 : i32
      %sign3A_536 = arith.constant 0 : i32
      %sign3A_537 = arith.cmpi sgt, %jit3A_527, %sign3A_536 : i32
      %sign3A_538 = arith.extui %sign3A_537 : i1 to i32
      %sign3A_539 = arith.constant 0 : i32
      %sign3A_540 = arith.cmpi slt, %jit3A_527, %sign3A_539 : i32
      %sign3A_541 = arith.extui %sign3A_540 : i1 to i32
      %sign3A_542 = arith.subi %sign3A_538, %sign3A_541 : i32
      %ne3A_543 = arith.cmpi ne, %sign3A_535, %sign3A_542 : i32
      %rem3A_544 = arith.remsi %add3A_510, %jit3A_527 : i32
      %ne3A_545 = arith.constant 0 : i32
      %ne3A_546 = arith.cmpi ne, %rem3A_544, %ne3A_545 : i32
      %and3A_547 = arith.andi %ne3A_543, %ne3A_546 : i1
      %sub3A_548 = arith.constant 1 : i32
      %sub3A_549 = arith.subi %div3A_528, %sub3A_548 : i32
      %select_n3A_550 = arith.select %and3A_547, %sub3A_549, %div3A_528 : i32
      %jit3A_551 = arith.constant 8 : i32
      %eq3A_552 = arith.constant 0 : i32
      %eq3A_553 = arith.cmpi eq, %jit3A_551, %eq3A_552 : i32
      %jit3A_554 = arith.constant 1 : i32
      %select_n3A_555 = arith.select %eq3A_553, %jit3A_554, %jit3A_551 : i32
      %rem3A_556 = arith.remsi %add3A_510, %select_n3A_555 : i32
      %ne3A_557 = arith.constant 0 : i32
      %ne3A_558 = arith.cmpi ne, %rem3A_556, %ne3A_557 : i32
      %lt3A_559 = arith.constant 0 : i32
      %lt3A_560 = arith.cmpi slt, %rem3A_556, %lt3A_559 : i32
      %lt3A_561 = arith.constant 0 : i32
      %lt3A_562 = arith.cmpi slt, %select_n3A_555, %lt3A_561 : i32
      %ne3A_563 = arith.xori %lt3A_560, %lt3A_562 : i1
      %and3A_564 = arith.andi %ne3A_563, %ne3A_558 : i1
      %add3A_565 = arith.addi %rem3A_556, %select_n3A_555 : i32
      %select_n3A_566 = arith.select %and3A_564, %add3A_565, %rem3A_556 : i32
      %mul3A_567 = arith.constant 125 : i32
      %mul3A_568 = arith.muli %select_n3A_550, %mul3A_567 : i32
      %mul3A_569 = arith.constant 25 : i32
      %mul3A_570 = arith.muli %select_n3A_526, %mul3A_569 : i32
      %add3A_571 = arith.addi %mul3A_568, %mul3A_570 : i32
      %mul3A_572 = arith.constant 8 : i32
      %mul3A_573 = arith.muli %add3A_571, %mul3A_572 : i32
      %add3A_574 = arith.addi %mul3A_573, %select_n3A_566 : i32
      %mul3A_575 = arith.constant 1024 : i32
      %mul3A_576 = arith.muli %add3A_574, %mul3A_575 : i32
      %scan3A_577 = arith.constant 0 : i32
      %scan3A_578 = arith.constant 0 : i32
      %scan3A_579 = arith.constant 25 : i32
      %scan3A_580 = arith.addi %scan3A_578, %scan3A_579 : i32
      %scan3A_581 = arith.constant 1 : i32
      scf.for %scan3A_1063 = %scan3A_578 to %scan3A_580 step %scan3A_581  : i32 {
        %mul3A_1064 = arith.constant 1024 : i32
        %mul3A_1065 = arith.muli %scan3A_1063, %mul3A_1064 : i32
        %mul3A_1066 = arith.constant 8192 : i32
        %mul3A_1067 = arith.muli %scan3A_1063, %mul3A_1066 : i32
        %add3A_1068 = arith.addi %mul3A_576, %mul3A_1067 : i32
        %dma_start3A_1069 = tpu.memref_slice %arg13[%mul3A_1065] : memref<25600xf32, #tpu.memory_space<vmem>> -> memref<1024xf32, #tpu.memory_space<vmem>>
        %dma_start3A_1070 = tpu.memref_slice %arg4[%add3A_1068] : memref<20480000xf32, #tpu.memory_space<hbm>> -> memref<1024xf32, #tpu.memory_space<hbm>>
        %dma_start3A_1071 = tpu.memref_slice %arg4[%add3A_1068] : memref<20480000xf32, #tpu.memory_space<hbm>> -> memref<1024xf32, #tpu.memory_space<hbm>>
        %dma_start3A_1072 = tpu.memref_slice %arg13[%mul3A_1065] : memref<25600xf32, #tpu.memory_space<vmem>> -> memref<1024xf32, #tpu.memory_space<vmem>>
        tpu.enqueue_dma source(%dma_start3A_1072 : memref<1024xf32, #tpu.memory_space<vmem>>) target(%dma_start3A_1071 : memref<1024xf32, #tpu.memory_space<hbm>>) target_semaphore(%arg18 : memref<!tpu.dma_semaphore, #tpu.memory_space<semaphore_mem>>)
      }
      %scan3A_582 = arith.constant 25 : i32
      %mul3A_583 = arith.constant 6 : i32
      %mul3A_584 = arith.muli %scan3A_343, %mul3A_583 : i32
      %add3A_585 = arith.constant 2 : i32
      %add3A_586 = arith.addi %mul3A_584, %add3A_585 : i32
      %dma_wait3A_587 = arith.constant 0 : i32
      %dma_wait3A_588 = arith.constant 0 : i32
      %dma_wait3A_589 = tpu.memref_slice %arg2[%dma_wait3A_587, %dma_wait3A_588] : memref<5000x200xf32, #tpu.memory_space<hbm>> -> memref<5000x200xf32, #tpu.memory_space<hbm>>
      tpu.wait_indirect_dma semaphore(%arg16 : memref<!tpu.dma_semaphore, #tpu.memory_space<semaphore_mem>>) src(%dma_wait3A_589 : memref<5000x200xf32, #tpu.memory_space<hbm>>) dst(%arg8 : memref<128x200xf32, #tpu.memory_space<vmem>>)
      %dma_wait3A_590 = arith.constant 0 : i32
      %dma_wait3A_591 = tpu.memref_slice %arg4[%dma_wait3A_590] : memref<20480000xf32, #tpu.memory_space<hbm>> -> memref<25600xf32, #tpu.memory_space<hbm>>
      %dma_wait3A_592 = arith.constant 0 : i32
      %dma_wait3A_593 = tpu.memref_slice %arg4[%dma_wait3A_592] : memref<20480000xf32, #tpu.memory_space<hbm>> -> memref<25600xf32, #tpu.memory_space<hbm>>
      tpu.wait_dma2 semaphore(%arg17 : memref<!tpu.dma_semaphore, #tpu.memory_space<semaphore_mem>>) src(%dma_wait3A_593 : memref<25600xf32, #tpu.memory_space<hbm>>) dst(%arg12 : memref<25600xf32, #tpu.memory_space<vmem>>)
      %parallel_loop3A_594 = arith.constant 0 : i32
      %parallel_loop3A_595 = arith.constant 200 : i32
      %parallel_loop3A_596 = arith.constant 1 : i32
      scf.for %parallel_loop3A_1063 = %parallel_loop3A_594 to %parallel_loop3A_595 step %parallel_loop3A_596  : i32 {
        %parallel_loop3A_1064 = arith.constant 0 : i32
        %parallel_loop3A_1065 = vector.broadcast %parallel_loop3A_1064 : i32 to vector<16xi32>
        %parallel_loop3A_1066 = vector.broadcast %parallel_loop3A_1063 : i32 to vector<16xi32>
        %parallel_loop3A_1067 = arith.addi %parallel_loop3A_1065, %parallel_loop3A_1066 : vector<16xi32>
        %parallel_loop3A_1068 = arith.constant 8 : i32
        %parallel_loop3A_1069 = arith.divsi %parallel_loop3A_1063, %parallel_loop3A_1068 : i32
        %parallel_loop3A_1070 = arith.constant 0 : i32
        %parallel_loop3A_1071 = arith.cmpi sgt, %parallel_loop3A_1063, %parallel_loop3A_1070 : i32
        %parallel_loop3A_1072 = arith.extui %parallel_loop3A_1071 : i1 to i32
        %parallel_loop3A_1073 = arith.constant 0 : i32
        %parallel_loop3A_1074 = arith.cmpi slt, %parallel_loop3A_1063, %parallel_loop3A_1073 : i32
        %parallel_loop3A_1075 = arith.extui %parallel_loop3A_1074 : i1 to i32
        %parallel_loop3A_1076 = arith.subi %parallel_loop3A_1072, %parallel_loop3A_1075 : i32
        %parallel_loop3A_1077 = arith.constant 0 : i32
        %parallel_loop3A_1078 = arith.cmpi sgt, %parallel_loop3A_1068, %parallel_loop3A_1077 : i32
        %parallel_loop3A_1079 = arith.extui %parallel_loop3A_1078 : i1 to i32
        %parallel_loop3A_1080 = arith.constant 0 : i32
        %parallel_loop3A_1081 = arith.cmpi slt, %parallel_loop3A_1068, %parallel_loop3A_1080 : i32
        %parallel_loop3A_1082 = arith.extui %parallel_loop3A_1081 : i1 to i32
        %parallel_loop3A_1083 = arith.subi %parallel_loop3A_1079, %parallel_loop3A_1082 : i32
        %parallel_loop3A_1084 = arith.cmpi ne, %parallel_loop3A_1076, %parallel_loop3A_1083 : i32
        %parallel_loop3A_1085 = arith.remsi %parallel_loop3A_1063, %parallel_loop3A_1068 : i32
        %parallel_loop3A_1086 = arith.constant 0 : i32
        %parallel_loop3A_1087 = arith.cmpi ne, %parallel_loop3A_1085, %parallel_loop3A_1086 : i32
        %parallel_loop3A_1088 = arith.andi %parallel_loop3A_1084, %parallel_loop3A_1087 : i1
        %parallel_loop3A_1089 = arith.constant 1 : i32
        %parallel_loop3A_1090 = arith.subi %parallel_loop3A_1069, %parallel_loop3A_1089 : i32
        %parallel_loop3A_1091 = arith.select %parallel_loop3A_1088, %parallel_loop3A_1090, %parallel_loop3A_1069 : i32
        %parallel_loop3A_1092 = arith.constant 1024 : i32
        %parallel_loop3A_1093 = arith.muli %parallel_loop3A_1091, %parallel_loop3A_1092 : i32
        %parallel_loop3A_1094 = arith.constant 8 : i32
        %parallel_loop3A_1095 = arith.constant 0 : i32
        %parallel_loop3A_1096 = arith.cmpi eq, %parallel_loop3A_1094, %parallel_loop3A_1095 : i32
        %parallel_loop3A_1097 = arith.constant 1 : i32
        %parallel_loop3A_1098 = arith.select %parallel_loop3A_1096, %parallel_loop3A_1097, %parallel_loop3A_1094 : i32
        %parallel_loop3A_1099 = arith.remsi %parallel_loop3A_1063, %parallel_loop3A_1098 : i32
        %parallel_loop3A_1100 = arith.constant 0 : i32
        %parallel_loop3A_1101 = arith.cmpi ne, %parallel_loop3A_1099, %parallel_loop3A_1100 : i32
        %parallel_loop3A_1102 = arith.constant 0 : i32
        %parallel_loop3A_1103 = arith.cmpi slt, %parallel_loop3A_1099, %parallel_loop3A_1102 : i32
        %parallel_loop3A_1104 = arith.constant 0 : i32
        %parallel_loop3A_1105 = arith.cmpi slt, %parallel_loop3A_1098, %parallel_loop3A_1104 : i32
        %parallel_loop3A_1106 = arith.xori %parallel_loop3A_1103, %parallel_loop3A_1105 : i1
        %parallel_loop3A_1107 = arith.andi %parallel_loop3A_1106, %parallel_loop3A_1101 : i1
        %parallel_loop3A_1108 = arith.addi %parallel_loop3A_1099, %parallel_loop3A_1098 : i32
        %parallel_loop3A_1109 = arith.select %parallel_loop3A_1107, %parallel_loop3A_1108, %parallel_loop3A_1099 : i32
        %parallel_loop3A_1110 = arith.constant 128 : i32
        %parallel_loop3A_1111 = arith.muli %parallel_loop3A_1109, %parallel_loop3A_1110 : i32
        %parallel_loop3A_1112 = arith.addi %parallel_loop3A_1093, %parallel_loop3A_1111 : i32
        %parallel_loop3A_1113 = tpu.vector_load_idx %arg8[%add3A_5, %parallel_loop3A_1067] : memref<128x200xf32, #tpu.memory_space<vmem>>[vector<16xi32>, vector<16xi32>], vector<16xf32>,
        %parallel_loop3A_1114 = arith.constant 0 : i32
        %parallel_loop3A_1115 = arith.addi %parallel_loop3A_1112, %parallel_loop3A_1114 : i32
        %parallel_loop3A_1116 = arith.index_cast %parallel_loop3A_1115 : i32 to index
        %parallel_loop3A_1117 = tpu.vector_load %arg12[%parallel_loop3A_1116] {strides = array<i32>} : memref<25600xf32, #tpu.memory_space<vmem>>, vector<16xf32>,
        tpu.vector_store %arg12[%parallel_loop3A_1116], %parallel_loop3A_1113 {strides = array<i32>} : memref<25600xf32, #tpu.memory_space<vmem>>, vector<16xf32>,
        %parallel_loop3A_1118 = tpu.vector_load_idx %arg8[%add3A_8, %parallel_loop3A_1067] : memref<128x200xf32, #tpu.memory_space<vmem>>[vector<16xi32>, vector<16xi32>], vector<16xf32>,
        %parallel_loop3A_1119 = arith.constant 16 : i32
        %parallel_loop3A_1120 = arith.addi %parallel_loop3A_1112, %parallel_loop3A_1119 : i32
        %parallel_loop3A_1121 = arith.index_cast %parallel_loop3A_1120 : i32 to index
        %parallel_loop3A_1122 = tpu.vector_load %arg12[%parallel_loop3A_1121] {strides = array<i32>} : memref<25600xf32, #tpu.memory_space<vmem>>, vector<16xf32>,
        tpu.vector_store %arg12[%parallel_loop3A_1121], %parallel_loop3A_1118 {strides = array<i32>} : memref<25600xf32, #tpu.memory_space<vmem>>, vector<16xf32>,
        %parallel_loop3A_1123 = tpu.vector_load_idx %arg8[%add3A_11, %parallel_loop3A_1067] : memref<128x200xf32, #tpu.memory_space<vmem>>[vector<16xi32>, vector<16xi32>], vector<16xf32>,
        %parallel_loop3A_1124 = arith.constant 32 : i32
        %parallel_loop3A_1125 = arith.addi %parallel_loop3A_1112, %parallel_loop3A_1124 : i32
        %parallel_loop3A_1126 = arith.index_cast %parallel_loop3A_1125 : i32 to index
        %parallel_loop3A_1127 = tpu.vector_load %arg12[%parallel_loop3A_1126] {strides = array<i32>} : memref<25600xf32, #tpu.memory_space<vmem>>, vector<16xf32>,
        tpu.vector_store %arg12[%parallel_loop3A_1126], %parallel_loop3A_1123 {strides = array<i32>} : memref<25600xf32, #tpu.memory_space<vmem>>, vector<16xf32>,
        %parallel_loop3A_1128 = tpu.vector_load_idx %arg8[%add3A_14, %parallel_loop3A_1067] : memref<128x200xf32, #tpu.memory_space<vmem>>[vector<16xi32>, vector<16xi32>], vector<16xf32>,
        %parallel_loop3A_1129 = arith.constant 48 : i32
        %parallel_loop3A_1130 = arith.addi %parallel_loop3A_1112, %parallel_loop3A_1129 : i32
        %parallel_loop3A_1131 = arith.index_cast %parallel_loop3A_1130 : i32 to index
        %parallel_loop3A_1132 = tpu.vector_load %arg12[%parallel_loop3A_1131] {strides = array<i32>} : memref<25600xf32, #tpu.memory_space<vmem>>, vector<16xf32>,
        tpu.vector_store %arg12[%parallel_loop3A_1131], %parallel_loop3A_1128 {strides = array<i32>} : memref<25600xf32, #tpu.memory_space<vmem>>, vector<16xf32>,
        %parallel_loop3A_1133 = tpu.vector_load_idx %arg8[%add3A_17, %parallel_loop3A_1067] : memref<128x200xf32, #tpu.memory_space<vmem>>[vector<16xi32>, vector<16xi32>], vector<16xf32>,
        %parallel_loop3A_1134 = arith.constant 64 : i32
        %parallel_loop3A_1135 = arith.addi %parallel_loop3A_1112, %parallel_loop3A_1134 : i32
        %parallel_loop3A_1136 = arith.index_cast %parallel_loop3A_1135 : i32 to index
        %parallel_loop3A_1137 = tpu.vector_load %arg12[%parallel_loop3A_1136] {strides = array<i32>} : memref<25600xf32, #tpu.memory_space<vmem>>, vector<16xf32>,
        tpu.vector_store %arg12[%parallel_loop3A_1136], %parallel_loop3A_1133 {strides = array<i32>} : memref<25600xf32, #tpu.memory_space<vmem>>, vector<16xf32>,
        %parallel_loop3A_1138 = tpu.vector_load_idx %arg8[%add3A_20, %parallel_loop3A_1067] : memref<128x200xf32, #tpu.memory_space<vmem>>[vector<16xi32>, vector<16xi32>], vector<16xf32>,
        %parallel_loop3A_1139 = arith.constant 80 : i32
        %parallel_loop3A_1140 = arith.addi %parallel_loop3A_1112, %parallel_loop3A_1139 : i32
        %parallel_loop3A_1141 = arith.index_cast %parallel_loop3A_1140 : i32 to index
        %parallel_loop3A_1142 = tpu.vector_load %arg12[%parallel_loop3A_1141] {strides = array<i32>} : memref<25600xf32, #tpu.memory_space<vmem>>, vector<16xf32>,
        tpu.vector_store %arg12[%parallel_loop3A_1141], %parallel_loop3A_1138 {strides = array<i32>} : memref<25600xf32, #tpu.memory_space<vmem>>, vector<16xf32>,
        %parallel_loop3A_1143 = tpu.vector_load_idx %arg8[%add3A_23, %parallel_loop3A_1067] : memref<128x200xf32, #tpu.memory_space<vmem>>[vector<16xi32>, vector<16xi32>], vector<16xf32>,
        %parallel_loop3A_1144 = arith.constant 96 : i32
        %parallel_loop3A_1145 = arith.addi %parallel_loop3A_1112, %parallel_loop3A_1144 : i32
        %parallel_loop3A_1146 = arith.index_cast %parallel_loop3A_1145 : i32 to index
        %parallel_loop3A_1147 = tpu.vector_load %arg12[%parallel_loop3A_1146] {strides = array<i32>} : memref<25600xf32, #tpu.memory_space<vmem>>, vector<16xf32>,
        tpu.vector_store %arg12[%parallel_loop3A_1146], %parallel_loop3A_1143 {strides = array<i32>} : memref<25600xf32, #tpu.memory_space<vmem>>, vector<16xf32>,
        %parallel_loop3A_1148 = tpu.vector_load_idx %arg8[%add3A_26, %parallel_loop3A_1067] : memref<128x200xf32, #tpu.memory_space<vmem>>[vector<16xi32>, vector<16xi32>], vector<16xf32>,
        %parallel_loop3A_1149 = arith.constant 112 : i32
        %parallel_loop3A_1150 = arith.addi %parallel_loop3A_1112, %parallel_loop3A_1149 : i32
        %parallel_loop3A_1151 = arith.index_cast %parallel_loop3A_1150 : i32 to index
        %parallel_loop3A_1152 = tpu.vector_load %arg12[%parallel_loop3A_1151] {strides = array<i32>} : memref<25600xf32, #tpu.memory_space<vmem>>, vector<16xf32>,
        tpu.vector_store %arg12[%parallel_loop3A_1151], %parallel_loop3A_1148 {strides = array<i32>} : memref<25600xf32, #tpu.memory_space<vmem>>, vector<16xf32>,
      } {sc.loop_unroll_factor = 20 : i64, sc.parallel_access}
      %add3A_597 = arith.constant 3 : i32
      %add3A_598 = arith.addi %add3A_586, %add3A_597 : i32
      %lt3A_599 = arith.constant 25 : i32
      %lt3A_600 = arith.cmpi slt, %add3A_598, %lt3A_599 : i32
      %convert_element_type3A_601 = arith.extui %lt3A_600 : i1 to i32
      %cond3A_602 = arith.constant 0 : i32
      %cond3A_603 = arith.cmpi ne, %convert_element_type3A_601, %cond3A_602 : i32
      scf.if %cond3A_603 {
        %add3A_1063 = arith.constant 3 : i32
        %add3A_1064 = arith.addi %add3A_586, %add3A_1063 : i32
        %jit3A_1065 = arith.constant 5 : i32
        %div3A_1066 = arith.divsi %add3A_1064, %jit3A_1065 : i32
        %sign3A_1067 = arith.constant 0 : i32
        %sign3A_1068 = arith.cmpi sgt, %add3A_1064, %sign3A_1067 : i32
        %sign3A_1069 = arith.extui %sign3A_1068 : i1 to i32
        %sign3A_1070 = arith.constant 0 : i32
        %sign3A_1071 = arith.cmpi slt, %add3A_1064, %sign3A_1070 : i32
        %sign3A_1072 = arith.extui %sign3A_1071 : i1 to i32
        %sign3A_1073 = arith.subi %sign3A_1069, %sign3A_1072 : i32
        %sign3A_1074 = arith.constant 0 : i32
        %sign3A_1075 = arith.cmpi sgt, %jit3A_1065, %sign3A_1074 : i32
        %sign3A_1076 = arith.extui %sign3A_1075 : i1 to i32
        %sign3A_1077 = arith.constant 0 : i32
        %sign3A_1078 = arith.cmpi slt, %jit3A_1065, %sign3A_1077 : i32
        %sign3A_1079 = arith.extui %sign3A_1078 : i1 to i32
        %sign3A_1080 = arith.subi %sign3A_1076, %sign3A_1079 : i32
        %ne3A_1081 = arith.cmpi ne, %sign3A_1073, %sign3A_1080 : i32
        %rem3A_1082 = arith.remsi %add3A_1064, %jit3A_1065 : i32
        %ne3A_1083 = arith.constant 0 : i32
        %ne3A_1084 = arith.cmpi ne, %rem3A_1082, %ne3A_1083 : i32
        %and3A_1085 = arith.andi %ne3A_1081, %ne3A_1084 : i1
        %sub3A_1086 = arith.constant 1 : i32
        %sub3A_1087 = arith.subi %div3A_1066, %sub3A_1086 : i32
        %select_n3A_1088 = arith.select %and3A_1085, %sub3A_1087, %div3A_1066 : i32
        %jit3A_1089 = arith.constant 5 : i32
        %eq3A_1090 = arith.constant 0 : i32
        %eq3A_1091 = arith.cmpi eq, %jit3A_1089, %eq3A_1090 : i32
        %jit3A_1092 = arith.constant 1 : i32
        %select_n3A_1093 = arith.select %eq3A_1091, %jit3A_1092, %jit3A_1089 : i32
        %rem3A_1094 = arith.remsi %add3A_1064, %select_n3A_1093 : i32
        %ne3A_1095 = arith.constant 0 : i32
        %ne3A_1096 = arith.cmpi ne, %rem3A_1094, %ne3A_1095 : i32
        %lt3A_1097 = arith.constant 0 : i32
        %lt3A_1098 = arith.cmpi slt, %rem3A_1094, %lt3A_1097 : i32
        %lt3A_1099 = arith.constant 0 : i32
        %lt3A_1100 = arith.cmpi slt, %select_n3A_1093, %lt3A_1099 : i32
        %ne3A_1101 = arith.xori %lt3A_1098, %lt3A_1100 : i1
        %and3A_1102 = arith.andi %ne3A_1101, %ne3A_1096 : i1
        %add3A_1103 = arith.addi %rem3A_1094, %select_n3A_1093 : i32
        %select_n3A_1104 = arith.select %and3A_1102, %add3A_1103, %rem3A_1094 : i32
        %mul3A_1105 = arith.constant 128 : i32
        %mul3A_1106 = arith.muli %select_n3A_1088, %mul3A_1105 : i32
        %add3A_1107 = arith.constant 0 : i32
        %add3A_1108 = arith.addi %mul3A_1106, %add3A_1107 : i32
        %get3A_1109 = arith.index_cast %add3A_1108 : i32 to index
        %get3A_1110 = tpu.vector_load %arg5[%get3A_1109] {strides = array<i32>} : memref<640xi32, #tpu.memory_space<vmem>>, vector<16xi32>,
        %mul3A_1111 = arith.constant 5 : i32
        %mul3A_1112 = vector.broadcast %mul3A_1111 : i32 to vector<16xi32>
        %mul3A_1113 = arith.muli %get3A_1110, %mul3A_1112 : vector<16xi32>
        %add3A_1114 = vector.broadcast %select_n3A_1104 : i32 to vector<16xi32>
        %add3A_1115 = arith.addi %mul3A_1113, %add3A_1114 : vector<16xi32>
        %swap3A_1116 = arith.constant 0 : index
        %swap3A_1117 = tpu.vector_load %arg11[%swap3A_1116] {strides = array<i32>} : memref<128xi32, #tpu.memory_space<vmem>>, vector<16xi32>,
        tpu.vector_store %arg11[%swap3A_1116], %add3A_1115 {strides = array<i32>} : memref<128xi32, #tpu.memory_space<vmem>>, vector<16xi32>,
        %mul3A_1118 = arith.constant 128 : i32
        %mul3A_1119 = arith.muli %select_n3A_1088, %mul3A_1118 : i32
        %add3A_1120 = arith.constant 16 : i32
        %add3A_1121 = arith.addi %mul3A_1119, %add3A_1120 : i32
        %get3A_1122 = arith.index_cast %add3A_1121 : i32 to index
        %get3A_1123 = tpu.vector_load %arg5[%get3A_1122] {strides = array<i32>} : memref<640xi32, #tpu.memory_space<vmem>>, vector<16xi32>,
        %mul3A_1124 = arith.constant 5 : i32
        %mul3A_1125 = vector.broadcast %mul3A_1124 : i32 to vector<16xi32>
        %mul3A_1126 = arith.muli %get3A_1123, %mul3A_1125 : vector<16xi32>
        %add3A_1127 = vector.broadcast %select_n3A_1104 : i32 to vector<16xi32>
        %add3A_1128 = arith.addi %mul3A_1126, %add3A_1127 : vector<16xi32>
        %swap3A_1129 = arith.constant 16 : index
        %swap3A_1130 = tpu.vector_load %arg11[%swap3A_1129] {strides = array<i32>} : memref<128xi32, #tpu.memory_space<vmem>>, vector<16xi32>,
        tpu.vector_store %arg11[%swap3A_1129], %add3A_1128 {strides = array<i32>} : memref<128xi32, #tpu.memory_space<vmem>>, vector<16xi32>,
        %mul3A_1131 = arith.constant 128 : i32
        %mul3A_1132 = arith.muli %select_n3A_1088, %mul3A_1131 : i32
        %add3A_1133 = arith.constant 32 : i32
        %add3A_1134 = arith.addi %mul3A_1132, %add3A_1133 : i32
        %get3A_1135 = arith.index_cast %add3A_1134 : i32 to index
        %get3A_1136 = tpu.vector_load %arg5[%get3A_1135] {strides = array<i32>} : memref<640xi32, #tpu.memory_space<vmem>>, vector<16xi32>,
        %mul3A_1137 = arith.constant 5 : i32
        %mul3A_1138 = vector.broadcast %mul3A_1137 : i32 to vector<16xi32>
        %mul3A_1139 = arith.muli %get3A_1136, %mul3A_1138 : vector<16xi32>
        %add3A_1140 = vector.broadcast %select_n3A_1104 : i32 to vector<16xi32>
        %add3A_1141 = arith.addi %mul3A_1139, %add3A_1140 : vector<16xi32>
        %swap3A_1142 = arith.constant 32 : index
        %swap3A_1143 = tpu.vector_load %arg11[%swap3A_1142] {strides = array<i32>} : memref<128xi32, #tpu.memory_space<vmem>>, vector<16xi32>,
        tpu.vector_store %arg11[%swap3A_1142], %add3A_1141 {strides = array<i32>} : memref<128xi32, #tpu.memory_space<vmem>>, vector<16xi32>,
        %mul3A_1144 = arith.constant 128 : i32
        %mul3A_1145 = arith.muli %select_n3A_1088, %mul3A_1144 : i32
        %add3A_1146 = arith.constant 48 : i32
        %add3A_1147 = arith.addi %mul3A_1145, %add3A_1146 : i32
        %get3A_1148 = arith.index_cast %add3A_1147 : i32 to index
        %get3A_1149 = tpu.vector_load %arg5[%get3A_1148] {strides = array<i32>} : memref<640xi32, #tpu.memory_space<vmem>>, vector<16xi32>,
        %mul3A_1150 = arith.constant 5 : i32
        %mul3A_1151 = vector.broadcast %mul3A_1150 : i32 to vector<16xi32>
        %mul3A_1152 = arith.muli %get3A_1149, %mul3A_1151 : vector<16xi32>
        %add3A_1153 = vector.broadcast %select_n3A_1104 : i32 to vector<16xi32>
        %add3A_1154 = arith.addi %mul3A_1152, %add3A_1153 : vector<16xi32>
        %swap3A_1155 = arith.constant 48 : index
        %swap3A_1156 = tpu.vector_load %arg11[%swap3A_1155] {strides = array<i32>} : memref<128xi32, #tpu.memory_space<vmem>>, vector<16xi32>,
        tpu.vector_store %arg11[%swap3A_1155], %add3A_1154 {strides = array<i32>} : memref<128xi32, #tpu.memory_space<vmem>>, vector<16xi32>,
        %mul3A_1157 = arith.constant 128 : i32
        %mul3A_1158 = arith.muli %select_n3A_1088, %mul3A_1157 : i32
        %add3A_1159 = arith.constant 64 : i32
        %add3A_1160 = arith.addi %mul3A_1158, %add3A_1159 : i32
        %get3A_1161 = arith.index_cast %add3A_1160 : i32 to index
        %get3A_1162 = tpu.vector_load %arg5[%get3A_1161] {strides = array<i32>} : memref<640xi32, #tpu.memory_space<vmem>>, vector<16xi32>,
        %mul3A_1163 = arith.constant 5 : i32
        %mul3A_1164 = vector.broadcast %mul3A_1163 : i32 to vector<16xi32>
        %mul3A_1165 = arith.muli %get3A_1162, %mul3A_1164 : vector<16xi32>
        %add3A_1166 = vector.broadcast %select_n3A_1104 : i32 to vector<16xi32>
        %add3A_1167 = arith.addi %mul3A_1165, %add3A_1166 : vector<16xi32>
        %swap3A_1168 = arith.constant 64 : index
        %swap3A_1169 = tpu.vector_load %arg11[%swap3A_1168] {strides = array<i32>} : memref<128xi32, #tpu.memory_space<vmem>>, vector<16xi32>,
        tpu.vector_store %arg11[%swap3A_1168], %add3A_1167 {strides = array<i32>} : memref<128xi32, #tpu.memory_space<vmem>>, vector<16xi32>,
        %mul3A_1170 = arith.constant 128 : i32
        %mul3A_1171 = arith.muli %select_n3A_1088, %mul3A_1170 : i32
        %add3A_1172 = arith.constant 80 : i32
        %add3A_1173 = arith.addi %mul3A_1171, %add3A_1172 : i32
        %get3A_1174 = arith.index_cast %add3A_1173 : i32 to index
        %get3A_1175 = tpu.vector_load %arg5[%get3A_1174] {strides = array<i32>} : memref<640xi32, #tpu.memory_space<vmem>>, vector<16xi32>,
        %mul3A_1176 = arith.constant 5 : i32
        %mul3A_1177 = vector.broadcast %mul3A_1176 : i32 to vector<16xi32>
        %mul3A_1178 = arith.muli %get3A_1175, %mul3A_1177 : vector<16xi32>
        %add3A_1179 = vector.broadcast %select_n3A_1104 : i32 to vector<16xi32>
        %add3A_1180 = arith.addi %mul3A_1178, %add3A_1179 : vector<16xi32>
        %swap3A_1181 = arith.constant 80 : index
        %swap3A_1182 = tpu.vector_load %arg11[%swap3A_1181] {strides = array<i32>} : memref<128xi32, #tpu.memory_space<vmem>>, vector<16xi32>,
        tpu.vector_store %arg11[%swap3A_1181], %add3A_1180 {strides = array<i32>} : memref<128xi32, #tpu.memory_space<vmem>>, vector<16xi32>,
        %mul3A_1183 = arith.constant 128 : i32
        %mul3A_1184 = arith.muli %select_n3A_1088, %mul3A_1183 : i32
        %add3A_1185 = arith.constant 96 : i32
        %add3A_1186 = arith.addi %mul3A_1184, %add3A_1185 : i32
        %get3A_1187 = arith.index_cast %add3A_1186 : i32 to index
        %get3A_1188 = tpu.vector_load %arg5[%get3A_1187] {strides = array<i32>} : memref<640xi32, #tpu.memory_space<vmem>>, vector<16xi32>,
        %mul3A_1189 = arith.constant 5 : i32
        %mul3A_1190 = vector.broadcast %mul3A_1189 : i32 to vector<16xi32>
        %mul3A_1191 = arith.muli %get3A_1188, %mul3A_1190 : vector<16xi32>
        %add3A_1192 = vector.broadcast %select_n3A_1104 : i32 to vector<16xi32>
        %add3A_1193 = arith.addi %mul3A_1191, %add3A_1192 : vector<16xi32>
        %swap3A_1194 = arith.constant 96 : index
        %swap3A_1195 = tpu.vector_load %arg11[%swap3A_1194] {strides = array<i32>} : memref<128xi32, #tpu.memory_space<vmem>>, vector<16xi32>,
        tpu.vector_store %arg11[%swap3A_1194], %add3A_1193 {strides = array<i32>} : memref<128xi32, #tpu.memory_space<vmem>>, vector<16xi32>,
        %mul3A_1196 = arith.constant 128 : i32
        %mul3A_1197 = arith.muli %select_n3A_1088, %mul3A_1196 : i32
        %add3A_1198 = arith.constant 112 : i32
        %add3A_1199 = arith.addi %mul3A_1197, %add3A_1198 : i32
        %get3A_1200 = arith.index_cast %add3A_1199 : i32 to index
        %get3A_1201 = tpu.vector_load %arg5[%get3A_1200] {strides = array<i32>} : memref<640xi32, #tpu.memory_space<vmem>>, vector<16xi32>,
        %mul3A_1202 = arith.constant 5 : i32
        %mul3A_1203 = vector.broadcast %mul3A_1202 : i32 to vector<16xi32>
        %mul3A_1204 = arith.muli %get3A_1201, %mul3A_1203 : vector<16xi32>
        %add3A_1205 = vector.broadcast %select_n3A_1104 : i32 to vector<16xi32>
        %add3A_1206 = arith.addi %mul3A_1204, %add3A_1205 : vector<16xi32>
        %swap3A_1207 = arith.constant 112 : index
        %swap3A_1208 = tpu.vector_load %arg11[%swap3A_1207] {strides = array<i32>} : memref<128xi32, #tpu.memory_space<vmem>>, vector<16xi32>,
        tpu.vector_store %arg11[%swap3A_1207], %add3A_1206 {strides = array<i32>} : memref<128xi32, #tpu.memory_space<vmem>>, vector<16xi32>,
        %dma_start3A_1209 = arith.constant 0 : i32
        %dma_start3A_1210 = arith.constant 0 : i32
        %dma_start3A_1211 = tpu.memref_slice %arg2[%dma_start3A_1209, %dma_start3A_1210] : memref<5000x200xf32, #tpu.memory_space<hbm>> -> memref<5000x200xf32, #tpu.memory_space<hbm>>
        tpu.enqueue_indirect_dma source(%dma_start3A_1211 : memref<5000x200xf32, #tpu.memory_space<hbm>>) target(%arg8 : memref<128x200xf32, #tpu.memory_space<vmem>>) offsets(%arg11 : memref<128xi32, #tpu.memory_space<vmem>>) semaphore(%arg16 : memref<!tpu.dma_semaphore, #tpu.memory_space<semaphore_mem>>)
      } else {
      }
      %mul3A_604 = arith.constant 5 : i32
      %mul3A_605 = arith.muli %add3A, %mul3A_604 : i32
      %jit3A_606 = arith.constant 5 : i32
      %div3A_607 = arith.divsi %add3A_586, %jit3A_606 : i32
      %sign3A_608 = arith.constant 0 : i32
      %sign3A_609 = arith.cmpi sgt, %add3A_586, %sign3A_608 : i32
      %sign3A_610 = arith.extui %sign3A_609 : i1 to i32
      %sign3A_611 = arith.constant 0 : i32
      %sign3A_612 = arith.cmpi slt, %add3A_586, %sign3A_611 : i32
      %sign3A_613 = arith.extui %sign3A_612 : i1 to i32
      %sign3A_614 = arith.subi %sign3A_610, %sign3A_613 : i32
      %sign3A_615 = arith.constant 0 : i32
      %sign3A_616 = arith.cmpi sgt, %jit3A_606, %sign3A_615 : i32
      %sign3A_617 = arith.extui %sign3A_616 : i1 to i32
      %sign3A_618 = arith.constant 0 : i32
      %sign3A_619 = arith.cmpi slt, %jit3A_606, %sign3A_618 : i32
      %sign3A_620 = arith.extui %sign3A_619 : i1 to i32
      %sign3A_621 = arith.subi %sign3A_617, %sign3A_620 : i32
      %ne3A_622 = arith.cmpi ne, %sign3A_614, %sign3A_621 : i32
      %rem3A_623 = arith.remsi %add3A_586, %jit3A_606 : i32
      %ne3A_624 = arith.constant 0 : i32
      %ne3A_625 = arith.cmpi ne, %rem3A_623, %ne3A_624 : i32
      %and3A_626 = arith.andi %ne3A_622, %ne3A_625 : i1
      %sub3A_627 = arith.constant 1 : i32
      %sub3A_628 = arith.subi %div3A_607, %sub3A_627 : i32
      %select_n3A_629 = arith.select %and3A_626, %sub3A_628, %div3A_607 : i32
      %add3A_630 = arith.addi %mul3A_605, %select_n3A_629 : i32
      %jit3A_631 = arith.constant 5 : i32
      %eq3A_632 = arith.constant 0 : i32
      %eq3A_633 = arith.cmpi eq, %jit3A_631, %eq3A_632 : i32
      %jit3A_634 = arith.constant 1 : i32
      %select_n3A_635 = arith.select %eq3A_633, %jit3A_634, %jit3A_631 : i32
      %rem3A_636 = arith.remsi %add3A_586, %select_n3A_635 : i32
      %ne3A_637 = arith.constant 0 : i32
      %ne3A_638 = arith.cmpi ne, %rem3A_636, %ne3A_637 : i32
      %lt3A_639 = arith.constant 0 : i32
      %lt3A_640 = arith.cmpi slt, %rem3A_636, %lt3A_639 : i32
      %lt3A_641 = arith.constant 0 : i32
      %lt3A_642 = arith.cmpi slt, %select_n3A_635, %lt3A_641 : i32
      %ne3A_643 = arith.xori %lt3A_640, %lt3A_642 : i1
      %and3A_644 = arith.andi %ne3A_643, %ne3A_638 : i1
      %add3A_645 = arith.addi %rem3A_636, %select_n3A_635 : i32
      %select_n3A_646 = arith.select %and3A_644, %add3A_645, %rem3A_636 : i32
      %jit3A_647 = arith.constant 8 : i32
      %div3A_648 = arith.divsi %add3A_630, %jit3A_647 : i32
      %sign3A_649 = arith.constant 0 : i32
      %sign3A_650 = arith.cmpi sgt, %add3A_630, %sign3A_649 : i32
      %sign3A_651 = arith.extui %sign3A_650 : i1 to i32
      %sign3A_652 = arith.constant 0 : i32
      %sign3A_653 = arith.cmpi slt, %add3A_630, %sign3A_652 : i32
      %sign3A_654 = arith.extui %sign3A_653 : i1 to i32
      %sign3A_655 = arith.subi %sign3A_651, %sign3A_654 : i32
      %sign3A_656 = arith.constant 0 : i32
      %sign3A_657 = arith.cmpi sgt, %jit3A_647, %sign3A_656 : i32
      %sign3A_658 = arith.extui %sign3A_657 : i1 to i32
      %sign3A_659 = arith.constant 0 : i32
      %sign3A_660 = arith.cmpi slt, %jit3A_647, %sign3A_659 : i32
      %sign3A_661 = arith.extui %sign3A_660 : i1 to i32
      %sign3A_662 = arith.subi %sign3A_658, %sign3A_661 : i32
      %ne3A_663 = arith.cmpi ne, %sign3A_655, %sign3A_662 : i32
      %rem3A_664 = arith.remsi %add3A_630, %jit3A_647 : i32
      %ne3A_665 = arith.constant 0 : i32
      %ne3A_666 = arith.cmpi ne, %rem3A_664, %ne3A_665 : i32
      %and3A_667 = arith.andi %ne3A_663, %ne3A_666 : i1
      %sub3A_668 = arith.constant 1 : i32
      %sub3A_669 = arith.subi %div3A_648, %sub3A_668 : i32
      %select_n3A_670 = arith.select %and3A_667, %sub3A_669, %div3A_648 : i32
      %jit3A_671 = arith.constant 8 : i32
      %eq3A_672 = arith.constant 0 : i32
      %eq3A_673 = arith.cmpi eq, %jit3A_671, %eq3A_672 : i32
      %jit3A_674 = arith.constant 1 : i32
      %select_n3A_675 = arith.select %eq3A_673, %jit3A_674, %jit3A_671 : i32
      %rem3A_676 = arith.remsi %add3A_630, %select_n3A_675 : i32
      %ne3A_677 = arith.constant 0 : i32
      %ne3A_678 = arith.cmpi ne, %rem3A_676, %ne3A_677 : i32
      %lt3A_679 = arith.constant 0 : i32
      %lt3A_680 = arith.cmpi slt, %rem3A_676, %lt3A_679 : i32
      %lt3A_681 = arith.constant 0 : i32
      %lt3A_682 = arith.cmpi slt, %select_n3A_675, %lt3A_681 : i32
      %ne3A_683 = arith.xori %lt3A_680, %lt3A_682 : i1
      %and3A_684 = arith.andi %ne3A_683, %ne3A_678 : i1
      %add3A_685 = arith.addi %rem3A_676, %select_n3A_675 : i32
      %select_n3A_686 = arith.select %and3A_684, %add3A_685, %rem3A_676 : i32
      %mul3A_687 = arith.constant 125 : i32
      %mul3A_688 = arith.muli %select_n3A_670, %mul3A_687 : i32
      %mul3A_689 = arith.constant 25 : i32
      %mul3A_690 = arith.muli %select_n3A_646, %mul3A_689 : i32
      %add3A_691 = arith.addi %mul3A_688, %mul3A_690 : i32
      %mul3A_692 = arith.constant 8 : i32
      %mul3A_693 = arith.muli %add3A_691, %mul3A_692 : i32
      %add3A_694 = arith.addi %mul3A_693, %select_n3A_686 : i32
      %mul3A_695 = arith.constant 1024 : i32
      %mul3A_696 = arith.muli %add3A_694, %mul3A_695 : i32
      %scan3A_697 = arith.constant 0 : i32
      %scan3A_698 = arith.constant 0 : i32
      %scan3A_699 = arith.constant 25 : i32
      %scan3A_700 = arith.addi %scan3A_698, %scan3A_699 : i32
      %scan3A_701 = arith.constant 1 : i32
      scf.for %scan3A_1063 = %scan3A_698 to %scan3A_700 step %scan3A_701  : i32 {
        %mul3A_1064 = arith.constant 1024 : i32
        %mul3A_1065 = arith.muli %scan3A_1063, %mul3A_1064 : i32
        %mul3A_1066 = arith.constant 8192 : i32
        %mul3A_1067 = arith.muli %scan3A_1063, %mul3A_1066 : i32
        %add3A_1068 = arith.addi %mul3A_696, %mul3A_1067 : i32
        %dma_start3A_1069 = tpu.memref_slice %arg12[%mul3A_1065] : memref<25600xf32, #tpu.memory_space<vmem>> -> memref<1024xf32, #tpu.memory_space<vmem>>
        %dma_start3A_1070 = tpu.memref_slice %arg4[%add3A_1068] : memref<20480000xf32, #tpu.memory_space<hbm>> -> memref<1024xf32, #tpu.memory_space<hbm>>
        %dma_start3A_1071 = tpu.memref_slice %arg4[%add3A_1068] : memref<20480000xf32, #tpu.memory_space<hbm>> -> memref<1024xf32, #tpu.memory_space<hbm>>
        %dma_start3A_1072 = tpu.memref_slice %arg12[%mul3A_1065] : memref<25600xf32, #tpu.memory_space<vmem>> -> memref<1024xf32, #tpu.memory_space<vmem>>
        tpu.enqueue_dma source(%dma_start3A_1072 : memref<1024xf32, #tpu.memory_space<vmem>>) target(%dma_start3A_1071 : memref<1024xf32, #tpu.memory_space<hbm>>) target_semaphore(%arg17 : memref<!tpu.dma_semaphore, #tpu.memory_space<semaphore_mem>>)
      }
      %scan3A_702 = arith.constant 25 : i32
      %mul3A_703 = arith.constant 6 : i32
      %mul3A_704 = arith.muli %scan3A_343, %mul3A_703 : i32
      %add3A_705 = arith.constant 3 : i32
      %add3A_706 = arith.addi %mul3A_704, %add3A_705 : i32
      %dma_wait3A_707 = arith.constant 0 : i32
      %dma_wait3A_708 = arith.constant 0 : i32
      %dma_wait3A_709 = tpu.memref_slice %arg2[%dma_wait3A_707, %dma_wait3A_708] : memref<5000x200xf32, #tpu.memory_space<hbm>> -> memref<5000x200xf32, #tpu.memory_space<hbm>>
      tpu.wait_indirect_dma semaphore(%arg14 : memref<!tpu.dma_semaphore, #tpu.memory_space<semaphore_mem>>) src(%dma_wait3A_709 : memref<5000x200xf32, #tpu.memory_space<hbm>>) dst(%arg6 : memref<128x200xf32, #tpu.memory_space<vmem>>)
      %dma_wait3A_710 = arith.constant 0 : i32
      %dma_wait3A_711 = tpu.memref_slice %arg4[%dma_wait3A_710] : memref<20480000xf32, #tpu.memory_space<hbm>> -> memref<25600xf32, #tpu.memory_space<hbm>>
      %dma_wait3A_712 = arith.constant 0 : i32
      %dma_wait3A_713 = tpu.memref_slice %arg4[%dma_wait3A_712] : memref<20480000xf32, #tpu.memory_space<hbm>> -> memref<25600xf32, #tpu.memory_space<hbm>>
      tpu.wait_dma2 semaphore(%arg18 : memref<!tpu.dma_semaphore, #tpu.memory_space<semaphore_mem>>) src(%dma_wait3A_713 : memref<25600xf32, #tpu.memory_space<hbm>>) dst(%arg13 : memref<25600xf32, #tpu.memory_space<vmem>>)
      %parallel_loop3A_714 = arith.constant 0 : i32
      %parallel_loop3A_715 = arith.constant 200 : i32
      %parallel_loop3A_716 = arith.constant 1 : i32
      scf.for %parallel_loop3A_1063 = %parallel_loop3A_714 to %parallel_loop3A_715 step %parallel_loop3A_716  : i32 {
        %parallel_loop3A_1064 = arith.constant 0 : i32
        %parallel_loop3A_1065 = vector.broadcast %parallel_loop3A_1064 : i32 to vector<16xi32>
        %parallel_loop3A_1066 = vector.broadcast %parallel_loop3A_1063 : i32 to vector<16xi32>
        %parallel_loop3A_1067 = arith.addi %parallel_loop3A_1065, %parallel_loop3A_1066 : vector<16xi32>
        %parallel_loop3A_1068 = arith.constant 8 : i32
        %parallel_loop3A_1069 = arith.divsi %parallel_loop3A_1063, %parallel_loop3A_1068 : i32
        %parallel_loop3A_1070 = arith.constant 0 : i32
        %parallel_loop3A_1071 = arith.cmpi sgt, %parallel_loop3A_1063, %parallel_loop3A_1070 : i32
        %parallel_loop3A_1072 = arith.extui %parallel_loop3A_1071 : i1 to i32
        %parallel_loop3A_1073 = arith.constant 0 : i32
        %parallel_loop3A_1074 = arith.cmpi slt, %parallel_loop3A_1063, %parallel_loop3A_1073 : i32
        %parallel_loop3A_1075 = arith.extui %parallel_loop3A_1074 : i1 to i32
        %parallel_loop3A_1076 = arith.subi %parallel_loop3A_1072, %parallel_loop3A_1075 : i32
        %parallel_loop3A_1077 = arith.constant 0 : i32
        %parallel_loop3A_1078 = arith.cmpi sgt, %parallel_loop3A_1068, %parallel_loop3A_1077 : i32
        %parallel_loop3A_1079 = arith.extui %parallel_loop3A_1078 : i1 to i32
        %parallel_loop3A_1080 = arith.constant 0 : i32
        %parallel_loop3A_1081 = arith.cmpi slt, %parallel_loop3A_1068, %parallel_loop3A_1080 : i32
        %parallel_loop3A_1082 = arith.extui %parallel_loop3A_1081 : i1 to i32
        %parallel_loop3A_1083 = arith.subi %parallel_loop3A_1079, %parallel_loop3A_1082 : i32
        %parallel_loop3A_1084 = arith.cmpi ne, %parallel_loop3A_1076, %parallel_loop3A_1083 : i32
        %parallel_loop3A_1085 = arith.remsi %parallel_loop3A_1063, %parallel_loop3A_1068 : i32
        %parallel_loop3A_1086 = arith.constant 0 : i32
        %parallel_loop3A_1087 = arith.cmpi ne, %parallel_loop3A_1085, %parallel_loop3A_1086 : i32
        %parallel_loop3A_1088 = arith.andi %parallel_loop3A_1084, %parallel_loop3A_1087 : i1
        %parallel_loop3A_1089 = arith.constant 1 : i32
        %parallel_loop3A_1090 = arith.subi %parallel_loop3A_1069, %parallel_loop3A_1089 : i32
        %parallel_loop3A_1091 = arith.select %parallel_loop3A_1088, %parallel_loop3A_1090, %parallel_loop3A_1069 : i32
        %parallel_loop3A_1092 = arith.constant 1024 : i32
        %parallel_loop3A_1093 = arith.muli %parallel_loop3A_1091, %parallel_loop3A_1092 : i32
        %parallel_loop3A_1094 = arith.constant 8 : i32
        %parallel_loop3A_1095 = arith.constant 0 : i32
        %parallel_loop3A_1096 = arith.cmpi eq, %parallel_loop3A_1094, %parallel_loop3A_1095 : i32
        %parallel_loop3A_1097 = arith.constant 1 : i32
        %parallel_loop3A_1098 = arith.select %parallel_loop3A_1096, %parallel_loop3A_1097, %parallel_loop3A_1094 : i32
        %parallel_loop3A_1099 = arith.remsi %parallel_loop3A_1063, %parallel_loop3A_1098 : i32
        %parallel_loop3A_1100 = arith.constant 0 : i32
        %parallel_loop3A_1101 = arith.cmpi ne, %parallel_loop3A_1099, %parallel_loop3A_1100 : i32
        %parallel_loop3A_1102 = arith.constant 0 : i32
        %parallel_loop3A_1103 = arith.cmpi slt, %parallel_loop3A_1099, %parallel_loop3A_1102 : i32
        %parallel_loop3A_1104 = arith.constant 0 : i32
        %parallel_loop3A_1105 = arith.cmpi slt, %parallel_loop3A_1098, %parallel_loop3A_1104 : i32
        %parallel_loop3A_1106 = arith.xori %parallel_loop3A_1103, %parallel_loop3A_1105 : i1
        %parallel_loop3A_1107 = arith.andi %parallel_loop3A_1106, %parallel_loop3A_1101 : i1
        %parallel_loop3A_1108 = arith.addi %parallel_loop3A_1099, %parallel_loop3A_1098 : i32
        %parallel_loop3A_1109 = arith.select %parallel_loop3A_1107, %parallel_loop3A_1108, %parallel_loop3A_1099 : i32
        %parallel_loop3A_1110 = arith.constant 128 : i32
        %parallel_loop3A_1111 = arith.muli %parallel_loop3A_1109, %parallel_loop3A_1110 : i32
        %parallel_loop3A_1112 = arith.addi %parallel_loop3A_1093, %parallel_loop3A_1111 : i32
        %parallel_loop3A_1113 = tpu.vector_load_idx %arg6[%add3A_5, %parallel_loop3A_1067] : memref<128x200xf32, #tpu.memory_space<vmem>>[vector<16xi32>, vector<16xi32>], vector<16xf32>,
        %parallel_loop3A_1114 = arith.constant 0 : i32
        %parallel_loop3A_1115 = arith.addi %parallel_loop3A_1112, %parallel_loop3A_1114 : i32
        %parallel_loop3A_1116 = arith.index_cast %parallel_loop3A_1115 : i32 to index
        %parallel_loop3A_1117 = tpu.vector_load %arg13[%parallel_loop3A_1116] {strides = array<i32>} : memref<25600xf32, #tpu.memory_space<vmem>>, vector<16xf32>,
        tpu.vector_store %arg13[%parallel_loop3A_1116], %parallel_loop3A_1113 {strides = array<i32>} : memref<25600xf32, #tpu.memory_space<vmem>>, vector<16xf32>,
        %parallel_loop3A_1118 = tpu.vector_load_idx %arg6[%add3A_8, %parallel_loop3A_1067] : memref<128x200xf32, #tpu.memory_space<vmem>>[vector<16xi32>, vector<16xi32>], vector<16xf32>,
        %parallel_loop3A_1119 = arith.constant 16 : i32
        %parallel_loop3A_1120 = arith.addi %parallel_loop3A_1112, %parallel_loop3A_1119 : i32
        %parallel_loop3A_1121 = arith.index_cast %parallel_loop3A_1120 : i32 to index
        %parallel_loop3A_1122 = tpu.vector_load %arg13[%parallel_loop3A_1121] {strides = array<i32>} : memref<25600xf32, #tpu.memory_space<vmem>>, vector<16xf32>,
        tpu.vector_store %arg13[%parallel_loop3A_1121], %parallel_loop3A_1118 {strides = array<i32>} : memref<25600xf32, #tpu.memory_space<vmem>>, vector<16xf32>,
        %parallel_loop3A_1123 = tpu.vector_load_idx %arg6[%add3A_11, %parallel_loop3A_1067] : memref<128x200xf32, #tpu.memory_space<vmem>>[vector<16xi32>, vector<16xi32>], vector<16xf32>,
        %parallel_loop3A_1124 = arith.constant 32 : i32
        %parallel_loop3A_1125 = arith.addi %parallel_loop3A_1112, %parallel_loop3A_1124 : i32
        %parallel_loop3A_1126 = arith.index_cast %parallel_loop3A_1125 : i32 to index
        %parallel_loop3A_1127 = tpu.vector_load %arg13[%parallel_loop3A_1126] {strides = array<i32>} : memref<25600xf32, #tpu.memory_space<vmem>>, vector<16xf32>,
        tpu.vector_store %arg13[%parallel_loop3A_1126], %parallel_loop3A_1123 {strides = array<i32>} : memref<25600xf32, #tpu.memory_space<vmem>>, vector<16xf32>,
        %parallel_loop3A_1128 = tpu.vector_load_idx %arg6[%add3A_14, %parallel_loop3A_1067] : memref<128x200xf32, #tpu.memory_space<vmem>>[vector<16xi32>, vector<16xi32>], vector<16xf32>,
        %parallel_loop3A_1129 = arith.constant 48 : i32
        %parallel_loop3A_1130 = arith.addi %parallel_loop3A_1112, %parallel_loop3A_1129 : i32
        %parallel_loop3A_1131 = arith.index_cast %parallel_loop3A_1130 : i32 to index
        %parallel_loop3A_1132 = tpu.vector_load %arg13[%parallel_loop3A_1131] {strides = array<i32>} : memref<25600xf32, #tpu.memory_space<vmem>>, vector<16xf32>,
        tpu.vector_store %arg13[%parallel_loop3A_1131], %parallel_loop3A_1128 {strides = array<i32>} : memref<25600xf32, #tpu.memory_space<vmem>>, vector<16xf32>,
        %parallel_loop3A_1133 = tpu.vector_load_idx %arg6[%add3A_17, %parallel_loop3A_1067] : memref<128x200xf32, #tpu.memory_space<vmem>>[vector<16xi32>, vector<16xi32>], vector<16xf32>,
        %parallel_loop3A_1134 = arith.constant 64 : i32
        %parallel_loop3A_1135 = arith.addi %parallel_loop3A_1112, %parallel_loop3A_1134 : i32
        %parallel_loop3A_1136 = arith.index_cast %parallel_loop3A_1135 : i32 to index
        %parallel_loop3A_1137 = tpu.vector_load %arg13[%parallel_loop3A_1136] {strides = array<i32>} : memref<25600xf32, #tpu.memory_space<vmem>>, vector<16xf32>,
        tpu.vector_store %arg13[%parallel_loop3A_1136], %parallel_loop3A_1133 {strides = array<i32>} : memref<25600xf32, #tpu.memory_space<vmem>>, vector<16xf32>,
        %parallel_loop3A_1138 = tpu.vector_load_idx %arg6[%add3A_20, %parallel_loop3A_1067] : memref<128x200xf32, #tpu.memory_space<vmem>>[vector<16xi32>, vector<16xi32>], vector<16xf32>,
        %parallel_loop3A_1139 = arith.constant 80 : i32
        %parallel_loop3A_1140 = arith.addi %parallel_loop3A_1112, %parallel_loop3A_1139 : i32
        %parallel_loop3A_1141 = arith.index_cast %parallel_loop3A_1140 : i32 to index
        %parallel_loop3A_1142 = tpu.vector_load %arg13[%parallel_loop3A_1141] {strides = array<i32>} : memref<25600xf32, #tpu.memory_space<vmem>>, vector<16xf32>,
        tpu.vector_store %arg13[%parallel_loop3A_1141], %parallel_loop3A_1138 {strides = array<i32>} : memref<25600xf32, #tpu.memory_space<vmem>>, vector<16xf32>,
        %parallel_loop3A_1143 = tpu.vector_load_idx %arg6[%add3A_23, %parallel_loop3A_1067] : memref<128x200xf32, #tpu.memory_space<vmem>>[vector<16xi32>, vector<16xi32>], vector<16xf32>,
        %parallel_loop3A_1144 = arith.constant 96 : i32
        %parallel_loop3A_1145 = arith.addi %parallel_loop3A_1112, %parallel_loop3A_1144 : i32
        %parallel_loop3A_1146 = arith.index_cast %parallel_loop3A_1145 : i32 to index
        %parallel_loop3A_1147 = tpu.vector_load %arg13[%parallel_loop3A_1146] {strides = array<i32>} : memref<25600xf32, #tpu.memory_space<vmem>>, vector<16xf32>,
        tpu.vector_store %arg13[%parallel_loop3A_1146], %parallel_loop3A_1143 {strides = array<i32>} : memref<25600xf32, #tpu.memory_space<vmem>>, vector<16xf32>,
        %parallel_loop3A_1148 = tpu.vector_load_idx %arg6[%add3A_26, %parallel_loop3A_1067] : memref<128x200xf32, #tpu.memory_space<vmem>>[vector<16xi32>, vector<16xi32>], vector<16xf32>,
        %parallel_loop3A_1149 = arith.constant 112 : i32
        %parallel_loop3A_1150 = arith.addi %parallel_loop3A_1112, %parallel_loop3A_1149 : i32
        %parallel_loop3A_1151 = arith.index_cast %parallel_loop3A_1150 : i32 to index
        %parallel_loop3A_1152 = tpu.vector_load %arg13[%parallel_loop3A_1151] {strides = array<i32>} : memref<25600xf32, #tpu.memory_space<vmem>>, vector<16xf32>,
        tpu.vector_store %arg13[%parallel_loop3A_1151], %parallel_loop3A_1148 {strides = array<i32>} : memref<25600xf32, #tpu.memory_space<vmem>>, vector<16xf32>,
      } {sc.loop_unroll_factor = 20 : i64, sc.parallel_access}
      %add3A_717 = arith.constant 3 : i32
      %add3A_718 = arith.addi %add3A_706, %add3A_717 : i32
      %lt3A_719 = arith.constant 25 : i32
      %lt3A_720 = arith.cmpi slt, %add3A_718, %lt3A_719 : i32
      %convert_element_type3A_721 = arith.extui %lt3A_720 : i1 to i32
      %cond3A_722 = arith.constant 0 : i32
      %cond3A_723 = arith.cmpi ne, %convert_element_type3A_721, %cond3A_722 : i32
      scf.if %cond3A_723 {
        %add3A_1063 = arith.constant 3 : i32
        %add3A_1064 = arith.addi %add3A_706, %add3A_1063 : i32
        %jit3A_1065 = arith.constant 5 : i32
        %div3A_1066 = arith.divsi %add3A_1064, %jit3A_1065 : i32
        %sign3A_1067 = arith.constant 0 : i32
        %sign3A_1068 = arith.cmpi sgt, %add3A_1064, %sign3A_1067 : i32
        %sign3A_1069 = arith.extui %sign3A_1068 : i1 to i32
        %sign3A_1070 = arith.constant 0 : i32
        %sign3A_1071 = arith.cmpi slt, %add3A_1064, %sign3A_1070 : i32
        %sign3A_1072 = arith.extui %sign3A_1071 : i1 to i32
        %sign3A_1073 = arith.subi %sign3A_1069, %sign3A_1072 : i32
        %sign3A_1074 = arith.constant 0 : i32
        %sign3A_1075 = arith.cmpi sgt, %jit3A_1065, %sign3A_1074 : i32
        %sign3A_1076 = arith.extui %sign3A_1075 : i1 to i32
        %sign3A_1077 = arith.constant 0 : i32
        %sign3A_1078 = arith.cmpi slt, %jit3A_1065, %sign3A_1077 : i32
        %sign3A_1079 = arith.extui %sign3A_1078 : i1 to i32
        %sign3A_1080 = arith.subi %sign3A_1076, %sign3A_1079 : i32
        %ne3A_1081 = arith.cmpi ne, %sign3A_1073, %sign3A_1080 : i32
        %rem3A_1082 = arith.remsi %add3A_1064, %jit3A_1065 : i32
        %ne3A_1083 = arith.constant 0 : i32
        %ne3A_1084 = arith.cmpi ne, %rem3A_1082, %ne3A_1083 : i32
        %and3A_1085 = arith.andi %ne3A_1081, %ne3A_1084 : i1
        %sub3A_1086 = arith.constant 1 : i32
        %sub3A_1087 = arith.subi %div3A_1066, %sub3A_1086 : i32
        %select_n3A_1088 = arith.select %and3A_1085, %sub3A_1087, %div3A_1066 : i32
        %jit3A_1089 = arith.constant 5 : i32
        %eq3A_1090 = arith.constant 0 : i32
        %eq3A_1091 = arith.cmpi eq, %jit3A_1089, %eq3A_1090 : i32
        %jit3A_1092 = arith.constant 1 : i32
        %select_n3A_1093 = arith.select %eq3A_1091, %jit3A_1092, %jit3A_1089 : i32
        %rem3A_1094 = arith.remsi %add3A_1064, %select_n3A_1093 : i32
        %ne3A_1095 = arith.constant 0 : i32
        %ne3A_1096 = arith.cmpi ne, %rem3A_1094, %ne3A_1095 : i32
        %lt3A_1097 = arith.constant 0 : i32
        %lt3A_1098 = arith.cmpi slt, %rem3A_1094, %lt3A_1097 : i32
        %lt3A_1099 = arith.constant 0 : i32
        %lt3A_1100 = arith.cmpi slt, %select_n3A_1093, %lt3A_1099 : i32
        %ne3A_1101 = arith.xori %lt3A_1098, %lt3A_1100 : i1
        %and3A_1102 = arith.andi %ne3A_1101, %ne3A_1096 : i1
        %add3A_1103 = arith.addi %rem3A_1094, %select_n3A_1093 : i32
        %select_n3A_1104 = arith.select %and3A_1102, %add3A_1103, %rem3A_1094 : i32
        %mul3A_1105 = arith.constant 128 : i32
        %mul3A_1106 = arith.muli %select_n3A_1088, %mul3A_1105 : i32
        %add3A_1107 = arith.constant 0 : i32
        %add3A_1108 = arith.addi %mul3A_1106, %add3A_1107 : i32
        %get3A_1109 = arith.index_cast %add3A_1108 : i32 to index
        %get3A_1110 = tpu.vector_load %arg5[%get3A_1109] {strides = array<i32>} : memref<640xi32, #tpu.memory_space<vmem>>, vector<16xi32>,
        %mul3A_1111 = arith.constant 5 : i32
        %mul3A_1112 = vector.broadcast %mul3A_1111 : i32 to vector<16xi32>
        %mul3A_1113 = arith.muli %get3A_1110, %mul3A_1112 : vector<16xi32>
        %add3A_1114 = vector.broadcast %select_n3A_1104 : i32 to vector<16xi32>
        %add3A_1115 = arith.addi %mul3A_1113, %add3A_1114 : vector<16xi32>
        %swap3A_1116 = arith.constant 0 : index
        %swap3A_1117 = tpu.vector_load %arg9[%swap3A_1116] {strides = array<i32>} : memref<128xi32, #tpu.memory_space<vmem>>, vector<16xi32>,
        tpu.vector_store %arg9[%swap3A_1116], %add3A_1115 {strides = array<i32>} : memref<128xi32, #tpu.memory_space<vmem>>, vector<16xi32>,
        %mul3A_1118 = arith.constant 128 : i32
        %mul3A_1119 = arith.muli %select_n3A_1088, %mul3A_1118 : i32
        %add3A_1120 = arith.constant 16 : i32
        %add3A_1121 = arith.addi %mul3A_1119, %add3A_1120 : i32
        %get3A_1122 = arith.index_cast %add3A_1121 : i32 to index
        %get3A_1123 = tpu.vector_load %arg5[%get3A_1122] {strides = array<i32>} : memref<640xi32, #tpu.memory_space<vmem>>, vector<16xi32>,
        %mul3A_1124 = arith.constant 5 : i32
        %mul3A_1125 = vector.broadcast %mul3A_1124 : i32 to vector<16xi32>
        %mul3A_1126 = arith.muli %get3A_1123, %mul3A_1125 : vector<16xi32>
        %add3A_1127 = vector.broadcast %select_n3A_1104 : i32 to vector<16xi32>
        %add3A_1128 = arith.addi %mul3A_1126, %add3A_1127 : vector<16xi32>
        %swap3A_1129 = arith.constant 16 : index
        %swap3A_1130 = tpu.vector_load %arg9[%swap3A_1129] {strides = array<i32>} : memref<128xi32, #tpu.memory_space<vmem>>, vector<16xi32>,
        tpu.vector_store %arg9[%swap3A_1129], %add3A_1128 {strides = array<i32>} : memref<128xi32, #tpu.memory_space<vmem>>, vector<16xi32>,
        %mul3A_1131 = arith.constant 128 : i32
        %mul3A_1132 = arith.muli %select_n3A_1088, %mul3A_1131 : i32
        %add3A_1133 = arith.constant 32 : i32
        %add3A_1134 = arith.addi %mul3A_1132, %add3A_1133 : i32
        %get3A_1135 = arith.index_cast %add3A_1134 : i32 to index
        %get3A_1136 = tpu.vector_load %arg5[%get3A_1135] {strides = array<i32>} : memref<640xi32, #tpu.memory_space<vmem>>, vector<16xi32>,
        %mul3A_1137 = arith.constant 5 : i32
        %mul3A_1138 = vector.broadcast %mul3A_1137 : i32 to vector<16xi32>
        %mul3A_1139 = arith.muli %get3A_1136, %mul3A_1138 : vector<16xi32>
        %add3A_1140 = vector.broadcast %select_n3A_1104 : i32 to vector<16xi32>
        %add3A_1141 = arith.addi %mul3A_1139, %add3A_1140 : vector<16xi32>
        %swap3A_1142 = arith.constant 32 : index
        %swap3A_1143 = tpu.vector_load %arg9[%swap3A_1142] {strides = array<i32>} : memref<128xi32, #tpu.memory_space<vmem>>, vector<16xi32>,
        tpu.vector_store %arg9[%swap3A_1142], %add3A_1141 {strides = array<i32>} : memref<128xi32, #tpu.memory_space<vmem>>, vector<16xi32>,
        %mul3A_1144 = arith.constant 128 : i32
        %mul3A_1145 = arith.muli %select_n3A_1088, %mul3A_1144 : i32
        %add3A_1146 = arith.constant 48 : i32
        %add3A_1147 = arith.addi %mul3A_1145, %add3A_1146 : i32
        %get3A_1148 = arith.index_cast %add3A_1147 : i32 to index
        %get3A_1149 = tpu.vector_load %arg5[%get3A_1148] {strides = array<i32>} : memref<640xi32, #tpu.memory_space<vmem>>, vector<16xi32>,
        %mul3A_1150 = arith.constant 5 : i32
        %mul3A_1151 = vector.broadcast %mul3A_1150 : i32 to vector<16xi32>
        %mul3A_1152 = arith.muli %get3A_1149, %mul3A_1151 : vector<16xi32>
        %add3A_1153 = vector.broadcast %select_n3A_1104 : i32 to vector<16xi32>
        %add3A_1154 = arith.addi %mul3A_1152, %add3A_1153 : vector<16xi32>
        %swap3A_1155 = arith.constant 48 : index
        %swap3A_1156 = tpu.vector_load %arg9[%swap3A_1155] {strides = array<i32>} : memref<128xi32, #tpu.memory_space<vmem>>, vector<16xi32>,
        tpu.vector_store %arg9[%swap3A_1155], %add3A_1154 {strides = array<i32>} : memref<128xi32, #tpu.memory_space<vmem>>, vector<16xi32>,
        %mul3A_1157 = arith.constant 128 : i32
        %mul3A_1158 = arith.muli %select_n3A_1088, %mul3A_1157 : i32
        %add3A_1159 = arith.constant 64 : i32
        %add3A_1160 = arith.addi %mul3A_1158, %add3A_1159 : i32
        %get3A_1161 = arith.index_cast %add3A_1160 : i32 to index
        %get3A_1162 = tpu.vector_load %arg5[%get3A_1161] {strides = array<i32>} : memref<640xi32, #tpu.memory_space<vmem>>, vector<16xi32>,
        %mul3A_1163 = arith.constant 5 : i32
        %mul3A_1164 = vector.broadcast %mul3A_1163 : i32 to vector<16xi32>
        %mul3A_1165 = arith.muli %get3A_1162, %mul3A_1164 : vector<16xi32>
        %add3A_1166 = vector.broadcast %select_n3A_1104 : i32 to vector<16xi32>
        %add3A_1167 = arith.addi %mul3A_1165, %add3A_1166 : vector<16xi32>
        %swap3A_1168 = arith.constant 64 : index
        %swap3A_1169 = tpu.vector_load %arg9[%swap3A_1168] {strides = array<i32>} : memref<128xi32, #tpu.memory_space<vmem>>, vector<16xi32>,
        tpu.vector_store %arg9[%swap3A_1168], %add3A_1167 {strides = array<i32>} : memref<128xi32, #tpu.memory_space<vmem>>, vector<16xi32>,
        %mul3A_1170 = arith.constant 128 : i32
        %mul3A_1171 = arith.muli %select_n3A_1088, %mul3A_1170 : i32
        %add3A_1172 = arith.constant 80 : i32
        %add3A_1173 = arith.addi %mul3A_1171, %add3A_1172 : i32
        %get3A_1174 = arith.index_cast %add3A_1173 : i32 to index
        %get3A_1175 = tpu.vector_load %arg5[%get3A_1174] {strides = array<i32>} : memref<640xi32, #tpu.memory_space<vmem>>, vector<16xi32>,
        %mul3A_1176 = arith.constant 5 : i32
        %mul3A_1177 = vector.broadcast %mul3A_1176 : i32 to vector<16xi32>
        %mul3A_1178 = arith.muli %get3A_1175, %mul3A_1177 : vector<16xi32>
        %add3A_1179 = vector.broadcast %select_n3A_1104 : i32 to vector<16xi32>
        %add3A_1180 = arith.addi %mul3A_1178, %add3A_1179 : vector<16xi32>
        %swap3A_1181 = arith.constant 80 : index
        %swap3A_1182 = tpu.vector_load %arg9[%swap3A_1181] {strides = array<i32>} : memref<128xi32, #tpu.memory_space<vmem>>, vector<16xi32>,
        tpu.vector_store %arg9[%swap3A_1181], %add3A_1180 {strides = array<i32>} : memref<128xi32, #tpu.memory_space<vmem>>, vector<16xi32>,
        %mul3A_1183 = arith.constant 128 : i32
        %mul3A_1184 = arith.muli %select_n3A_1088, %mul3A_1183 : i32
        %add3A_1185 = arith.constant 96 : i32
        %add3A_1186 = arith.addi %mul3A_1184, %add3A_1185 : i32
        %get3A_1187 = arith.index_cast %add3A_1186 : i32 to index
        %get3A_1188 = tpu.vector_load %arg5[%get3A_1187] {strides = array<i32>} : memref<640xi32, #tpu.memory_space<vmem>>, vector<16xi32>,
        %mul3A_1189 = arith.constant 5 : i32
        %mul3A_1190 = vector.broadcast %mul3A_1189 : i32 to vector<16xi32>
        %mul3A_1191 = arith.muli %get3A_1188, %mul3A_1190 : vector<16xi32>
        %add3A_1192 = vector.broadcast %select_n3A_1104 : i32 to vector<16xi32>
        %add3A_1193 = arith.addi %mul3A_1191, %add3A_1192 : vector<16xi32>
        %swap3A_1194 = arith.constant 96 : index
        %swap3A_1195 = tpu.vector_load %arg9[%swap3A_1194] {strides = array<i32>} : memref<128xi32, #tpu.memory_space<vmem>>, vector<16xi32>,
        tpu.vector_store %arg9[%swap3A_1194], %add3A_1193 {strides = array<i32>} : memref<128xi32, #tpu.memory_space<vmem>>, vector<16xi32>,
        %mul3A_1196 = arith.constant 128 : i32
        %mul3A_1197 = arith.muli %select_n3A_1088, %mul3A_1196 : i32
        %add3A_1198 = arith.constant 112 : i32
        %add3A_1199 = arith.addi %mul3A_1197, %add3A_1198 : i32
        %get3A_1200 = arith.index_cast %add3A_1199 : i32 to index
        %get3A_1201 = tpu.vector_load %arg5[%get3A_1200] {strides = array<i32>} : memref<640xi32, #tpu.memory_space<vmem>>, vector<16xi32>,
        %mul3A_1202 = arith.constant 5 : i32
        %mul3A_1203 = vector.broadcast %mul3A_1202 : i32 to vector<16xi32>
        %mul3A_1204 = arith.muli %get3A_1201, %mul3A_1203 : vector<16xi32>
        %add3A_1205 = vector.broadcast %select_n3A_1104 : i32 to vector<16xi32>
        %add3A_1206 = arith.addi %mul3A_1204, %add3A_1205 : vector<16xi32>
        %swap3A_1207 = arith.constant 112 : index
        %swap3A_1208 = tpu.vector_load %arg9[%swap3A_1207] {strides = array<i32>} : memref<128xi32, #tpu.memory_space<vmem>>, vector<16xi32>,
        tpu.vector_store %arg9[%swap3A_1207], %add3A_1206 {strides = array<i32>} : memref<128xi32, #tpu.memory_space<vmem>>, vector<16xi32>,
        %dma_start3A_1209 = arith.constant 0 : i32
        %dma_start3A_1210 = arith.constant 0 : i32
        %dma_start3A_1211 = tpu.memref_slice %arg2[%dma_start3A_1209, %dma_start3A_1210] : memref<5000x200xf32, #tpu.memory_space<hbm>> -> memref<5000x200xf32, #tpu.memory_space<hbm>>
        tpu.enqueue_indirect_dma source(%dma_start3A_1211 : memref<5000x200xf32, #tpu.memory_space<hbm>>) target(%arg6 : memref<128x200xf32, #tpu.memory_space<vmem>>) offsets(%arg9 : memref<128xi32, #tpu.memory_space<vmem>>) semaphore(%arg14 : memref<!tpu.dma_semaphore, #tpu.memory_space<semaphore_mem>>)
      } else {
      }
      %mul3A_724 = arith.constant 5 : i32
      %mul3A_725 = arith.muli %add3A, %mul3A_724 : i32
      %jit3A_726 = arith.constant 5 : i32
      %div3A_727 = arith.divsi %add3A_706, %jit3A_726 : i32
      %sign3A_728 = arith.constant 0 : i32
      %sign3A_729 = arith.cmpi sgt, %add3A_706, %sign3A_728 : i32
      %sign3A_730 = arith.extui %sign3A_729 : i1 to i32
      %sign3A_731 = arith.constant 0 : i32
      %sign3A_732 = arith.cmpi slt, %add3A_706, %sign3A_731 : i32
      %sign3A_733 = arith.extui %sign3A_732 : i1 to i32
      %sign3A_734 = arith.subi %sign3A_730, %sign3A_733 : i32
      %sign3A_735 = arith.constant 0 : i32
      %sign3A_736 = arith.cmpi sgt, %jit3A_726, %sign3A_735 : i32
      %sign3A_737 = arith.extui %sign3A_736 : i1 to i32
      %sign3A_738 = arith.constant 0 : i32
      %sign3A_739 = arith.cmpi slt, %jit3A_726, %sign3A_738 : i32
      %sign3A_740 = arith.extui %sign3A_739 : i1 to i32
      %sign3A_741 = arith.subi %sign3A_737, %sign3A_740 : i32
      %ne3A_742 = arith.cmpi ne, %sign3A_734, %sign3A_741 : i32
      %rem3A_743 = arith.remsi %add3A_706, %jit3A_726 : i32
      %ne3A_744 = arith.constant 0 : i32
      %ne3A_745 = arith.cmpi ne, %rem3A_743, %ne3A_744 : i32
      %and3A_746 = arith.andi %ne3A_742, %ne3A_745 : i1
      %sub3A_747 = arith.constant 1 : i32
      %sub3A_748 = arith.subi %div3A_727, %sub3A_747 : i32
      %select_n3A_749 = arith.select %and3A_746, %sub3A_748, %div3A_727 : i32
      %add3A_750 = arith.addi %mul3A_725, %select_n3A_749 : i32
      %jit3A_751 = arith.constant 5 : i32
      %eq3A_752 = arith.constant 0 : i32
      %eq3A_753 = arith.cmpi eq, %jit3A_751, %eq3A_752 : i32
      %jit3A_754 = arith.constant 1 : i32
      %select_n3A_755 = arith.select %eq3A_753, %jit3A_754, %jit3A_751 : i32
      %rem3A_756 = arith.remsi %add3A_706, %select_n3A_755 : i32
      %ne3A_757 = arith.constant 0 : i32
      %ne3A_758 = arith.cmpi ne, %rem3A_756, %ne3A_757 : i32
      %lt3A_759 = arith.constant 0 : i32
      %lt3A_760 = arith.cmpi slt, %rem3A_756, %lt3A_759 : i32
      %lt3A_761 = arith.constant 0 : i32
      %lt3A_762 = arith.cmpi slt, %select_n3A_755, %lt3A_761 : i32
      %ne3A_763 = arith.xori %lt3A_760, %lt3A_762 : i1
      %and3A_764 = arith.andi %ne3A_763, %ne3A_758 : i1
      %add3A_765 = arith.addi %rem3A_756, %select_n3A_755 : i32
      %select_n3A_766 = arith.select %and3A_764, %add3A_765, %rem3A_756 : i32
      %jit3A_767 = arith.constant 8 : i32
      %div3A_768 = arith.divsi %add3A_750, %jit3A_767 : i32
      %sign3A_769 = arith.constant 0 : i32
      %sign3A_770 = arith.cmpi sgt, %add3A_750, %sign3A_769 : i32
      %sign3A_771 = arith.extui %sign3A_770 : i1 to i32
      %sign3A_772 = arith.constant 0 : i32
      %sign3A_773 = arith.cmpi slt, %add3A_750, %sign3A_772 : i32
      %sign3A_774 = arith.extui %sign3A_773 : i1 to i32
      %sign3A_775 = arith.subi %sign3A_771, %sign3A_774 : i32
      %sign3A_776 = arith.constant 0 : i32
      %sign3A_777 = arith.cmpi sgt, %jit3A_767, %sign3A_776 : i32
      %sign3A_778 = arith.extui %sign3A_777 : i1 to i32
      %sign3A_779 = arith.constant 0 : i32
      %sign3A_780 = arith.cmpi slt, %jit3A_767, %sign3A_779 : i32
      %sign3A_781 = arith.extui %sign3A_780 : i1 to i32
      %sign3A_782 = arith.subi %sign3A_778, %sign3A_781 : i32
      %ne3A_783 = arith.cmpi ne, %sign3A_775, %sign3A_782 : i32
      %rem3A_784 = arith.remsi %add3A_750, %jit3A_767 : i32
      %ne3A_785 = arith.constant 0 : i32
      %ne3A_786 = arith.cmpi ne, %rem3A_784, %ne3A_785 : i32
      %and3A_787 = arith.andi %ne3A_783, %ne3A_786 : i1
      %sub3A_788 = arith.constant 1 : i32
      %sub3A_789 = arith.subi %div3A_768, %sub3A_788 : i32
      %select_n3A_790 = arith.select %and3A_787, %sub3A_789, %div3A_768 : i32
      %jit3A_791 = arith.constant 8 : i32
      %eq3A_792 = arith.constant 0 : i32
      %eq3A_793 = arith.cmpi eq, %jit3A_791, %eq3A_792 : i32
      %jit3A_794 = arith.constant 1 : i32
      %select_n3A_795 = arith.select %eq3A_793, %jit3A_794, %jit3A_791 : i32
      %rem3A_796 = arith.remsi %add3A_750, %select_n3A_795 : i32
      %ne3A_797 = arith.constant 0 : i32
      %ne3A_798 = arith.cmpi ne, %rem3A_796, %ne3A_797 : i32
      %lt3A_799 = arith.constant 0 : i32
      %lt3A_800 = arith.cmpi slt, %rem3A_796, %lt3A_799 : i32
      %lt3A_801 = arith.constant 0 : i32
      %lt3A_802 = arith.cmpi slt, %select_n3A_795, %lt3A_801 : i32
      %ne3A_803 = arith.xori %lt3A_800, %lt3A_802 : i1
      %and3A_804 = arith.andi %ne3A_803, %ne3A_798 : i1
      %add3A_805 = arith.addi %rem3A_796, %select_n3A_795 : i32
      %select_n3A_806 = arith.select %and3A_804, %add3A_805, %rem3A_796 : i32
      %mul3A_807 = arith.constant 125 : i32
      %mul3A_808 = arith.muli %select_n3A_790, %mul3A_807 : i32
      %mul3A_809 = arith.constant 25 : i32
      %mul3A_810 = arith.muli %select_n3A_766, %mul3A_809 : i32
      %add3A_811 = arith.addi %mul3A_808, %mul3A_810 : i32
      %mul3A_812 = arith.constant 8 : i32
      %mul3A_813 = arith.muli %add3A_811, %mul3A_812 : i32
      %add3A_814 = arith.addi %mul3A_813, %select_n3A_806 : i32
      %mul3A_815 = arith.constant 1024 : i32
      %mul3A_816 = arith.muli %add3A_814, %mul3A_815 : i32
      %scan3A_817 = arith.constant 0 : i32
      %scan3A_818 = arith.constant 0 : i32
      %scan3A_819 = arith.constant 25 : i32
      %scan3A_820 = arith.addi %scan3A_818, %scan3A_819 : i32
      %scan3A_821 = arith.constant 1 : i32
      scf.for %scan3A_1063 = %scan3A_818 to %scan3A_820 step %scan3A_821  : i32 {
        %mul3A_1064 = arith.constant 1024 : i32
        %mul3A_1065 = arith.muli %scan3A_1063, %mul3A_1064 : i32
        %mul3A_1066 = arith.constant 8192 : i32
        %mul3A_1067 = arith.muli %scan3A_1063, %mul3A_1066 : i32
        %add3A_1068 = arith.addi %mul3A_816, %mul3A_1067 : i32
        %dma_start3A_1069 = tpu.memref_slice %arg13[%mul3A_1065] : memref<25600xf32, #tpu.memory_space<vmem>> -> memref<1024xf32, #tpu.memory_space<vmem>>
        %dma_start3A_1070 = tpu.memref_slice %arg4[%add3A_1068] : memref<20480000xf32, #tpu.memory_space<hbm>> -> memref<1024xf32, #tpu.memory_space<hbm>>
        %dma_start3A_1071 = tpu.memref_slice %arg4[%add3A_1068] : memref<20480000xf32, #tpu.memory_space<hbm>> -> memref<1024xf32, #tpu.memory_space<hbm>>
        %dma_start3A_1072 = tpu.memref_slice %arg13[%mul3A_1065] : memref<25600xf32, #tpu.memory_space<vmem>> -> memref<1024xf32, #tpu.memory_space<vmem>>
        tpu.enqueue_dma source(%dma_start3A_1072 : memref<1024xf32, #tpu.memory_space<vmem>>) target(%dma_start3A_1071 : memref<1024xf32, #tpu.memory_space<hbm>>) target_semaphore(%arg18 : memref<!tpu.dma_semaphore, #tpu.memory_space<semaphore_mem>>)
      }
      %scan3A_822 = arith.constant 25 : i32
      %mul3A_823 = arith.constant 6 : i32
      %mul3A_824 = arith.muli %scan3A_343, %mul3A_823 : i32
      %add3A_825 = arith.constant 4 : i32
      %add3A_826 = arith.addi %mul3A_824, %add3A_825 : i32
      %dma_wait3A_827 = arith.constant 0 : i32
      %dma_wait3A_828 = arith.constant 0 : i32
      %dma_wait3A_829 = tpu.memref_slice %arg2[%dma_wait3A_827, %dma_wait3A_828] : memref<5000x200xf32, #tpu.memory_space<hbm>> -> memref<5000x200xf32, #tpu.memory_space<hbm>>
      tpu.wait_indirect_dma semaphore(%arg15 : memref<!tpu.dma_semaphore, #tpu.memory_space<semaphore_mem>>) src(%dma_wait3A_829 : memref<5000x200xf32, #tpu.memory_space<hbm>>) dst(%arg7 : memref<128x200xf32, #tpu.memory_space<vmem>>)
      %dma_wait3A_830 = arith.constant 0 : i32
      %dma_wait3A_831 = tpu.memref_slice %arg4[%dma_wait3A_830] : memref<20480000xf32, #tpu.memory_space<hbm>> -> memref<25600xf32, #tpu.memory_space<hbm>>
      %dma_wait3A_832 = arith.constant 0 : i32
      %dma_wait3A_833 = tpu.memref_slice %arg4[%dma_wait3A_832] : memref<20480000xf32, #tpu.memory_space<hbm>> -> memref<25600xf32, #tpu.memory_space<hbm>>
      tpu.wait_dma2 semaphore(%arg17 : memref<!tpu.dma_semaphore, #tpu.memory_space<semaphore_mem>>) src(%dma_wait3A_833 : memref<25600xf32, #tpu.memory_space<hbm>>) dst(%arg12 : memref<25600xf32, #tpu.memory_space<vmem>>)
      %parallel_loop3A_834 = arith.constant 0 : i32
      %parallel_loop3A_835 = arith.constant 200 : i32
      %parallel_loop3A_836 = arith.constant 1 : i32
      scf.for %parallel_loop3A_1063 = %parallel_loop3A_834 to %parallel_loop3A_835 step %parallel_loop3A_836  : i32 {
        %parallel_loop3A_1064 = arith.constant 0 : i32
        %parallel_loop3A_1065 = vector.broadcast %parallel_loop3A_1064 : i32 to vector<16xi32>
        %parallel_loop3A_1066 = vector.broadcast %parallel_loop3A_1063 : i32 to vector<16xi32>
        %parallel_loop3A_1067 = arith.addi %parallel_loop3A_1065, %parallel_loop3A_1066 : vector<16xi32>
        %parallel_loop3A_1068 = arith.constant 8 : i32
        %parallel_loop3A_1069 = arith.divsi %parallel_loop3A_1063, %parallel_loop3A_1068 : i32
        %parallel_loop3A_1070 = arith.constant 0 : i32
        %parallel_loop3A_1071 = arith.cmpi sgt, %parallel_loop3A_1063, %parallel_loop3A_1070 : i32
        %parallel_loop3A_1072 = arith.extui %parallel_loop3A_1071 : i1 to i32
        %parallel_loop3A_1073 = arith.constant 0 : i32
        %parallel_loop3A_1074 = arith.cmpi slt, %parallel_loop3A_1063, %parallel_loop3A_1073 : i32
        %parallel_loop3A_1075 = arith.extui %parallel_loop3A_1074 : i1 to i32
        %parallel_loop3A_1076 = arith.subi %parallel_loop3A_1072, %parallel_loop3A_1075 : i32
        %parallel_loop3A_1077 = arith.constant 0 : i32
        %parallel_loop3A_1078 = arith.cmpi sgt, %parallel_loop3A_1068, %parallel_loop3A_1077 : i32
        %parallel_loop3A_1079 = arith.extui %parallel_loop3A_1078 : i1 to i32
        %parallel_loop3A_1080 = arith.constant 0 : i32
        %parallel_loop3A_1081 = arith.cmpi slt, %parallel_loop3A_1068, %parallel_loop3A_1080 : i32
        %parallel_loop3A_1082 = arith.extui %parallel_loop3A_1081 : i1 to i32
        %parallel_loop3A_1083 = arith.subi %parallel_loop3A_1079, %parallel_loop3A_1082 : i32
        %parallel_loop3A_1084 = arith.cmpi ne, %parallel_loop3A_1076, %parallel_loop3A_1083 : i32
        %parallel_loop3A_1085 = arith.remsi %parallel_loop3A_1063, %parallel_loop3A_1068 : i32
        %parallel_loop3A_1086 = arith.constant 0 : i32
        %parallel_loop3A_1087 = arith.cmpi ne, %parallel_loop3A_1085, %parallel_loop3A_1086 : i32
        %parallel_loop3A_1088 = arith.andi %parallel_loop3A_1084, %parallel_loop3A_1087 : i1
        %parallel_loop3A_1089 = arith.constant 1 : i32
        %parallel_loop3A_1090 = arith.subi %parallel_loop3A_1069, %parallel_loop3A_1089 : i32
        %parallel_loop3A_1091 = arith.select %parallel_loop3A_1088, %parallel_loop3A_1090, %parallel_loop3A_1069 : i32
        %parallel_loop3A_1092 = arith.constant 1024 : i32
        %parallel_loop3A_1093 = arith.muli %parallel_loop3A_1091, %parallel_loop3A_1092 : i32
        %parallel_loop3A_1094 = arith.constant 8 : i32
        %parallel_loop3A_1095 = arith.constant 0 : i32
        %parallel_loop3A_1096 = arith.cmpi eq, %parallel_loop3A_1094, %parallel_loop3A_1095 : i32
        %parallel_loop3A_1097 = arith.constant 1 : i32
        %parallel_loop3A_1098 = arith.select %parallel_loop3A_1096, %parallel_loop3A_1097, %parallel_loop3A_1094 : i32
        %parallel_loop3A_1099 = arith.remsi %parallel_loop3A_1063, %parallel_loop3A_1098 : i32
        %parallel_loop3A_1100 = arith.constant 0 : i32
        %parallel_loop3A_1101 = arith.cmpi ne, %parallel_loop3A_1099, %parallel_loop3A_1100 : i32
        %parallel_loop3A_1102 = arith.constant 0 : i32
        %parallel_loop3A_1103 = arith.cmpi slt, %parallel_loop3A_1099, %parallel_loop3A_1102 : i32
        %parallel_loop3A_1104 = arith.constant 0 : i32
        %parallel_loop3A_1105 = arith.cmpi slt, %parallel_loop3A_1098, %parallel_loop3A_1104 : i32
        %parallel_loop3A_1106 = arith.xori %parallel_loop3A_1103, %parallel_loop3A_1105 : i1
        %parallel_loop3A_1107 = arith.andi %parallel_loop3A_1106, %parallel_loop3A_1101 : i1
        %parallel_loop3A_1108 = arith.addi %parallel_loop3A_1099, %parallel_loop3A_1098 : i32
        %parallel_loop3A_1109 = arith.select %parallel_loop3A_1107, %parallel_loop3A_1108, %parallel_loop3A_1099 : i32
        %parallel_loop3A_1110 = arith.constant 128 : i32
        %parallel_loop3A_1111 = arith.muli %parallel_loop3A_1109, %parallel_loop3A_1110 : i32
        %parallel_loop3A_1112 = arith.addi %parallel_loop3A_1093, %parallel_loop3A_1111 : i32
        %parallel_loop3A_1113 = tpu.vector_load_idx %arg7[%add3A_5, %parallel_loop3A_1067] : memref<128x200xf32, #tpu.memory_space<vmem>>[vector<16xi32>, vector<16xi32>], vector<16xf32>,
        %parallel_loop3A_1114 = arith.constant 0 : i32
        %parallel_loop3A_1115 = arith.addi %parallel_loop3A_1112, %parallel_loop3A_1114 : i32
        %parallel_loop3A_1116 = arith.index_cast %parallel_loop3A_1115 : i32 to index
        %parallel_loop3A_1117 = tpu.vector_load %arg12[%parallel_loop3A_1116] {strides = array<i32>} : memref<25600xf32, #tpu.memory_space<vmem>>, vector<16xf32>,
        tpu.vector_store %arg12[%parallel_loop3A_1116], %parallel_loop3A_1113 {strides = array<i32>} : memref<25600xf32, #tpu.memory_space<vmem>>, vector<16xf32>,
        %parallel_loop3A_1118 = tpu.vector_load_idx %arg7[%add3A_8, %parallel_loop3A_1067] : memref<128x200xf32, #tpu.memory_space<vmem>>[vector<16xi32>, vector<16xi32>], vector<16xf32>,
        %parallel_loop3A_1119 = arith.constant 16 : i32
        %parallel_loop3A_1120 = arith.addi %parallel_loop3A_1112, %parallel_loop3A_1119 : i32
        %parallel_loop3A_1121 = arith.index_cast %parallel_loop3A_1120 : i32 to index
        %parallel_loop3A_1122 = tpu.vector_load %arg12[%parallel_loop3A_1121] {strides = array<i32>} : memref<25600xf32, #tpu.memory_space<vmem>>, vector<16xf32>,
        tpu.vector_store %arg12[%parallel_loop3A_1121], %parallel_loop3A_1118 {strides = array<i32>} : memref<25600xf32, #tpu.memory_space<vmem>>, vector<16xf32>,
        %parallel_loop3A_1123 = tpu.vector_load_idx %arg7[%add3A_11, %parallel_loop3A_1067] : memref<128x200xf32, #tpu.memory_space<vmem>>[vector<16xi32>, vector<16xi32>], vector<16xf32>,
        %parallel_loop3A_1124 = arith.constant 32 : i32
        %parallel_loop3A_1125 = arith.addi %parallel_loop3A_1112, %parallel_loop3A_1124 : i32
        %parallel_loop3A_1126 = arith.index_cast %parallel_loop3A_1125 : i32 to index
        %parallel_loop3A_1127 = tpu.vector_load %arg12[%parallel_loop3A_1126] {strides = array<i32>} : memref<25600xf32, #tpu.memory_space<vmem>>, vector<16xf32>,
        tpu.vector_store %arg12[%parallel_loop3A_1126], %parallel_loop3A_1123 {strides = array<i32>} : memref<25600xf32, #tpu.memory_space<vmem>>, vector<16xf32>,
        %parallel_loop3A_1128 = tpu.vector_load_idx %arg7[%add3A_14, %parallel_loop3A_1067] : memref<128x200xf32, #tpu.memory_space<vmem>>[vector<16xi32>, vector<16xi32>], vector<16xf32>,
        %parallel_loop3A_1129 = arith.constant 48 : i32
        %parallel_loop3A_1130 = arith.addi %parallel_loop3A_1112, %parallel_loop3A_1129 : i32
        %parallel_loop3A_1131 = arith.index_cast %parallel_loop3A_1130 : i32 to index
        %parallel_loop3A_1132 = tpu.vector_load %arg12[%parallel_loop3A_1131] {strides = array<i32>} : memref<25600xf32, #tpu.memory_space<vmem>>, vector<16xf32>,
        tpu.vector_store %arg12[%parallel_loop3A_1131], %parallel_loop3A_1128 {strides = array<i32>} : memref<25600xf32, #tpu.memory_space<vmem>>, vector<16xf32>,
        %parallel_loop3A_1133 = tpu.vector_load_idx %arg7[%add3A_17, %parallel_loop3A_1067] : memref<128x200xf32, #tpu.memory_space<vmem>>[vector<16xi32>, vector<16xi32>], vector<16xf32>,
        %parallel_loop3A_1134 = arith.constant 64 : i32
        %parallel_loop3A_1135 = arith.addi %parallel_loop3A_1112, %parallel_loop3A_1134 : i32
        %parallel_loop3A_1136 = arith.index_cast %parallel_loop3A_1135 : i32 to index
        %parallel_loop3A_1137 = tpu.vector_load %arg12[%parallel_loop3A_1136] {strides = array<i32>} : memref<25600xf32, #tpu.memory_space<vmem>>, vector<16xf32>,
        tpu.vector_store %arg12[%parallel_loop3A_1136], %parallel_loop3A_1133 {strides = array<i32>} : memref<25600xf32, #tpu.memory_space<vmem>>, vector<16xf32>,
        %parallel_loop3A_1138 = tpu.vector_load_idx %arg7[%add3A_20, %parallel_loop3A_1067] : memref<128x200xf32, #tpu.memory_space<vmem>>[vector<16xi32>, vector<16xi32>], vector<16xf32>,
        %parallel_loop3A_1139 = arith.constant 80 : i32
        %parallel_loop3A_1140 = arith.addi %parallel_loop3A_1112, %parallel_loop3A_1139 : i32
        %parallel_loop3A_1141 = arith.index_cast %parallel_loop3A_1140 : i32 to index
        %parallel_loop3A_1142 = tpu.vector_load %arg12[%parallel_loop3A_1141] {strides = array<i32>} : memref<25600xf32, #tpu.memory_space<vmem>>, vector<16xf32>,
        tpu.vector_store %arg12[%parallel_loop3A_1141], %parallel_loop3A_1138 {strides = array<i32>} : memref<25600xf32, #tpu.memory_space<vmem>>, vector<16xf32>,
        %parallel_loop3A_1143 = tpu.vector_load_idx %arg7[%add3A_23, %parallel_loop3A_1067] : memref<128x200xf32, #tpu.memory_space<vmem>>[vector<16xi32>, vector<16xi32>], vector<16xf32>,
        %parallel_loop3A_1144 = arith.constant 96 : i32
        %parallel_loop3A_1145 = arith.addi %parallel_loop3A_1112, %parallel_loop3A_1144 : i32
        %parallel_loop3A_1146 = arith.index_cast %parallel_loop3A_1145 : i32 to index
        %parallel_loop3A_1147 = tpu.vector_load %arg12[%parallel_loop3A_1146] {strides = array<i32>} : memref<25600xf32, #tpu.memory_space<vmem>>, vector<16xf32>,
        tpu.vector_store %arg12[%parallel_loop3A_1146], %parallel_loop3A_1143 {strides = array<i32>} : memref<25600xf32, #tpu.memory_space<vmem>>, vector<16xf32>,
        %parallel_loop3A_1148 = tpu.vector_load_idx %arg7[%add3A_26, %parallel_loop3A_1067] : memref<128x200xf32, #tpu.memory_space<vmem>>[vector<16xi32>, vector<16xi32>], vector<16xf32>,
        %parallel_loop3A_1149 = arith.constant 112 : i32
        %parallel_loop3A_1150 = arith.addi %parallel_loop3A_1112, %parallel_loop3A_1149 : i32
        %parallel_loop3A_1151 = arith.index_cast %parallel_loop3A_1150 : i32 to index
        %parallel_loop3A_1152 = tpu.vector_load %arg12[%parallel_loop3A_1151] {strides = array<i32>} : memref<25600xf32, #tpu.memory_space<vmem>>, vector<16xf32>,
        tpu.vector_store %arg12[%parallel_loop3A_1151], %parallel_loop3A_1148 {strides = array<i32>} : memref<25600xf32, #tpu.memory_space<vmem>>, vector<16xf32>,
      } {sc.loop_unroll_factor = 20 : i64, sc.parallel_access}
      %add3A_837 = arith.constant 3 : i32
      %add3A_838 = arith.addi %add3A_826, %add3A_837 : i32
      %lt3A_839 = arith.constant 25 : i32
      %lt3A_840 = arith.cmpi slt, %add3A_838, %lt3A_839 : i32
      %convert_element_type3A_841 = arith.extui %lt3A_840 : i1 to i32
      %cond3A_842 = arith.constant 0 : i32
      %cond3A_843 = arith.cmpi ne, %convert_element_type3A_841, %cond3A_842 : i32
      scf.if %cond3A_843 {
        %add3A_1063 = arith.constant 3 : i32
        %add3A_1064 = arith.addi %add3A_826, %add3A_1063 : i32
        %jit3A_1065 = arith.constant 5 : i32
        %div3A_1066 = arith.divsi %add3A_1064, %jit3A_1065 : i32
        %sign3A_1067 = arith.constant 0 : i32
        %sign3A_1068 = arith.cmpi sgt, %add3A_1064, %sign3A_1067 : i32
        %sign3A_1069 = arith.extui %sign3A_1068 : i1 to i32
        %sign3A_1070 = arith.constant 0 : i32
        %sign3A_1071 = arith.cmpi slt, %add3A_1064, %sign3A_1070 : i32
        %sign3A_1072 = arith.extui %sign3A_1071 : i1 to i32
        %sign3A_1073 = arith.subi %sign3A_1069, %sign3A_1072 : i32
        %sign3A_1074 = arith.constant 0 : i32
        %sign3A_1075 = arith.cmpi sgt, %jit3A_1065, %sign3A_1074 : i32
        %sign3A_1076 = arith.extui %sign3A_1075 : i1 to i32
        %sign3A_1077 = arith.constant 0 : i32
        %sign3A_1078 = arith.cmpi slt, %jit3A_1065, %sign3A_1077 : i32
        %sign3A_1079 = arith.extui %sign3A_1078 : i1 to i32
        %sign3A_1080 = arith.subi %sign3A_1076, %sign3A_1079 : i32
        %ne3A_1081 = arith.cmpi ne, %sign3A_1073, %sign3A_1080 : i32
        %rem3A_1082 = arith.remsi %add3A_1064, %jit3A_1065 : i32
        %ne3A_1083 = arith.constant 0 : i32
        %ne3A_1084 = arith.cmpi ne, %rem3A_1082, %ne3A_1083 : i32
        %and3A_1085 = arith.andi %ne3A_1081, %ne3A_1084 : i1
        %sub3A_1086 = arith.constant 1 : i32
        %sub3A_1087 = arith.subi %div3A_1066, %sub3A_1086 : i32
        %select_n3A_1088 = arith.select %and3A_1085, %sub3A_1087, %div3A_1066 : i32
        %jit3A_1089 = arith.constant 5 : i32
        %eq3A_1090 = arith.constant 0 : i32
        %eq3A_1091 = arith.cmpi eq, %jit3A_1089, %eq3A_1090 : i32
        %jit3A_1092 = arith.constant 1 : i32
        %select_n3A_1093 = arith.select %eq3A_1091, %jit3A_1092, %jit3A_1089 : i32
        %rem3A_1094 = arith.remsi %add3A_1064, %select_n3A_1093 : i32
        %ne3A_1095 = arith.constant 0 : i32
        %ne3A_1096 = arith.cmpi ne, %rem3A_1094, %ne3A_1095 : i32
        %lt3A_1097 = arith.constant 0 : i32
        %lt3A_1098 = arith.cmpi slt, %rem3A_1094, %lt3A_1097 : i32
        %lt3A_1099 = arith.constant 0 : i32
        %lt3A_1100 = arith.cmpi slt, %select_n3A_1093, %lt3A_1099 : i32
        %ne3A_1101 = arith.xori %lt3A_1098, %lt3A_1100 : i1
        %and3A_1102 = arith.andi %ne3A_1101, %ne3A_1096 : i1
        %add3A_1103 = arith.addi %rem3A_1094, %select_n3A_1093 : i32
        %select_n3A_1104 = arith.select %and3A_1102, %add3A_1103, %rem3A_1094 : i32
        %mul3A_1105 = arith.constant 128 : i32
        %mul3A_1106 = arith.muli %select_n3A_1088, %mul3A_1105 : i32
        %add3A_1107 = arith.constant 0 : i32
        %add3A_1108 = arith.addi %mul3A_1106, %add3A_1107 : i32
        %get3A_1109 = arith.index_cast %add3A_1108 : i32 to index
        %get3A_1110 = tpu.vector_load %arg5[%get3A_1109] {strides = array<i32>} : memref<640xi32, #tpu.memory_space<vmem>>, vector<16xi32>,
        %mul3A_1111 = arith.constant 5 : i32
        %mul3A_1112 = vector.broadcast %mul3A_1111 : i32 to vector<16xi32>
        %mul3A_1113 = arith.muli %get3A_1110, %mul3A_1112 : vector<16xi32>
        %add3A_1114 = vector.broadcast %select_n3A_1104 : i32 to vector<16xi32>
        %add3A_1115 = arith.addi %mul3A_1113, %add3A_1114 : vector<16xi32>
        %swap3A_1116 = arith.constant 0 : index
        %swap3A_1117 = tpu.vector_load %arg10[%swap3A_1116] {strides = array<i32>} : memref<128xi32, #tpu.memory_space<vmem>>, vector<16xi32>,
        tpu.vector_store %arg10[%swap3A_1116], %add3A_1115 {strides = array<i32>} : memref<128xi32, #tpu.memory_space<vmem>>, vector<16xi32>,
        %mul3A_1118 = arith.constant 128 : i32
        %mul3A_1119 = arith.muli %select_n3A_1088, %mul3A_1118 : i32
        %add3A_1120 = arith.constant 16 : i32
        %add3A_1121 = arith.addi %mul3A_1119, %add3A_1120 : i32
        %get3A_1122 = arith.index_cast %add3A_1121 : i32 to index
        %get3A_1123 = tpu.vector_load %arg5[%get3A_1122] {strides = array<i32>} : memref<640xi32, #tpu.memory_space<vmem>>, vector<16xi32>,
        %mul3A_1124 = arith.constant 5 : i32
        %mul3A_1125 = vector.broadcast %mul3A_1124 : i32 to vector<16xi32>
        %mul3A_1126 = arith.muli %get3A_1123, %mul3A_1125 : vector<16xi32>
        %add3A_1127 = vector.broadcast %select_n3A_1104 : i32 to vector<16xi32>
        %add3A_1128 = arith.addi %mul3A_1126, %add3A_1127 : vector<16xi32>
        %swap3A_1129 = arith.constant 16 : index
        %swap3A_1130 = tpu.vector_load %arg10[%swap3A_1129] {strides = array<i32>} : memref<128xi32, #tpu.memory_space<vmem>>, vector<16xi32>,
        tpu.vector_store %arg10[%swap3A_1129], %add3A_1128 {strides = array<i32>} : memref<128xi32, #tpu.memory_space<vmem>>, vector<16xi32>,
        %mul3A_1131 = arith.constant 128 : i32
        %mul3A_1132 = arith.muli %select_n3A_1088, %mul3A_1131 : i32
        %add3A_1133 = arith.constant 32 : i32
        %add3A_1134 = arith.addi %mul3A_1132, %add3A_1133 : i32
        %get3A_1135 = arith.index_cast %add3A_1134 : i32 to index
        %get3A_1136 = tpu.vector_load %arg5[%get3A_1135] {strides = array<i32>} : memref<640xi32, #tpu.memory_space<vmem>>, vector<16xi32>,
        %mul3A_1137 = arith.constant 5 : i32
        %mul3A_1138 = vector.broadcast %mul3A_1137 : i32 to vector<16xi32>
        %mul3A_1139 = arith.muli %get3A_1136, %mul3A_1138 : vector<16xi32>
        %add3A_1140 = vector.broadcast %select_n3A_1104 : i32 to vector<16xi32>
        %add3A_1141 = arith.addi %mul3A_1139, %add3A_1140 : vector<16xi32>
        %swap3A_1142 = arith.constant 32 : index
        %swap3A_1143 = tpu.vector_load %arg10[%swap3A_1142] {strides = array<i32>} : memref<128xi32, #tpu.memory_space<vmem>>, vector<16xi32>,
        tpu.vector_store %arg10[%swap3A_1142], %add3A_1141 {strides = array<i32>} : memref<128xi32, #tpu.memory_space<vmem>>, vector<16xi32>,
        %mul3A_1144 = arith.constant 128 : i32
        %mul3A_1145 = arith.muli %select_n3A_1088, %mul3A_1144 : i32
        %add3A_1146 = arith.constant 48 : i32
        %add3A_1147 = arith.addi %mul3A_1145, %add3A_1146 : i32
        %get3A_1148 = arith.index_cast %add3A_1147 : i32 to index
        %get3A_1149 = tpu.vector_load %arg5[%get3A_1148] {strides = array<i32>} : memref<640xi32, #tpu.memory_space<vmem>>, vector<16xi32>,
        %mul3A_1150 = arith.constant 5 : i32
        %mul3A_1151 = vector.broadcast %mul3A_1150 : i32 to vector<16xi32>
        %mul3A_1152 = arith.muli %get3A_1149, %mul3A_1151 : vector<16xi32>
        %add3A_1153 = vector.broadcast %select_n3A_1104 : i32 to vector<16xi32>
        %add3A_1154 = arith.addi %mul3A_1152, %add3A_1153 : vector<16xi32>
        %swap3A_1155 = arith.constant 48 : index
        %swap3A_1156 = tpu.vector_load %arg10[%swap3A_1155] {strides = array<i32>} : memref<128xi32, #tpu.memory_space<vmem>>, vector<16xi32>,
        tpu.vector_store %arg10[%swap3A_1155], %add3A_1154 {strides = array<i32>} : memref<128xi32, #tpu.memory_space<vmem>>, vector<16xi32>,
        %mul3A_1157 = arith.constant 128 : i32
        %mul3A_1158 = arith.muli %select_n3A_1088, %mul3A_1157 : i32
        %add3A_1159 = arith.constant 64 : i32
        %add3A_1160 = arith.addi %mul3A_1158, %add3A_1159 : i32
        %get3A_1161 = arith.index_cast %add3A_1160 : i32 to index
        %get3A_1162 = tpu.vector_load %arg5[%get3A_1161] {strides = array<i32>} : memref<640xi32, #tpu.memory_space<vmem>>, vector<16xi32>,
        %mul3A_1163 = arith.constant 5 : i32
        %mul3A_1164 = vector.broadcast %mul3A_1163 : i32 to vector<16xi32>
        %mul3A_1165 = arith.muli %get3A_1162, %mul3A_1164 : vector<16xi32>
        %add3A_1166 = vector.broadcast %select_n3A_1104 : i32 to vector<16xi32>
        %add3A_1167 = arith.addi %mul3A_1165, %add3A_1166 : vector<16xi32>
        %swap3A_1168 = arith.constant 64 : index
        %swap3A_1169 = tpu.vector_load %arg10[%swap3A_1168] {strides = array<i32>} : memref<128xi32, #tpu.memory_space<vmem>>, vector<16xi32>,
        tpu.vector_store %arg10[%swap3A_1168], %add3A_1167 {strides = array<i32>} : memref<128xi32, #tpu.memory_space<vmem>>, vector<16xi32>,
        %mul3A_1170 = arith.constant 128 : i32
        %mul3A_1171 = arith.muli %select_n3A_1088, %mul3A_1170 : i32
        %add3A_1172 = arith.constant 80 : i32
        %add3A_1173 = arith.addi %mul3A_1171, %add3A_1172 : i32
        %get3A_1174 = arith.index_cast %add3A_1173 : i32 to index
        %get3A_1175 = tpu.vector_load %arg5[%get3A_1174] {strides = array<i32>} : memref<640xi32, #tpu.memory_space<vmem>>, vector<16xi32>,
        %mul3A_1176 = arith.constant 5 : i32
        %mul3A_1177 = vector.broadcast %mul3A_1176 : i32 to vector<16xi32>
        %mul3A_1178 = arith.muli %get3A_1175, %mul3A_1177 : vector<16xi32>
        %add3A_1179 = vector.broadcast %select_n3A_1104 : i32 to vector<16xi32>
        %add3A_1180 = arith.addi %mul3A_1178, %add3A_1179 : vector<16xi32>
        %swap3A_1181 = arith.constant 80 : index
        %swap3A_1182 = tpu.vector_load %arg10[%swap3A_1181] {strides = array<i32>} : memref<128xi32, #tpu.memory_space<vmem>>, vector<16xi32>,
        tpu.vector_store %arg10[%swap3A_1181], %add3A_1180 {strides = array<i32>} : memref<128xi32, #tpu.memory_space<vmem>>, vector<16xi32>,
        %mul3A_1183 = arith.constant 128 : i32
        %mul3A_1184 = arith.muli %select_n3A_1088, %mul3A_1183 : i32
        %add3A_1185 = arith.constant 96 : i32
        %add3A_1186 = arith.addi %mul3A_1184, %add3A_1185 : i32
        %get3A_1187 = arith.index_cast %add3A_1186 : i32 to index
        %get3A_1188 = tpu.vector_load %arg5[%get3A_1187] {strides = array<i32>} : memref<640xi32, #tpu.memory_space<vmem>>, vector<16xi32>,
        %mul3A_1189 = arith.constant 5 : i32
        %mul3A_1190 = vector.broadcast %mul3A_1189 : i32 to vector<16xi32>
        %mul3A_1191 = arith.muli %get3A_1188, %mul3A_1190 : vector<16xi32>
        %add3A_1192 = vector.broadcast %select_n3A_1104 : i32 to vector<16xi32>
        %add3A_1193 = arith.addi %mul3A_1191, %add3A_1192 : vector<16xi32>
        %swap3A_1194 = arith.constant 96 : index
        %swap3A_1195 = tpu.vector_load %arg10[%swap3A_1194] {strides = array<i32>} : memref<128xi32, #tpu.memory_space<vmem>>, vector<16xi32>,
        tpu.vector_store %arg10[%swap3A_1194], %add3A_1193 {strides = array<i32>} : memref<128xi32, #tpu.memory_space<vmem>>, vector<16xi32>,
        %mul3A_1196 = arith.constant 128 : i32
        %mul3A_1197 = arith.muli %select_n3A_1088, %mul3A_1196 : i32
        %add3A_1198 = arith.constant 112 : i32
        %add3A_1199 = arith.addi %mul3A_1197, %add3A_1198 : i32
        %get3A_1200 = arith.index_cast %add3A_1199 : i32 to index
        %get3A_1201 = tpu.vector_load %arg5[%get3A_1200] {strides = array<i32>} : memref<640xi32, #tpu.memory_space<vmem>>, vector<16xi32>,
        %mul3A_1202 = arith.constant 5 : i32
        %mul3A_1203 = vector.broadcast %mul3A_1202 : i32 to vector<16xi32>
        %mul3A_1204 = arith.muli %get3A_1201, %mul3A_1203 : vector<16xi32>
        %add3A_1205 = vector.broadcast %select_n3A_1104 : i32 to vector<16xi32>
        %add3A_1206 = arith.addi %mul3A_1204, %add3A_1205 : vector<16xi32>
        %swap3A_1207 = arith.constant 112 : index
        %swap3A_1208 = tpu.vector_load %arg10[%swap3A_1207] {strides = array<i32>} : memref<128xi32, #tpu.memory_space<vmem>>, vector<16xi32>,
        tpu.vector_store %arg10[%swap3A_1207], %add3A_1206 {strides = array<i32>} : memref<128xi32, #tpu.memory_space<vmem>>, vector<16xi32>,
        %dma_start3A_1209 = arith.constant 0 : i32
        %dma_start3A_1210 = arith.constant 0 : i32
        %dma_start3A_1211 = tpu.memref_slice %arg2[%dma_start3A_1209, %dma_start3A_1210] : memref<5000x200xf32, #tpu.memory_space<hbm>> -> memref<5000x200xf32, #tpu.memory_space<hbm>>
        tpu.enqueue_indirect_dma source(%dma_start3A_1211 : memref<5000x200xf32, #tpu.memory_space<hbm>>) target(%arg7 : memref<128x200xf32, #tpu.memory_space<vmem>>) offsets(%arg10 : memref<128xi32, #tpu.memory_space<vmem>>) semaphore(%arg15 : memref<!tpu.dma_semaphore, #tpu.memory_space<semaphore_mem>>)
      } else {
      }
      %mul3A_844 = arith.constant 5 : i32
      %mul3A_845 = arith.muli %add3A, %mul3A_844 : i32
      %jit3A_846 = arith.constant 5 : i32
      %div3A_847 = arith.divsi %add3A_826, %jit3A_846 : i32
      %sign3A_848 = arith.constant 0 : i32
      %sign3A_849 = arith.cmpi sgt, %add3A_826, %sign3A_848 : i32
      %sign3A_850 = arith.extui %sign3A_849 : i1 to i32
      %sign3A_851 = arith.constant 0 : i32
      %sign3A_852 = arith.cmpi slt, %add3A_826, %sign3A_851 : i32
      %sign3A_853 = arith.extui %sign3A_852 : i1 to i32
      %sign3A_854 = arith.subi %sign3A_850, %sign3A_853 : i32
      %sign3A_855 = arith.constant 0 : i32
      %sign3A_856 = arith.cmpi sgt, %jit3A_846, %sign3A_855 : i32
      %sign3A_857 = arith.extui %sign3A_856 : i1 to i32
      %sign3A_858 = arith.constant 0 : i32
      %sign3A_859 = arith.cmpi slt, %jit3A_846, %sign3A_858 : i32
      %sign3A_860 = arith.extui %sign3A_859 : i1 to i32
      %sign3A_861 = arith.subi %sign3A_857, %sign3A_860 : i32
      %ne3A_862 = arith.cmpi ne, %sign3A_854, %sign3A_861 : i32
      %rem3A_863 = arith.remsi %add3A_826, %jit3A_846 : i32
      %ne3A_864 = arith.constant 0 : i32
      %ne3A_865 = arith.cmpi ne, %rem3A_863, %ne3A_864 : i32
      %and3A_866 = arith.andi %ne3A_862, %ne3A_865 : i1
      %sub3A_867 = arith.constant 1 : i32
      %sub3A_868 = arith.subi %div3A_847, %sub3A_867 : i32
      %select_n3A_869 = arith.select %and3A_866, %sub3A_868, %div3A_847 : i32
      %add3A_870 = arith.addi %mul3A_845, %select_n3A_869 : i32
      %jit3A_871 = arith.constant 5 : i32
      %eq3A_872 = arith.constant 0 : i32
      %eq3A_873 = arith.cmpi eq, %jit3A_871, %eq3A_872 : i32
      %jit3A_874 = arith.constant 1 : i32
      %select_n3A_875 = arith.select %eq3A_873, %jit3A_874, %jit3A_871 : i32
      %rem3A_876 = arith.remsi %add3A_826, %select_n3A_875 : i32
      %ne3A_877 = arith.constant 0 : i32
      %ne3A_878 = arith.cmpi ne, %rem3A_876, %ne3A_877 : i32
      %lt3A_879 = arith.constant 0 : i32
      %lt3A_880 = arith.cmpi slt, %rem3A_876, %lt3A_879 : i32
      %lt3A_881 = arith.constant 0 : i32
      %lt3A_882 = arith.cmpi slt, %select_n3A_875, %lt3A_881 : i32
      %ne3A_883 = arith.xori %lt3A_880, %lt3A_882 : i1
      %and3A_884 = arith.andi %ne3A_883, %ne3A_878 : i1
      %add3A_885 = arith.addi %rem3A_876, %select_n3A_875 : i32
      %select_n3A_886 = arith.select %and3A_884, %add3A_885, %rem3A_876 : i32
      %jit3A_887 = arith.constant 8 : i32
      %div3A_888 = arith.divsi %add3A_870, %jit3A_887 : i32
      %sign3A_889 = arith.constant 0 : i32
      %sign3A_890 = arith.cmpi sgt, %add3A_870, %sign3A_889 : i32
      %sign3A_891 = arith.extui %sign3A_890 : i1 to i32
      %sign3A_892 = arith.constant 0 : i32
      %sign3A_893 = arith.cmpi slt, %add3A_870, %sign3A_892 : i32
      %sign3A_894 = arith.extui %sign3A_893 : i1 to i32
      %sign3A_895 = arith.subi %sign3A_891, %sign3A_894 : i32
      %sign3A_896 = arith.constant 0 : i32
      %sign3A_897 = arith.cmpi sgt, %jit3A_887, %sign3A_896 : i32
      %sign3A_898 = arith.extui %sign3A_897 : i1 to i32
      %sign3A_899 = arith.constant 0 : i32
      %sign3A_900 = arith.cmpi slt, %jit3A_887, %sign3A_899 : i32
      %sign3A_901 = arith.extui %sign3A_900 : i1 to i32
      %sign3A_902 = arith.subi %sign3A_898, %sign3A_901 : i32
      %ne3A_903 = arith.cmpi ne, %sign3A_895, %sign3A_902 : i32
      %rem3A_904 = arith.remsi %add3A_870, %jit3A_887 : i32
      %ne3A_905 = arith.constant 0 : i32
      %ne3A_906 = arith.cmpi ne, %rem3A_904, %ne3A_905 : i32
      %and3A_907 = arith.andi %ne3A_903, %ne3A_906 : i1
      %sub3A_908 = arith.constant 1 : i32
      %sub3A_909 = arith.subi %div3A_888, %sub3A_908 : i32
      %select_n3A_910 = arith.select %and3A_907, %sub3A_909, %div3A_888 : i32
      %jit3A_911 = arith.constant 8 : i32
      %eq3A_912 = arith.constant 0 : i32
      %eq3A_913 = arith.cmpi eq, %jit3A_911, %eq3A_912 : i32
      %jit3A_914 = arith.constant 1 : i32
      %select_n3A_915 = arith.select %eq3A_913, %jit3A_914, %jit3A_911 : i32
      %rem3A_916 = arith.remsi %add3A_870, %select_n3A_915 : i32
      %ne3A_917 = arith.constant 0 : i32
      %ne3A_918 = arith.cmpi ne, %rem3A_916, %ne3A_917 : i32
      %lt3A_919 = arith.constant 0 : i32
      %lt3A_920 = arith.cmpi slt, %rem3A_916, %lt3A_919 : i32
      %lt3A_921 = arith.constant 0 : i32
      %lt3A_922 = arith.cmpi slt, %select_n3A_915, %lt3A_921 : i32
      %ne3A_923 = arith.xori %lt3A_920, %lt3A_922 : i1
      %and3A_924 = arith.andi %ne3A_923, %ne3A_918 : i1
      %add3A_925 = arith.addi %rem3A_916, %select_n3A_915 : i32
      %select_n3A_926 = arith.select %and3A_924, %add3A_925, %rem3A_916 : i32
      %mul3A_927 = arith.constant 125 : i32
      %mul3A_928 = arith.muli %select_n3A_910, %mul3A_927 : i32
      %mul3A_929 = arith.constant 25 : i32
      %mul3A_930 = arith.muli %select_n3A_886, %mul3A_929 : i32
      %add3A_931 = arith.addi %mul3A_928, %mul3A_930 : i32
      %mul3A_932 = arith.constant 8 : i32
      %mul3A_933 = arith.muli %add3A_931, %mul3A_932 : i32
      %add3A_934 = arith.addi %mul3A_933, %select_n3A_926 : i32
      %mul3A_935 = arith.constant 1024 : i32
      %mul3A_936 = arith.muli %add3A_934, %mul3A_935 : i32
      %scan3A_937 = arith.constant 0 : i32
      %scan3A_938 = arith.constant 0 : i32
      %scan3A_939 = arith.constant 25 : i32
      %scan3A_940 = arith.addi %scan3A_938, %scan3A_939 : i32
      %scan3A_941 = arith.constant 1 : i32
      scf.for %scan3A_1063 = %scan3A_938 to %scan3A_940 step %scan3A_941  : i32 {
        %mul3A_1064 = arith.constant 1024 : i32
        %mul3A_1065 = arith.muli %scan3A_1063, %mul3A_1064 : i32
        %mul3A_1066 = arith.constant 8192 : i32
        %mul3A_1067 = arith.muli %scan3A_1063, %mul3A_1066 : i32
        %add3A_1068 = arith.addi %mul3A_936, %mul3A_1067 : i32
        %dma_start3A_1069 = tpu.memref_slice %arg12[%mul3A_1065] : memref<25600xf32, #tpu.memory_space<vmem>> -> memref<1024xf32, #tpu.memory_space<vmem>>
        %dma_start3A_1070 = tpu.memref_slice %arg4[%add3A_1068] : memref<20480000xf32, #tpu.memory_space<hbm>> -> memref<1024xf32, #tpu.memory_space<hbm>>
        %dma_start3A_1071 = tpu.memref_slice %arg4[%add3A_1068] : memref<20480000xf32, #tpu.memory_space<hbm>> -> memref<1024xf32, #tpu.memory_space<hbm>>
        %dma_start3A_1072 = tpu.memref_slice %arg12[%mul3A_1065] : memref<25600xf32, #tpu.memory_space<vmem>> -> memref<1024xf32, #tpu.memory_space<vmem>>
        tpu.enqueue_dma source(%dma_start3A_1072 : memref<1024xf32, #tpu.memory_space<vmem>>) target(%dma_start3A_1071 : memref<1024xf32, #tpu.memory_space<hbm>>) target_semaphore(%arg17 : memref<!tpu.dma_semaphore, #tpu.memory_space<semaphore_mem>>)
      }
      %scan3A_942 = arith.constant 25 : i32
      %mul3A_943 = arith.constant 6 : i32
      %mul3A_944 = arith.muli %scan3A_343, %mul3A_943 : i32
      %add3A_945 = arith.constant 5 : i32
      %add3A_946 = arith.addi %mul3A_944, %add3A_945 : i32
      %dma_wait3A_947 = arith.constant 0 : i32
      %dma_wait3A_948 = arith.constant 0 : i32
      %dma_wait3A_949 = tpu.memref_slice %arg2[%dma_wait3A_947, %dma_wait3A_948] : memref<5000x200xf32, #tpu.memory_space<hbm>> -> memref<5000x200xf32, #tpu.memory_space<hbm>>
      tpu.wait_indirect_dma semaphore(%arg16 : memref<!tpu.dma_semaphore, #tpu.memory_space<semaphore_mem>>) src(%dma_wait3A_949 : memref<5000x200xf32, #tpu.memory_space<hbm>>) dst(%arg8 : memref<128x200xf32, #tpu.memory_space<vmem>>)
      %dma_wait3A_950 = arith.constant 0 : i32
      %dma_wait3A_951 = tpu.memref_slice %arg4[%dma_wait3A_950] : memref<20480000xf32, #tpu.memory_space<hbm>> -> memref<25600xf32, #tpu.memory_space<hbm>>
      %dma_wait3A_952 = arith.constant 0 : i32
      %dma_wait3A_953 = tpu.memref_slice %arg4[%dma_wait3A_952] : memref<20480000xf32, #tpu.memory_space<hbm>> -> memref<25600xf32, #tpu.memory_space<hbm>>
      tpu.wait_dma2 semaphore(%arg18 : memref<!tpu.dma_semaphore, #tpu.memory_space<semaphore_mem>>) src(%dma_wait3A_953 : memref<25600xf32, #tpu.memory_space<hbm>>) dst(%arg13 : memref<25600xf32, #tpu.memory_space<vmem>>)
      %parallel_loop3A_954 = arith.constant 0 : i32
      %parallel_loop3A_955 = arith.constant 200 : i32
      %parallel_loop3A_956 = arith.constant 1 : i32
      scf.for %parallel_loop3A_1063 = %parallel_loop3A_954 to %parallel_loop3A_955 step %parallel_loop3A_956  : i32 {
        %parallel_loop3A_1064 = arith.constant 0 : i32
        %parallel_loop3A_1065 = vector.broadcast %parallel_loop3A_1064 : i32 to vector<16xi32>
        %parallel_loop3A_1066 = vector.broadcast %parallel_loop3A_1063 : i32 to vector<16xi32>
        %parallel_loop3A_1067 = arith.addi %parallel_loop3A_1065, %parallel_loop3A_1066 : vector<16xi32>
        %parallel_loop3A_1068 = arith.constant 8 : i32
        %parallel_loop3A_1069 = arith.divsi %parallel_loop3A_1063, %parallel_loop3A_1068 : i32
        %parallel_loop3A_1070 = arith.constant 0 : i32
        %parallel_loop3A_1071 = arith.cmpi sgt, %parallel_loop3A_1063, %parallel_loop3A_1070 : i32
        %parallel_loop3A_1072 = arith.extui %parallel_loop3A_1071 : i1 to i32
        %parallel_loop3A_1073 = arith.constant 0 : i32
        %parallel_loop3A_1074 = arith.cmpi slt, %parallel_loop3A_1063, %parallel_loop3A_1073 : i32
        %parallel_loop3A_1075 = arith.extui %parallel_loop3A_1074 : i1 to i32
        %parallel_loop3A_1076 = arith.subi %parallel_loop3A_1072, %parallel_loop3A_1075 : i32
        %parallel_loop3A_1077 = arith.constant 0 : i32
        %parallel_loop3A_1078 = arith.cmpi sgt, %parallel_loop3A_1068, %parallel_loop3A_1077 : i32
        %parallel_loop3A_1079 = arith.extui %parallel_loop3A_1078 : i1 to i32
        %parallel_loop3A_1080 = arith.constant 0 : i32
        %parallel_loop3A_1081 = arith.cmpi slt, %parallel_loop3A_1068, %parallel_loop3A_1080 : i32
        %parallel_loop3A_1082 = arith.extui %parallel_loop3A_1081 : i1 to i32
        %parallel_loop3A_1083 = arith.subi %parallel_loop3A_1079, %parallel_loop3A_1082 : i32
        %parallel_loop3A_1084 = arith.cmpi ne, %parallel_loop3A_1076, %parallel_loop3A_1083 : i32
        %parallel_loop3A_1085 = arith.remsi %parallel_loop3A_1063, %parallel_loop3A_1068 : i32
        %parallel_loop3A_1086 = arith.constant 0 : i32
        %parallel_loop3A_1087 = arith.cmpi ne, %parallel_loop3A_1085, %parallel_loop3A_1086 : i32
        %parallel_loop3A_1088 = arith.andi %parallel_loop3A_1084, %parallel_loop3A_1087 : i1
        %parallel_loop3A_1089 = arith.constant 1 : i32
        %parallel_loop3A_1090 = arith.subi %parallel_loop3A_1069, %parallel_loop3A_1089 : i32
        %parallel_loop3A_1091 = arith.select %parallel_loop3A_1088, %parallel_loop3A_1090, %parallel_loop3A_1069 : i32
        %parallel_loop3A_1092 = arith.constant 1024 : i32
        %parallel_loop3A_1093 = arith.muli %parallel_loop3A_1091, %parallel_loop3A_1092 : i32
        %parallel_loop3A_1094 = arith.constant 8 : i32
        %parallel_loop3A_1095 = arith.constant 0 : i32
        %parallel_loop3A_1096 = arith.cmpi eq, %parallel_loop3A_1094, %parallel_loop3A_1095 : i32
        %parallel_loop3A_1097 = arith.constant 1 : i32
        %parallel_loop3A_1098 = arith.select %parallel_loop3A_1096, %parallel_loop3A_1097, %parallel_loop3A_1094 : i32
        %parallel_loop3A_1099 = arith.remsi %parallel_loop3A_1063, %parallel_loop3A_1098 : i32
        %parallel_loop3A_1100 = arith.constant 0 : i32
        %parallel_loop3A_1101 = arith.cmpi ne, %parallel_loop3A_1099, %parallel_loop3A_1100 : i32
        %parallel_loop3A_1102 = arith.constant 0 : i32
        %parallel_loop3A_1103 = arith.cmpi slt, %parallel_loop3A_1099, %parallel_loop3A_1102 : i32
        %parallel_loop3A_1104 = arith.constant 0 : i32
        %parallel_loop3A_1105 = arith.cmpi slt, %parallel_loop3A_1098, %parallel_loop3A_1104 : i32
        %parallel_loop3A_1106 = arith.xori %parallel_loop3A_1103, %parallel_loop3A_1105 : i1
        %parallel_loop3A_1107 = arith.andi %parallel_loop3A_1106, %parallel_loop3A_1101 : i1
        %parallel_loop3A_1108 = arith.addi %parallel_loop3A_1099, %parallel_loop3A_1098 : i32
        %parallel_loop3A_1109 = arith.select %parallel_loop3A_1107, %parallel_loop3A_1108, %parallel_loop3A_1099 : i32
        %parallel_loop3A_1110 = arith.constant 128 : i32
        %parallel_loop3A_1111 = arith.muli %parallel_loop3A_1109, %parallel_loop3A_1110 : i32
        %parallel_loop3A_1112 = arith.addi %parallel_loop3A_1093, %parallel_loop3A_1111 : i32
        %parallel_loop3A_1113 = tpu.vector_load_idx %arg8[%add3A_5, %parallel_loop3A_1067] : memref<128x200xf32, #tpu.memory_space<vmem>>[vector<16xi32>, vector<16xi32>], vector<16xf32>,
        %parallel_loop3A_1114 = arith.constant 0 : i32
        %parallel_loop3A_1115 = arith.addi %parallel_loop3A_1112, %parallel_loop3A_1114 : i32
        %parallel_loop3A_1116 = arith.index_cast %parallel_loop3A_1115 : i32 to index
        %parallel_loop3A_1117 = tpu.vector_load %arg13[%parallel_loop3A_1116] {strides = array<i32>} : memref<25600xf32, #tpu.memory_space<vmem>>, vector<16xf32>,
        tpu.vector_store %arg13[%parallel_loop3A_1116], %parallel_loop3A_1113 {strides = array<i32>} : memref<25600xf32, #tpu.memory_space<vmem>>, vector<16xf32>,
        %parallel_loop3A_1118 = tpu.vector_load_idx %arg8[%add3A_8, %parallel_loop3A_1067] : memref<128x200xf32, #tpu.memory_space<vmem>>[vector<16xi32>, vector<16xi32>], vector<16xf32>,
        %parallel_loop3A_1119 = arith.constant 16 : i32
        %parallel_loop3A_1120 = arith.addi %parallel_loop3A_1112, %parallel_loop3A_1119 : i32
        %parallel_loop3A_1121 = arith.index_cast %parallel_loop3A_1120 : i32 to index
        %parallel_loop3A_1122 = tpu.vector_load %arg13[%parallel_loop3A_1121] {strides = array<i32>} : memref<25600xf32, #tpu.memory_space<vmem>>, vector<16xf32>,
        tpu.vector_store %arg13[%parallel_loop3A_1121], %parallel_loop3A_1118 {strides = array<i32>} : memref<25600xf32, #tpu.memory_space<vmem>>, vector<16xf32>,
        %parallel_loop3A_1123 = tpu.vector_load_idx %arg8[%add3A_11, %parallel_loop3A_1067] : memref<128x200xf32, #tpu.memory_space<vmem>>[vector<16xi32>, vector<16xi32>], vector<16xf32>,
        %parallel_loop3A_1124 = arith.constant 32 : i32
        %parallel_loop3A_1125 = arith.addi %parallel_loop3A_1112, %parallel_loop3A_1124 : i32
        %parallel_loop3A_1126 = arith.index_cast %parallel_loop3A_1125 : i32 to index
        %parallel_loop3A_1127 = tpu.vector_load %arg13[%parallel_loop3A_1126] {strides = array<i32>} : memref<25600xf32, #tpu.memory_space<vmem>>, vector<16xf32>,
        tpu.vector_store %arg13[%parallel_loop3A_1126], %parallel_loop3A_1123 {strides = array<i32>} : memref<25600xf32, #tpu.memory_space<vmem>>, vector<16xf32>,
        %parallel_loop3A_1128 = tpu.vector_load_idx %arg8[%add3A_14, %parallel_loop3A_1067] : memref<128x200xf32, #tpu.memory_space<vmem>>[vector<16xi32>, vector<16xi32>], vector<16xf32>,
        %parallel_loop3A_1129 = arith.constant 48 : i32
        %parallel_loop3A_1130 = arith.addi %parallel_loop3A_1112, %parallel_loop3A_1129 : i32
        %parallel_loop3A_1131 = arith.index_cast %parallel_loop3A_1130 : i32 to index
        %parallel_loop3A_1132 = tpu.vector_load %arg13[%parallel_loop3A_1131] {strides = array<i32>} : memref<25600xf32, #tpu.memory_space<vmem>>, vector<16xf32>,
        tpu.vector_store %arg13[%parallel_loop3A_1131], %parallel_loop3A_1128 {strides = array<i32>} : memref<25600xf32, #tpu.memory_space<vmem>>, vector<16xf32>,
        %parallel_loop3A_1133 = tpu.vector_load_idx %arg8[%add3A_17, %parallel_loop3A_1067] : memref<128x200xf32, #tpu.memory_space<vmem>>[vector<16xi32>, vector<16xi32>], vector<16xf32>,
        %parallel_loop3A_1134 = arith.constant 64 : i32
        %parallel_loop3A_1135 = arith.addi %parallel_loop3A_1112, %parallel_loop3A_1134 : i32
        %parallel_loop3A_1136 = arith.index_cast %parallel_loop3A_1135 : i32 to index
        %parallel_loop3A_1137 = tpu.vector_load %arg13[%parallel_loop3A_1136] {strides = array<i32>} : memref<25600xf32, #tpu.memory_space<vmem>>, vector<16xf32>,
        tpu.vector_store %arg13[%parallel_loop3A_1136], %parallel_loop3A_1133 {strides = array<i32>} : memref<25600xf32, #tpu.memory_space<vmem>>, vector<16xf32>,
        %parallel_loop3A_1138 = tpu.vector_load_idx %arg8[%add3A_20, %parallel_loop3A_1067] : memref<128x200xf32, #tpu.memory_space<vmem>>[vector<16xi32>, vector<16xi32>], vector<16xf32>,
        %parallel_loop3A_1139 = arith.constant 80 : i32
        %parallel_loop3A_1140 = arith.addi %parallel_loop3A_1112, %parallel_loop3A_1139 : i32
        %parallel_loop3A_1141 = arith.index_cast %parallel_loop3A_1140 : i32 to index
        %parallel_loop3A_1142 = tpu.vector_load %arg13[%parallel_loop3A_1141] {strides = array<i32>} : memref<25600xf32, #tpu.memory_space<vmem>>, vector<16xf32>,
        tpu.vector_store %arg13[%parallel_loop3A_1141], %parallel_loop3A_1138 {strides = array<i32>} : memref<25600xf32, #tpu.memory_space<vmem>>, vector<16xf32>,
        %parallel_loop3A_1143 = tpu.vector_load_idx %arg8[%add3A_23, %parallel_loop3A_1067] : memref<128x200xf32, #tpu.memory_space<vmem>>[vector<16xi32>, vector<16xi32>], vector<16xf32>,
        %parallel_loop3A_1144 = arith.constant 96 : i32
        %parallel_loop3A_1145 = arith.addi %parallel_loop3A_1112, %parallel_loop3A_1144 : i32
        %parallel_loop3A_1146 = arith.index_cast %parallel_loop3A_1145 : i32 to index
        %parallel_loop3A_1147 = tpu.vector_load %arg13[%parallel_loop3A_1146] {strides = array<i32>} : memref<25600xf32, #tpu.memory_space<vmem>>, vector<16xf32>,
        tpu.vector_store %arg13[%parallel_loop3A_1146], %parallel_loop3A_1143 {strides = array<i32>} : memref<25600xf32, #tpu.memory_space<vmem>>, vector<16xf32>,
        %parallel_loop3A_1148 = tpu.vector_load_idx %arg8[%add3A_26, %parallel_loop3A_1067] : memref<128x200xf32, #tpu.memory_space<vmem>>[vector<16xi32>, vector<16xi32>], vector<16xf32>,
        %parallel_loop3A_1149 = arith.constant 112 : i32
        %parallel_loop3A_1150 = arith.addi %parallel_loop3A_1112, %parallel_loop3A_1149 : i32
        %parallel_loop3A_1151 = arith.index_cast %parallel_loop3A_1150 : i32 to index
        %parallel_loop3A_1152 = tpu.vector_load %arg13[%parallel_loop3A_1151] {strides = array<i32>} : memref<25600xf32, #tpu.memory_space<vmem>>, vector<16xf32>,
        tpu.vector_store %arg13[%parallel_loop3A_1151], %parallel_loop3A_1148 {strides = array<i32>} : memref<25600xf32, #tpu.memory_space<vmem>>, vector<16xf32>,
      } {sc.loop_unroll_factor = 20 : i64, sc.parallel_access}
      %add3A_957 = arith.constant 3 : i32
      %add3A_958 = arith.addi %add3A_946, %add3A_957 : i32
      %lt3A_959 = arith.constant 25 : i32
      %lt3A_960 = arith.cmpi slt, %add3A_958, %lt3A_959 : i32
      %convert_element_type3A_961 = arith.extui %lt3A_960 : i1 to i32
      %cond3A_962 = arith.constant 0 : i32
      %cond3A_963 = arith.cmpi ne, %convert_element_type3A_961, %cond3A_962 : i32
      scf.if %cond3A_963 {
        %add3A_1063 = arith.constant 3 : i32
        %add3A_1064 = arith.addi %add3A_946, %add3A_1063 : i32
        %jit3A_1065 = arith.constant 5 : i32
        %div3A_1066 = arith.divsi %add3A_1064, %jit3A_1065 : i32
        %sign3A_1067 = arith.constant 0 : i32
        %sign3A_1068 = arith.cmpi sgt, %add3A_1064, %sign3A_1067 : i32
        %sign3A_1069 = arith.extui %sign3A_1068 : i1 to i32
        %sign3A_1070 = arith.constant 0 : i32
        %sign3A_1071 = arith.cmpi slt, %add3A_1064, %sign3A_1070 : i32
        %sign3A_1072 = arith.extui %sign3A_1071 : i1 to i32
        %sign3A_1073 = arith.subi %sign3A_1069, %sign3A_1072 : i32
        %sign3A_1074 = arith.constant 0 : i32
        %sign3A_1075 = arith.cmpi sgt, %jit3A_1065, %sign3A_1074 : i32
        %sign3A_1076 = arith.extui %sign3A_1075 : i1 to i32
        %sign3A_1077 = arith.constant 0 : i32
        %sign3A_1078 = arith.cmpi slt, %jit3A_1065, %sign3A_1077 : i32
        %sign3A_1079 = arith.extui %sign3A_1078 : i1 to i32
        %sign3A_1080 = arith.subi %sign3A_1076, %sign3A_1079 : i32
        %ne3A_1081 = arith.cmpi ne, %sign3A_1073, %sign3A_1080 : i32
        %rem3A_1082 = arith.remsi %add3A_1064, %jit3A_1065 : i32
        %ne3A_1083 = arith.constant 0 : i32
        %ne3A_1084 = arith.cmpi ne, %rem3A_1082, %ne3A_1083 : i32
        %and3A_1085 = arith.andi %ne3A_1081, %ne3A_1084 : i1
        %sub3A_1086 = arith.constant 1 : i32
        %sub3A_1087 = arith.subi %div3A_1066, %sub3A_1086 : i32
        %select_n3A_1088 = arith.select %and3A_1085, %sub3A_1087, %div3A_1066 : i32
        %jit3A_1089 = arith.constant 5 : i32
        %eq3A_1090 = arith.constant 0 : i32
        %eq3A_1091 = arith.cmpi eq, %jit3A_1089, %eq3A_1090 : i32
        %jit3A_1092 = arith.constant 1 : i32
        %select_n3A_1093 = arith.select %eq3A_1091, %jit3A_1092, %jit3A_1089 : i32
        %rem3A_1094 = arith.remsi %add3A_1064, %select_n3A_1093 : i32
        %ne3A_1095 = arith.constant 0 : i32
        %ne3A_1096 = arith.cmpi ne, %rem3A_1094, %ne3A_1095 : i32
        %lt3A_1097 = arith.constant 0 : i32
        %lt3A_1098 = arith.cmpi slt, %rem3A_1094, %lt3A_1097 : i32
        %lt3A_1099 = arith.constant 0 : i32
        %lt3A_1100 = arith.cmpi slt, %select_n3A_1093, %lt3A_1099 : i32
        %ne3A_1101 = arith.xori %lt3A_1098, %lt3A_1100 : i1
        %and3A_1102 = arith.andi %ne3A_1101, %ne3A_1096 : i1
        %add3A_1103 = arith.addi %rem3A_1094, %select_n3A_1093 : i32
        %select_n3A_1104 = arith.select %and3A_1102, %add3A_1103, %rem3A_1094 : i32
        %mul3A_1105 = arith.constant 128 : i32
        %mul3A_1106 = arith.muli %select_n3A_1088, %mul3A_1105 : i32
        %add3A_1107 = arith.constant 0 : i32
        %add3A_1108 = arith.addi %mul3A_1106, %add3A_1107 : i32
        %get3A_1109 = arith.index_cast %add3A_1108 : i32 to index
        %get3A_1110 = tpu.vector_load %arg5[%get3A_1109] {strides = array<i32>} : memref<640xi32, #tpu.memory_space<vmem>>, vector<16xi32>,
        %mul3A_1111 = arith.constant 5 : i32
        %mul3A_1112 = vector.broadcast %mul3A_1111 : i32 to vector<16xi32>
        %mul3A_1113 = arith.muli %get3A_1110, %mul3A_1112 : vector<16xi32>
        %add3A_1114 = vector.broadcast %select_n3A_1104 : i32 to vector<16xi32>
        %add3A_1115 = arith.addi %mul3A_1113, %add3A_1114 : vector<16xi32>
        %swap3A_1116 = arith.constant 0 : index
        %swap3A_1117 = tpu.vector_load %arg11[%swap3A_1116] {strides = array<i32>} : memref<128xi32, #tpu.memory_space<vmem>>, vector<16xi32>,
        tpu.vector_store %arg11[%swap3A_1116], %add3A_1115 {strides = array<i32>} : memref<128xi32, #tpu.memory_space<vmem>>, vector<16xi32>,
        %mul3A_1118 = arith.constant 128 : i32
        %mul3A_1119 = arith.muli %select_n3A_1088, %mul3A_1118 : i32
        %add3A_1120 = arith.constant 16 : i32
        %add3A_1121 = arith.addi %mul3A_1119, %add3A_1120 : i32
        %get3A_1122 = arith.index_cast %add3A_1121 : i32 to index
        %get3A_1123 = tpu.vector_load %arg5[%get3A_1122] {strides = array<i32>} : memref<640xi32, #tpu.memory_space<vmem>>, vector<16xi32>,
        %mul3A_1124 = arith.constant 5 : i32
        %mul3A_1125 = vector.broadcast %mul3A_1124 : i32 to vector<16xi32>
        %mul3A_1126 = arith.muli %get3A_1123, %mul3A_1125 : vector<16xi32>
        %add3A_1127 = vector.broadcast %select_n3A_1104 : i32 to vector<16xi32>
        %add3A_1128 = arith.addi %mul3A_1126, %add3A_1127 : vector<16xi32>
        %swap3A_1129 = arith.constant 16 : index
        %swap3A_1130 = tpu.vector_load %arg11[%swap3A_1129] {strides = array<i32>} : memref<128xi32, #tpu.memory_space<vmem>>, vector<16xi32>,
        tpu.vector_store %arg11[%swap3A_1129], %add3A_1128 {strides = array<i32>} : memref<128xi32, #tpu.memory_space<vmem>>, vector<16xi32>,
        %mul3A_1131 = arith.constant 128 : i32
        %mul3A_1132 = arith.muli %select_n3A_1088, %mul3A_1131 : i32
        %add3A_1133 = arith.constant 32 : i32
        %add3A_1134 = arith.addi %mul3A_1132, %add3A_1133 : i32
        %get3A_1135 = arith.index_cast %add3A_1134 : i32 to index
        %get3A_1136 = tpu.vector_load %arg5[%get3A_1135] {strides = array<i32>} : memref<640xi32, #tpu.memory_space<vmem>>, vector<16xi32>,
        %mul3A_1137 = arith.constant 5 : i32
        %mul3A_1138 = vector.broadcast %mul3A_1137 : i32 to vector<16xi32>
        %mul3A_1139 = arith.muli %get3A_1136, %mul3A_1138 : vector<16xi32>
        %add3A_1140 = vector.broadcast %select_n3A_1104 : i32 to vector<16xi32>
        %add3A_1141 = arith.addi %mul3A_1139, %add3A_1140 : vector<16xi32>
        %swap3A_1142 = arith.constant 32 : index
        %swap3A_1143 = tpu.vector_load %arg11[%swap3A_1142] {strides = array<i32>} : memref<128xi32, #tpu.memory_space<vmem>>, vector<16xi32>,
        tpu.vector_store %arg11[%swap3A_1142], %add3A_1141 {strides = array<i32>} : memref<128xi32, #tpu.memory_space<vmem>>, vector<16xi32>,
        %mul3A_1144 = arith.constant 128 : i32
        %mul3A_1145 = arith.muli %select_n3A_1088, %mul3A_1144 : i32
        %add3A_1146 = arith.constant 48 : i32
        %add3A_1147 = arith.addi %mul3A_1145, %add3A_1146 : i32
        %get3A_1148 = arith.index_cast %add3A_1147 : i32 to index
        %get3A_1149 = tpu.vector_load %arg5[%get3A_1148] {strides = array<i32>} : memref<640xi32, #tpu.memory_space<vmem>>, vector<16xi32>,
        %mul3A_1150 = arith.constant 5 : i32
        %mul3A_1151 = vector.broadcast %mul3A_1150 : i32 to vector<16xi32>
        %mul3A_1152 = arith.muli %get3A_1149, %mul3A_1151 : vector<16xi32>
        %add3A_1153 = vector.broadcast %select_n3A_1104 : i32 to vector<16xi32>
        %add3A_1154 = arith.addi %mul3A_1152, %add3A_1153 : vector<16xi32>
        %swap3A_1155 = arith.constant 48 : index
        %swap3A_1156 = tpu.vector_load %arg11[%swap3A_1155] {strides = array<i32>} : memref<128xi32, #tpu.memory_space<vmem>>, vector<16xi32>,
        tpu.vector_store %arg11[%swap3A_1155], %add3A_1154 {strides = array<i32>} : memref<128xi32, #tpu.memory_space<vmem>>, vector<16xi32>,
        %mul3A_1157 = arith.constant 128 : i32
        %mul3A_1158 = arith.muli %select_n3A_1088, %mul3A_1157 : i32
        %add3A_1159 = arith.constant 64 : i32
        %add3A_1160 = arith.addi %mul3A_1158, %add3A_1159 : i32
        %get3A_1161 = arith.index_cast %add3A_1160 : i32 to index
        %get3A_1162 = tpu.vector_load %arg5[%get3A_1161] {strides = array<i32>} : memref<640xi32, #tpu.memory_space<vmem>>, vector<16xi32>,
        %mul3A_1163 = arith.constant 5 : i32
        %mul3A_1164 = vector.broadcast %mul3A_1163 : i32 to vector<16xi32>
        %mul3A_1165 = arith.muli %get3A_1162, %mul3A_1164 : vector<16xi32>
        %add3A_1166 = vector.broadcast %select_n3A_1104 : i32 to vector<16xi32>
        %add3A_1167 = arith.addi %mul3A_1165, %add3A_1166 : vector<16xi32>
        %swap3A_1168 = arith.constant 64 : index
        %swap3A_1169 = tpu.vector_load %arg11[%swap3A_1168] {strides = array<i32>} : memref<128xi32, #tpu.memory_space<vmem>>, vector<16xi32>,
        tpu.vector_store %arg11[%swap3A_1168], %add3A_1167 {strides = array<i32>} : memref<128xi32, #tpu.memory_space<vmem>>, vector<16xi32>,
        %mul3A_1170 = arith.constant 128 : i32
        %mul3A_1171 = arith.muli %select_n3A_1088, %mul3A_1170 : i32
        %add3A_1172 = arith.constant 80 : i32
        %add3A_1173 = arith.addi %mul3A_1171, %add3A_1172 : i32
        %get3A_1174 = arith.index_cast %add3A_1173 : i32 to index
        %get3A_1175 = tpu.vector_load %arg5[%get3A_1174] {strides = array<i32>} : memref<640xi32, #tpu.memory_space<vmem>>, vector<16xi32>,
        %mul3A_1176 = arith.constant 5 : i32
        %mul3A_1177 = vector.broadcast %mul3A_1176 : i32 to vector<16xi32>
        %mul3A_1178 = arith.muli %get3A_1175, %mul3A_1177 : vector<16xi32>
        %add3A_1179 = vector.broadcast %select_n3A_1104 : i32 to vector<16xi32>
        %add3A_1180 = arith.addi %mul3A_1178, %add3A_1179 : vector<16xi32>
        %swap3A_1181 = arith.constant 80 : index
        %swap3A_1182 = tpu.vector_load %arg11[%swap3A_1181] {strides = array<i32>} : memref<128xi32, #tpu.memory_space<vmem>>, vector<16xi32>,
        tpu.vector_store %arg11[%swap3A_1181], %add3A_1180 {strides = array<i32>} : memref<128xi32, #tpu.memory_space<vmem>>, vector<16xi32>,
        %mul3A_1183 = arith.constant 128 : i32
        %mul3A_1184 = arith.muli %select_n3A_1088, %mul3A_1183 : i32
        %add3A_1185 = arith.constant 96 : i32
        %add3A_1186 = arith.addi %mul3A_1184, %add3A_1185 : i32
        %get3A_1187 = arith.index_cast %add3A_1186 : i32 to index
        %get3A_1188 = tpu.vector_load %arg5[%get3A_1187] {strides = array<i32>} : memref<640xi32, #tpu.memory_space<vmem>>, vector<16xi32>,
        %mul3A_1189 = arith.constant 5 : i32
        %mul3A_1190 = vector.broadcast %mul3A_1189 : i32 to vector<16xi32>
        %mul3A_1191 = arith.muli %get3A_1188, %mul3A_1190 : vector<16xi32>
        %add3A_1192 = vector.broadcast %select_n3A_1104 : i32 to vector<16xi32>
        %add3A_1193 = arith.addi %mul3A_1191, %add3A_1192 : vector<16xi32>
        %swap3A_1194 = arith.constant 96 : index
        %swap3A_1195 = tpu.vector_load %arg11[%swap3A_1194] {strides = array<i32>} : memref<128xi32, #tpu.memory_space<vmem>>, vector<16xi32>,
        tpu.vector_store %arg11[%swap3A_1194], %add3A_1193 {strides = array<i32>} : memref<128xi32, #tpu.memory_space<vmem>>, vector<16xi32>,
        %mul3A_1196 = arith.constant 128 : i32
        %mul3A_1197 = arith.muli %select_n3A_1088, %mul3A_1196 : i32
        %add3A_1198 = arith.constant 112 : i32
        %add3A_1199 = arith.addi %mul3A_1197, %add3A_1198 : i32
        %get3A_1200 = arith.index_cast %add3A_1199 : i32 to index
        %get3A_1201 = tpu.vector_load %arg5[%get3A_1200] {strides = array<i32>} : memref<640xi32, #tpu.memory_space<vmem>>, vector<16xi32>,
        %mul3A_1202 = arith.constant 5 : i32
        %mul3A_1203 = vector.broadcast %mul3A_1202 : i32 to vector<16xi32>
        %mul3A_1204 = arith.muli %get3A_1201, %mul3A_1203 : vector<16xi32>
        %add3A_1205 = vector.broadcast %select_n3A_1104 : i32 to vector<16xi32>
        %add3A_1206 = arith.addi %mul3A_1204, %add3A_1205 : vector<16xi32>
        %swap3A_1207 = arith.constant 112 : index
        %swap3A_1208 = tpu.vector_load %arg11[%swap3A_1207] {strides = array<i32>} : memref<128xi32, #tpu.memory_space<vmem>>, vector<16xi32>,
        tpu.vector_store %arg11[%swap3A_1207], %add3A_1206 {strides = array<i32>} : memref<128xi32, #tpu.memory_space<vmem>>, vector<16xi32>,
        %dma_start3A_1209 = arith.constant 0 : i32
        %dma_start3A_1210 = arith.constant 0 : i32
        %dma_start3A_1211 = tpu.memref_slice %arg2[%dma_start3A_1209, %dma_start3A_1210] : memref<5000x200xf32, #tpu.memory_space<hbm>> -> memref<5000x200xf32, #tpu.memory_space<hbm>>
        tpu.enqueue_indirect_dma source(%dma_start3A_1211 : memref<5000x200xf32, #tpu.memory_space<hbm>>) target(%arg8 : memref<128x200xf32, #tpu.memory_space<vmem>>) offsets(%arg11 : memref<128xi32, #tpu.memory_space<vmem>>) semaphore(%arg16 : memref<!tpu.dma_semaphore, #tpu.memory_space<semaphore_mem>>)
      } else {
      }
      %mul3A_964 = arith.constant 5 : i32
      %mul3A_965 = arith.muli %add3A, %mul3A_964 : i32
      %jit3A_966 = arith.constant 5 : i32
      %div3A_967 = arith.divsi %add3A_946, %jit3A_966 : i32
      %sign3A_968 = arith.constant 0 : i32
      %sign3A_969 = arith.cmpi sgt, %add3A_946, %sign3A_968 : i32
      %sign3A_970 = arith.extui %sign3A_969 : i1 to i32
      %sign3A_971 = arith.constant 0 : i32
      %sign3A_972 = arith.cmpi slt, %add3A_946, %sign3A_971 : i32
      %sign3A_973 = arith.extui %sign3A_972 : i1 to i32
      %sign3A_974 = arith.subi %sign3A_970, %sign3A_973 : i32
      %sign3A_975 = arith.constant 0 : i32
      %sign3A_976 = arith.cmpi sgt, %jit3A_966, %sign3A_975 : i32
      %sign3A_977 = arith.extui %sign3A_976 : i1 to i32
      %sign3A_978 = arith.constant 0 : i32
      %sign3A_979 = arith.cmpi slt, %jit3A_966, %sign3A_978 : i32
      %sign3A_980 = arith.extui %sign3A_979 : i1 to i32
      %sign3A_981 = arith.subi %sign3A_977, %sign3A_980 : i32
      %ne3A_982 = arith.cmpi ne, %sign3A_974, %sign3A_981 : i32
      %rem3A_983 = arith.remsi %add3A_946, %jit3A_966 : i32
      %ne3A_984 = arith.constant 0 : i32
      %ne3A_985 = arith.cmpi ne, %rem3A_983, %ne3A_984 : i32
      %and3A_986 = arith.andi %ne3A_982, %ne3A_985 : i1
      %sub3A_987 = arith.constant 1 : i32
      %sub3A_988 = arith.subi %div3A_967, %sub3A_987 : i32
      %select_n3A_989 = arith.select %and3A_986, %sub3A_988, %div3A_967 : i32
      %add3A_990 = arith.addi %mul3A_965, %select_n3A_989 : i32
      %jit3A_991 = arith.constant 5 : i32
      %eq3A_992 = arith.constant 0 : i32
      %eq3A_993 = arith.cmpi eq, %jit3A_991, %eq3A_992 : i32
      %jit3A_994 = arith.constant 1 : i32
      %select_n3A_995 = arith.select %eq3A_993, %jit3A_994, %jit3A_991 : i32
      %rem3A_996 = arith.remsi %add3A_946, %select_n3A_995 : i32
      %ne3A_997 = arith.constant 0 : i32
      %ne3A_998 = arith.cmpi ne, %rem3A_996, %ne3A_997 : i32
      %lt3A_999 = arith.constant 0 : i32
      %lt3A_1000 = arith.cmpi slt, %rem3A_996, %lt3A_999 : i32
      %lt3A_1001 = arith.constant 0 : i32
      %lt3A_1002 = arith.cmpi slt, %select_n3A_995, %lt3A_1001 : i32
      %ne3A_1003 = arith.xori %lt3A_1000, %lt3A_1002 : i1
      %and3A_1004 = arith.andi %ne3A_1003, %ne3A_998 : i1
      %add3A_1005 = arith.addi %rem3A_996, %select_n3A_995 : i32
      %select_n3A_1006 = arith.select %and3A_1004, %add3A_1005, %rem3A_996 : i32
      %jit3A_1007 = arith.constant 8 : i32
      %div3A_1008 = arith.divsi %add3A_990, %jit3A_1007 : i32
      %sign3A_1009 = arith.constant 0 : i32
      %sign3A_1010 = arith.cmpi sgt, %add3A_990, %sign3A_1009 : i32
      %sign3A_1011 = arith.extui %sign3A_1010 : i1 to i32
      %sign3A_1012 = arith.constant 0 : i32
      %sign3A_1013 = arith.cmpi slt, %add3A_990, %sign3A_1012 : i32
      %sign3A_1014 = arith.extui %sign3A_1013 : i1 to i32
      %sign3A_1015 = arith.subi %sign3A_1011, %sign3A_1014 : i32
      %sign3A_1016 = arith.constant 0 : i32
      %sign3A_1017 = arith.cmpi sgt, %jit3A_1007, %sign3A_1016 : i32
      %sign3A_1018 = arith.extui %sign3A_1017 : i1 to i32
      %sign3A_1019 = arith.constant 0 : i32
      %sign3A_1020 = arith.cmpi slt, %jit3A_1007, %sign3A_1019 : i32
      %sign3A_1021 = arith.extui %sign3A_1020 : i1 to i32
      %sign3A_1022 = arith.subi %sign3A_1018, %sign3A_1021 : i32
      %ne3A_1023 = arith.cmpi ne, %sign3A_1015, %sign3A_1022 : i32
      %rem3A_1024 = arith.remsi %add3A_990, %jit3A_1007 : i32
      %ne3A_1025 = arith.constant 0 : i32
      %ne3A_1026 = arith.cmpi ne, %rem3A_1024, %ne3A_1025 : i32
      %and3A_1027 = arith.andi %ne3A_1023, %ne3A_1026 : i1
      %sub3A_1028 = arith.constant 1 : i32
      %sub3A_1029 = arith.subi %div3A_1008, %sub3A_1028 : i32
      %select_n3A_1030 = arith.select %and3A_1027, %sub3A_1029, %div3A_1008 : i32
      %jit3A_1031 = arith.constant 8 : i32
      %eq3A_1032 = arith.constant 0 : i32
      %eq3A_1033 = arith.cmpi eq, %jit3A_1031, %eq3A_1032 : i32
      %jit3A_1034 = arith.constant 1 : i32
      %select_n3A_1035 = arith.select %eq3A_1033, %jit3A_1034, %jit3A_1031 : i32
      %rem3A_1036 = arith.remsi %add3A_990, %select_n3A_1035 : i32
      %ne3A_1037 = arith.constant 0 : i32
      %ne3A_1038 = arith.cmpi ne, %rem3A_1036, %ne3A_1037 : i32
      %lt3A_1039 = arith.constant 0 : i32
      %lt3A_1040 = arith.cmpi slt, %rem3A_1036, %lt3A_1039 : i32
      %lt3A_1041 = arith.constant 0 : i32
      %lt3A_1042 = arith.cmpi slt, %select_n3A_1035, %lt3A_1041 : i32
      %ne3A_1043 = arith.xori %lt3A_1040, %lt3A_1042 : i1
      %and3A_1044 = arith.andi %ne3A_1043, %ne3A_1038 : i1
      %add3A_1045 = arith.addi %rem3A_1036, %select_n3A_1035 : i32
      %select_n3A_1046 = arith.select %and3A_1044, %add3A_1045, %rem3A_1036 : i32
      %mul3A_1047 = arith.constant 125 : i32
      %mul3A_1048 = arith.muli %select_n3A_1030, %mul3A_1047 : i32
      %mul3A_1049 = arith.constant 25 : i32
      %mul3A_1050 = arith.muli %select_n3A_1006, %mul3A_1049 : i32
      %add3A_1051 = arith.addi %mul3A_1048, %mul3A_1050 : i32
      %mul3A_1052 = arith.constant 8 : i32
      %mul3A_1053 = arith.muli %add3A_1051, %mul3A_1052 : i32
      %add3A_1054 = arith.addi %mul3A_1053, %select_n3A_1046 : i32
      %mul3A_1055 = arith.constant 1024 : i32
      %mul3A_1056 = arith.muli %add3A_1054, %mul3A_1055 : i32
      %scan3A_1057 = arith.constant 0 : i32
      %scan3A_1058 = arith.constant 0 : i32
      %scan3A_1059 = arith.constant 25 : i32
      %scan3A_1060 = arith.addi %scan3A_1058, %scan3A_1059 : i32
      %scan3A_1061 = arith.constant 1 : i32
      scf.for %scan3A_1063 = %scan3A_1058 to %scan3A_1060 step %scan3A_1061  : i32 {
        %mul3A_1064 = arith.constant 1024 : i32
        %mul3A_1065 = arith.muli %scan3A_1063, %mul3A_1064 : i32
        %mul3A_1066 = arith.constant 8192 : i32
        %mul3A_1067 = arith.muli %scan3A_1063, %mul3A_1066 : i32
        %add3A_1068 = arith.addi %mul3A_1056, %mul3A_1067 : i32
        %dma_start3A_1069 = tpu.memref_slice %arg13[%mul3A_1065] : memref<25600xf32, #tpu.memory_space<vmem>> -> memref<1024xf32, #tpu.memory_space<vmem>>
        %dma_start3A_1070 = tpu.memref_slice %arg4[%add3A_1068] : memref<20480000xf32, #tpu.memory_space<hbm>> -> memref<1024xf32, #tpu.memory_space<hbm>>
        %dma_start3A_1071 = tpu.memref_slice %arg4[%add3A_1068] : memref<20480000xf32, #tpu.memory_space<hbm>> -> memref<1024xf32, #tpu.memory_space<hbm>>
        %dma_start3A_1072 = tpu.memref_slice %arg13[%mul3A_1065] : memref<25600xf32, #tpu.memory_space<vmem>> -> memref<1024xf32, #tpu.memory_space<vmem>>
        tpu.enqueue_dma source(%dma_start3A_1072 : memref<1024xf32, #tpu.memory_space<vmem>>) target(%dma_start3A_1071 : memref<1024xf32, #tpu.memory_space<hbm>>) target_semaphore(%arg18 : memref<!tpu.dma_semaphore, #tpu.memory_space<semaphore_mem>>)
      }
      %scan3A_1062 = arith.constant 25 : i32
    }
    %scan3A_277 = arith.constant 4 : i32
    %dma_wait3A = arith.constant 0 : i32
    %dma_wait3A_278 = arith.constant 0 : i32
    %dma_wait3A_279 = tpu.memref_slice %arg2[%dma_wait3A, %dma_wait3A_278] : memref<5000x200xf32, #tpu.memory_space<hbm>> -> memref<5000x200xf32, #tpu.memory_space<hbm>>
    tpu.wait_indirect_dma semaphore(%arg14 : memref<!tpu.dma_semaphore, #tpu.memory_space<semaphore_mem>>) src(%dma_wait3A_279 : memref<5000x200xf32, #tpu.memory_space<hbm>>) dst(%arg6 : memref<128x200xf32, #tpu.memory_space<vmem>>)
    %dma_wait3A_280 = arith.constant 0 : i32
    %dma_wait3A_281 = tpu.memref_slice %arg4[%dma_wait3A_280] : memref<20480000xf32, #tpu.memory_space<hbm>> -> memref<25600xf32, #tpu.memory_space<hbm>>
    %dma_wait3A_282 = arith.constant 0 : i32
    %dma_wait3A_283 = tpu.memref_slice %arg4[%dma_wait3A_282] : memref<20480000xf32, #tpu.memory_space<hbm>> -> memref<25600xf32, #tpu.memory_space<hbm>>
    tpu.wait_dma2 semaphore(%arg17 : memref<!tpu.dma_semaphore, #tpu.memory_space<semaphore_mem>>) src(%dma_wait3A_283 : memref<25600xf32, #tpu.memory_space<hbm>>) dst(%arg12 : memref<25600xf32, #tpu.memory_space<vmem>>)
    %parallel_loop3A = arith.constant 0 : i32
    %parallel_loop3A_284 = arith.constant 200 : i32
    %parallel_loop3A_285 = arith.constant 1 : i32
    scf.for %parallel_loop3A_343 = %parallel_loop3A to %parallel_loop3A_284 step %parallel_loop3A_285  : i32 {
      %parallel_loop3A_344 = arith.constant 0 : i32
      %parallel_loop3A_345 = vector.broadcast %parallel_loop3A_344 : i32 to vector<16xi32>
      %parallel_loop3A_346 = vector.broadcast %parallel_loop3A_343 : i32 to vector<16xi32>
      %parallel_loop3A_347 = arith.addi %parallel_loop3A_345, %parallel_loop3A_346 : vector<16xi32>
      %parallel_loop3A_348 = arith.constant 8 : i32
      %parallel_loop3A_349 = arith.divsi %parallel_loop3A_343, %parallel_loop3A_348 : i32
      %parallel_loop3A_350 = arith.constant 0 : i32
      %parallel_loop3A_351 = arith.cmpi sgt, %parallel_loop3A_343, %parallel_loop3A_350 : i32
      %parallel_loop3A_352 = arith.extui %parallel_loop3A_351 : i1 to i32
      %parallel_loop3A_353 = arith.constant 0 : i32
      %parallel_loop3A_354 = arith.cmpi slt, %parallel_loop3A_343, %parallel_loop3A_353 : i32
      %parallel_loop3A_355 = arith.extui %parallel_loop3A_354 : i1 to i32
      %parallel_loop3A_356 = arith.subi %parallel_loop3A_352, %parallel_loop3A_355 : i32
      %parallel_loop3A_357 = arith.constant 0 : i32
      %parallel_loop3A_358 = arith.cmpi sgt, %parallel_loop3A_348, %parallel_loop3A_357 : i32
      %parallel_loop3A_359 = arith.extui %parallel_loop3A_358 : i1 to i32
      %parallel_loop3A_360 = arith.constant 0 : i32
      %parallel_loop3A_361 = arith.cmpi slt, %parallel_loop3A_348, %parallel_loop3A_360 : i32
      %parallel_loop3A_362 = arith.extui %parallel_loop3A_361 : i1 to i32
      %parallel_loop3A_363 = arith.subi %parallel_loop3A_359, %parallel_loop3A_362 : i32
      %parallel_loop3A_364 = arith.cmpi ne, %parallel_loop3A_356, %parallel_loop3A_363 : i32
      %parallel_loop3A_365 = arith.remsi %parallel_loop3A_343, %parallel_loop3A_348 : i32
      %parallel_loop3A_366 = arith.constant 0 : i32
      %parallel_loop3A_367 = arith.cmpi ne, %parallel_loop3A_365, %parallel_loop3A_366 : i32
      %parallel_loop3A_368 = arith.andi %parallel_loop3A_364, %parallel_loop3A_367 : i1
      %parallel_loop3A_369 = arith.constant 1 : i32
      %parallel_loop3A_370 = arith.subi %parallel_loop3A_349, %parallel_loop3A_369 : i32
      %parallel_loop3A_371 = arith.select %parallel_loop3A_368, %parallel_loop3A_370, %parallel_loop3A_349 : i32
      %parallel_loop3A_372 = arith.constant 1024 : i32
      %parallel_loop3A_373 = arith.muli %parallel_loop3A_371, %parallel_loop3A_372 : i32
      %parallel_loop3A_374 = arith.constant 8 : i32
      %parallel_loop3A_375 = arith.constant 0 : i32
      %parallel_loop3A_376 = arith.cmpi eq, %parallel_loop3A_374, %parallel_loop3A_375 : i32
      %parallel_loop3A_377 = arith.constant 1 : i32
      %parallel_loop3A_378 = arith.select %parallel_loop3A_376, %parallel_loop3A_377, %parallel_loop3A_374 : i32
      %parallel_loop3A_379 = arith.remsi %parallel_loop3A_343, %parallel_loop3A_378 : i32
      %parallel_loop3A_380 = arith.constant 0 : i32
      %parallel_loop3A_381 = arith.cmpi ne, %parallel_loop3A_379, %parallel_loop3A_380 : i32
      %parallel_loop3A_382 = arith.constant 0 : i32
      %parallel_loop3A_383 = arith.cmpi slt, %parallel_loop3A_379, %parallel_loop3A_382 : i32
      %parallel_loop3A_384 = arith.constant 0 : i32
      %parallel_loop3A_385 = arith.cmpi slt, %parallel_loop3A_378, %parallel_loop3A_384 : i32
      %parallel_loop3A_386 = arith.xori %parallel_loop3A_383, %parallel_loop3A_385 : i1
      %parallel_loop3A_387 = arith.andi %parallel_loop3A_386, %parallel_loop3A_381 : i1
      %parallel_loop3A_388 = arith.addi %parallel_loop3A_379, %parallel_loop3A_378 : i32
      %parallel_loop3A_389 = arith.select %parallel_loop3A_387, %parallel_loop3A_388, %parallel_loop3A_379 : i32
      %parallel_loop3A_390 = arith.constant 128 : i32
      %parallel_loop3A_391 = arith.muli %parallel_loop3A_389, %parallel_loop3A_390 : i32
      %parallel_loop3A_392 = arith.addi %parallel_loop3A_373, %parallel_loop3A_391 : i32
      %parallel_loop3A_393 = tpu.vector_load_idx %arg6[%add3A_5, %parallel_loop3A_347] : memref<128x200xf32, #tpu.memory_space<vmem>>[vector<16xi32>, vector<16xi32>], vector<16xf32>,
      %parallel_loop3A_394 = arith.constant 0 : i32
      %parallel_loop3A_395 = arith.addi %parallel_loop3A_392, %parallel_loop3A_394 : i32
      %parallel_loop3A_396 = arith.index_cast %parallel_loop3A_395 : i32 to index
      %parallel_loop3A_397 = tpu.vector_load %arg12[%parallel_loop3A_396] {strides = array<i32>} : memref<25600xf32, #tpu.memory_space<vmem>>, vector<16xf32>,
      tpu.vector_store %arg12[%parallel_loop3A_396], %parallel_loop3A_393 {strides = array<i32>} : memref<25600xf32, #tpu.memory_space<vmem>>, vector<16xf32>,
      %parallel_loop3A_398 = tpu.vector_load_idx %arg6[%add3A_8, %parallel_loop3A_347] : memref<128x200xf32, #tpu.memory_space<vmem>>[vector<16xi32>, vector<16xi32>], vector<16xf32>,
      %parallel_loop3A_399 = arith.constant 16 : i32
      %parallel_loop3A_400 = arith.addi %parallel_loop3A_392, %parallel_loop3A_399 : i32
      %parallel_loop3A_401 = arith.index_cast %parallel_loop3A_400 : i32 to index
      %parallel_loop3A_402 = tpu.vector_load %arg12[%parallel_loop3A_401] {strides = array<i32>} : memref<25600xf32, #tpu.memory_space<vmem>>, vector<16xf32>,
      tpu.vector_store %arg12[%parallel_loop3A_401], %parallel_loop3A_398 {strides = array<i32>} : memref<25600xf32, #tpu.memory_space<vmem>>, vector<16xf32>,
      %parallel_loop3A_403 = tpu.vector_load_idx %arg6[%add3A_11, %parallel_loop3A_347] : memref<128x200xf32, #tpu.memory_space<vmem>>[vector<16xi32>, vector<16xi32>], vector<16xf32>,
      %parallel_loop3A_404 = arith.constant 32 : i32
      %parallel_loop3A_405 = arith.addi %parallel_loop3A_392, %parallel_loop3A_404 : i32
      %parallel_loop3A_406 = arith.index_cast %parallel_loop3A_405 : i32 to index
      %parallel_loop3A_407 = tpu.vector_load %arg12[%parallel_loop3A_406] {strides = array<i32>} : memref<25600xf32, #tpu.memory_space<vmem>>, vector<16xf32>,
      tpu.vector_store %arg12[%parallel_loop3A_406], %parallel_loop3A_403 {strides = array<i32>} : memref<25600xf32, #tpu.memory_space<vmem>>, vector<16xf32>,
      %parallel_loop3A_408 = tpu.vector_load_idx %arg6[%add3A_14, %parallel_loop3A_347] : memref<128x200xf32, #tpu.memory_space<vmem>>[vector<16xi32>, vector<16xi32>], vector<16xf32>,
      %parallel_loop3A_409 = arith.constant 48 : i32
      %parallel_loop3A_410 = arith.addi %parallel_loop3A_392, %parallel_loop3A_409 : i32
      %parallel_loop3A_411 = arith.index_cast %parallel_loop3A_410 : i32 to index
      %parallel_loop3A_412 = tpu.vector_load %arg12[%parallel_loop3A_411] {strides = array<i32>} : memref<25600xf32, #tpu.memory_space<vmem>>, vector<16xf32>,
      tpu.vector_store %arg12[%parallel_loop3A_411], %parallel_loop3A_408 {strides = array<i32>} : memref<25600xf32, #tpu.memory_space<vmem>>, vector<16xf32>,
      %parallel_loop3A_413 = tpu.vector_load_idx %arg6[%add3A_17, %parallel_loop3A_347] : memref<128x200xf32, #tpu.memory_space<vmem>>[vector<16xi32>, vector<16xi32>], vector<16xf32>,
      %parallel_loop3A_414 = arith.constant 64 : i32
      %parallel_loop3A_415 = arith.addi %parallel_loop3A_392, %parallel_loop3A_414 : i32
      %parallel_loop3A_416 = arith.index_cast %parallel_loop3A_415 : i32 to index
      %parallel_loop3A_417 = tpu.vector_load %arg12[%parallel_loop3A_416] {strides = array<i32>} : memref<25600xf32, #tpu.memory_space<vmem>>, vector<16xf32>,
      tpu.vector_store %arg12[%parallel_loop3A_416], %parallel_loop3A_413 {strides = array<i32>} : memref<25600xf32, #tpu.memory_space<vmem>>, vector<16xf32>,
      %parallel_loop3A_418 = tpu.vector_load_idx %arg6[%add3A_20, %parallel_loop3A_347] : memref<128x200xf32, #tpu.memory_space<vmem>>[vector<16xi32>, vector<16xi32>], vector<16xf32>,
      %parallel_loop3A_419 = arith.constant 80 : i32
      %parallel_loop3A_420 = arith.addi %parallel_loop3A_392, %parallel_loop3A_419 : i32
      %parallel_loop3A_421 = arith.index_cast %parallel_loop3A_420 : i32 to index
      %parallel_loop3A_422 = tpu.vector_load %arg12[%parallel_loop3A_421] {strides = array<i32>} : memref<25600xf32, #tpu.memory_space<vmem>>, vector<16xf32>,
      tpu.vector_store %arg12[%parallel_loop3A_421], %parallel_loop3A_418 {strides = array<i32>} : memref<25600xf32, #tpu.memory_space<vmem>>, vector<16xf32>,
      %parallel_loop3A_423 = tpu.vector_load_idx %arg6[%add3A_23, %parallel_loop3A_347] : memref<128x200xf32, #tpu.memory_space<vmem>>[vector<16xi32>, vector<16xi32>], vector<16xf32>,
      %parallel_loop3A_424 = arith.constant 96 : i32
      %parallel_loop3A_425 = arith.addi %parallel_loop3A_392, %parallel_loop3A_424 : i32
      %parallel_loop3A_426 = arith.index_cast %parallel_loop3A_425 : i32 to index
      %parallel_loop3A_427 = tpu.vector_load %arg12[%parallel_loop3A_426] {strides = array<i32>} : memref<25600xf32, #tpu.memory_space<vmem>>, vector<16xf32>,
      tpu.vector_store %arg12[%parallel_loop3A_426], %parallel_loop3A_423 {strides = array<i32>} : memref<25600xf32, #tpu.memory_space<vmem>>, vector<16xf32>,
      %parallel_loop3A_428 = tpu.vector_load_idx %arg6[%add3A_26, %parallel_loop3A_347] : memref<128x200xf32, #tpu.memory_space<vmem>>[vector<16xi32>, vector<16xi32>], vector<16xf32>,
      %parallel_loop3A_429 = arith.constant 112 : i32
      %parallel_loop3A_430 = arith.addi %parallel_loop3A_392, %parallel_loop3A_429 : i32
      %parallel_loop3A_431 = arith.index_cast %parallel_loop3A_430 : i32 to index
      %parallel_loop3A_432 = tpu.vector_load %arg12[%parallel_loop3A_431] {strides = array<i32>} : memref<25600xf32, #tpu.memory_space<vmem>>, vector<16xf32>,
      tpu.vector_store %arg12[%parallel_loop3A_431], %parallel_loop3A_428 {strides = array<i32>} : memref<25600xf32, #tpu.memory_space<vmem>>, vector<16xf32>,
    } {sc.loop_unroll_factor = 20 : i64, sc.parallel_access}
    %mul3A_286 = arith.constant 5 : i32
    %mul3A_287 = arith.muli %add3A, %mul3A_286 : i32
    %add3A_288 = arith.constant 4 : i32
    %add3A_289 = arith.addi %mul3A_287, %add3A_288 : i32
    %jit3A = arith.constant 8 : i32
    %div3A = arith.divsi %add3A_289, %jit3A : i32
    %sign3A = arith.constant 0 : i32
    %sign3A_290 = arith.cmpi sgt, %add3A_289, %sign3A : i32
    %sign3A_291 = arith.extui %sign3A_290 : i1 to i32
    %sign3A_292 = arith.constant 0 : i32
    %sign3A_293 = arith.cmpi slt, %add3A_289, %sign3A_292 : i32
    %sign3A_294 = arith.extui %sign3A_293 : i1 to i32
    %sign3A_295 = arith.subi %sign3A_291, %sign3A_294 : i32
    %sign3A_296 = arith.constant 0 : i32
    %sign3A_297 = arith.cmpi sgt, %jit3A, %sign3A_296 : i32
    %sign3A_298 = arith.extui %sign3A_297 : i1 to i32
    %sign3A_299 = arith.constant 0 : i32
    %sign3A_300 = arith.cmpi slt, %jit3A, %sign3A_299 : i32
    %sign3A_301 = arith.extui %sign3A_300 : i1 to i32
    %sign3A_302 = arith.subi %sign3A_298, %sign3A_301 : i32
    %ne3A = arith.cmpi ne, %sign3A_295, %sign3A_302 : i32
    %rem3A = arith.remsi %add3A_289, %jit3A : i32
    %ne3A_303 = arith.constant 0 : i32
    %ne3A_304 = arith.cmpi ne, %rem3A, %ne3A_303 : i32
    %and3A = arith.andi %ne3A, %ne3A_304 : i1
    %sub3A = arith.constant 1 : i32
    %sub3A_305 = arith.subi %div3A, %sub3A : i32
    %select_n3A = arith.select %and3A, %sub3A_305, %div3A : i32
    %jit3A_306 = arith.constant 8 : i32
    %eq3A = arith.constant 0 : i32
    %eq3A_307 = arith.cmpi eq, %jit3A_306, %eq3A : i32
    %jit3A_308 = arith.constant 1 : i32
    %select_n3A_309 = arith.select %eq3A_307, %jit3A_308, %jit3A_306 : i32
    %rem3A_310 = arith.remsi %add3A_289, %select_n3A_309 : i32
    %ne3A_311 = arith.constant 0 : i32
    %ne3A_312 = arith.cmpi ne, %rem3A_310, %ne3A_311 : i32
    %lt3A = arith.constant 0 : i32
    %lt3A_313 = arith.cmpi slt, %rem3A_310, %lt3A : i32
    %lt3A_314 = arith.constant 0 : i32
    %lt3A_315 = arith.cmpi slt, %select_n3A_309, %lt3A_314 : i32
    %ne3A_316 = arith.xori %lt3A_313, %lt3A_315 : i1
    %and3A_317 = arith.andi %ne3A_316, %ne3A_312 : i1
    %add3A_318 = arith.addi %rem3A_310, %select_n3A_309 : i32
    %select_n3A_319 = arith.select %and3A_317, %add3A_318, %rem3A_310 : i32
    %mul3A_320 = arith.constant 125 : i32
    %mul3A_321 = arith.muli %select_n3A, %mul3A_320 : i32
    %add3A_322 = arith.constant 100 : i32
    %add3A_323 = arith.addi %mul3A_321, %add3A_322 : i32
    %mul3A_324 = arith.constant 8 : i32
    %mul3A_325 = arith.muli %add3A_323, %mul3A_324 : i32
    %add3A_326 = arith.addi %mul3A_325, %select_n3A_319 : i32
    %mul3A_327 = arith.constant 1024 : i32
    %mul3A_328 = arith.muli %add3A_326, %mul3A_327 : i32
    %scan3A_329 = arith.constant 0 : i32
    %scan3A_330 = arith.constant 0 : i32
    %scan3A_331 = arith.constant 25 : i32
    %scan3A_332 = arith.addi %scan3A_330, %scan3A_331 : i32
    %scan3A_333 = arith.constant 1 : i32
    scf.for %scan3A_343 = %scan3A_330 to %scan3A_332 step %scan3A_333  : i32 {
      %mul3A_344 = arith.constant 1024 : i32
      %mul3A_345 = arith.muli %scan3A_343, %mul3A_344 : i32
      %mul3A_346 = arith.constant 8192 : i32
      %mul3A_347 = arith.muli %scan3A_343, %mul3A_346 : i32
      %add3A_348 = arith.addi %mul3A_328, %mul3A_347 : i32
      %dma_start3A_349 = tpu.memref_slice %arg12[%mul3A_345] : memref<25600xf32, #tpu.memory_space<vmem>> -> memref<1024xf32, #tpu.memory_space<vmem>>
      %dma_start3A_350 = tpu.memref_slice %arg4[%add3A_348] : memref<20480000xf32, #tpu.memory_space<hbm>> -> memref<1024xf32, #tpu.memory_space<hbm>>
      %dma_start3A_351 = tpu.memref_slice %arg4[%add3A_348] : memref<20480000xf32, #tpu.memory_space<hbm>> -> memref<1024xf32, #tpu.memory_space<hbm>>
      %dma_start3A_352 = tpu.memref_slice %arg12[%mul3A_345] : memref<25600xf32, #tpu.memory_space<vmem>> -> memref<1024xf32, #tpu.memory_space<vmem>>
      tpu.enqueue_dma source(%dma_start3A_352 : memref<1024xf32, #tpu.memory_space<vmem>>) target(%dma_start3A_351 : memref<1024xf32, #tpu.memory_space<hbm>>) target_semaphore(%arg17 : memref<!tpu.dma_semaphore, #tpu.memory_space<semaphore_mem>>)
    }
    %scan3A_334 = arith.constant 25 : i32
    %dma_wait3A_335 = arith.constant 0 : i32
    %dma_wait3A_336 = tpu.memref_slice %arg4[%dma_wait3A_335] : memref<20480000xf32, #tpu.memory_space<hbm>> -> memref<25600xf32, #tpu.memory_space<hbm>>
    %dma_wait3A_337 = arith.constant 0 : i32
    %dma_wait3A_338 = tpu.memref_slice %arg4[%dma_wait3A_337] : memref<20480000xf32, #tpu.memory_space<hbm>> -> memref<25600xf32, #tpu.memory_space<hbm>>
    tpu.wait_dma2 semaphore(%arg18 : memref<!tpu.dma_semaphore, #tpu.memory_space<semaphore_mem>>) src(%dma_wait3A_338 : memref<25600xf32, #tpu.memory_space<hbm>>) dst(%arg13 : memref<25600xf32, #tpu.memory_space<vmem>>)
    %dma_wait3A_339 = arith.constant 0 : i32
    %dma_wait3A_340 = tpu.memref_slice %arg4[%dma_wait3A_339] : memref<20480000xf32, #tpu.memory_space<hbm>> -> memref<25600xf32, #tpu.memory_space<hbm>>
    %dma_wait3A_341 = arith.constant 0 : i32
    %dma_wait3A_342 = tpu.memref_slice %arg4[%dma_wait3A_341] : memref<20480000xf32, #tpu.memory_space<hbm>> -> memref<25600xf32, #tpu.memory_space<hbm>>
    tpu.wait_dma2 semaphore(%arg17 : memref<!tpu.dma_semaphore, #tpu.memory_space<semaphore_mem>>) src(%dma_wait3A_342 : memref<25600xf32, #tpu.memory_space<hbm>>) dst(%arg12 : memref<25600xf32, #tpu.memory_space<vmem>>)
    return
  }
}

</mosaic_0001>

<sc_bundles>
// kernel: kernel.3.cloned.1.call-start
scs
__scs_entry_jumppad:
0x0: {  	(pc) =	sbr.rel $0x88, $3  }
0x1: {  	(tag) =	ssettag $0x0;
	lr =	simm.s32 $0x1  }
0x2: {  	[smem:$0x3F9F] =	sst lr;
	_ =	strace $0xD0000000  }
0x3: {  	_ = 	snop  }
0x4: {  	_ = 	snop  }
0x5: {  	_ = 	snop  }
0x6: {  	_ = 	snop  }
0x7: {  	_ = 	snop  }
__scs_overlays_trampoline_lowered:
0x8: {  	[smem:$0x3FAE] =	sst s0  }
0x9: {  	[smem:$0x3FAF] =	sst s1  }
0xa: {  	[smem:$0x3FB0] =	sst s2  }
0xb: {  	[smem:$0x3FB1] =	sst s3  }
0xc: {  	[smem:$0x3FB2] =	sst s4  }
0xd: {  	[smem:$0x3FB3] =	sst s5  }
0xe: {  	[smem:$0x3FB4] =	sst s6  }
0xf: {  	[smem:$0x3FB5] =	sst s7  }
0x10: {  	[smem:$0x3FB6] =	sst s8  }
0x11: {  	[smem:$0x3FB7] =	sst s9;
	s0 =	simm.s32 @!p0 $0x0  }
0x12: {  	s1 =	sld [smem:$0x3F9D];
	s0 =	simm.s32 @p0 $0x1  }
0x13: {  	[smem:$0x3FB8] =	sst s0;
	s0 =	simm.s32 @!p1 $0x0  }
0x14: {  	s2 =	sld [smem:$0x3F9C];
	s0 =	simm.s32 @p1 $0x1  }
0x15: {  	[smem:$0x3FB9] =	sst s0;
	s0 =	simm.s32 @!p2 $0x0  }
0x16: {  	s3 =	sld [smem:$0x3FDB];
	s0 =	simm.s32 @p2 $0x1  }
0x17: {  	s4 =	simm.s32 $0x1BF5;
	[smem:$0x3FBB] =	sst s0  }
0x18: {  	s0 =	sld [smem:$0x3F9E];
	_ =	swait.ge [sflag:s4], $0x0  }
0x19: {  	s7 =	sld [smem:$0x3F9F]  }
0x1a: {  	s8 =	sadd.s32 $0xFFFFE003, lr  }
0x1b: {  	s9 =	sadd.s32 $0xFFFFFEF7, lr;
	s5 =	simm.s32 $0xFFFFFFFF;
	p2 =	slt.u32 s8, $0xFFFFF086  }
0x1c: {  	p1 =	slt.u32 s9, $0xF7A;
	s5 =	simm.s32 @!p2 $0x0  }
0x1d: {  	s5 =	simm.s32 @p1 $0x1;
	p0 =	seq.s32 s7, s2  }
0x1e: {  	s7 =	smul.u32 @!p0 $0xF7A, s2;
	p2 =	seq.s32 @!p0 s5, $0x0  }
0x1f: {  	s9 =	smul.u32 $0xF7A, s1;
	s8 =	simm.s32 @!p0 $0x1BF5;
	p2 =	por !p2, p0  }
0x20: {  	[sflag:s8] =	ssyncset.s32 @!p0 $0xFFFFF086;
	s6 =	sadd.s32 @!p0 s3, s7;
	s7 =	simm.s32 @!p0 $0x108  }
0x21: {  	s3 =	sadd.s32 s3, s9;
	s6 =	sadd.s32 @!p0 $0x88, s6;
	s7 =	simm.s32 @p2 $0x1082  }
0x22: {  	[simem:s7], [sflag:s8] =	dma.local @!p0 [hbm:s6], $0xF7A  }
0x23: {  	s9 =	sor.u32 $0xD0000000, s2;
	s6 =	simm.s32 $0x108;
	_ =	swait.ge @!p0 [sflag:s8], $0x0  }
0x24: {  	s3 =	sadd.s32 $0x88, s3;
	s6 =	simm.s32 @!p1 $0x1082;
	[sflag:s4] =	ssyncset.s32 $0xFFFFF086  }
0x25: {  	[simem:s6], [sflag:s4] =	dma.local [hbm:s3], $0xF7A  }
0x26: {  	[smem:$0x3F9F] =	sst s1;
	(tag) =	ssettag s2;
	_ =	strace s9  }
0x27: {  	s1 =	sld [smem:$0x3FAF]  }
0x28: {  	s2 =	sld [smem:$0x3FB0]  }
0x29: {  	s4 =	sld [smem:$0x3FB2]  }
0x2a: {  	p0 =	seq.s32 s5, $0x0;
	s5 =	sld [smem:$0x3FB3]  }
0x2b: {  	s6 =	sld [smem:$0x3FB4]  }
0x2c: {  	s7 =	sld [smem:$0x3FB5]  }
0x2d: {  	s3 =	simm.s32 $0x108;
	s8 =	sld [smem:$0x3FB6]  }
0x2e: {  	s3 =	simm.s32 @!p0 $0x1082;
	s9 =	sld [smem:$0x3FB7]  }
0x2f: {  	lr =	sadd.s32 s0, s3;
	s0 =	sld [smem:$0x3FAE]  }
0x30: {  	s3 =	sld [smem:$0x3FB1]  }
0x31: {  	[smem:$0x3FBA] =	sst s10  }
0x32: {  	s10 =	sld [smem:$0x3FB8];
	_ =	sdelay $0x3  }
0x33: {  	p0 =	seq.s32 s10, $0x1;
	s10 =	sld [smem:$0x3FBA];
	_ =	sdelay $0x3  }
0x34: {  	[smem:$0x3FBA] =	sst s10  }
0x35: {  	s10 =	sld [smem:$0x3FB9];
	_ =	sdelay $0x3  }
0x36: {  	p1 =	seq.s32 s10, $0x1;
	s10 =	sld [smem:$0x3FBA];
	_ =	sdelay $0x3  }
0x37: {  	[smem:$0x3FBA] =	sst s10  }
0x38: {  	s10 =	sld [smem:$0x3FBB]  }
0x39: {  	_ = 	snop;
	(pc) =	sbr.ind lr, $3  }
0x3a: {  	_ = 	snop  }
0x3b: {  	_ = 	snop  }
0x3c: {  	p2 =	seq.s32 s10, $0x1;
	s10 =	sld [smem:$0x3FBA]  }
0x3d: {  	_ =	shalt  }
0x3e: {  	_ =	shalt  }
0x3f: {  	_ =	shalt  }
0x40: {  	_ =	shalt  }
0x41: {  	_ =	shalt  }
0x42: {  	_ =	shalt  }
0x43: {  	_ =	shalt  }
0x44: {  	_ =	shalt  }
0x45: {  	_ =	shalt  }
0x46: {  	_ =	shalt  }
0x47: {  	_ =	shalt  }
0x48: {  	_ =	shalt  }
0x49: {  	_ =	shalt  }
0x4a: {  	_ =	shalt  }
0x4b: {  	_ =	shalt  }
0x4c: {  	_ =	shalt  }
0x4d: {  	_ =	shalt  }
0x4e: {  	_ =	shalt  }
0x4f: {  	_ =	shalt  }
0x50: {  	_ =	shalt  }
0x51: {  	_ =	shalt  }
0x52: {  	_ =	shalt  }
0x53: {  	_ =	shalt  }
0x54: {  	_ =	shalt  }
0x55: {  	_ =	shalt  }
0x56: {  	_ =	shalt  }
0x57: {  	_ =	shalt  }
0x58: {  	_ =	shalt  }
0x59: {  	_ =	shalt  }
0x5a: {  	_ =	shalt  }
0x5b: {  	_ =	shalt  }
0x5c: {  	_ =	shalt  }
0x5d: {  	_ =	shalt  }
0x5e: {  	_ =	shalt  }
0x5f: {  	_ =	shalt  }
0x60: {  	_ =	shalt  }
0x61: {  	_ =	shalt  }
0x62: {  	_ =	shalt  }
0x63: {  	_ =	shalt  }
0x64: {  	_ =	shalt  }
0x65: {  	_ =	shalt  }
0x66: {  	_ =	shalt  }
0x67: {  	_ =	shalt  }
0x68: {  	_ =	shalt  }
0x69: {  	_ =	shalt  }
0x6a: {  	_ =	shalt  }
0x6b: {  	_ =	shalt  }
0x6c: {  	_ =	shalt  }
0x6d: {  	_ =	shalt  }
0x6e: {  	_ =	shalt  }
0x6f: {  	_ =	shalt  }
0x70: {  	_ =	shalt  }
0x71: {  	_ =	shalt  }
0x72: {  	_ =	shalt  }
0x73: {  	_ =	shalt  }
0x74: {  	_ =	shalt  }
0x75: {  	_ =	shalt  }
0x76: {  	_ =	shalt  }
0x77: {  	_ =	shalt  }
0x78: {  	_ =	shalt  }
0x79: {  	_ =	shalt  }
0x7a: {  	_ =	shalt  }
0x7b: {  	_ =	shalt  }
0x7c: {  	_ =	shalt  }
0x7d: {  	_ =	shalt  }
0x7e: {  	_ =	shalt  }
0x7f: {  	_ =	shalt  }
0x80: {  	_ =	shalt  }
0x81: {  	_ =	shalt  }
0x82: {  	_ =	shalt  }
0x83: {  	_ =	shalt  }
0x84: {  	_ =	shalt  }
0x85: {  	_ =	shalt  }
0x86: {  	_ =	shalt  }
0x87: {  	_ =	shalt  }
.Lfunc_end0:
.L_simem_size_0:
called_computation_lowered:
.L_overlay_start_0:
0x88: {  	s2 =	sld [smem:$0x3FD9]  }
0x89: {  	s3 =	sld [smem:$0x3FFE];
	_ =	sdelay $0x1  }
0x8a: {  	s1 =	srdreg.scid  }
0x8b: {  	s0 =	sand.u32 $0x1, s1  }
0x8c: {  	s17 =	sshll.u32 s0, $0xA;
	s2 =	sadd.s32 s3, s2  }
0x8d: {  	s2 =	sadd.s32 s2, s17  }
0x8e: {  	[smem:$0x3FC6] =	sst s2  }
0x8f: {  	_ = 	snop  }
0x90: {  	s2 =	sld [smem:$0x3FD0];
	(tm) =	ssettm $0x1  }
0x91: {  	s18 =	sld [smem:$0x3FFB];
	_ =	sdelay $0x3  }
0x92: {  	_ =	strace s18  }
0x93: {  	s3 =	sld [smem:$0x3FFC];
	_ =	sdelay $0x3  }
0x94: {  	_ =	strace s3  }
0x95: {  	s3 =	sld [smem:$0x3FFD];
	_ =	sdelay $0x3  }
0x96: {  	_ =	strace s3  }
0x97: {  	_ =	strace $0x8FFFFFFF  }
0x98: {  	s19 =	sld [smem:$0x3FDB];
	_ =	sdelay $0x1  }
0x99: {  	s4 =	simm.s32 $_scs_section_size  }
0x9a: {  	s5 =	simm.s32 $_size__tile_overlayer_lowered;
	s6 =	simm.s32 $_tile_overlayer_lowered  }
0x9b: {  	s22 =	simm.s32 $0x1BFF;
	s21 =	sshll.u32 s6, $0x1;
	s3 =	sadd.s32 s4, s19  }
0x9c: {  	s7 =	simm.s32 $0x0;
	s20 =	sshll.u32 s5, $0x1;
	s5 =	sadd.s32 s21, s3  }
0x9d: {  	[timem:s7], [sflag:s22] =	dma.local [hbm:s5], s20  }
0x9e: {  	_ =	swait.ge [sflag:s22], s20  }
0x9f: {  	s4 =	ssub.s32 $0x0, s20;
	[sflag:s22] =	ssyncset.done $0x0  }
0xa0: {  	[sflag:s22] =	ssyncadd.s32 s4;
	_ =	sdelay $0x1  }
0xa1: {  	s23 =	simm.s32 $0x1B8B  }
0xa2: {  	_ =	swait.ge [sflag:s23], $0x1  }
0xa3: {  	[sflag:s23] =	ssyncset.done $0x0  }
0xa4: {  	s25 =	simm.s32 $0x1B8E;
	s24 =	sld [smem:$0x3FFE];
	[sflag:s23] =	ssyncadd.s32 $0xFFFFFFFF  }
0xa5: {  	s26 =	simm.s32 $execute0_lowered;
	[smem:$0x3FD2] =	sst s25  }
0xa6: {  	s5 =	sshll.u32 s26, $0x1;
	_ =	strace $0x80000046;
	[dreg:$0x1] =	wrdreg $0xFFFFFFFF  }
0xa7: {  	s28 =	simm.s32 $_size_execute0_lowered;
	s3 =	sadd.s32 s3, s5;
	[dreg:$0x0] =	wrdreg $0x0  }
0xa8: {  	s5 =	sshll.u32 s28, $0x1;
	[dreg:$0x2] =	wrdreg s3  }
0xa9: {  	[dreg:$0x3] =	wrdreg s5  }
0xaa: {  	[dreg:$0x4] =	wrdreg $0xC0  }
0xab: {  	_ =	task [dreg:s7], $0x5FFFF  }
0xac: {  	[dreg:$0x1] =	wrdreg $0xFFFFFFFF  }
0xad: {  	[dreg:$0x0] =	wrdreg $0x60  }
0xae: {  	[dreg:$0x2] =	wrdreg s24  }
0xaf: {  	[dreg:$0x3] =	wrdreg s2  }
0xb0: {  	[dreg:$0x4] =	wrdreg $0x9  }
0xb1: {  	_ =	task.clear_ibuf [dreg:s7], $0x5FFFF;
	_ =	strace $0x90000046  }
0xb2: {  	s29 =	simm.s32 $0x9;
	_ =	strace $0x80000048  }
0xb3: {  	_ =	swait.ge [sflag:s29], $0x1  }
0xb4: {  	[sflag:s29] =	ssyncadd.s32 $0xFFFFFFFF  }
0xb5: {  	_ =	strace $0x90000048  }
0xb6: {  	_ =	sfence  }
0xb7: {  	s30 =	sld [smem:$0x0];
	_ =	sdelay $0x2  }
0xb8: {  	s31 =	sshll.u32 s1, $0xD;
	s1 =	sshrl.u32 s1, $0x2  }
0xb9: {  	s3 =	sand.u32 $0x4000, s31;
	s1 =	sadd.s32 s1, s30  }
0xba: {  	s0 =	sor.u32 s3, s0;
	s1 =	sshll.u32 s1, $0x11  }
0xbb: {  	s0 =	sor.u32 s1, s0  }
0xbc: {  	s0 =	sadd.s32 $0x8F2B, s0  }
0xbd: {  	[sflag:s0] =	ssyncadd.remote.s32 $0x1  }
0xbe: {  	_ =	sfence.sel $0xFFFF  }
0xbf: {  	[dreg:$0x0] =	wrdreg $0xFFFFFFFF;
	(pc) =	sbr.abs _section_cstart, $3  }
0xc0: {  	[dreg:$0x1] =	wrdreg $0xFFFFFFFF  }
0xc1: {  	_ =	task.clear_ibuf [dreg:s7], $0x2FFFF;
	_ =	strace $0x9FFFFFFF  }
0xc2: {  	(tm) =	ssettm $0x7FFFFFFF  }
0xc3: {  	_ =	shalt  }
tec
execute0_lowered:
.L_overlay_start_1:
0x0: {  	(tag) =	ssettag $0x1  }
0x1: {  	s0 =	srdreg.scid  }
0x2: {  	s7 =	stileid.u32;
	s1 =	rddreg [dreg:$0x0]  }
0x3: {  	s2 =	rddreg [dreg:$0x1];
	s3 =	simm.s32 $0x0;
	s25 =	simm.s32 $0x80  }
0x4: {  	s13 =	simm.s32 $0x280;
	s0 =	sand.u32 $0x1, s0;
	s4 =	smul.u32 $0xA, s7  }
0x5: {  	s15 =	simm.s32 $0x6680;
	s17 =	simm.s32 $0xCA80;
	s5 =	smul.u32 $0x5, s0  }
0x6: {  	s7 =	sshll.u32 s7, $0x1;
	[smem:$0x7FF] =	sst s3;
	s6 =	smul.u32 $0x3, s0  }
0x7: {  	s24 =	sadd.s32 $0xE00, s1;
	s29 =	sor.u32 s0, s7;
	s4 =	sadd.s32 s5, s4  }
0x8: {  	s28 =	ssub.s32 s7, s6;
	[dreg:$0x3] =	wrdreg s4;
	s4 =	sadd.s32 $0x4, s4  }
0x9: {  	s0 =	ssub.s32 $0x2, s0;
	s5 =	sadd.s32 $0x4, s28;
	s4 =	sshrl.u32 s4, $0x3  }
0xa: {  	v0 =	vlaneseq.u32;
	s30 =	sshrl.u32 s0, $0x1;
	s5 =	sand.u32 $0x7, s5;
	s4 =	smul.u32 $0xFA000, s4  }
0xb: {  	v0 =	vmul.u32 $0xC8, v0;
	s6 =	smul.u32 $0x50, s29;
	s0 =	ssub.s32 s0, s30;
	s5 =	sshll.u32 s5, $0xA  }
0xc: {  	s0 =	smax.u32 s0, $0x1;
	_ =	strace $0x80000047;
	s4 =	sor.u32 s5, s4  }
0xd: {  	v1 =	vadd.s32 $0xC80, v0;
	[dreg:$0x4] =	wrdreg s28;
	s1 =	sadd.s32 s6, s1;
	s4 =	sadd.s32 $0xC8000, s4  }
0xe: {  	v2 =	vadd.s32 $0x1900, v0;
	v3 =	vadd.s32 $0x2580, v0;
	v4 =	vadd.s32 $0x3200, v0;
	[dreg:$0x6] =	wrdreg s0;
	s1 =	sadd.s32 $0x400, s1;
	s31 =	sshrl.u32 s4, $0x3  }
0xf: {  	v5 =	vadd.s32 $0x3E80, v0;
	v6 =	vadd.s32 $0x4B00, v0;
	v7 =	vadd.s32 $0x5780, v0;
	[dreg:$0x5] =	wrdreg s1;
	s4 =	simm.s32 $0x0;
	s9 =	sadd.s32 s31, s2  }
.LBB2_1:
0x10: {  	[dreg:$0x7] =	wrdreg s4  }
0x11: {  	s0 =	rddreg [dreg:$0x5];
	s21 =	simm.s32 $0x6  }
0x12: {  	[tilespmem:s3], [sflag:$0x6] =	stream.linear.gather [hbm4b:s0+s3], $0x280, $0x38;
	[tilespmem:$0x1F800] =	vst v63  }
0x13: {  	_ =	swait.ge [sflag:s21], $0x280  }
0x14: {  	[sflag:s21] =	ssyncset.done $0x0  }
0x15: {  	[sflag:s21] =	ssyncadd.s32 $0xFFFFFD80  }
0x16: {  	v8 =	vld [tilespmem:$0x0]  }
0x17: {  	v9 =	vld [tilespmem:$0x10]  }
0x18: {  	v11 =	vld [tilespmem:$0x30]  }
0x19: {  	v10 =	vld [tilespmem:$0x20]  }
0x1a: {  	v13 =	vld [tilespmem:$0x50]  }
0x1b: {  	v12 =	vld [tilespmem:$0x40];
	v8 =	vmul.u32 $0x5, v8  }
0x1c: {  	v37 =	vld [tilespmem:$0x70];
	v9 =	vmul.u32 $0x5, v9  }
0x1d: {  	v14 =	vld [tilespmem:$0x60];
	v38 =	vmul.u32 $0x5, v11;
	[tilespmem:$0x12E80] =	vst v8  }
0x1e: {  	v8 =	vmul.u32 $0x5, v10;
	[tilespmem:$0x12E90] =	vst v9  }
0x1f: {  	v39 =	vmul.u32 $0x5, v13;
	[tilespmem:$0x12EB0] =	vst v38  }
0x20: {  	[tilespmem:$0x12EA0] =	vst v8;
	v8 =	vmul.u32 $0x5, v12  }
0x21: {  	v40 =	vmul.u32 $0x5, v37;
	[tilespmem:$0x12ED0] =	vst v39  }
0x22: {  	[tilespmem:$0x12EC0] =	vst v8;
	v8 =	vmul.u32 $0x5, v14  }
0x23: {  	[tilespmem:$0x12EF0] =	vst v40  }
0x24: {  	s22 =	simm.s32 $0x12E80;
	[tilespmem:$0x12EE0] =	vst v8  }
0x25: {  	[tilespmem:s13], [sflag:$0x1] =	stream.indirect.gather [hbm4b:s24+s25], $0xC8, s22, s25, $0xb8;
	[tilespmem:$0x1F800] =	vst v63  }
0x26: {  	v8 =	vld [tilespmem:$0x0]  }
0x27: {  	v41 =	vld [tilespmem:$0x10]  }
0x28: {  	v42 =	vld [tilespmem:$0x20]  }
0x29: {  	v43 =	vld [tilespmem:$0x30]  }
0x2a: {  	v44 =	vld [tilespmem:$0x40]  }
0x2b: {  	v45 =	vld [tilespmem:$0x50];
	v8 =	vmul.u32 $0x5, v8  }
0x2c: {  	v46 =	vld [tilespmem:$0x60];
	v9 =	vmul.u32 $0x5, v41  }
0x2d: {  	v15 =	vld [tilespmem:$0x70];
	v10 =	vmul.u32 $0x5, v42;
	v8 =	vadd.s32 $0x1, v8  }
0x2e: {  	v47 =	vmul.u32 $0x5, v43;
	[tilespmem:$0x12F00] =	vst v8;
	v8 =	vadd.s32 $0x1, v9  }
0x2f: {  	v48 =	vmul.u32 $0x5, v44;
	[tilespmem:$0x12F10] =	vst v8;
	v8 =	vadd.s32 $0x1, v10  }
0x30: {  	v49 =	vmul.u32 $0x5, v45;
	[tilespmem:$0x12F20] =	vst v8;
	v8 =	vadd.s32 $0x1, v47  }
0x31: {  	v50 =	vmul.u32 $0x5, v46;
	[tilespmem:$0x12F30] =	vst v8;
	v8 =	vadd.s32 $0x1, v48  }
0x32: {  	v51 =	vmul.u32 $0x5, v15;
	[tilespmem:$0x12F40] =	vst v8;
	v8 =	vadd.s32 $0x1, v49  }
0x33: {  	[tilespmem:$0x12F50] =	vst v8;
	v8 =	vadd.s32 $0x1, v50  }
0x34: {  	[tilespmem:$0x12F60] =	vst v8;
	v8 =	vadd.s32 $0x1, v51  }
0x35: {  	s23 =	simm.s32 $0x12F00;
	[tilespmem:$0x12F70] =	vst v8  }
0x36: {  	[tilespmem:s15], [sflag:$0x2] =	stream.indirect.gather [hbm4b:s24+s25], $0xC8, s23, s25, $0xb8;
	[tilespmem:$0x1F800] =	vst v63  }
0x37: {  	v8 =	vld [tilespmem:$0x0]  }
0x38: {  	v52 =	vld [tilespmem:$0x10]  }
0x39: {  	v53 =	vld [tilespmem:$0x20]  }
0x3a: {  	v54 =	vld [tilespmem:$0x30]  }
0x3b: {  	v55 =	vld [tilespmem:$0x40]  }
0x3c: {  	v56 =	vld [tilespmem:$0x50];
	v8 =	vmul.u32 $0x5, v8  }
0x3d: {  	v57 =	vld [tilespmem:$0x60];
	v9 =	vmul.u32 $0x5, v52  }
0x3e: {  	v58 =	vld [tilespmem:$0x70];
	v10 =	vmul.u32 $0x5, v53;
	v8 =	vadd.s32 $0x2, v8  }
0x3f: {  	v59 =	vmul.u32 $0x5, v54;
	[tilespmem:$0x12F80] =	vst v8;
	v8 =	vadd.s32 $0x2, v9  }
0x40: {  	v60 =	vmul.u32 $0x5, v55;
	[tilespmem:$0x12F90] =	vst v8;
	v8 =	vadd.s32 $0x2, v10  }
0x41: {  	v61 =	vmul.u32 $0x5, v56;
	[tilespmem:$0x12FA0] =	vst v8;
	v8 =	vadd.s32 $0x2, v59  }
0x42: {  	v62 =	vmul.u32 $0x5, v57;
	[tilespmem:$0x12FB0] =	vst v8;
	v8 =	vadd.s32 $0x2, v60  }
0x43: {  	s26 =	simm.s32 $0x12F80;
	s4 =	simm.s32 $0x19;
	v63 =	vmul.u32 $0x5, v58;
	[tilespmem:$0x12FC0] =	vst v8;
	v8 =	vadd.s32 $0x2, v61  }
0x44: {  	s5 =	simm.s32 $0x32;
	s28 =	simm.s32 $0x64;
	s29 =	simm.s32 $0x7D;
	[tilespmem:$0x12FD0] =	vst v8;
	v8 =	vadd.s32 $0x2, v62  }
0x45: {  	s30 =	simm.s32 $0x5;
	s31 =	simm.s32 $0x4;
	s1 =	simm.s32 $0x3;
	[tilespmem:$0x12FE0] =	vst v8;
	v8 =	vadd.s32 $0x2, v63  }
0x46: {  	s7 =	simm.s32 $0x1;
	s8 =	simm.s32 $0x0;
	s10 =	simm.s32 $0x0;
	[tilespmem:$0x12FF0] =	vst v8  }
0x47: {  	[tilespmem:s17], [sflag:$0x3] =	stream.indirect.gather [hbm4b:s24+s25], $0xC8, s26, s25, $0xb8;
	[tilespmem:$0x1F800] =	vst v63  }
0x48: {  	s0 =	simm.s32 $0x2;
	s23 =	simm.s32 $0x0;
	s26 =	simm.s32 $0x4B  }
.LBB2_2:
0x49: {  	s25 =	smov.u32 s24;
	s16 =	smulhi.u32 $0xCCCCCCCD, s30  }
0x4a: {  	s21 =	smov.u32 s4;
	s24 =	smov.u32 s5;
	s20 =	rddreg [dreg:$0x3]  }
0x4b: {  	s18 =	smulhi.u32 $0xCCCCCCCD, s31;
	s22 =	rddreg [dreg:$0x4];
	s4 =	sshrl.u32 s16, $0x2  }
0x4c: {  	p0 =	seq.s32 s23, $0x0;
	s16 =	smulhi.u32 $0xCCCCCCCD, s1;
	s6 =	sadd.s32 s4, s20  }
0x4d: {  	s5 =	sshrl.u32 s18, $0x2;
	s12 =	smul.u32 $0x7D, s4;
	s6 =	sshrl.u32 s6, $0x3  }
0x4e: {  	[dreg:$0x9] =	wrdreg s24;
	s11 =	sadd.s32 s5, s20;
	s6 =	smul.u32 $0x7D, s6  }
0x4f: {  	s4 =	sadd.s32 s4, s22;
	s19 =	smul.u32 $0x7D, s5;
	s11 =	sshrl.u32 s11, $0x3  }
0x50: {  	s5 =	sadd.s32 s5, s22;
	s11 =	smul.u32 $0x7D, s11;
	s6 =	sadd.s32 s6, s29  }
0x51: {  	s4 =	sand.u32 $0x7, s4;
	s5 =	sand.u32 $0x7, s5;
	s6 =	ssub.s32 s6, s12  }
0x52: {  	s4 =	sshll.u32 s4, $0xA;
	s11 =	sadd.s32 s11, s28;
	s6 =	sshll.u32 s6, $0xD  }
0x53: {  	s14 =	sor.u32 s4, s6;
	s6 =	sshrl.u32 s16, $0x2;
	s16 =	smulhi.u32 $0xCCCCCCCD, s0  }
0x54: {  	s5 =	sshll.u32 s5, $0xA;
	s4 =	ssub.s32 s11, s19;
	s18 =	sadd.s32 s6, s20  }
0x55: {  	s4 =	sshll.u32 s4, $0xD;
	s12 =	sshrl.u32 s18, $0x3;
	s16 =	sshrl.u32 s16, $0x2  }
0x56: {  	s11 =	smul.u32 $0x7D, s12;
	s18 =	sadd.s32 s16, s20;
	s12 =	sor.u32 s5, s4  }
0x57: {  	s4 =	smul.u32 $0x7D, s6;
	s6 =	sadd.s32 s6, s22;
	s19 =	sshrl.u32 s18, $0x3  }
0x58: {  	s6 =	sand.u32 $0x7, s6;
	s18 =	smulhi.u32 $0xCCCCCCCD, s7;
	s11 =	sadd.s32 s11, s26  }
0x59: {  	s5 =	smul.u32 $0x7D, s19;
	s6 =	sshll.u32 s6, $0xA;
	s4 =	ssub.s32 s11, s4  }
0x5a: {  	s19 =	smul.u32 $0x7D, s16;
	s16 =	sadd.s32 s16, s22;
	s4 =	sshll.u32 s4, $0xD  }
0x5b: {  	s11 =	sor.u32 s6, s4;
	s6 =	sadd.s32 s5, s24;
	s5 =	sshrl.u32 s18, $0x2  }
0x5c: {  	s4 =	ssub.s32 s6, s19;
	s18 =	sadd.s32 s5, s20;
	s19 =	smulhi.u32 $0xCCCCCCCD, s8  }
0x5d: {  	s16 =	sand.u32 $0x7, s16;
	s24 =	smul.u32 $0x7D, s5;
	s6 =	sshrl.u32 s18, $0x3  }
0x5e: {  	[dreg:$0x8] =	wrdreg s21;
	s16 =	sshll.u32 s16, $0xA;
	s6 =	smul.u32 $0x7D, s6  }
0x5f: {  	s5 =	sadd.s32 s5, s22;
	s4 =	sshll.u32 s4, $0xD;
	s18 =	sshrl.u32 s19, $0x2  }
0x60: {  	s5 =	sand.u32 $0x7, s5;
	s20 =	sadd.s32 s18, s20;
	s6 =	sadd.s32 s6, s21  }
0x61: {  	s19 =	sor.u32 s16, s4;
	s20 =	sshrl.u32 s20, $0x3;
	s6 =	ssub.s32 s6, s24  }
0x62: {  	s5 =	sshll.u32 s5, $0xA;
	s24 =	smul.u32 $0x7D, s20;
	s20 =	sshll.u32 s6, $0xD  }
0x63: {  	s16 =	smul.u32 $0x6, s23;
	s20 =	sor.u32 s5, s20;
	s5 =	simm.s32 $0x1  }
0x64: {  	s22 =	sadd.s32 s18, s22;
	s6 =	smul.u32 $0x7D, s18;
	_ =	swait.ge [sflag:s5], $0x6400  }
0x65: {  	s21 =	simm.s32 @!p0 $0x4;
	s24 =	sadd.s32 s24, s10;
	[sflag:s5] =	ssyncset.done $0x0  }
0x66: {  	s4 =	ssub.s32 s24, s6;
	s24 =	sand.u32 $0x7, s22;
	[sflag:s5] =	ssyncadd.s32 $0xFFFF9C00  }
0x67: {  	s4 =	sshll.u32 s4, $0xD;
	s5 =	sshll.u32 s24, $0xA;
	_ =	swait.ge @!p0 [sflag:s21], $0x6400  }
0x68: {  	s22 =	simm.s32 $0x0;
	s18 =	sor.u32 s5, s4;
	[sflag:s21] =	ssyncset.done @!p0 $0x0  }
0x69: {  	s4 =	simm.s32 $0x0;
	[sflag:s21] =	ssyncadd.s32 @!p0 $0xFFFF9C00;
	s21 =	simm.s32 $0x13500  }
.LBB2_3:
0x6a: {  	s5 =	sadd.s32 $0x1, s4;
	v9 =	vmov s4  }
0x6b: {  	v8 =	vmov s5;
	v9 =	vand.u32 $0xFC, v9  }
0x6c: {  	v8 =	vand.u32 $0xFD, v8;
	v11 =	vadd.s32 v0, v9  }
0x6d: {  	v10 =	vadd.s32 v0, v8;
	_ =	sdelay $0x3  }
0x6e: {  	v11 =	vld.idx.msk [tilespmem:v11+s13+$0x0], $0xffff  }
0x6f: {  	v13 =	vadd.s32 v1, v9;
	v10 =	vld.idx.msk [tilespmem:v10+s13+$0x0], $0xffff  }
0x70: {  	v12 =	vadd.s32 v1, v8  }
0x71: {  	s6 =	sadd.s32 $0x80, s22;
	s5 =	sand.u32 $0x7C00, s22  }
0x72: {  	s24 =	sand.u32 $0x280, s6;
	s6 =	sadd.s32 $0x13000, s5  }
0x73: {  	s5 =	sor.u32 s24, s6;
	[tilespmem:s21+$0xFFFFFB00] =	vst v11  }
0x74: {  	[tilespmem:s5+$0x0] =	vst v10;
	v11 =	vld.idx.msk [tilespmem:v13+s13+$0x0], $0xffff  }
0x75: {  	v20 =	vadd.s32 v2, v9;
	v10 =	vld.idx.msk [tilespmem:v12+s13+$0x0], $0xffff  }
0x76: {  	v19 =	vadd.s32 v2, v8;
	_ =	sdelay $0x2  }
0x77: {  	[tilespmem:s21+$0xFFFFFB10] =	vst v11  }
0x78: {  	[tilespmem:s5+$0x10] =	vst v10;
	v11 =	vld.idx.msk [tilespmem:v20+s13+$0x0], $0xffff  }
0x79: {  	v22 =	vadd.s32 v3, v9;
	v10 =	vld.idx.msk [tilespmem:v19+s13+$0x0], $0xffff  }
0x7a: {  	v21 =	vadd.s32 v3, v8;
	_ =	sdelay $0x2  }
0x7b: {  	[tilespmem:s21+$0xFFFFFB20] =	vst v11  }
0x7c: {  	[tilespmem:s5+$0x20] =	vst v10;
	v11 =	vld.idx.msk [tilespmem:v22+s13+$0x0], $0xffff  }
0x7d: {  	v24 =	vadd.s32 v4, v9;
	v10 =	vld.idx.msk [tilespmem:v21+s13+$0x0], $0xffff  }
0x7e: {  	v23 =	vadd.s32 v4, v8;
	_ =	sdelay $0x2  }
0x7f: {  	[tilespmem:s21+$0xFFFFFB30] =	vst v11  }
0x80: {  	[tilespmem:s5+$0x30] =	vst v10;
	v11 =	vld.idx.msk [tilespmem:v24+s13+$0x0], $0xffff  }
0x81: {  	v26 =	vadd.s32 v5, v9;
	v10 =	vld.idx.msk [tilespmem:v23+s13+$0x0], $0xffff  }
0x82: {  	v25 =	vadd.s32 v5, v8;
	_ =	sdelay $0x2  }
0x83: {  	[tilespmem:s21+$0xFFFFFB40] =	vst v11  }
0x84: {  	v28 =	vadd.s32 v6, v9;
	s24 =	sadd.s32 $0x2, s4;
	[tilespmem:s5+$0x40] =	vst v10;
	v11 =	vld.idx.msk [tilespmem:v26+s13+$0x0], $0xffff  }
0x85: {  	v27 =	vadd.s32 v6, v8;
	v14 =	vadd.s32 v7, v8;
	v8 =	vmov s24;
	s24 =	sadd.s32 $0x3, s4;
	v10 =	vld.idx.msk [tilespmem:v25+s13+$0x0], $0xffff  }
0x86: {  	v30 =	vmov s24;
	s24 =	sadd.s32 $0x4, s4  }
0x87: {  	v31 =	vmov s24;
	s24 =	sadd.s32 $0x5, s4  }
0x88: {  	v32 =	vmov s24  }
0x89: {  	v12 =	vand.u32 $0x1FD, v32;
	[tilespmem:s21+$0xFFFFFB50] =	vst v11  }
0x8a: {  	v19 =	vadd.s32 v0, v12;
	[tilespmem:s5+$0x50] =	vst v10;
	v13 =	vld.idx.msk [tilespmem:v28+s13+$0x0], $0xffff  }
0x8b: {  	v15 =	vadd.s32 v7, v9;
	v29 =	vld.idx.msk [tilespmem:v27+s13+$0x0], $0xffff  }
0x8c: {  	s24 =	sadd.s32 $0x6, s4;
	v10 =	vand.u32 $0x1FC, v31  }
0x8d: {  	v8 =	vand.u32 $0xFE, v8;
	v33 =	vmov s24;
	s24 =	sadd.s32 $0x7, s4;
	v18 =	vadd.s32 v0, v10  }
0x8e: {  	v16 =	vadd.s32 v0, v8;
	v34 =	vand.u32 $0x1FE, v33;
	v35 =	vmov s24  }
0x8f: {  	v20 =	vadd.s32 v0, v34;
	v19 =	vld.idx.msk [tilespmem:v19+s13+$0x0], $0xffff;
	v11 =	vand.u32 $0x1FF, v35;
	[tilespmem:s21+$0xFFFFFB60] =	vst v13  }
0x90: {  	v9 =	vand.u32 $0xFF, v30;
	v21 =	vadd.s32 v0, v11;
	[tilespmem:s5+$0x60] =	vst v29;
	v15 =	vld.idx.msk [tilespmem:v15+s13+$0x0], $0xffff  }
0x91: {  	v17 =	vadd.s32 v0, v9;
	v14 =	vld.idx.msk [tilespmem:v14+s13+$0x0], $0xffff  }
0x92: {  	v37 =	vadd.s32 v1, v12;
	v18 =	vld.idx.msk [tilespmem:v18+s13+$0x0], $0xffff  }
0x93: {  	v16 =	vld.idx.msk [tilespmem:v16+s13+$0x0], $0xffff;
	v36 =	vadd.s32 v1, v10  }
0x94: {  	v20 =	vld.idx.msk [tilespmem:v20+s13+$0x0], $0xffff;
	v22 =	vadd.s32 v1, v8;
	[tilespmem:s21+$0xFFFFFD80] =	vst v19  }
0x95: {  	s24 =	sadd.s32 $0x100, s22;
	v38 =	vadd.s32 v1, v34;
	v21 =	vld.idx.msk [tilespmem:v21+s13+$0x0], $0xffff;
	[tilespmem:s21+$0xFFFFFB70] =	vst v15  }
0x96: {  	v17 =	vld.idx.msk [tilespmem:v17+s13+$0x0], $0xffff;
	v39 =	vadd.s32 v1, v11;
	[tilespmem:s5+$0x70] =	vst v14;
	s5 =	sand.u32 $0x300, s24  }
0x97: {  	v23 =	vadd.s32 v1, v9;
	[tilespmem:s21+$0xFFFFFD00] =	vst v18;
	v15 =	vld.idx.msk [tilespmem:v37+s13+$0x0], $0xffff;
	s5 =	sor.u32 s5, s6  }
0x98: {  	v43 =	vadd.s32 v2, v12;
	s24 =	sadd.s32 $0x180, s22;
	v14 =	vld.idx.msk [tilespmem:v36+s13+$0x0], $0xffff;
	[tilespmem:s5+$0x0] =	vst v16  }
0x99: {  	[tilespmem:s21+$0xFFFFFE00] =	vst v20;
	v42 =	vadd.s32 v2, v10;
	s24 =	sand.u32 $0x380, s24;
	v22 =	vld.idx.msk [tilespmem:v22+s13+$0x0], $0xffff  }
0x9a: {  	v40 =	vadd.s32 v2, v8;
	[tilespmem:s21+$0xFFFFFE80] =	vst v21;
	s6 =	sor.u32 s24, s6;
	v16 =	vld.idx.msk [tilespmem:v38+s13+$0x0], $0xffff  }
0x9b: {  	v44 =	vadd.s32 v2, v34;
	[tilespmem:s6+$0x0] =	vst v17;
	v17 =	vld.idx.msk [tilespmem:v39+s13+$0x0], $0xffff  }
0x9c: {  	v45 =	vadd.s32 v2, v11;
	v23 =	vld.idx.msk [tilespmem:v23+s13+$0x0], $0xffff;
	[tilespmem:s21+$0xFFFFFD90] =	vst v15  }
0x9d: {  	v41 =	vadd.s32 v2, v9;
	[tilespmem:s21+$0xFFFFFD10] =	vst v14;
	v21 =	vld.idx.msk [tilespmem:v43+s13+$0x0], $0xffff  }
0x9e: {  	v49 =	vadd.s32 v3, v12;
	v20 =	vld.idx.msk [tilespmem:v42+s13+$0x0], $0xffff;
	[tilespmem:s5+$0x10] =	vst v22  }
0x9f: {  	v48 =	vadd.s32 v3, v10;
	[tilespmem:s21+$0xFFFFFE10] =	vst v16;
	v18 =	vld.idx.msk [tilespmem:v40+s13+$0x0], $0xffff  }
0xa0: {  	v46 =	vadd.s32 v3, v8;
	[tilespmem:s21+$0xFFFFFE90] =	vst v17;
	v22 =	vld.idx.msk [tilespmem:v44+s13+$0x0], $0xffff  }
0xa1: {  	v50 =	vadd.s32 v3, v34;
	[tilespmem:s6+$0x10] =	vst v23;
	v23 =	vld.idx.msk [tilespmem:v45+s13+$0x0], $0xffff  }
0xa2: {  	v51 =	vadd.s32 v3, v11;
	v19 =	vld.idx.msk [tilespmem:v41+s13+$0x0], $0xffff;
	[tilespmem:s21+$0xFFFFFDA0] =	vst v21  }
0xa3: {  	v47 =	vadd.s32 v3, v9;
	[tilespmem:s21+$0xFFFFFD20] =	vst v20;
	v17 =	vld.idx.msk [tilespmem:v49+s13+$0x0], $0xffff  }
0xa4: {  	v55 =	vadd.s32 v4, v12;
	v16 =	vld.idx.msk [tilespmem:v48+s13+$0x0], $0xffff;
	[tilespmem:s5+$0x20] =	vst v18  }
0xa5: {  	v54 =	vadd.s32 v4, v10;
	[tilespmem:s21+$0xFFFFFE20] =	vst v22;
	v14 =	vld.idx.msk [tilespmem:v46+s13+$0x0], $0xffff  }
0xa6: {  	v52 =	vadd.s32 v4, v8;
	[tilespmem:s21+$0xFFFFFEA0] =	vst v23;
	v18 =	vld.idx.msk [tilespmem:v50+s13+$0x0], $0xffff  }
0xa7: {  	v56 =	vadd.s32 v4, v34;
	[tilespmem:s6+$0x20] =	vst v19;
	v19 =	vld.idx.msk [tilespmem:v51+s13+$0x0], $0xffff  }
0xa8: {  	v57 =	vadd.s32 v4, v11;
	v15 =	vld.idx.msk [tilespmem:v47+s13+$0x0], $0xffff;
	[tilespmem:s21+$0xFFFFFDB0] =	vst v17  }
0xa9: {  	v53 =	vadd.s32 v4, v9;
	[tilespmem:s21+$0xFFFFFD30] =	vst v16;
	v23 =	vld.idx.msk [tilespmem:v55+s13+$0x0], $0xffff  }
0xaa: {  	v61 =	vadd.s32 v5, v12;
	v22 =	vld.idx.msk [tilespmem:v54+s13+$0x0], $0xffff;
	[tilespmem:s5+$0x30] =	vst v14  }
0xab: {  	v60 =	vadd.s32 v5, v10;
	[tilespmem:s21+$0xFFFFFE30] =	vst v18;
	v20 =	vld.idx.msk [tilespmem:v52+s13+$0x0], $0xffff  }
0xac: {  	v58 =	vadd.s32 v5, v8;
	[tilespmem:s21+$0xFFFFFEB0] =	vst v19;
	v14 =	vld.idx.msk [tilespmem:v56+s13+$0x0], $0xffff  }
0xad: {  	v62 =	vadd.s32 v5, v34;
	[tilespmem:s6+$0x30] =	vst v15;
	v15 =	vld.idx.msk [tilespmem:v57+s13+$0x0], $0xffff  }
0xae: {  	v63 =	vadd.s32 v5, v11;
	v21 =	vld.idx.msk [tilespmem:v53+s13+$0x0], $0xffff;
	[tilespmem:s21+$0xFFFFFDC0] =	vst v23  }
0xaf: {  	v59 =	vadd.s32 v5, v9;
	[tilespmem:s21+$0xFFFFFD40] =	vst v22;
	v19 =	vld.idx.msk [tilespmem:v61+s13+$0x0], $0xffff  }
0xb0: {  	v27 =	vadd.s32 v6, v12;
	v18 =	vld.idx.msk [tilespmem:v60+s13+$0x0], $0xffff;
	[tilespmem:s5+$0x40] =	vst v20  }
0xb1: {  	v26 =	vadd.s32 v6, v10;
	[tilespmem:s21+$0xFFFFFE40] =	vst v14;
	v16 =	vld.idx.msk [tilespmem:v58+s13+$0x0], $0xffff  }
0xb2: {  	v24 =	vadd.s32 v6, v8;
	[tilespmem:s21+$0xFFFFFEC0] =	vst v15;
	v20 =	vld.idx.msk [tilespmem:v62+s13+$0x0], $0xffff  }
0xb3: {  	v28 =	vadd.s32 v6, v34;
	[tilespmem:s6+$0x40] =	vst v21;
	v21 =	vld.idx.msk [tilespmem:v63+s13+$0x0], $0xffff  }
0xb4: {  	v29 =	vadd.s32 v6, v11;
	s24 =	sadd.s32 $0x8, s4;
	v17 =	vld.idx.msk [tilespmem:v59+s13+$0x0], $0xffff;
	[tilespmem:s21+$0xFFFFFDD0] =	vst v19  }
0xb5: {  	v25 =	vadd.s32 v6, v9;
	v30 =	vmov s24;
	s24 =	sadd.s32 $0x9, s4;
	[tilespmem:s21+$0xFFFFFD50] =	vst v18;
	v15 =	vld.idx.msk [tilespmem:v27+s13+$0x0], $0xffff  }
0xb6: {  	v12 =	vadd.s32 v7, v12;
	v33 =	vmov s24;
	s24 =	sadd.s32 $0xA, s4;
	v14 =	vld.idx.msk [tilespmem:v26+s13+$0x0], $0xffff;
	[tilespmem:s5+$0x50] =	vst v16  }
0xb7: {  	v10 =	vadd.s32 v7, v10;
	v36 =	vmov s24;
	s24 =	sadd.s32 $0xB, s4;
	[tilespmem:s21+$0xFFFFFE50] =	vst v20;
	v22 =	vld.idx.msk [tilespmem:v24+s13+$0x0], $0xffff  }
0xb8: {  	v8 =	vadd.s32 v7, v8;
	v39 =	vmov s24;
	v16 =	vld.idx.msk [tilespmem:v28+s13+$0x0], $0xffff;
	[tilespmem:s21+$0xFFFFFED0] =	vst v21  }
0xb9: {  	v32 =	vadd.s32 v7, v11;
	v13 =	vadd.s32 v7, v34;
	v11 =	vand.u32 $0x1FF, v39;
	[tilespmem:s6+$0x50] =	vst v17;
	v17 =	vld.idx.msk [tilespmem:v29+s13+$0x0], $0xffff  }
0xba: {  	v44 =	vadd.s32 v0, v11;
	v23 =	vld.idx.msk [tilespmem:v25+s13+$0x0], $0xffff;
	[tilespmem:s21+$0xFFFFFDE0] =	vst v15  }
0xbb: {  	[tilespmem:s21+$0xFFFFFD60] =	vst v14;
	v40 =	vld.idx.msk [tilespmem:v12+s13+$0x0], $0xffff  }
0xbc: {  	v9 =	vadd.s32 v7, v9;
	s24 =	sadd.s32 $0xC, s4;
	v37 =	vld.idx.msk [tilespmem:v10+s13+$0x0], $0xffff;
	v10 =	vand.u32 $0x1FE, v36;
	[tilespmem:s5+$0x60] =	vst v22  }
0xbd: {  	v42 =	vmov s24;
	[tilespmem:s21+$0xFFFFFE60] =	vst v16;
	v41 =	vadd.s32 v0, v10;
	v31 =	vld.idx.msk [tilespmem:v8+s13+$0x0], $0xffff;
	v8 =	vand.u32 $0x1FC, v30  }
0xbe: {  	s24 =	sadd.s32 $0xD, s4;
	v43 =	vld.idx.msk [tilespmem:v13+s13+$0x0], $0xffff;
	v13 =	vand.u32 $0x1FC, v42;
	v35 =	vadd.s32 v0, v8  }
0xbf: {  	v45 =	vmov s24;
	[tilespmem:s21+$0xFFFFFEE0] =	vst v17;
	v17 =	vld.idx.msk [tilespmem:v44+s13+$0x0], $0xffff;
	v47 =	vadd.s32 v0, v13  }
0xc0: {  	v52 =	vadd.s32 v1, v11;
	v12 =	vand.u32 $0x1FD, v45;
	[tilespmem:s6+$0x60] =	vst v23  }
0xc1: {  	v48 =	vadd.s32 v0, v12;
	v34 =	vld.idx.msk [tilespmem:v9+s13+$0x0], $0xffff;
	v9 =	vand.u32 $0x1FD, v33;
	[tilespmem:s21+$0xFFFFFDF0] =	vst v40  }
0xc2: {  	v38 =	vadd.s32 v0, v9;
	[tilespmem:s21+$0xFFFFFD70] =	vst v37;
	v16 =	vld.idx.msk [tilespmem:v41+s13+$0x0], $0xffff  }
0xc3: {  	v51 =	vadd.s32 v1, v10;
	[tilespmem:s21+$0xFFFFFE70] =	vst v43;
	v14 =	vld.idx.msk [tilespmem:v35+s13+$0x0], $0xffff  }
0xc4: {  	v49 =	vadd.s32 v1, v8;
	[tilespmem:s21+$0x80] =	vst v17;
	v20 =	vld.idx.msk [tilespmem:v47+s13+$0x0], $0xffff  }
0xc5: {  	s24 =	sadd.s32 $0x400, s22;
	v53 =	vadd.s32 v1, v13;
	[tilespmem:s5+$0x70] =	vst v31;
	v19 =	vld.idx.msk [tilespmem:v52+s13+$0x0], $0xffff  }
0xc6: {  	v58 =	vadd.s32 v2, v11;
	v18 =	vld.idx.msk [tilespmem:v48+s13+$0x0], $0xffff;
	s5 =	sand.u32 $0x200, s22;
	[tilespmem:s6+$0x70] =	vst v34;
	s6 =	sand.u32 $0xFC00, s24  }
0xc7: {  	v54 =	vadd.s32 v1, v12;
	v15 =	vld.idx.msk [tilespmem:v38+s13+$0x0], $0xffff;
	s6 =	sor.u32 s5, s6;
	[tilespmem:s21+$0x0] =	vst v16  }
0xc8: {  	v50 =	vadd.s32 v1, v9;
	v23 =	vld.idx.msk [tilespmem:v51+s13+$0x0], $0xffff;
	[tilespmem:s6+$0x13000] =	vst v14  }
0xc9: {  	v57 =	vadd.s32 v2, v10;
	[tilespmem:s21+$0x100] =	vst v20;
	v21 =	vld.idx.msk [tilespmem:v49+s13+$0x0], $0xffff  }
0xca: {  	v55 =	vadd.s32 v2, v8;
	[tilespmem:s21+$0x90] =	vst v19;
	v14 =	vld.idx.msk [tilespmem:v53+s13+$0x0], $0xffff  }
0xcb: {  	v59 =	vadd.s32 v2, v13;
	[tilespmem:s21+$0x180] =	vst v18;
	v18 =	vld.idx.msk [tilespmem:v58+s13+$0x0], $0xffff  }
0xcc: {  	v24 =	vadd.s32 v3, v11;
	[tilespmem:s21+$0xFFFFFF80] =	vst v15;
	v15 =	vld.idx.msk [tilespmem:v54+s13+$0x0], $0xffff  }
0xcd: {  	v60 =	vadd.s32 v2, v12;
	s6 =	sadd.s32 $0x13000, s6;
	v22 =	vld.idx.msk [tilespmem:v50+s13+$0x0], $0xffff;
	[tilespmem:s21+$0x10] =	vst v23  }
0xce: {  	v56 =	vadd.s32 v2, v9;
	v20 =	vld.idx.msk [tilespmem:v57+s13+$0x0], $0xffff;
	[tilespmem:s6+$0x10] =	vst v21  }
0xcf: {  	v63 =	vadd.s32 v3, v10;
	[tilespmem:s21+$0x110] =	vst v14;
	v16 =	vld.idx.msk [tilespmem:v55+s13+$0x0], $0xffff  }
0xd0: {  	v61 =	vadd.s32 v3, v8;
	[tilespmem:s21+$0xA0] =	vst v18;
	v21 =	vld.idx.msk [tilespmem:v59+s13+$0x0], $0xffff  }
0xd1: {  	v25 =	vadd.s32 v3, v13;
	[tilespmem:s21+$0x190] =	vst v15;
	v15 =	vld.idx.msk [tilespmem:v24+s13+$0x0], $0xffff  }
0xd2: {  	v30 =	vadd.s32 v4, v11;
	[tilespmem:s21+$0xFFFFFF90] =	vst v22;
	v22 =	vld.idx.msk [tilespmem:v60+s13+$0x0], $0xffff  }
0xd3: {  	v26 =	vadd.s32 v3, v12;
	v17 =	vld.idx.msk [tilespmem:v56+s13+$0x0], $0xffff;
	[tilespmem:s21+$0x20] =	vst v20  }
0xd4: {  	v62 =	vadd.s32 v3, v9;
	v14 =	vld.idx.msk [tilespmem:v63+s13+$0x0], $0xffff;
	[tilespmem:s6+$0x20] =	vst v16  }
0xd5: {  	[tilespmem:s21+$0x120] =	vst v21;
	v23 =	vld.idx.msk [tilespmem:v61+s13+$0x0], $0xffff  }
0xd6: {  	v27 =	vadd.s32 v4, v8;
	[tilespmem:s21+$0xB0] =	vst v15;
	v16 =	vld.idx.msk [tilespmem:v25+s13+$0x0], $0xffff  }
0xd7: {  	v29 =	vadd.s32 v4, v10;
	[tilespmem:s21+$0x1A0] =	vst v22;
	v22 =	vld.idx.msk [tilespmem:v30+s13+$0x0], $0xffff  }
0xd8: {  	v31 =	vadd.s32 v4, v13;
	[tilespmem:s21+$0xFFFFFFA0] =	vst v17;
	v17 =	vld.idx.msk [tilespmem:v26+s13+$0x0], $0xffff  }
0xd9: {  	v36 =	vadd.s32 v5, v11;
	v19 =	vld.idx.msk [tilespmem:v62+s13+$0x0], $0xffff;
	[tilespmem:s21+$0x30] =	vst v14  }
0xda: {  	v46 =	vld.idx.msk [tilespmem:v32+s13+$0x0], $0xffff;
	v28 =	vadd.s32 v4, v9;
	[tilespmem:s6+$0x30] =	vst v23  }
0xdb: {  	v32 =	vadd.s32 v4, v12;
	[tilespmem:s21+$0x130] =	vst v16;
	v20 =	vld.idx.msk [tilespmem:v27+s13+$0x0], $0xffff  }
0xdc: {  	v33 =	vadd.s32 v5, v8;
	v21 =	vld.idx.msk [tilespmem:v29+s13+$0x0], $0xffff;
	[tilespmem:s21+$0xC0] =	vst v22  }
0xdd: {  	v35 =	vadd.s32 v5, v10;
	[tilespmem:s21+$0x1B0] =	vst v17;
	v23 =	vld.idx.msk [tilespmem:v31+s13+$0x0], $0xffff  }
0xde: {  	v37 =	vadd.s32 v5, v13;
	v17 =	vld.idx.msk [tilespmem:v36+s13+$0x0], $0xffff;
	[tilespmem:s21+$0xFFFFFFB0] =	vst v19  }
0xdf: {  	v42 =	vadd.s32 v6, v11;
	[tilespmem:s21+$0xFFFFFEF0] =	vst v46;
	v18 =	vld.idx.msk [tilespmem:v28+s13+$0x0], $0xffff  }
0xe0: {  	v34 =	vadd.s32 v5, v9;
	v19 =	vld.idx.msk [tilespmem:v32+s13+$0x0], $0xffff;
	[tilespmem:s6+$0x40] =	vst v20  }
0xe1: {  	v38 =	vadd.s32 v5, v12;
	[tilespmem:s21+$0x40] =	vst v21;
	v14 =	vld.idx.msk [tilespmem:v33+s13+$0x0], $0xffff  }
0xe2: {  	v39 =	vadd.s32 v6, v8;
	v16 =	vld.idx.msk [tilespmem:v35+s13+$0x0], $0xffff;
	[tilespmem:s21+$0x140] =	vst v23  }
0xe3: {  	v41 =	vadd.s32 v6, v10;
	[tilespmem:s21+$0xD0] =	vst v17;
	v20 =	vld.idx.msk [tilespmem:v37+s13+$0x0], $0xffff  }
0xe4: {  	v43 =	vadd.s32 v6, v13;
	v17 =	vld.idx.msk [tilespmem:v42+s13+$0x0], $0xffff;
	[tilespmem:s21+$0xFFFFFFC0] =	vst v18  }
0xe5: {  	v11 =	vadd.s32 v7, v11;
	s24 =	sadd.s32 $0xE, s4;
	[tilespmem:s21+$0x1C0] =	vst v19;
	v15 =	vld.idx.msk [tilespmem:v34+s13+$0x0], $0xffff  }
0xe6: {  	v40 =	vadd.s32 v6, v9;
	v45 =	vmov s24;
	s24 =	sadd.s32 $0xF, s4;
	v18 =	vld.idx.msk [tilespmem:v38+s13+$0x0], $0xffff;
	[tilespmem:s6+$0x50] =	vst v14  }
0xe7: {  	v44 =	vadd.s32 v6, v12;
	v47 =	vmov s24;
	s24 =	sadd.s32 $0x11, s4;
	[tilespmem:s21+$0x50] =	vst v16;
	v21 =	vld.idx.msk [tilespmem:v39+s13+$0x0], $0xffff  }
0xe8: {  	v8 =	vadd.s32 v7, v8;
	v50 =	vmov s24;
	s24 =	sadd.s32 $0x12, s4;
	v16 =	vld.idx.msk [tilespmem:v41+s13+$0x0], $0xffff;
	[tilespmem:s21+$0x150] =	vst v20  }
0xe9: {  	v10 =	vadd.s32 v7, v10;
	v53 =	vmov s24;
	[tilespmem:s21+$0xE0] =	vst v17;
	v14 =	vld.idx.msk [tilespmem:v43+s13+$0x0], $0xffff  }
0xea: {  	v13 =	vadd.s32 v7, v13;
	v54 =	vld.idx.msk [tilespmem:v11+s13+$0x0], $0xffff;
	v11 =	vand.u32 $0x1FE, v53;
	[tilespmem:s21+$0xFFFFFFD0] =	vst v15  }
0xeb: {  	[tilespmem:s21+$0x1D0] =	vst v18;
	v24 =	vadd.s32 v0, v11;
	v22 =	vld.idx.msk [tilespmem:v40+s13+$0x0], $0xffff  }
0xec: {  	v9 =	vadd.s32 v7, v9;
	v15 =	vld.idx.msk [tilespmem:v44+s13+$0x0], $0xffff;
	[tilespmem:s6+$0x60] =	vst v21  }
0xed: {  	v12 =	vadd.s32 v7, v12;
	[tilespmem:s21+$0x60] =	vst v16;
	v46 =	vld.idx.msk [tilespmem:v8+s13+$0x0], $0xffff;
	v8 =	vand.u32 $0x1FE, v45  }
0xee: {  	s24 =	sadd.s32 $0x13, s4;
	v51 =	vld.idx.msk [tilespmem:v10+s13+$0x0], $0xffff;
	[tilespmem:s21+$0x160] =	vst v14;
	v49 =	vadd.s32 v0, v8  }
0xef: {  	v55 =	vmov s24;
	v10 =	vand.u32 $0x1FD, v50;
	v57 =	vld.idx.msk [tilespmem:v13+s13+$0x0], $0xffff  }
0xf0: {  	s24 =	sadd.s32 $0x10, s4;
	v56 =	vadd.s32 v0, v10;
	v13 =	vand.u32 $0x1FF, v55;
	v27 =	vld.idx.msk [tilespmem:v24+s13+$0x0], $0xffff;
	[tilespmem:s21+$0xFFFFFFE0] =	vst v22  }
0xf1: {  	v58 =	vmov s24;
	[tilespmem:s21+$0x1E0] =	vst v15;
	v60 =	vadd.s32 v0, v13;
	v48 =	vld.idx.msk [tilespmem:v9+s13+$0x0], $0xffff;
	v9 =	vand.u32 $0x1FF, v47  }
0xf2: {  	[tilespmem:s21+$0xF0] =	vst v54;
	v59 =	vld.idx.msk [tilespmem:v12+s13+$0x0], $0xffff;
	v12 =	vand.u32 $0x1FC, v58;
	v52 =	vadd.s32 v0, v9  }
0xf3: {  	v61 =	vadd.s32 v0, v12;
	[tilespmem:s21+$0x70] =	vst v51;
	v16 =	vld.idx.msk [tilespmem:v49+s13+$0x0], $0xffff  }
0xf4: {  	v62 =	vadd.s32 v1, v8;
	[tilespmem:s21+$0x170] =	vst v57  }
0xf5: {  	v28 =	vadd.s32 v1, v11;
	v25 =	vld.idx.msk [tilespmem:v56+s13+$0x0], $0xffff;
	[tilespmem:s21+$0x400] =	vst v27  }
0xf6: {  	v26 =	vadd.s32 v1, v10;
	[tilespmem:s6+$0x70] =	vst v46;
	v15 =	vld.idx.msk [tilespmem:v60+s13+$0x0], $0xffff  }
0xf7: {  	v30 =	vadd.s32 v1, v13;
	[tilespmem:s21+$0x1F0] =	vst v59;
	v17 =	vld.idx.msk [tilespmem:v52+s13+$0x0], $0xffff  }
0xf8: {  	v63 =	vadd.s32 v1, v9;
	v29 =	vld.idx.msk [tilespmem:v61+s13+$0x0], $0xffff;
	[tilespmem:s21+$0x200] =	vst v16  }
0xf9: {  	v31 =	vadd.s32 v1, v12;
	[tilespmem:s21+$0xFFFFFFF0] =	vst v48;
	v20 =	vld.idx.msk [tilespmem:v62+s13+$0x0], $0xffff  }
0xfa: {  	s24 =	sadd.s32 $0x800, s22;
	v32 =	vadd.s32 v2, v8;
	v14 =	vld.idx.msk [tilespmem:v28+s13+$0x0], $0xffff;
	[tilespmem:s21+$0x380] =	vst v25  }
0xfb: {  	v35 =	vadd.s32 v2, v11;
	s6 =	sand.u32 $0xFC00, s24;
	v18 =	vld.idx.msk [tilespmem:v26+s13+$0x0], $0xffff;
	[tilespmem:s21+$0x480] =	vst v15  }
0xfc: {  	v34 =	vadd.s32 v2, v10;
	s5 =	sor.u32 s5, s6;
	v19 =	vld.idx.msk [tilespmem:v30+s13+$0x0], $0xffff;
	[tilespmem:s21+$0x280] =	vst v17  }
0xfd: {  	v36 =	vadd.s32 v2, v13;
	[tilespmem:s5+$0x13000] =	vst v29;
	v21 =	vld.idx.msk [tilespmem:v63+s13+$0x0], $0xffff  }
0xfe: {  	v33 =	vadd.s32 v2, v9;
	v17 =	vld.idx.msk [tilespmem:v31+s13+$0x0], $0xffff;
	[tilespmem:s21+$0x210] =	vst v20  }
0xff: {  	v37 =	vadd.s32 v2, v12;
	[tilespmem:s21+$0x410] =	vst v14;
	v22 =	vld.idx.msk [tilespmem:v32+s13+$0x0], $0xffff  }
0x100: {  	v38 =	vadd.s32 v3, v8;
	v16 =	vld.idx.msk [tilespmem:v35+s13+$0x0], $0xffff;
	[tilespmem:s21+$0x390] =	vst v18  }
0x101: {  	v41 =	vadd.s32 v3, v11;
	v15 =	vld.idx.msk [tilespmem:v34+s13+$0x0], $0xffff;
	[tilespmem:s21+$0x490] =	vst v19  }
0x102: {  	v40 =	vadd.s32 v3, v10;
	s5 =	sadd.s32 $0x13000, s5;
	v20 =	vld.idx.msk [tilespmem:v36+s13+$0x0], $0xffff;
	[tilespmem:s21+$0x290] =	vst v21  }
0x103: {  	v42 =	vadd.s32 v3, v13;
	[tilespmem:s5+$0x10] =	vst v17;
	v23 =	vld.idx.msk [tilespmem:v33+s13+$0x0], $0xffff  }
0x104: {  	v39 =	vadd.s32 v3, v9;
	v21 =	vld.idx.msk [tilespmem:v37+s13+$0x0], $0xffff;
	[tilespmem:s21+$0x220] =	vst v22  }
0x105: {  	v43 =	vadd.s32 v3, v12;
	[tilespmem:s21+$0x420] =	vst v16;
	v18 =	vld.idx.msk [tilespmem:v38+s13+$0x0], $0xffff  }
0x106: {  	v44 =	vadd.s32 v4, v8;
	v17 =	vld.idx.msk [tilespmem:v41+s13+$0x0], $0xffff;
	[tilespmem:s21+$0x3A0] =	vst v15  }
0x107: {  	v47 =	vadd.s32 v4, v11;
	v19 =	vld.idx.msk [tilespmem:v40+s13+$0x0], $0xffff;
	[tilespmem:s21+$0x4A0] =	vst v20  }
0x108: {  	v46 =	vadd.s32 v4, v10;
	v22 =	vld.idx.msk [tilespmem:v42+s13+$0x0], $0xffff;
	[tilespmem:s21+$0x2A0] =	vst v23  }
0x109: {  	v49 =	vadd.s32 v4, v13;
	[tilespmem:s5+$0x20] =	vst v21;
	v14 =	vld.idx.msk [tilespmem:v39+s13+$0x0], $0xffff  }
0x10a: {  	v45 =	vadd.s32 v4, v9;
	v48 =	vld.idx.msk [tilespmem:v43+s13+$0x0], $0xffff;
	[tilespmem:s21+$0x230] =	vst v18  }
0x10b: {  	v50 =	vadd.s32 v4, v12;
	[tilespmem:s21+$0x430] =	vst v17;
	v15 =	vld.idx.msk [tilespmem:v44+s13+$0x0], $0xffff  }
0x10c: {  	v51 =	vadd.s32 v5, v8;
	v21 =	vld.idx.msk [tilespmem:v47+s13+$0x0], $0xffff;
	[tilespmem:s21+$0x3B0] =	vst v19  }
0x10d: {  	v54 =	vadd.s32 v5, v11;
	v20 =	vld.idx.msk [tilespmem:v46+s13+$0x0], $0xffff;
	[tilespmem:s21+$0x4B0] =	vst v22  }
0x10e: {  	v53 =	vadd.s32 v5, v10;
	v23 =	vld.idx.msk [tilespmem:v49+s13+$0x0], $0xffff;
	[tilespmem:s21+$0x2B0] =	vst v14  }
0x10f: {  	v55 =	vadd.s32 v5, v13;
	[tilespmem:s5+$0x30] =	vst v48;
	v16 =	vld.idx.msk [tilespmem:v45+s13+$0x0], $0xffff  }
0x110: {  	v52 =	vadd.s32 v5, v9;
	v14 =	vld.idx.msk [tilespmem:v50+s13+$0x0], $0xffff;
	[tilespmem:s21+$0x240] =	vst v15  }
0x111: {  	v56 =	vadd.s32 v5, v12;
	[tilespmem:s21+$0x440] =	vst v21;
	v19 =	vld.idx.msk [tilespmem:v51+s13+$0x0], $0xffff  }
0x112: {  	v57 =	vadd.s32 v6, v8;
	v18 =	vld.idx.msk [tilespmem:v54+s13+$0x0], $0xffff;
	[tilespmem:s21+$0x3C0] =	vst v20  }
0x113: {  	v60 =	vadd.s32 v6, v11;
	v22 =	vld.idx.msk [tilespmem:v53+s13+$0x0], $0xffff;
	[tilespmem:s21+$0x4C0] =	vst v23  }
0x114: {  	v59 =	vadd.s32 v6, v10;
	v15 =	vld.idx.msk [tilespmem:v55+s13+$0x0], $0xffff;
	[tilespmem:s21+$0x2C0] =	vst v16  }
0x115: {  	v61 =	vadd.s32 v6, v13;
	[tilespmem:s5+$0x40] =	vst v14;
	v17 =	vld.idx.msk [tilespmem:v52+s13+$0x0], $0xffff  }
0x116: {  	v58 =	vadd.s32 v6, v9;
	v16 =	vld.idx.msk [tilespmem:v56+s13+$0x0], $0xffff;
	[tilespmem:s21+$0x250] =	vst v19  }
0x117: {  	v62 =	vadd.s32 v6, v12;
	[tilespmem:s21+$0x450] =	vst v18;
	v20 =	vld.idx.msk [tilespmem:v57+s13+$0x0], $0xffff  }
0x118: {  	v8 =	vadd.s32 v7, v8;
	v14 =	vld.idx.msk [tilespmem:v60+s13+$0x0], $0xffff;
	[tilespmem:s21+$0x3D0] =	vst v22  }
0x119: {  	v11 =	vadd.s32 v7, v11;
	v63 =	vld.idx.msk [tilespmem:v59+s13+$0x0], $0xffff;
	[tilespmem:s21+$0x4D0] =	vst v15  }
0x11a: {  	v10 =	vadd.s32 v7, v10;
	v15 =	vld.idx.msk [tilespmem:v61+s13+$0x0], $0xffff;
	[tilespmem:s21+$0x2D0] =	vst v17  }
0x11b: {  	v13 =	vadd.s32 v7, v13;
	[tilespmem:s5+$0x50] =	vst v16;
	v21 =	vld.idx.msk [tilespmem:v58+s13+$0x0], $0xffff  }
0x11c: {  	v9 =	vadd.s32 v7, v9;
	v16 =	vld.idx.msk [tilespmem:v62+s13+$0x0], $0xffff;
	[tilespmem:s21+$0x260] =	vst v20  }
0x11d: {  	v12 =	vadd.s32 v7, v12;
	[tilespmem:s21+$0x460] =	vst v14;
	v8 =	vld.idx.msk [tilespmem:v8+s13+$0x0], $0xffff  }
0x11e: {  	v11 =	vld.idx.msk [tilespmem:v11+s13+$0x0], $0xffff;
	[tilespmem:s21+$0x3E0] =	vst v63  }
0x11f: {  	v10 =	vld.idx.msk [tilespmem:v10+s13+$0x0], $0xffff;
	[tilespmem:s21+$0x4E0] =	vst v15  }
0x120: {  	v13 =	vld.idx.msk [tilespmem:v13+s13+$0x0], $0xffff;
	[tilespmem:s21+$0x2E0] =	vst v21  }
0x121: {  	[tilespmem:s5+$0x60] =	vst v16;
	v9 =	vld.idx.msk [tilespmem:v9+s13+$0x0], $0xffff  }
0x122: {  	p1 =	slt.u32 s4, $0xB4;
	[tilespmem:s21+$0x270] =	vst v8;
	v8 =	vld.idx.msk [tilespmem:v12+s13+$0x0], $0xffff  }
.Ltmp0:
0x123: {  	[tilespmem:s21+$0x470] =	vst v11;
	(pc) =	sbr.rel @p1 .LBB2_3-.Ltmp0, $4  }
0x124: {  	[tilespmem:s21+$0x3F0] =	vst v10  }
0x125: {  	[tilespmem:s21+$0x4F0] =	vst v13  }
0x126: {  	[tilespmem:s21+$0x2F0] =	vst v9  }
0x127: {  	s4 =	sadd.s32 $0x14, s4;
	s22 =	sadd.s32 $0xA00, s22;
	s21 =	sadd.s32 $0xA00, s21;
	[tilespmem:s5+$0x70] =	vst v8  }
0x128: {  	s4 =	sadd.s32 $0x3, s16  }
0x129: {  	s5 =	smulhi.u32 $0xCCCCCCCD, s4;
	_ =	sdelay $0x1  }
0x12a: {  	s6 =	sshll.u32 s5, $0x5  }
0x12b: {  	s6 =	sand.u32 $0x3FFFFF80, s6  }
0x12c: {  	v8 =	vld [tilespmem:s6+$0x0];
	_ =	sdelay $0x2  }
0x12d: {  	s5 =	sshrl.u32 s5, $0x2  }
0x12e: {  	s5 =	smul.u32 $0x5, s5  }
0x12f: {  	v8 =	vmul.u32 $0x5, v8  }
0x130: {  	s4 =	ssub.s32 s4, s5  }
0x131: {  	v8 =	vadd.s32 s4, v8  }
0x132: {  	[tilespmem:$0x12E80] =	vst v8  }
0x133: {  	v8 =	vld [tilespmem:s6+$0x10];
	_ =	sdelay $0x4  }
0x134: {  	v8 =	vmul.u32 $0x5, v8;
	_ =	sdelay $0x1  }
0x135: {  	v8 =	vadd.s32 s4, v8  }
0x136: {  	[tilespmem:$0x12E90] =	vst v8  }
0x137: {  	v8 =	vld [tilespmem:s6+$0x20];
	_ =	sdelay $0x4  }
0x138: {  	v8 =	vmul.u32 $0x5, v8;
	_ =	sdelay $0x1  }
0x139: {  	v8 =	vadd.s32 s4, v8  }
0x13a: {  	[tilespmem:$0x12EA0] =	vst v8  }
0x13b: {  	v8 =	vld [tilespmem:s6+$0x30];
	_ =	sdelay $0x4  }
0x13c: {  	v8 =	vmul.u32 $0x5, v8;
	_ =	sdelay $0x1  }
0x13d: {  	v8 =	vadd.s32 s4, v8  }
0x13e: {  	[tilespmem:$0x12EB0] =	vst v8  }
0x13f: {  	v8 =	vld [tilespmem:s6+$0x40];
	_ =	sdelay $0x4  }
0x140: {  	v8 =	vmul.u32 $0x5, v8;
	_ =	sdelay $0x1  }
0x141: {  	v8 =	vadd.s32 s4, v8  }
0x142: {  	[tilespmem:$0x12EC0] =	vst v8  }
0x143: {  	v8 =	vld [tilespmem:s6+$0x50];
	_ =	sdelay $0x4  }
0x144: {  	v8 =	vmul.u32 $0x5, v8;
	_ =	sdelay $0x1  }
0x145: {  	v8 =	vadd.s32 s4, v8  }
0x146: {  	[tilespmem:$0x12ED0] =	vst v8  }
0x147: {  	v8 =	vld [tilespmem:s6+$0x60];
	_ =	sdelay $0x4  }
0x148: {  	v8 =	vmul.u32 $0x5, v8;
	_ =	sdelay $0x1  }
0x149: {  	v8 =	vadd.s32 s4, v8  }
0x14a: {  	[tilespmem:$0x12EE0] =	vst v8  }
0x14b: {  	v8 =	vld [tilespmem:s6+$0x70];
	_ =	sdelay $0x4  }
0x14c: {  	v8 =	vmul.u32 $0x5, v8;
	_ =	sdelay $0x1  }
0x14d: {  	s24 =	smov.u32 s25;
	v8 =	vadd.s32 s4, v8  }
0x14e: {  	s25 =	simm.s32 $0x80;
	s21 =	sshrl.u32 s18, $0x3;
	s6 =	simm.s32 $0x12E80;
	[tilespmem:$0x12EF0] =	vst v8  }
0x14f: {  	[tilespmem:s13], [sflag:$0x1] =	stream.indirect.gather [hbm4b:s24+s25], $0xC8, s6, s25, $0xb8;
	[tilespmem:$0x1F800] =	vst v63  }
0x150: {  	s22 =	simm.s32 $0x13000;
	s4 =	sadd.s32 s2, s21  }
0x151: {  	[hbm4b:s4+s3] =	stream.linear.scatter [tilespmem:s22], [sflag:$0x4], $0x400, $0x38;
	[tilespmem:$0x1F800] =	vst v63  }
0x152: {  	s4 =	simm.s32 $0x1000  }
.LBB2_5:
0x153: {  	p1 =	sne.s32 s4, $0x18000  }
.Ltmp1:
0x154: {  	_ = 	snop;
	(pc) =	sbr.rel @p1 .LBB2_5-.Ltmp1, $4  }
0x155: {  	s18 =	sadd.s32 $0x2000, s18  }
0x156: {  	s5 =	sshra.s32 s4, $0x2;
	s6 =	sshrl.u32 s18, $0x3  }
0x157: {  	s4 =	sadd.s32 $0x1000, s4;
	s5 =	sadd.s32 $0x13000, s5;
	s6 =	sadd.s32 s2, s6  }
0x158: {  	[hbm4b:s6+s3] =	stream.linear.scatter [tilespmem:s5], [sflag:$0x4], $0x400, $0x38;
	[tilespmem:$0x1F800] =	vst v63  }
0x159: {  	s4 =	simm.s32 $0x2  }
0x15a: {  	_ =	swait.ge [sflag:s4], $0x6400  }
0x15b: {  	[sflag:s4] =	ssyncset.done $0x0  }
0x15c: {  	[sflag:s4] =	ssyncadd.s32 $0xFFFF9C00;
	s4 =	simm.s32 @!p0 $0x5  }
0x15d: {  	_ =	swait.ge @!p0 [sflag:s4], $0x6400  }
0x15e: {  	s18 =	simm.s32 $0x0;
	[sflag:s4] =	ssyncset.done @!p0 $0x0  }
0x15f: {  	s21 =	simm.s32 $0x19900;
	[sflag:s4] =	ssyncadd.s32 @!p0 $0xFFFF9C00;
	s4 =	simm.s32 $0x0  }
.LBB2_7:
0x160: {  	s5 =	sadd.s32 $0x1, s4;
	v9 =	vmov s4  }
0x161: {  	v8 =	vmov s5;
	v9 =	vand.u32 $0xFC, v9  }
0x162: {  	v8 =	vand.u32 $0xFD, v8;
	v11 =	vadd.s32 v0, v9  }
0x163: {  	v10 =	vadd.s32 v0, v8;
	_ =	sdelay $0x3  }
0x164: {  	v11 =	vld.idx.msk [tilespmem:v11+s15+$0x0], $0xffff  }
0x165: {  	v13 =	vadd.s32 v1, v9;
	v10 =	vld.idx.msk [tilespmem:v10+s15+$0x0], $0xffff  }
0x166: {  	v12 =	vadd.s32 v1, v8  }
0x167: {  	s6 =	sadd.s32 $0x80, s18;
	s5 =	sand.u32 $0x7C00, s18  }
0x168: {  	s22 =	sand.u32 $0x280, s6;
	s6 =	sadd.s32 $0x19400, s5  }
0x169: {  	s5 =	sor.u32 s22, s6;
	[tilespmem:s21+$0xFFFFFB00] =	vst v11  }
0x16a: {  	[tilespmem:s5+$0x0] =	vst v10;
	v11 =	vld.idx.msk [tilespmem:v13+s15+$0x0], $0xffff  }
0x16b: {  	v20 =	vadd.s32 v2, v9;
	v10 =	vld.idx.msk [tilespmem:v12+s15+$0x0], $0xffff  }
0x16c: {  	v19 =	vadd.s32 v2, v8;
	_ =	sdelay $0x2  }
0x16d: {  	[tilespmem:s21+$0xFFFFFB10] =	vst v11  }
0x16e: {  	[tilespmem:s5+$0x10] =	vst v10;
	v11 =	vld.idx.msk [tilespmem:v20+s15+$0x0], $0xffff  }
0x16f: {  	v22 =	vadd.s32 v3, v9;
	v10 =	vld.idx.msk [tilespmem:v19+s15+$0x0], $0xffff  }
0x170: {  	v21 =	vadd.s32 v3, v8;
	_ =	sdelay $0x2  }
0x171: {  	[tilespmem:s21+$0xFFFFFB20] =	vst v11  }
0x172: {  	[tilespmem:s5+$0x20] =	vst v10;
	v11 =	vld.idx.msk [tilespmem:v22+s15+$0x0], $0xffff  }
0x173: {  	v24 =	vadd.s32 v4, v9;
	v10 =	vld.idx.msk [tilespmem:v21+s15+$0x0], $0xffff  }
0x174: {  	v23 =	vadd.s32 v4, v8;
	_ =	sdelay $0x2  }
0x175: {  	[tilespmem:s21+$0xFFFFFB30] =	vst v11  }
0x176: {  	[tilespmem:s5+$0x30] =	vst v10;
	v11 =	vld.idx.msk [tilespmem:v24+s15+$0x0], $0xffff  }
0x177: {  	v26 =	vadd.s32 v5, v9;
	v10 =	vld.idx.msk [tilespmem:v23+s15+$0x0], $0xffff  }
0x178: {  	v25 =	vadd.s32 v5, v8;
	_ =	sdelay $0x2  }
0x179: {  	[tilespmem:s21+$0xFFFFFB40] =	vst v11  }
0x17a: {  	v28 =	vadd.s32 v6, v9;
	s22 =	sadd.s32 $0x2, s4;
	[tilespmem:s5+$0x40] =	vst v10;
	v11 =	vld.idx.msk [tilespmem:v26+s15+$0x0], $0xffff  }
0x17b: {  	v27 =	vadd.s32 v6, v8;
	v14 =	vadd.s32 v7, v8;
	v8 =	vmov s22;
	s22 =	sadd.s32 $0x3, s4;
	v10 =	vld.idx.msk [tilespmem:v25+s15+$0x0], $0xffff  }
0x17c: {  	v30 =	vmov s22;
	s22 =	sadd.s32 $0x4, s4  }
0x17d: {  	v31 =	vmov s22;
	s22 =	sadd.s32 $0x5, s4  }
0x17e: {  	v32 =	vmov s22  }
0x17f: {  	v12 =	vand.u32 $0x1FD, v32;
	[tilespmem:s21+$0xFFFFFB50] =	vst v11  }
0x180: {  	v19 =	vadd.s32 v0, v12;
	[tilespmem:s5+$0x50] =	vst v10;
	v13 =	vld.idx.msk [tilespmem:v28+s15+$0x0], $0xffff  }
0x181: {  	v15 =	vadd.s32 v7, v9;
	v29 =	vld.idx.msk [tilespmem:v27+s15+$0x0], $0xffff  }
0x182: {  	s22 =	sadd.s32 $0x6, s4;
	v10 =	vand.u32 $0x1FC, v31  }
0x183: {  	v8 =	vand.u32 $0xFE, v8;
	v33 =	vmov s22;
	s22 =	sadd.s32 $0x7, s4;
	v18 =	vadd.s32 v0, v10  }
0x184: {  	v16 =	vadd.s32 v0, v8;
	v34 =	vand.u32 $0x1FE, v33;
	v35 =	vmov s22  }
0x185: {  	v20 =	vadd.s32 v0, v34;
	v19 =	vld.idx.msk [tilespmem:v19+s15+$0x0], $0xffff;
	v11 =	vand.u32 $0x1FF, v35;
	[tilespmem:s21+$0xFFFFFB60] =	vst v13  }
0x186: {  	v9 =	vand.u32 $0xFF, v30;
	v21 =	vadd.s32 v0, v11;
	[tilespmem:s5+$0x60] =	vst v29;
	v15 =	vld.idx.msk [tilespmem:v15+s15+$0x0], $0xffff  }
0x187: {  	v17 =	vadd.s32 v0, v9;
	v14 =	vld.idx.msk [tilespmem:v14+s15+$0x0], $0xffff  }
0x188: {  	v37 =	vadd.s32 v1, v12;
	v18 =	vld.idx.msk [tilespmem:v18+s15+$0x0], $0xffff  }
0x189: {  	v16 =	vld.idx.msk [tilespmem:v16+s15+$0x0], $0xffff;
	v36 =	vadd.s32 v1, v10  }
0x18a: {  	v20 =	vld.idx.msk [tilespmem:v20+s15+$0x0], $0xffff;
	v22 =	vadd.s32 v1, v8;
	[tilespmem:s21+$0xFFFFFD80] =	vst v19  }
0x18b: {  	s22 =	sadd.s32 $0x100, s18;
	v38 =	vadd.s32 v1, v34;
	v21 =	vld.idx.msk [tilespmem:v21+s15+$0x0], $0xffff;
	[tilespmem:s21+$0xFFFFFB70] =	vst v15  }
0x18c: {  	v17 =	vld.idx.msk [tilespmem:v17+s15+$0x0], $0xffff;
	v39 =	vadd.s32 v1, v11;
	[tilespmem:s5+$0x70] =	vst v14;
	s5 =	sand.u32 $0x300, s22  }
0x18d: {  	v23 =	vadd.s32 v1, v9;
	[tilespmem:s21+$0xFFFFFD00] =	vst v18;
	v15 =	vld.idx.msk [tilespmem:v37+s15+$0x0], $0xffff;
	s5 =	sor.u32 s5, s6  }
0x18e: {  	v43 =	vadd.s32 v2, v12;
	s22 =	sadd.s32 $0x180, s18;
	v14 =	vld.idx.msk [tilespmem:v36+s15+$0x0], $0xffff;
	[tilespmem:s5+$0x0] =	vst v16  }
0x18f: {  	[tilespmem:s21+$0xFFFFFE00] =	vst v20;
	v42 =	vadd.s32 v2, v10;
	s22 =	sand.u32 $0x380, s22;
	v22 =	vld.idx.msk [tilespmem:v22+s15+$0x0], $0xffff  }
0x190: {  	v40 =	vadd.s32 v2, v8;
	[tilespmem:s21+$0xFFFFFE80] =	vst v21;
	s6 =	sor.u32 s22, s6;
	v16 =	vld.idx.msk [tilespmem:v38+s15+$0x0], $0xffff  }
0x191: {  	v44 =	vadd.s32 v2, v34;
	[tilespmem:s6+$0x0] =	vst v17;
	v17 =	vld.idx.msk [tilespmem:v39+s15+$0x0], $0xffff  }
0x192: {  	v45 =	vadd.s32 v2, v11;
	v23 =	vld.idx.msk [tilespmem:v23+s15+$0x0], $0xffff;
	[tilespmem:s21+$0xFFFFFD90] =	vst v15  }
0x193: {  	v41 =	vadd.s32 v2, v9;
	[tilespmem:s21+$0xFFFFFD10] =	vst v14;
	v21 =	vld.idx.msk [tilespmem:v43+s15+$0x0], $0xffff  }
0x194: {  	v49 =	vadd.s32 v3, v12;
	v20 =	vld.idx.msk [tilespmem:v42+s15+$0x0], $0xffff;
	[tilespmem:s5+$0x10] =	vst v22  }
0x195: {  	v48 =	vadd.s32 v3, v10;
	[tilespmem:s21+$0xFFFFFE10] =	vst v16;
	v18 =	vld.idx.msk [tilespmem:v40+s15+$0x0], $0xffff  }
0x196: {  	v46 =	vadd.s32 v3, v8;
	[tilespmem:s21+$0xFFFFFE90] =	vst v17;
	v22 =	vld.idx.msk [tilespmem:v44+s15+$0x0], $0xffff  }
0x197: {  	v50 =	vadd.s32 v3, v34;
	[tilespmem:s6+$0x10] =	vst v23;
	v23 =	vld.idx.msk [tilespmem:v45+s15+$0x0], $0xffff  }
0x198: {  	v51 =	vadd.s32 v3, v11;
	v19 =	vld.idx.msk [tilespmem:v41+s15+$0x0], $0xffff;
	[tilespmem:s21+$0xFFFFFDA0] =	vst v21  }
0x199: {  	v47 =	vadd.s32 v3, v9;
	[tilespmem:s21+$0xFFFFFD20] =	vst v20;
	v17 =	vld.idx.msk [tilespmem:v49+s15+$0x0], $0xffff  }
0x19a: {  	v55 =	vadd.s32 v4, v12;
	v16 =	vld.idx.msk [tilespmem:v48+s15+$0x0], $0xffff;
	[tilespmem:s5+$0x20] =	vst v18  }
0x19b: {  	v54 =	vadd.s32 v4, v10;
	[tilespmem:s21+$0xFFFFFE20] =	vst v22;
	v14 =	vld.idx.msk [tilespmem:v46+s15+$0x0], $0xffff  }
0x19c: {  	v52 =	vadd.s32 v4, v8;
	[tilespmem:s21+$0xFFFFFEA0] =	vst v23;
	v18 =	vld.idx.msk [tilespmem:v50+s15+$0x0], $0xffff  }
0x19d: {  	v56 =	vadd.s32 v4, v34;
	[tilespmem:s6+$0x20] =	vst v19;
	v19 =	vld.idx.msk [tilespmem:v51+s15+$0x0], $0xffff  }
0x19e: {  	v57 =	vadd.s32 v4, v11;
	v15 =	vld.idx.msk [tilespmem:v47+s15+$0x0], $0xffff;
	[tilespmem:s21+$0xFFFFFDB0] =	vst v17  }
0x19f: {  	v53 =	vadd.s32 v4, v9;
	[tilespmem:s21+$0xFFFFFD30] =	vst v16;
	v23 =	vld.idx.msk [tilespmem:v55+s15+$0x0], $0xffff  }
0x1a0: {  	v61 =	vadd.s32 v5, v12;
	v22 =	vld.idx.msk [tilespmem:v54+s15+$0x0], $0xffff;
	[tilespmem:s5+$0x30] =	vst v14  }
0x1a1: {  	v60 =	vadd.s32 v5, v10;
	[tilespmem:s21+$0xFFFFFE30] =	vst v18;
	v20 =	vld.idx.msk [tilespmem:v52+s15+$0x0], $0xffff  }
0x1a2: {  	v58 =	vadd.s32 v5, v8;
	[tilespmem:s21+$0xFFFFFEB0] =	vst v19;
	v14 =	vld.idx.msk [tilespmem:v56+s15+$0x0], $0xffff  }
0x1a3: {  	v62 =	vadd.s32 v5, v34;
	[tilespmem:s6+$0x30] =	vst v15;
	v15 =	vld.idx.msk [tilespmem:v57+s15+$0x0], $0xffff  }
0x1a4: {  	v63 =	vadd.s32 v5, v11;
	v21 =	vld.idx.msk [tilespmem:v53+s15+$0x0], $0xffff;
	[tilespmem:s21+$0xFFFFFDC0] =	vst v23  }
0x1a5: {  	v59 =	vadd.s32 v5, v9;
	[tilespmem:s21+$0xFFFFFD40] =	vst v22;
	v19 =	vld.idx.msk [tilespmem:v61+s15+$0x0], $0xffff  }
0x1a6: {  	v27 =	vadd.s32 v6, v12;
	v18 =	vld.idx.msk [tilespmem:v60+s15+$0x0], $0xffff;
	[tilespmem:s5+$0x40] =	vst v20  }
0x1a7: {  	v26 =	vadd.s32 v6, v10;
	[tilespmem:s21+$0xFFFFFE40] =	vst v14;
	v16 =	vld.idx.msk [tilespmem:v58+s15+$0x0], $0xffff  }
0x1a8: {  	v24 =	vadd.s32 v6, v8;
	[tilespmem:s21+$0xFFFFFEC0] =	vst v15;
	v20 =	vld.idx.msk [tilespmem:v62+s15+$0x0], $0xffff  }
0x1a9: {  	v28 =	vadd.s32 v6, v34;
	[tilespmem:s6+$0x40] =	vst v21;
	v21 =	vld.idx.msk [tilespmem:v63+s15+$0x0], $0xffff  }
0x1aa: {  	v29 =	vadd.s32 v6, v11;
	s22 =	sadd.s32 $0x8, s4;
	v17 =	vld.idx.msk [tilespmem:v59+s15+$0x0], $0xffff;
	[tilespmem:s21+$0xFFFFFDD0] =	vst v19  }
0x1ab: {  	v25 =	vadd.s32 v6, v9;
	v30 =	vmov s22;
	s22 =	sadd.s32 $0x9, s4;
	[tilespmem:s21+$0xFFFFFD50] =	vst v18;
	v15 =	vld.idx.msk [tilespmem:v27+s15+$0x0], $0xffff  }
0x1ac: {  	v12 =	vadd.s32 v7, v12;
	v33 =	vmov s22;
	s22 =	sadd.s32 $0xA, s4;
	v14 =	vld.idx.msk [tilespmem:v26+s15+$0x0], $0xffff;
	[tilespmem:s5+$0x50] =	vst v16  }
0x1ad: {  	v10 =	vadd.s32 v7, v10;
	v36 =	vmov s22;
	s22 =	sadd.s32 $0xB, s4;
	[tilespmem:s21+$0xFFFFFE50] =	vst v20;
	v22 =	vld.idx.msk [tilespmem:v24+s15+$0x0], $0xffff  }
0x1ae: {  	v8 =	vadd.s32 v7, v8;
	v39 =	vmov s22;
	v16 =	vld.idx.msk [tilespmem:v28+s15+$0x0], $0xffff;
	[tilespmem:s21+$0xFFFFFED0] =	vst v21  }
0x1af: {  	v32 =	vadd.s32 v7, v11;
	v13 =	vadd.s32 v7, v34;
	v11 =	vand.u32 $0x1FF, v39;
	[tilespmem:s6+$0x50] =	vst v17;
	v17 =	vld.idx.msk [tilespmem:v29+s15+$0x0], $0xffff  }
0x1b0: {  	v44 =	vadd.s32 v0, v11;
	v23 =	vld.idx.msk [tilespmem:v25+s15+$0x0], $0xffff;
	[tilespmem:s21+$0xFFFFFDE0] =	vst v15  }
0x1b1: {  	[tilespmem:s21+$0xFFFFFD60] =	vst v14;
	v40 =	vld.idx.msk [tilespmem:v12+s15+$0x0], $0xffff  }
0x1b2: {  	v9 =	vadd.s32 v7, v9;
	s22 =	sadd.s32 $0xC, s4;
	v37 =	vld.idx.msk [tilespmem:v10+s15+$0x0], $0xffff;
	v10 =	vand.u32 $0x1FE, v36;
	[tilespmem:s5+$0x60] =	vst v22  }
0x1b3: {  	v42 =	vmov s22;
	[tilespmem:s21+$0xFFFFFE60] =	vst v16;
	v41 =	vadd.s32 v0, v10;
	v31 =	vld.idx.msk [tilespmem:v8+s15+$0x0], $0xffff;
	v8 =	vand.u32 $0x1FC, v30  }
0x1b4: {  	s22 =	sadd.s32 $0xD, s4;
	v43 =	vld.idx.msk [tilespmem:v13+s15+$0x0], $0xffff;
	v13 =	vand.u32 $0x1FC, v42;
	v35 =	vadd.s32 v0, v8  }
0x1b5: {  	v45 =	vmov s22;
	[tilespmem:s21+$0xFFFFFEE0] =	vst v17;
	v17 =	vld.idx.msk [tilespmem:v44+s15+$0x0], $0xffff;
	v47 =	vadd.s32 v0, v13  }
0x1b6: {  	v52 =	vadd.s32 v1, v11;
	v12 =	vand.u32 $0x1FD, v45;
	[tilespmem:s6+$0x60] =	vst v23  }
0x1b7: {  	v48 =	vadd.s32 v0, v12;
	v34 =	vld.idx.msk [tilespmem:v9+s15+$0x0], $0xffff;
	v9 =	vand.u32 $0x1FD, v33;
	[tilespmem:s21+$0xFFFFFDF0] =	vst v40  }
0x1b8: {  	v38 =	vadd.s32 v0, v9;
	[tilespmem:s21+$0xFFFFFD70] =	vst v37;
	v16 =	vld.idx.msk [tilespmem:v41+s15+$0x0], $0xffff  }
0x1b9: {  	v51 =	vadd.s32 v1, v10;
	[tilespmem:s21+$0xFFFFFE70] =	vst v43;
	v14 =	vld.idx.msk [tilespmem:v35+s15+$0x0], $0xffff  }
0x1ba: {  	v49 =	vadd.s32 v1, v8;
	[tilespmem:s21+$0x80] =	vst v17;
	v20 =	vld.idx.msk [tilespmem:v47+s15+$0x0], $0xffff  }
0x1bb: {  	s22 =	sadd.s32 $0x400, s18;
	v53 =	vadd.s32 v1, v13;
	[tilespmem:s5+$0x70] =	vst v31;
	v19 =	vld.idx.msk [tilespmem:v52+s15+$0x0], $0xffff  }
0x1bc: {  	v58 =	vadd.s32 v2, v11;
	v18 =	vld.idx.msk [tilespmem:v48+s15+$0x0], $0xffff;
	s5 =	sand.u32 $0x200, s18;
	[tilespmem:s6+$0x70] =	vst v34;
	s6 =	sand.u32 $0xFC00, s22  }
0x1bd: {  	v54 =	vadd.s32 v1, v12;
	v15 =	vld.idx.msk [tilespmem:v38+s15+$0x0], $0xffff;
	s6 =	sor.u32 s5, s6;
	[tilespmem:s21+$0x0] =	vst v16  }
0x1be: {  	v50 =	vadd.s32 v1, v9;
	v23 =	vld.idx.msk [tilespmem:v51+s15+$0x0], $0xffff;
	[tilespmem:s6+$0x19400] =	vst v14  }
0x1bf: {  	v57 =	vadd.s32 v2, v10;
	[tilespmem:s21+$0x100] =	vst v20;
	v21 =	vld.idx.msk [tilespmem:v49+s15+$0x0], $0xffff  }
0x1c0: {  	v55 =	vadd.s32 v2, v8;
	[tilespmem:s21+$0x90] =	vst v19;
	v14 =	vld.idx.msk [tilespmem:v53+s15+$0x0], $0xffff  }
0x1c1: {  	v59 =	vadd.s32 v2, v13;
	[tilespmem:s21+$0x180] =	vst v18;
	v18 =	vld.idx.msk [tilespmem:v58+s15+$0x0], $0xffff  }
0x1c2: {  	v24 =	vadd.s32 v3, v11;
	[tilespmem:s21+$0xFFFFFF80] =	vst v15;
	v15 =	vld.idx.msk [tilespmem:v54+s15+$0x0], $0xffff  }
0x1c3: {  	v60 =	vadd.s32 v2, v12;
	s6 =	sadd.s32 $0x19400, s6;
	v22 =	vld.idx.msk [tilespmem:v50+s15+$0x0], $0xffff;
	[tilespmem:s21+$0x10] =	vst v23  }
0x1c4: {  	v56 =	vadd.s32 v2, v9;
	v20 =	vld.idx.msk [tilespmem:v57+s15+$0x0], $0xffff;
	[tilespmem:s6+$0x10] =	vst v21  }
0x1c5: {  	v63 =	vadd.s32 v3, v10;
	[tilespmem:s21+$0x110] =	vst v14;
	v16 =	vld.idx.msk [tilespmem:v55+s15+$0x0], $0xffff  }
0x1c6: {  	v61 =	vadd.s32 v3, v8;
	[tilespmem:s21+$0xA0] =	vst v18;
	v21 =	vld.idx.msk [tilespmem:v59+s15+$0x0], $0xffff  }
0x1c7: {  	v25 =	vadd.s32 v3, v13;
	[tilespmem:s21+$0x190] =	vst v15;
	v15 =	vld.idx.msk [tilespmem:v24+s15+$0x0], $0xffff  }
0x1c8: {  	v30 =	vadd.s32 v4, v11;
	[tilespmem:s21+$0xFFFFFF90] =	vst v22;
	v22 =	vld.idx.msk [tilespmem:v60+s15+$0x0], $0xffff  }
0x1c9: {  	v26 =	vadd.s32 v3, v12;
	v17 =	vld.idx.msk [tilespmem:v56+s15+$0x0], $0xffff;
	[tilespmem:s21+$0x20] =	vst v20  }
0x1ca: {  	v62 =	vadd.s32 v3, v9;
	v14 =	vld.idx.msk [tilespmem:v63+s15+$0x0], $0xffff;
	[tilespmem:s6+$0x20] =	vst v16  }
0x1cb: {  	[tilespmem:s21+$0x120] =	vst v21;
	v23 =	vld.idx.msk [tilespmem:v61+s15+$0x0], $0xffff  }
0x1cc: {  	v27 =	vadd.s32 v4, v8;
	[tilespmem:s21+$0xB0] =	vst v15;
	v16 =	vld.idx.msk [tilespmem:v25+s15+$0x0], $0xffff  }
0x1cd: {  	v29 =	vadd.s32 v4, v10;
	[tilespmem:s21+$0x1A0] =	vst v22;
	v22 =	vld.idx.msk [tilespmem:v30+s15+$0x0], $0xffff  }
0x1ce: {  	v31 =	vadd.s32 v4, v13;
	[tilespmem:s21+$0xFFFFFFA0] =	vst v17;
	v17 =	vld.idx.msk [tilespmem:v26+s15+$0x0], $0xffff  }
0x1cf: {  	v36 =	vadd.s32 v5, v11;
	v19 =	vld.idx.msk [tilespmem:v62+s15+$0x0], $0xffff;
	[tilespmem:s21+$0x30] =	vst v14  }
0x1d0: {  	v46 =	vld.idx.msk [tilespmem:v32+s15+$0x0], $0xffff;
	v28 =	vadd.s32 v4, v9;
	[tilespmem:s6+$0x30] =	vst v23  }
0x1d1: {  	v32 =	vadd.s32 v4, v12;
	[tilespmem:s21+$0x130] =	vst v16;
	v20 =	vld.idx.msk [tilespmem:v27+s15+$0x0], $0xffff  }
0x1d2: {  	v33 =	vadd.s32 v5, v8;
	v21 =	vld.idx.msk [tilespmem:v29+s15+$0x0], $0xffff;
	[tilespmem:s21+$0xC0] =	vst v22  }
0x1d3: {  	v35 =	vadd.s32 v5, v10;
	[tilespmem:s21+$0x1B0] =	vst v17;
	v23 =	vld.idx.msk [tilespmem:v31+s15+$0x0], $0xffff  }
0x1d4: {  	v37 =	vadd.s32 v5, v13;
	v17 =	vld.idx.msk [tilespmem:v36+s15+$0x0], $0xffff;
	[tilespmem:s21+$0xFFFFFFB0] =	vst v19  }
0x1d5: {  	v42 =	vadd.s32 v6, v11;
	[tilespmem:s21+$0xFFFFFEF0] =	vst v46;
	v18 =	vld.idx.msk [tilespmem:v28+s15+$0x0], $0xffff  }
0x1d6: {  	v34 =	vadd.s32 v5, v9;
	v19 =	vld.idx.msk [tilespmem:v32+s15+$0x0], $0xffff;
	[tilespmem:s6+$0x40] =	vst v20  }
0x1d7: {  	v38 =	vadd.s32 v5, v12;
	[tilespmem:s21+$0x40] =	vst v21;
	v14 =	vld.idx.msk [tilespmem:v33+s15+$0x0], $0xffff  }
0x1d8: {  	v39 =	vadd.s32 v6, v8;
	v16 =	vld.idx.msk [tilespmem:v35+s15+$0x0], $0xffff;
	[tilespmem:s21+$0x140] =	vst v23  }
0x1d9: {  	v41 =	vadd.s32 v6, v10;
	[tilespmem:s21+$0xD0] =	vst v17;
	v20 =	vld.idx.msk [tilespmem:v37+s15+$0x0], $0xffff  }
0x1da: {  	v43 =	vadd.s32 v6, v13;
	v17 =	vld.idx.msk [tilespmem:v42+s15+$0x0], $0xffff;
	[tilespmem:s21+$0xFFFFFFC0] =	vst v18  }
0x1db: {  	v11 =	vadd.s32 v7, v11;
	s22 =	sadd.s32 $0xE, s4;
	[tilespmem:s21+$0x1C0] =	vst v19;
	v15 =	vld.idx.msk [tilespmem:v34+s15+$0x0], $0xffff  }
0x1dc: {  	v40 =	vadd.s32 v6, v9;
	v45 =	vmov s22;
	s22 =	sadd.s32 $0xF, s4;
	v18 =	vld.idx.msk [tilespmem:v38+s15+$0x0], $0xffff;
	[tilespmem:s6+$0x50] =	vst v14  }
0x1dd: {  	v44 =	vadd.s32 v6, v12;
	v47 =	vmov s22;
	s22 =	sadd.s32 $0x11, s4;
	[tilespmem:s21+$0x50] =	vst v16;
	v21 =	vld.idx.msk [tilespmem:v39+s15+$0x0], $0xffff  }
0x1de: {  	v8 =	vadd.s32 v7, v8;
	v50 =	vmov s22;
	s22 =	sadd.s32 $0x12, s4;
	v16 =	vld.idx.msk [tilespmem:v41+s15+$0x0], $0xffff;
	[tilespmem:s21+$0x150] =	vst v20  }
0x1df: {  	v10 =	vadd.s32 v7, v10;
	v53 =	vmov s22;
	[tilespmem:s21+$0xE0] =	vst v17;
	v14 =	vld.idx.msk [tilespmem:v43+s15+$0x0], $0xffff  }
0x1e0: {  	v13 =	vadd.s32 v7, v13;
	v54 =	vld.idx.msk [tilespmem:v11+s15+$0x0], $0xffff;
	v11 =	vand.u32 $0x1FE, v53;
	[tilespmem:s21+$0xFFFFFFD0] =	vst v15  }
0x1e1: {  	[tilespmem:s21+$0x1D0] =	vst v18;
	v24 =	vadd.s32 v0, v11;
	v22 =	vld.idx.msk [tilespmem:v40+s15+$0x0], $0xffff  }
0x1e2: {  	v9 =	vadd.s32 v7, v9;
	v15 =	vld.idx.msk [tilespmem:v44+s15+$0x0], $0xffff;
	[tilespmem:s6+$0x60] =	vst v21  }
0x1e3: {  	v12 =	vadd.s32 v7, v12;
	[tilespmem:s21+$0x60] =	vst v16;
	v46 =	vld.idx.msk [tilespmem:v8+s15+$0x0], $0xffff;
	v8 =	vand.u32 $0x1FE, v45  }
0x1e4: {  	s22 =	sadd.s32 $0x13, s4;
	v51 =	vld.idx.msk [tilespmem:v10+s15+$0x0], $0xffff;
	[tilespmem:s21+$0x160] =	vst v14;
	v49 =	vadd.s32 v0, v8  }
0x1e5: {  	v55 =	vmov s22;
	v10 =	vand.u32 $0x1FD, v50;
	v57 =	vld.idx.msk [tilespmem:v13+s15+$0x0], $0xffff  }
0x1e6: {  	s22 =	sadd.s32 $0x10, s4;
	v56 =	vadd.s32 v0, v10;
	v13 =	vand.u32 $0x1FF, v55;
	v27 =	vld.idx.msk [tilespmem:v24+s15+$0x0], $0xffff;
	[tilespmem:s21+$0xFFFFFFE0] =	vst v22  }
0x1e7: {  	v58 =	vmov s22;
	[tilespmem:s21+$0x1E0] =	vst v15;
	v60 =	vadd.s32 v0, v13;
	v48 =	vld.idx.msk [tilespmem:v9+s15+$0x0], $0xffff;
	v9 =	vand.u32 $0x1FF, v47  }
0x1e8: {  	[tilespmem:s21+$0xF0] =	vst v54;
	v59 =	vld.idx.msk [tilespmem:v12+s15+$0x0], $0xffff;
	v12 =	vand.u32 $0x1FC, v58;
	v52 =	vadd.s32 v0, v9  }
0x1e9: {  	v61 =	vadd.s32 v0, v12;
	[tilespmem:s21+$0x70] =	vst v51;
	v16 =	vld.idx.msk [tilespmem:v49+s15+$0x0], $0xffff  }
0x1ea: {  	v62 =	vadd.s32 v1, v8;
	[tilespmem:s21+$0x170] =	vst v57  }
0x1eb: {  	v28 =	vadd.s32 v1, v11;
	v25 =	vld.idx.msk [tilespmem:v56+s15+$0x0], $0xffff;
	[tilespmem:s21+$0x400] =	vst v27  }
0x1ec: {  	v26 =	vadd.s32 v1, v10;
	[tilespmem:s6+$0x70] =	vst v46;
	v15 =	vld.idx.msk [tilespmem:v60+s15+$0x0], $0xffff  }
0x1ed: {  	v30 =	vadd.s32 v1, v13;
	[tilespmem:s21+$0x1F0] =	vst v59;
	v17 =	vld.idx.msk [tilespmem:v52+s15+$0x0], $0xffff  }
0x1ee: {  	v63 =	vadd.s32 v1, v9;
	v29 =	vld.idx.msk [tilespmem:v61+s15+$0x0], $0xffff;
	[tilespmem:s21+$0x200] =	vst v16  }
0x1ef: {  	v31 =	vadd.s32 v1, v12;
	[tilespmem:s21+$0xFFFFFFF0] =	vst v48;
	v20 =	vld.idx.msk [tilespmem:v62+s15+$0x0], $0xffff  }
0x1f0: {  	s22 =	sadd.s32 $0x800, s18;
	v32 =	vadd.s32 v2, v8;
	v14 =	vld.idx.msk [tilespmem:v28+s15+$0x0], $0xffff;
	[tilespmem:s21+$0x380] =	vst v25  }
0x1f1: {  	v35 =	vadd.s32 v2, v11;
	s6 =	sand.u32 $0xFC00, s22;
	v18 =	vld.idx.msk [tilespmem:v26+s15+$0x0], $0xffff;
	[tilespmem:s21+$0x480] =	vst v15  }
0x1f2: {  	v34 =	vadd.s32 v2, v10;
	s5 =	sor.u32 s5, s6;
	v19 =	vld.idx.msk [tilespmem:v30+s15+$0x0], $0xffff;
	[tilespmem:s21+$0x280] =	vst v17  }
0x1f3: {  	v36 =	vadd.s32 v2, v13;
	[tilespmem:s5+$0x19400] =	vst v29;
	v21 =	vld.idx.msk [tilespmem:v63+s15+$0x0], $0xffff  }
0x1f4: {  	v33 =	vadd.s32 v2, v9;
	v17 =	vld.idx.msk [tilespmem:v31+s15+$0x0], $0xffff;
	[tilespmem:s21+$0x210] =	vst v20  }
0x1f5: {  	v37 =	vadd.s32 v2, v12;
	[tilespmem:s21+$0x410] =	vst v14;
	v22 =	vld.idx.msk [tilespmem:v32+s15+$0x0], $0xffff  }
0x1f6: {  	v38 =	vadd.s32 v3, v8;
	v16 =	vld.idx.msk [tilespmem:v35+s15+$0x0], $0xffff;
	[tilespmem:s21+$0x390] =	vst v18  }
0x1f7: {  	v41 =	vadd.s32 v3, v11;
	v15 =	vld.idx.msk [tilespmem:v34+s15+$0x0], $0xffff;
	[tilespmem:s21+$0x490] =	vst v19  }
0x1f8: {  	v40 =	vadd.s32 v3, v10;
	s5 =	sadd.s32 $0x19400, s5;
	v20 =	vld.idx.msk [tilespmem:v36+s15+$0x0], $0xffff;
	[tilespmem:s21+$0x290] =	vst v21  }
0x1f9: {  	v42 =	vadd.s32 v3, v13;
	[tilespmem:s5+$0x10] =	vst v17;
	v23 =	vld.idx.msk [tilespmem:v33+s15+$0x0], $0xffff  }
0x1fa: {  	v39 =	vadd.s32 v3, v9;
	v21 =	vld.idx.msk [tilespmem:v37+s15+$0x0], $0xffff;
	[tilespmem:s21+$0x220] =	vst v22  }
0x1fb: {  	v43 =	vadd.s32 v3, v12;
	[tilespmem:s21+$0x420] =	vst v16;
	v18 =	vld.idx.msk [tilespmem:v38+s15+$0x0], $0xffff  }
0x1fc: {  	v44 =	vadd.s32 v4, v8;
	v17 =	vld.idx.msk [tilespmem:v41+s15+$0x0], $0xffff;
	[tilespmem:s21+$0x3A0] =	vst v15  }
0x1fd: {  	v47 =	vadd.s32 v4, v11;
	v19 =	vld.idx.msk [tilespmem:v40+s15+$0x0], $0xffff;
	[tilespmem:s21+$0x4A0] =	vst v20  }
0x1fe: {  	v46 =	vadd.s32 v4, v10;
	v22 =	vld.idx.msk [tilespmem:v42+s15+$0x0], $0xffff;
	[tilespmem:s21+$0x2A0] =	vst v23  }
0x1ff: {  	v49 =	vadd.s32 v4, v13;
	[tilespmem:s5+$0x20] =	vst v21;
	v14 =	vld.idx.msk [tilespmem:v39+s15+$0x0], $0xffff  }
0x200: {  	v45 =	vadd.s32 v4, v9;
	v48 =	vld.idx.msk [tilespmem:v43+s15+$0x0], $0xffff;
	[tilespmem:s21+$0x230] =	vst v18  }
0x201: {  	v50 =	vadd.s32 v4, v12;
	[tilespmem:s21+$0x430] =	vst v17;
	v15 =	vld.idx.msk [tilespmem:v44+s15+$0x0], $0xffff  }
0x202: {  	v51 =	vadd.s32 v5, v8;
	v21 =	vld.idx.msk [tilespmem:v47+s15+$0x0], $0xffff;
	[tilespmem:s21+$0x3B0] =	vst v19  }
0x203: {  	v54 =	vadd.s32 v5, v11;
	v20 =	vld.idx.msk [tilespmem:v46+s15+$0x0], $0xffff;
	[tilespmem:s21+$0x4B0] =	vst v22  }
0x204: {  	v53 =	vadd.s32 v5, v10;
	v23 =	vld.idx.msk [tilespmem:v49+s15+$0x0], $0xffff;
	[tilespmem:s21+$0x2B0] =	vst v14  }
0x205: {  	v55 =	vadd.s32 v5, v13;
	[tilespmem:s5+$0x30] =	vst v48;
	v16 =	vld.idx.msk [tilespmem:v45+s15+$0x0], $0xffff  }
0x206: {  	v52 =	vadd.s32 v5, v9;
	v14 =	vld.idx.msk [tilespmem:v50+s15+$0x0], $0xffff;
	[tilespmem:s21+$0x240] =	vst v15  }
0x207: {  	v56 =	vadd.s32 v5, v12;
	[tilespmem:s21+$0x440] =	vst v21;
	v19 =	vld.idx.msk [tilespmem:v51+s15+$0x0], $0xffff  }
0x208: {  	v57 =	vadd.s32 v6, v8;
	v18 =	vld.idx.msk [tilespmem:v54+s15+$0x0], $0xffff;
	[tilespmem:s21+$0x3C0] =	vst v20  }
0x209: {  	v60 =	vadd.s32 v6, v11;
	v22 =	vld.idx.msk [tilespmem:v53+s15+$0x0], $0xffff;
	[tilespmem:s21+$0x4C0] =	vst v23  }
0x20a: {  	v59 =	vadd.s32 v6, v10;
	v15 =	vld.idx.msk [tilespmem:v55+s15+$0x0], $0xffff;
	[tilespmem:s21+$0x2C0] =	vst v16  }
0x20b: {  	v61 =	vadd.s32 v6, v13;
	[tilespmem:s5+$0x40] =	vst v14;
	v17 =	vld.idx.msk [tilespmem:v52+s15+$0x0], $0xffff  }
0x20c: {  	v58 =	vadd.s32 v6, v9;
	v16 =	vld.idx.msk [tilespmem:v56+s15+$0x0], $0xffff;
	[tilespmem:s21+$0x250] =	vst v19  }
0x20d: {  	v62 =	vadd.s32 v6, v12;
	[tilespmem:s21+$0x450] =	vst v18;
	v20 =	vld.idx.msk [tilespmem:v57+s15+$0x0], $0xffff  }
0x20e: {  	v8 =	vadd.s32 v7, v8;
	v14 =	vld.idx.msk [tilespmem:v60+s15+$0x0], $0xffff;
	[tilespmem:s21+$0x3D0] =	vst v22  }
0x20f: {  	v11 =	vadd.s32 v7, v11;
	v63 =	vld.idx.msk [tilespmem:v59+s15+$0x0], $0xffff;
	[tilespmem:s21+$0x4D0] =	vst v15  }
0x210: {  	v10 =	vadd.s32 v7, v10;
	v15 =	vld.idx.msk [tilespmem:v61+s15+$0x0], $0xffff;
	[tilespmem:s21+$0x2D0] =	vst v17  }
0x211: {  	v13 =	vadd.s32 v7, v13;
	[tilespmem:s5+$0x50] =	vst v16;
	v21 =	vld.idx.msk [tilespmem:v58+s15+$0x0], $0xffff  }
0x212: {  	v9 =	vadd.s32 v7, v9;
	v16 =	vld.idx.msk [tilespmem:v62+s15+$0x0], $0xffff;
	[tilespmem:s21+$0x260] =	vst v20  }
0x213: {  	v12 =	vadd.s32 v7, v12;
	[tilespmem:s21+$0x460] =	vst v14;
	v8 =	vld.idx.msk [tilespmem:v8+s15+$0x0], $0xffff  }
0x214: {  	v11 =	vld.idx.msk [tilespmem:v11+s15+$0x0], $0xffff;
	[tilespmem:s21+$0x3E0] =	vst v63  }
0x215: {  	v10 =	vld.idx.msk [tilespmem:v10+s15+$0x0], $0xffff;
	[tilespmem:s21+$0x4E0] =	vst v15  }
0x216: {  	v13 =	vld.idx.msk [tilespmem:v13+s15+$0x0], $0xffff;
	[tilespmem:s21+$0x2E0] =	vst v21  }
0x217: {  	[tilespmem:s5+$0x60] =	vst v16;
	v9 =	vld.idx.msk [tilespmem:v9+s15+$0x0], $0xffff  }
0x218: {  	p0 =	slt.u32 s4, $0xB4;
	[tilespmem:s21+$0x270] =	vst v8;
	v8 =	vld.idx.msk [tilespmem:v12+s15+$0x0], $0xffff  }
.Ltmp2:
0x219: {  	[tilespmem:s21+$0x470] =	vst v11;
	(pc) =	sbr.rel @p0 .LBB2_7-.Ltmp2, $4  }
0x21a: {  	[tilespmem:s21+$0x3F0] =	vst v10  }
0x21b: {  	[tilespmem:s21+$0x4F0] =	vst v13  }
0x21c: {  	[tilespmem:s21+$0x2F0] =	vst v9  }
0x21d: {  	s4 =	sadd.s32 $0x14, s4;
	s18 =	sadd.s32 $0xA00, s18;
	s21 =	sadd.s32 $0xA00, s21;
	[tilespmem:s5+$0x70] =	vst v8  }
0x21e: {  	s4 =	sadd.s32 $0x4, s16  }
0x21f: {  	s5 =	smulhi.u32 $0xCCCCCCCD, s4;
	_ =	sdelay $0x1  }
0x220: {  	s6 =	sshll.u32 s5, $0x5  }
0x221: {  	s6 =	sand.u32 $0x3FFFFF80, s6  }
0x222: {  	v8 =	vld [tilespmem:s6+$0x0];
	_ =	sdelay $0x2  }
0x223: {  	s5 =	sshrl.u32 s5, $0x2  }
0x224: {  	s5 =	smul.u32 $0x5, s5  }
0x225: {  	v8 =	vmul.u32 $0x5, v8  }
0x226: {  	s4 =	ssub.s32 s4, s5  }
0x227: {  	v8 =	vadd.s32 s4, v8  }
0x228: {  	[tilespmem:$0x12F00] =	vst v8  }
0x229: {  	v8 =	vld [tilespmem:s6+$0x10];
	_ =	sdelay $0x4  }
0x22a: {  	v8 =	vmul.u32 $0x5, v8;
	_ =	sdelay $0x1  }
0x22b: {  	v8 =	vadd.s32 s4, v8  }
0x22c: {  	[tilespmem:$0x12F10] =	vst v8  }
0x22d: {  	v8 =	vld [tilespmem:s6+$0x20];
	_ =	sdelay $0x4  }
0x22e: {  	v8 =	vmul.u32 $0x5, v8;
	_ =	sdelay $0x1  }
0x22f: {  	v8 =	vadd.s32 s4, v8  }
0x230: {  	[tilespmem:$0x12F20] =	vst v8  }
0x231: {  	v8 =	vld [tilespmem:s6+$0x30];
	_ =	sdelay $0x4  }
0x232: {  	v8 =	vmul.u32 $0x5, v8;
	_ =	sdelay $0x1  }
0x233: {  	v8 =	vadd.s32 s4, v8  }
0x234: {  	[tilespmem:$0x12F30] =	vst v8  }
0x235: {  	v8 =	vld [tilespmem:s6+$0x40];
	_ =	sdelay $0x4  }
0x236: {  	v8 =	vmul.u32 $0x5, v8;
	_ =	sdelay $0x1  }
0x237: {  	v8 =	vadd.s32 s4, v8  }
0x238: {  	[tilespmem:$0x12F40] =	vst v8  }
0x239: {  	v8 =	vld [tilespmem:s6+$0x50];
	_ =	sdelay $0x4  }
0x23a: {  	v8 =	vmul.u32 $0x5, v8;
	_ =	sdelay $0x1  }
0x23b: {  	v8 =	vadd.s32 s4, v8  }
0x23c: {  	[tilespmem:$0x12F50] =	vst v8  }
0x23d: {  	v8 =	vld [tilespmem:s6+$0x60];
	_ =	sdelay $0x4  }
0x23e: {  	v8 =	vmul.u32 $0x5, v8;
	_ =	sdelay $0x1  }
0x23f: {  	v8 =	vadd.s32 s4, v8  }
0x240: {  	[tilespmem:$0x12F60] =	vst v8  }
0x241: {  	v8 =	vld [tilespmem:s6+$0x70];
	_ =	sdelay $0x4  }
0x242: {  	v8 =	vmul.u32 $0x5, v8;
	_ =	sdelay $0x1  }
0x243: {  	v8 =	vadd.s32 s4, v8  }
0x244: {  	s18 =	simm.s32 $0x12F00;
	s21 =	sshrl.u32 s20, $0x3;
	[tilespmem:$0x12F70] =	vst v8  }
0x245: {  	[tilespmem:s15], [sflag:$0x2] =	stream.indirect.gather [hbm4b:s24+s25], $0xC8, s18, s25, $0xb8;
	[tilespmem:$0x1F800] =	vst v63  }
0x246: {  	s22 =	simm.s32 $0x19400;
	s4 =	sadd.s32 s2, s21  }
0x247: {  	[hbm4b:s4+s3] =	stream.linear.scatter [tilespmem:s22], [sflag:$0x5], $0x400, $0x38;
	[tilespmem:$0x1F800] =	vst v63  }
0x248: {  	s4 =	simm.s32 $0x1000  }
.LBB2_9:
0x249: {  	p0 =	sne.s32 s4, $0x18000  }
.Ltmp3:
0x24a: {  	_ = 	snop;
	(pc) =	sbr.rel @p0 .LBB2_9-.Ltmp3, $4  }
0x24b: {  	s20 =	sadd.s32 $0x2000, s20  }
0x24c: {  	s5 =	sshra.s32 s4, $0x2;
	s6 =	sshrl.u32 s20, $0x3  }
0x24d: {  	s4 =	sadd.s32 $0x1000, s4;
	s5 =	sadd.s32 $0x19400, s5;
	s6 =	sadd.s32 s2, s6  }
0x24e: {  	[hbm4b:s6+s3] =	stream.linear.scatter [tilespmem:s5], [sflag:$0x5], $0x400, $0x38;
	[tilespmem:$0x1F800] =	vst v63  }
0x24f: {  	s22 =	simm.s32 $0x3  }
0x250: {  	_ =	swait.ge [sflag:s22], $0x6400  }
0x251: {  	[sflag:s22] =	ssyncset.done $0x0  }
0x252: {  	s4 =	simm.s32 $0x4;
	[sflag:s22] =	ssyncadd.s32 $0xFFFF9C00  }
0x253: {  	_ =	swait.ge [sflag:s4], $0x6400  }
0x254: {  	s18 =	simm.s32 $0x0;
	[sflag:s4] =	ssyncset.done $0x0  }
0x255: {  	s20 =	simm.s32 $0x13500;
	[sflag:s4] =	ssyncadd.s32 $0xFFFF9C00;
	s4 =	simm.s32 $0x0  }
.LBB2_11:
0x256: {  	s5 =	sadd.s32 $0x1, s4;
	v9 =	vmov s4  }
0x257: {  	v8 =	vmov s5;
	v9 =	vand.u32 $0xFC, v9  }
0x258: {  	v8 =	vand.u32 $0xFD, v8;
	v11 =	vadd.s32 v0, v9  }
0x259: {  	v10 =	vadd.s32 v0, v8;
	_ =	sdelay $0x3  }
0x25a: {  	v11 =	vld.idx.msk [tilespmem:v11+s17+$0x0], $0xffff  }
0x25b: {  	v13 =	vadd.s32 v1, v9;
	v10 =	vld.idx.msk [tilespmem:v10+s17+$0x0], $0xffff  }
0x25c: {  	v12 =	vadd.s32 v1, v8  }
0x25d: {  	s6 =	sadd.s32 $0x80, s18;
	s5 =	sand.u32 $0x7C00, s18  }
0x25e: {  	s21 =	sand.u32 $0x280, s6;
	s6 =	sadd.s32 $0x13000, s5  }
0x25f: {  	s5 =	sor.u32 s21, s6;
	[tilespmem:s20+$0xFFFFFB00] =	vst v11  }
0x260: {  	[tilespmem:s5+$0x0] =	vst v10;
	v11 =	vld.idx.msk [tilespmem:v13+s17+$0x0], $0xffff  }
0x261: {  	v20 =	vadd.s32 v2, v9;
	v10 =	vld.idx.msk [tilespmem:v12+s17+$0x0], $0xffff  }
0x262: {  	v19 =	vadd.s32 v2, v8;
	_ =	sdelay $0x2  }
0x263: {  	[tilespmem:s20+$0xFFFFFB10] =	vst v11  }
0x264: {  	[tilespmem:s5+$0x10] =	vst v10;
	v11 =	vld.idx.msk [tilespmem:v20+s17+$0x0], $0xffff  }
0x265: {  	v22 =	vadd.s32 v3, v9;
	v10 =	vld.idx.msk [tilespmem:v19+s17+$0x0], $0xffff  }
0x266: {  	v21 =	vadd.s32 v3, v8;
	_ =	sdelay $0x2  }
0x267: {  	[tilespmem:s20+$0xFFFFFB20] =	vst v11  }
0x268: {  	[tilespmem:s5+$0x20] =	vst v10;
	v11 =	vld.idx.msk [tilespmem:v22+s17+$0x0], $0xffff  }
0x269: {  	v24 =	vadd.s32 v4, v9;
	v10 =	vld.idx.msk [tilespmem:v21+s17+$0x0], $0xffff  }
0x26a: {  	v23 =	vadd.s32 v4, v8;
	_ =	sdelay $0x2  }
0x26b: {  	[tilespmem:s20+$0xFFFFFB30] =	vst v11  }
0x26c: {  	[tilespmem:s5+$0x30] =	vst v10;
	v11 =	vld.idx.msk [tilespmem:v24+s17+$0x0], $0xffff  }
0x26d: {  	v26 =	vadd.s32 v5, v9;
	v10 =	vld.idx.msk [tilespmem:v23+s17+$0x0], $0xffff  }
0x26e: {  	v25 =	vadd.s32 v5, v8;
	_ =	sdelay $0x2  }
0x26f: {  	[tilespmem:s20+$0xFFFFFB40] =	vst v11  }
0x270: {  	v28 =	vadd.s32 v6, v9;
	s21 =	sadd.s32 $0x2, s4;
	[tilespmem:s5+$0x40] =	vst v10;
	v11 =	vld.idx.msk [tilespmem:v26+s17+$0x0], $0xffff  }
0x271: {  	v27 =	vadd.s32 v6, v8;
	v14 =	vadd.s32 v7, v8;
	v8 =	vmov s21;
	s21 =	sadd.s32 $0x3, s4;
	v10 =	vld.idx.msk [tilespmem:v25+s17+$0x0], $0xffff  }
0x272: {  	v30 =	vmov s21;
	s21 =	sadd.s32 $0x4, s4  }
0x273: {  	v31 =	vmov s21;
	s21 =	sadd.s32 $0x5, s4  }
0x274: {  	v32 =	vmov s21  }
0x275: {  	v12 =	vand.u32 $0x1FD, v32;
	[tilespmem:s20+$0xFFFFFB50] =	vst v11  }
0x276: {  	v19 =	vadd.s32 v0, v12;
	[tilespmem:s5+$0x50] =	vst v10;
	v13 =	vld.idx.msk [tilespmem:v28+s17+$0x0], $0xffff  }
0x277: {  	v15 =	vadd.s32 v7, v9;
	v29 =	vld.idx.msk [tilespmem:v27+s17+$0x0], $0xffff  }
0x278: {  	s21 =	sadd.s32 $0x6, s4;
	v10 =	vand.u32 $0x1FC, v31  }
0x279: {  	v8 =	vand.u32 $0xFE, v8;
	v33 =	vmov s21;
	s21 =	sadd.s32 $0x7, s4;
	v18 =	vadd.s32 v0, v10  }
0x27a: {  	v16 =	vadd.s32 v0, v8;
	v34 =	vand.u32 $0x1FE, v33;
	v35 =	vmov s21  }
0x27b: {  	v20 =	vadd.s32 v0, v34;
	v19 =	vld.idx.msk [tilespmem:v19+s17+$0x0], $0xffff;
	v11 =	vand.u32 $0x1FF, v35;
	[tilespmem:s20+$0xFFFFFB60] =	vst v13  }
0x27c: {  	v9 =	vand.u32 $0xFF, v30;
	v21 =	vadd.s32 v0, v11;
	[tilespmem:s5+$0x60] =	vst v29;
	v15 =	vld.idx.msk [tilespmem:v15+s17+$0x0], $0xffff  }
0x27d: {  	v17 =	vadd.s32 v0, v9;
	v14 =	vld.idx.msk [tilespmem:v14+s17+$0x0], $0xffff  }
0x27e: {  	v37 =	vadd.s32 v1, v12;
	v18 =	vld.idx.msk [tilespmem:v18+s17+$0x0], $0xffff  }
0x27f: {  	v16 =	vld.idx.msk [tilespmem:v16+s17+$0x0], $0xffff;
	v36 =	vadd.s32 v1, v10  }
0x280: {  	v20 =	vld.idx.msk [tilespmem:v20+s17+$0x0], $0xffff;
	v22 =	vadd.s32 v1, v8;
	[tilespmem:s20+$0xFFFFFD80] =	vst v19  }
0x281: {  	s21 =	sadd.s32 $0x100, s18;
	v38 =	vadd.s32 v1, v34;
	v21 =	vld.idx.msk [tilespmem:v21+s17+$0x0], $0xffff;
	[tilespmem:s20+$0xFFFFFB70] =	vst v15  }
0x282: {  	v17 =	vld.idx.msk [tilespmem:v17+s17+$0x0], $0xffff;
	v39 =	vadd.s32 v1, v11;
	[tilespmem:s5+$0x70] =	vst v14;
	s5 =	sand.u32 $0x300, s21  }
0x283: {  	v23 =	vadd.s32 v1, v9;
	[tilespmem:s20+$0xFFFFFD00] =	vst v18;
	v15 =	vld.idx.msk [tilespmem:v37+s17+$0x0], $0xffff;
	s5 =	sor.u32 s5, s6  }
0x284: {  	v43 =	vadd.s32 v2, v12;
	s21 =	sadd.s32 $0x180, s18;
	v14 =	vld.idx.msk [tilespmem:v36+s17+$0x0], $0xffff;
	[tilespmem:s5+$0x0] =	vst v16  }
0x285: {  	[tilespmem:s20+$0xFFFFFE00] =	vst v20;
	v42 =	vadd.s32 v2, v10;
	s21 =	sand.u32 $0x380, s21;
	v22 =	vld.idx.msk [tilespmem:v22+s17+$0x0], $0xffff  }
0x286: {  	v40 =	vadd.s32 v2, v8;
	[tilespmem:s20+$0xFFFFFE80] =	vst v21;
	s6 =	sor.u32 s21, s6;
	v16 =	vld.idx.msk [tilespmem:v38+s17+$0x0], $0xffff  }
0x287: {  	v44 =	vadd.s32 v2, v34;
	[tilespmem:s6+$0x0] =	vst v17;
	v17 =	vld.idx.msk [tilespmem:v39+s17+$0x0], $0xffff  }
0x288: {  	v45 =	vadd.s32 v2, v11;
	v23 =	vld.idx.msk [tilespmem:v23+s17+$0x0], $0xffff;
	[tilespmem:s20+$0xFFFFFD90] =	vst v15  }
0x289: {  	v41 =	vadd.s32 v2, v9;
	[tilespmem:s20+$0xFFFFFD10] =	vst v14;
	v21 =	vld.idx.msk [tilespmem:v43+s17+$0x0], $0xffff  }
0x28a: {  	v49 =	vadd.s32 v3, v12;
	v20 =	vld.idx.msk [tilespmem:v42+s17+$0x0], $0xffff;
	[tilespmem:s5+$0x10] =	vst v22  }
0x28b: {  	v48 =	vadd.s32 v3, v10;
	[tilespmem:s20+$0xFFFFFE10] =	vst v16;
	v18 =	vld.idx.msk [tilespmem:v40+s17+$0x0], $0xffff  }
0x28c: {  	v46 =	vadd.s32 v3, v8;
	[tilespmem:s20+$0xFFFFFE90] =	vst v17;
	v22 =	vld.idx.msk [tilespmem:v44+s17+$0x0], $0xffff  }
0x28d: {  	v50 =	vadd.s32 v3, v34;
	[tilespmem:s6+$0x10] =	vst v23;
	v23 =	vld.idx.msk [tilespmem:v45+s17+$0x0], $0xffff  }
0x28e: {  	v51 =	vadd.s32 v3, v11;
	v19 =	vld.idx.msk [tilespmem:v41+s17+$0x0], $0xffff;
	[tilespmem:s20+$0xFFFFFDA0] =	vst v21  }
0x28f: {  	v47 =	vadd.s32 v3, v9;
	[tilespmem:s20+$0xFFFFFD20] =	vst v20;
	v17 =	vld.idx.msk [tilespmem:v49+s17+$0x0], $0xffff  }
0x290: {  	v55 =	vadd.s32 v4, v12;
	v16 =	vld.idx.msk [tilespmem:v48+s17+$0x0], $0xffff;
	[tilespmem:s5+$0x20] =	vst v18  }
0x291: {  	v54 =	vadd.s32 v4, v10;
	[tilespmem:s20+$0xFFFFFE20] =	vst v22;
	v14 =	vld.idx.msk [tilespmem:v46+s17+$0x0], $0xffff  }
0x292: {  	v52 =	vadd.s32 v4, v8;
	[tilespmem:s20+$0xFFFFFEA0] =	vst v23;
	v18 =	vld.idx.msk [tilespmem:v50+s17+$0x0], $0xffff  }
0x293: {  	v56 =	vadd.s32 v4, v34;
	[tilespmem:s6+$0x20] =	vst v19;
	v19 =	vld.idx.msk [tilespmem:v51+s17+$0x0], $0xffff  }
0x294: {  	v57 =	vadd.s32 v4, v11;
	v15 =	vld.idx.msk [tilespmem:v47+s17+$0x0], $0xffff;
	[tilespmem:s20+$0xFFFFFDB0] =	vst v17  }
0x295: {  	v53 =	vadd.s32 v4, v9;
	[tilespmem:s20+$0xFFFFFD30] =	vst v16;
	v23 =	vld.idx.msk [tilespmem:v55+s17+$0x0], $0xffff  }
0x296: {  	v61 =	vadd.s32 v5, v12;
	v22 =	vld.idx.msk [tilespmem:v54+s17+$0x0], $0xffff;
	[tilespmem:s5+$0x30] =	vst v14  }
0x297: {  	v60 =	vadd.s32 v5, v10;
	[tilespmem:s20+$0xFFFFFE30] =	vst v18;
	v20 =	vld.idx.msk [tilespmem:v52+s17+$0x0], $0xffff  }
0x298: {  	v58 =	vadd.s32 v5, v8;
	[tilespmem:s20+$0xFFFFFEB0] =	vst v19;
	v14 =	vld.idx.msk [tilespmem:v56+s17+$0x0], $0xffff  }
0x299: {  	v62 =	vadd.s32 v5, v34;
	[tilespmem:s6+$0x30] =	vst v15;
	v15 =	vld.idx.msk [tilespmem:v57+s17+$0x0], $0xffff  }
0x29a: {  	v63 =	vadd.s32 v5, v11;
	v21 =	vld.idx.msk [tilespmem:v53+s17+$0x0], $0xffff;
	[tilespmem:s20+$0xFFFFFDC0] =	vst v23  }
0x29b: {  	v59 =	vadd.s32 v5, v9;
	[tilespmem:s20+$0xFFFFFD40] =	vst v22;
	v19 =	vld.idx.msk [tilespmem:v61+s17+$0x0], $0xffff  }
0x29c: {  	v27 =	vadd.s32 v6, v12;
	v18 =	vld.idx.msk [tilespmem:v60+s17+$0x0], $0xffff;
	[tilespmem:s5+$0x40] =	vst v20  }
0x29d: {  	v26 =	vadd.s32 v6, v10;
	[tilespmem:s20+$0xFFFFFE40] =	vst v14;
	v16 =	vld.idx.msk [tilespmem:v58+s17+$0x0], $0xffff  }
0x29e: {  	v24 =	vadd.s32 v6, v8;
	[tilespmem:s20+$0xFFFFFEC0] =	vst v15;
	v20 =	vld.idx.msk [tilespmem:v62+s17+$0x0], $0xffff  }
0x29f: {  	v28 =	vadd.s32 v6, v34;
	[tilespmem:s6+$0x40] =	vst v21;
	v21 =	vld.idx.msk [tilespmem:v63+s17+$0x0], $0xffff  }
0x2a0: {  	v29 =	vadd.s32 v6, v11;
	s21 =	sadd.s32 $0x8, s4;
	v17 =	vld.idx.msk [tilespmem:v59+s17+$0x0], $0xffff;
	[tilespmem:s20+$0xFFFFFDD0] =	vst v19  }
0x2a1: {  	v25 =	vadd.s32 v6, v9;
	v30 =	vmov s21;
	s21 =	sadd.s32 $0x9, s4;
	[tilespmem:s20+$0xFFFFFD50] =	vst v18;
	v15 =	vld.idx.msk [tilespmem:v27+s17+$0x0], $0xffff  }
0x2a2: {  	v12 =	vadd.s32 v7, v12;
	v33 =	vmov s21;
	s21 =	sadd.s32 $0xA, s4;
	v14 =	vld.idx.msk [tilespmem:v26+s17+$0x0], $0xffff;
	[tilespmem:s5+$0x50] =	vst v16  }
0x2a3: {  	v10 =	vadd.s32 v7, v10;
	v36 =	vmov s21;
	s21 =	sadd.s32 $0xB, s4;
	[tilespmem:s20+$0xFFFFFE50] =	vst v20;
	v22 =	vld.idx.msk [tilespmem:v24+s17+$0x0], $0xffff  }
0x2a4: {  	v8 =	vadd.s32 v7, v8;
	v39 =	vmov s21;
	v16 =	vld.idx.msk [tilespmem:v28+s17+$0x0], $0xffff;
	[tilespmem:s20+$0xFFFFFED0] =	vst v21  }
0x2a5: {  	v32 =	vadd.s32 v7, v11;
	v13 =	vadd.s32 v7, v34;
	v11 =	vand.u32 $0x1FF, v39;
	[tilespmem:s6+$0x50] =	vst v17;
	v17 =	vld.idx.msk [tilespmem:v29+s17+$0x0], $0xffff  }
0x2a6: {  	v44 =	vadd.s32 v0, v11;
	v23 =	vld.idx.msk [tilespmem:v25+s17+$0x0], $0xffff;
	[tilespmem:s20+$0xFFFFFDE0] =	vst v15  }
0x2a7: {  	[tilespmem:s20+$0xFFFFFD60] =	vst v14;
	v40 =	vld.idx.msk [tilespmem:v12+s17+$0x0], $0xffff  }
0x2a8: {  	v9 =	vadd.s32 v7, v9;
	s21 =	sadd.s32 $0xC, s4;
	v37 =	vld.idx.msk [tilespmem:v10+s17+$0x0], $0xffff;
	v10 =	vand.u32 $0x1FE, v36;
	[tilespmem:s5+$0x60] =	vst v22  }
0x2a9: {  	v42 =	vmov s21;
	[tilespmem:s20+$0xFFFFFE60] =	vst v16;
	v41 =	vadd.s32 v0, v10;
	v31 =	vld.idx.msk [tilespmem:v8+s17+$0x0], $0xffff;
	v8 =	vand.u32 $0x1FC, v30  }
0x2aa: {  	s21 =	sadd.s32 $0xD, s4;
	v43 =	vld.idx.msk [tilespmem:v13+s17+$0x0], $0xffff;
	v13 =	vand.u32 $0x1FC, v42;
	v35 =	vadd.s32 v0, v8  }
0x2ab: {  	v45 =	vmov s21;
	[tilespmem:s20+$0xFFFFFEE0] =	vst v17;
	v17 =	vld.idx.msk [tilespmem:v44+s17+$0x0], $0xffff;
	v47 =	vadd.s32 v0, v13  }
0x2ac: {  	v52 =	vadd.s32 v1, v11;
	v12 =	vand.u32 $0x1FD, v45;
	[tilespmem:s6+$0x60] =	vst v23  }
0x2ad: {  	v48 =	vadd.s32 v0, v12;
	v34 =	vld.idx.msk [tilespmem:v9+s17+$0x0], $0xffff;
	v9 =	vand.u32 $0x1FD, v33;
	[tilespmem:s20+$0xFFFFFDF0] =	vst v40  }
0x2ae: {  	v38 =	vadd.s32 v0, v9;
	[tilespmem:s20+$0xFFFFFD70] =	vst v37;
	v16 =	vld.idx.msk [tilespmem:v41+s17+$0x0], $0xffff  }
0x2af: {  	v51 =	vadd.s32 v1, v10;
	[tilespmem:s20+$0xFFFFFE70] =	vst v43;
	v14 =	vld.idx.msk [tilespmem:v35+s17+$0x0], $0xffff  }
0x2b0: {  	v49 =	vadd.s32 v1, v8;
	[tilespmem:s20+$0x80] =	vst v17;
	v20 =	vld.idx.msk [tilespmem:v47+s17+$0x0], $0xffff  }
0x2b1: {  	s21 =	sadd.s32 $0x400, s18;
	v53 =	vadd.s32 v1, v13;
	[tilespmem:s5+$0x70] =	vst v31;
	v19 =	vld.idx.msk [tilespmem:v52+s17+$0x0], $0xffff  }
0x2b2: {  	v58 =	vadd.s32 v2, v11;
	v18 =	vld.idx.msk [tilespmem:v48+s17+$0x0], $0xffff;
	s5 =	sand.u32 $0x200, s18;
	[tilespmem:s6+$0x70] =	vst v34;
	s6 =	sand.u32 $0xFC00, s21  }
0x2b3: {  	v54 =	vadd.s32 v1, v12;
	v15 =	vld.idx.msk [tilespmem:v38+s17+$0x0], $0xffff;
	s6 =	sor.u32 s5, s6;
	[tilespmem:s20+$0x0] =	vst v16  }
0x2b4: {  	v50 =	vadd.s32 v1, v9;
	v23 =	vld.idx.msk [tilespmem:v51+s17+$0x0], $0xffff;
	[tilespmem:s6+$0x13000] =	vst v14  }
0x2b5: {  	v57 =	vadd.s32 v2, v10;
	[tilespmem:s20+$0x100] =	vst v20;
	v21 =	vld.idx.msk [tilespmem:v49+s17+$0x0], $0xffff  }
0x2b6: {  	v55 =	vadd.s32 v2, v8;
	[tilespmem:s20+$0x90] =	vst v19;
	v14 =	vld.idx.msk [tilespmem:v53+s17+$0x0], $0xffff  }
0x2b7: {  	v59 =	vadd.s32 v2, v13;
	[tilespmem:s20+$0x180] =	vst v18;
	v18 =	vld.idx.msk [tilespmem:v58+s17+$0x0], $0xffff  }
0x2b8: {  	v24 =	vadd.s32 v3, v11;
	[tilespmem:s20+$0xFFFFFF80] =	vst v15;
	v15 =	vld.idx.msk [tilespmem:v54+s17+$0x0], $0xffff  }
0x2b9: {  	v60 =	vadd.s32 v2, v12;
	s6 =	sadd.s32 $0x13000, s6;
	v22 =	vld.idx.msk [tilespmem:v50+s17+$0x0], $0xffff;
	[tilespmem:s20+$0x10] =	vst v23  }
0x2ba: {  	v56 =	vadd.s32 v2, v9;
	v20 =	vld.idx.msk [tilespmem:v57+s17+$0x0], $0xffff;
	[tilespmem:s6+$0x10] =	vst v21  }
0x2bb: {  	v63 =	vadd.s32 v3, v10;
	[tilespmem:s20+$0x110] =	vst v14;
	v16 =	vld.idx.msk [tilespmem:v55+s17+$0x0], $0xffff  }
0x2bc: {  	v61 =	vadd.s32 v3, v8;
	[tilespmem:s20+$0xA0] =	vst v18;
	v21 =	vld.idx.msk [tilespmem:v59+s17+$0x0], $0xffff  }
0x2bd: {  	v25 =	vadd.s32 v3, v13;
	[tilespmem:s20+$0x190] =	vst v15;
	v15 =	vld.idx.msk [tilespmem:v24+s17+$0x0], $0xffff  }
0x2be: {  	v30 =	vadd.s32 v4, v11;
	[tilespmem:s20+$0xFFFFFF90] =	vst v22;
	v22 =	vld.idx.msk [tilespmem:v60+s17+$0x0], $0xffff  }
0x2bf: {  	v26 =	vadd.s32 v3, v12;
	v17 =	vld.idx.msk [tilespmem:v56+s17+$0x0], $0xffff;
	[tilespmem:s20+$0x20] =	vst v20  }
0x2c0: {  	v62 =	vadd.s32 v3, v9;
	v14 =	vld.idx.msk [tilespmem:v63+s17+$0x0], $0xffff;
	[tilespmem:s6+$0x20] =	vst v16  }
0x2c1: {  	[tilespmem:s20+$0x120] =	vst v21;
	v23 =	vld.idx.msk [tilespmem:v61+s17+$0x0], $0xffff  }
0x2c2: {  	v27 =	vadd.s32 v4, v8;
	[tilespmem:s20+$0xB0] =	vst v15;
	v16 =	vld.idx.msk [tilespmem:v25+s17+$0x0], $0xffff  }
0x2c3: {  	v29 =	vadd.s32 v4, v10;
	[tilespmem:s20+$0x1A0] =	vst v22;
	v22 =	vld.idx.msk [tilespmem:v30+s17+$0x0], $0xffff  }
0x2c4: {  	v31 =	vadd.s32 v4, v13;
	[tilespmem:s20+$0xFFFFFFA0] =	vst v17;
	v17 =	vld.idx.msk [tilespmem:v26+s17+$0x0], $0xffff  }
0x2c5: {  	v36 =	vadd.s32 v5, v11;
	v19 =	vld.idx.msk [tilespmem:v62+s17+$0x0], $0xffff;
	[tilespmem:s20+$0x30] =	vst v14  }
0x2c6: {  	v46 =	vld.idx.msk [tilespmem:v32+s17+$0x0], $0xffff;
	v28 =	vadd.s32 v4, v9;
	[tilespmem:s6+$0x30] =	vst v23  }
0x2c7: {  	v32 =	vadd.s32 v4, v12;
	[tilespmem:s20+$0x130] =	vst v16;
	v20 =	vld.idx.msk [tilespmem:v27+s17+$0x0], $0xffff  }
0x2c8: {  	v33 =	vadd.s32 v5, v8;
	v21 =	vld.idx.msk [tilespmem:v29+s17+$0x0], $0xffff;
	[tilespmem:s20+$0xC0] =	vst v22  }
0x2c9: {  	v35 =	vadd.s32 v5, v10;
	[tilespmem:s20+$0x1B0] =	vst v17;
	v23 =	vld.idx.msk [tilespmem:v31+s17+$0x0], $0xffff  }
0x2ca: {  	v37 =	vadd.s32 v5, v13;
	v17 =	vld.idx.msk [tilespmem:v36+s17+$0x0], $0xffff;
	[tilespmem:s20+$0xFFFFFFB0] =	vst v19  }
0x2cb: {  	v42 =	vadd.s32 v6, v11;
	[tilespmem:s20+$0xFFFFFEF0] =	vst v46;
	v18 =	vld.idx.msk [tilespmem:v28+s17+$0x0], $0xffff  }
0x2cc: {  	v34 =	vadd.s32 v5, v9;
	v19 =	vld.idx.msk [tilespmem:v32+s17+$0x0], $0xffff;
	[tilespmem:s6+$0x40] =	vst v20  }
0x2cd: {  	v38 =	vadd.s32 v5, v12;
	[tilespmem:s20+$0x40] =	vst v21;
	v14 =	vld.idx.msk [tilespmem:v33+s17+$0x0], $0xffff  }
0x2ce: {  	v39 =	vadd.s32 v6, v8;
	v16 =	vld.idx.msk [tilespmem:v35+s17+$0x0], $0xffff;
	[tilespmem:s20+$0x140] =	vst v23  }
0x2cf: {  	v41 =	vadd.s32 v6, v10;
	[tilespmem:s20+$0xD0] =	vst v17;
	v20 =	vld.idx.msk [tilespmem:v37+s17+$0x0], $0xffff  }
0x2d0: {  	v43 =	vadd.s32 v6, v13;
	v17 =	vld.idx.msk [tilespmem:v42+s17+$0x0], $0xffff;
	[tilespmem:s20+$0xFFFFFFC0] =	vst v18  }
0x2d1: {  	v11 =	vadd.s32 v7, v11;
	s21 =	sadd.s32 $0xE, s4;
	[tilespmem:s20+$0x1C0] =	vst v19;
	v15 =	vld.idx.msk [tilespmem:v34+s17+$0x0], $0xffff  }
0x2d2: {  	v40 =	vadd.s32 v6, v9;
	v45 =	vmov s21;
	s21 =	sadd.s32 $0xF, s4;
	v18 =	vld.idx.msk [tilespmem:v38+s17+$0x0], $0xffff;
	[tilespmem:s6+$0x50] =	vst v14  }
0x2d3: {  	v44 =	vadd.s32 v6, v12;
	v47 =	vmov s21;
	s21 =	sadd.s32 $0x11, s4;
	[tilespmem:s20+$0x50] =	vst v16;
	v21 =	vld.idx.msk [tilespmem:v39+s17+$0x0], $0xffff  }
0x2d4: {  	v8 =	vadd.s32 v7, v8;
	v50 =	vmov s21;
	s21 =	sadd.s32 $0x12, s4;
	v16 =	vld.idx.msk [tilespmem:v41+s17+$0x0], $0xffff;
	[tilespmem:s20+$0x150] =	vst v20  }
0x2d5: {  	v10 =	vadd.s32 v7, v10;
	v53 =	vmov s21;
	[tilespmem:s20+$0xE0] =	vst v17;
	v14 =	vld.idx.msk [tilespmem:v43+s17+$0x0], $0xffff  }
0x2d6: {  	v13 =	vadd.s32 v7, v13;
	v54 =	vld.idx.msk [tilespmem:v11+s17+$0x0], $0xffff;
	v11 =	vand.u32 $0x1FE, v53;
	[tilespmem:s20+$0xFFFFFFD0] =	vst v15  }
0x2d7: {  	[tilespmem:s20+$0x1D0] =	vst v18;
	v24 =	vadd.s32 v0, v11;
	v22 =	vld.idx.msk [tilespmem:v40+s17+$0x0], $0xffff  }
0x2d8: {  	v9 =	vadd.s32 v7, v9;
	v15 =	vld.idx.msk [tilespmem:v44+s17+$0x0], $0xffff;
	[tilespmem:s6+$0x60] =	vst v21  }
0x2d9: {  	v12 =	vadd.s32 v7, v12;
	[tilespmem:s20+$0x60] =	vst v16;
	v46 =	vld.idx.msk [tilespmem:v8+s17+$0x0], $0xffff;
	v8 =	vand.u32 $0x1FE, v45  }
0x2da: {  	s21 =	sadd.s32 $0x13, s4;
	v51 =	vld.idx.msk [tilespmem:v10+s17+$0x0], $0xffff;
	[tilespmem:s20+$0x160] =	vst v14;
	v49 =	vadd.s32 v0, v8  }
0x2db: {  	v55 =	vmov s21;
	v10 =	vand.u32 $0x1FD, v50;
	v57 =	vld.idx.msk [tilespmem:v13+s17+$0x0], $0xffff  }
0x2dc: {  	s21 =	sadd.s32 $0x10, s4;
	v56 =	vadd.s32 v0, v10;
	v13 =	vand.u32 $0x1FF, v55;
	v27 =	vld.idx.msk [tilespmem:v24+s17+$0x0], $0xffff;
	[tilespmem:s20+$0xFFFFFFE0] =	vst v22  }
0x2dd: {  	v58 =	vmov s21;
	[tilespmem:s20+$0x1E0] =	vst v15;
	v60 =	vadd.s32 v0, v13;
	v48 =	vld.idx.msk [tilespmem:v9+s17+$0x0], $0xffff;
	v9 =	vand.u32 $0x1FF, v47  }
0x2de: {  	[tilespmem:s20+$0xF0] =	vst v54;
	v59 =	vld.idx.msk [tilespmem:v12+s17+$0x0], $0xffff;
	v12 =	vand.u32 $0x1FC, v58;
	v52 =	vadd.s32 v0, v9  }
0x2df: {  	v61 =	vadd.s32 v0, v12;
	[tilespmem:s20+$0x70] =	vst v51;
	v16 =	vld.idx.msk [tilespmem:v49+s17+$0x0], $0xffff  }
0x2e0: {  	v62 =	vadd.s32 v1, v8;
	[tilespmem:s20+$0x170] =	vst v57  }
0x2e1: {  	v28 =	vadd.s32 v1, v11;
	v25 =	vld.idx.msk [tilespmem:v56+s17+$0x0], $0xffff;
	[tilespmem:s20+$0x400] =	vst v27  }
0x2e2: {  	v26 =	vadd.s32 v1, v10;
	[tilespmem:s6+$0x70] =	vst v46;
	v15 =	vld.idx.msk [tilespmem:v60+s17+$0x0], $0xffff  }
0x2e3: {  	v30 =	vadd.s32 v1, v13;
	[tilespmem:s20+$0x1F0] =	vst v59;
	v17 =	vld.idx.msk [tilespmem:v52+s17+$0x0], $0xffff  }
0x2e4: {  	v63 =	vadd.s32 v1, v9;
	v29 =	vld.idx.msk [tilespmem:v61+s17+$0x0], $0xffff;
	[tilespmem:s20+$0x200] =	vst v16  }
0x2e5: {  	v31 =	vadd.s32 v1, v12;
	[tilespmem:s20+$0xFFFFFFF0] =	vst v48;
	v20 =	vld.idx.msk [tilespmem:v62+s17+$0x0], $0xffff  }
0x2e6: {  	s21 =	sadd.s32 $0x800, s18;
	v32 =	vadd.s32 v2, v8;
	v14 =	vld.idx.msk [tilespmem:v28+s17+$0x0], $0xffff;
	[tilespmem:s20+$0x380] =	vst v25  }
0x2e7: {  	v35 =	vadd.s32 v2, v11;
	s6 =	sand.u32 $0xFC00, s21;
	v18 =	vld.idx.msk [tilespmem:v26+s17+$0x0], $0xffff;
	[tilespmem:s20+$0x480] =	vst v15  }
0x2e8: {  	v34 =	vadd.s32 v2, v10;
	s5 =	sor.u32 s5, s6;
	v19 =	vld.idx.msk [tilespmem:v30+s17+$0x0], $0xffff;
	[tilespmem:s20+$0x280] =	vst v17  }
0x2e9: {  	v36 =	vadd.s32 v2, v13;
	[tilespmem:s5+$0x13000] =	vst v29;
	v21 =	vld.idx.msk [tilespmem:v63+s17+$0x0], $0xffff  }
0x2ea: {  	v33 =	vadd.s32 v2, v9;
	v17 =	vld.idx.msk [tilespmem:v31+s17+$0x0], $0xffff;
	[tilespmem:s20+$0x210] =	vst v20  }
0x2eb: {  	v37 =	vadd.s32 v2, v12;
	[tilespmem:s20+$0x410] =	vst v14;
	v22 =	vld.idx.msk [tilespmem:v32+s17+$0x0], $0xffff  }
0x2ec: {  	v38 =	vadd.s32 v3, v8;
	v16 =	vld.idx.msk [tilespmem:v35+s17+$0x0], $0xffff;
	[tilespmem:s20+$0x390] =	vst v18  }
0x2ed: {  	v41 =	vadd.s32 v3, v11;
	v15 =	vld.idx.msk [tilespmem:v34+s17+$0x0], $0xffff;
	[tilespmem:s20+$0x490] =	vst v19  }
0x2ee: {  	v40 =	vadd.s32 v3, v10;
	s5 =	sadd.s32 $0x13000, s5;
	v20 =	vld.idx.msk [tilespmem:v36+s17+$0x0], $0xffff;
	[tilespmem:s20+$0x290] =	vst v21  }
0x2ef: {  	v42 =	vadd.s32 v3, v13;
	[tilespmem:s5+$0x10] =	vst v17;
	v23 =	vld.idx.msk [tilespmem:v33+s17+$0x0], $0xffff  }
0x2f0: {  	v39 =	vadd.s32 v3, v9;
	v21 =	vld.idx.msk [tilespmem:v37+s17+$0x0], $0xffff;
	[tilespmem:s20+$0x220] =	vst v22  }
0x2f1: {  	v43 =	vadd.s32 v3, v12;
	[tilespmem:s20+$0x420] =	vst v16;
	v18 =	vld.idx.msk [tilespmem:v38+s17+$0x0], $0xffff  }
0x2f2: {  	v44 =	vadd.s32 v4, v8;
	v17 =	vld.idx.msk [tilespmem:v41+s17+$0x0], $0xffff;
	[tilespmem:s20+$0x3A0] =	vst v15  }
0x2f3: {  	v47 =	vadd.s32 v4, v11;
	v19 =	vld.idx.msk [tilespmem:v40+s17+$0x0], $0xffff;
	[tilespmem:s20+$0x4A0] =	vst v20  }
0x2f4: {  	v46 =	vadd.s32 v4, v10;
	v22 =	vld.idx.msk [tilespmem:v42+s17+$0x0], $0xffff;
	[tilespmem:s20+$0x2A0] =	vst v23  }
0x2f5: {  	v49 =	vadd.s32 v4, v13;
	[tilespmem:s5+$0x20] =	vst v21;
	v14 =	vld.idx.msk [tilespmem:v39+s17+$0x0], $0xffff  }
0x2f6: {  	v45 =	vadd.s32 v4, v9;
	v48 =	vld.idx.msk [tilespmem:v43+s17+$0x0], $0xffff;
	[tilespmem:s20+$0x230] =	vst v18  }
0x2f7: {  	v50 =	vadd.s32 v4, v12;
	[tilespmem:s20+$0x430] =	vst v17;
	v15 =	vld.idx.msk [tilespmem:v44+s17+$0x0], $0xffff  }
0x2f8: {  	v51 =	vadd.s32 v5, v8;
	v21 =	vld.idx.msk [tilespmem:v47+s17+$0x0], $0xffff;
	[tilespmem:s20+$0x3B0] =	vst v19  }
0x2f9: {  	v54 =	vadd.s32 v5, v11;
	v20 =	vld.idx.msk [tilespmem:v46+s17+$0x0], $0xffff;
	[tilespmem:s20+$0x4B0] =	vst v22  }
0x2fa: {  	v53 =	vadd.s32 v5, v10;
	v23 =	vld.idx.msk [tilespmem:v49+s17+$0x0], $0xffff;
	[tilespmem:s20+$0x2B0] =	vst v14  }
0x2fb: {  	v55 =	vadd.s32 v5, v13;
	[tilespmem:s5+$0x30] =	vst v48;
	v16 =	vld.idx.msk [tilespmem:v45+s17+$0x0], $0xffff  }
0x2fc: {  	v52 =	vadd.s32 v5, v9;
	v14 =	vld.idx.msk [tilespmem:v50+s17+$0x0], $0xffff;
	[tilespmem:s20+$0x240] =	vst v15  }
0x2fd: {  	v56 =	vadd.s32 v5, v12;
	[tilespmem:s20+$0x440] =	vst v21;
	v19 =	vld.idx.msk [tilespmem:v51+s17+$0x0], $0xffff  }
0x2fe: {  	v57 =	vadd.s32 v6, v8;
	v18 =	vld.idx.msk [tilespmem:v54+s17+$0x0], $0xffff;
	[tilespmem:s20+$0x3C0] =	vst v20  }
0x2ff: {  	v60 =	vadd.s32 v6, v11;
	v22 =	vld.idx.msk [tilespmem:v53+s17+$0x0], $0xffff;
	[tilespmem:s20+$0x4C0] =	vst v23  }
0x300: {  	v59 =	vadd.s32 v6, v10;
	v15 =	vld.idx.msk [tilespmem:v55+s17+$0x0], $0xffff;
	[tilespmem:s20+$0x2C0] =	vst v16  }
0x301: {  	v61 =	vadd.s32 v6, v13;
	[tilespmem:s5+$0x40] =	vst v14;
	v17 =	vld.idx.msk [tilespmem:v52+s17+$0x0], $0xffff  }
0x302: {  	v58 =	vadd.s32 v6, v9;
	v16 =	vld.idx.msk [tilespmem:v56+s17+$0x0], $0xffff;
	[tilespmem:s20+$0x250] =	vst v19  }
0x303: {  	v62 =	vadd.s32 v6, v12;
	[tilespmem:s20+$0x450] =	vst v18;
	v20 =	vld.idx.msk [tilespmem:v57+s17+$0x0], $0xffff  }
0x304: {  	v8 =	vadd.s32 v7, v8;
	v14 =	vld.idx.msk [tilespmem:v60+s17+$0x0], $0xffff;
	[tilespmem:s20+$0x3D0] =	vst v22  }
0x305: {  	v11 =	vadd.s32 v7, v11;
	v63 =	vld.idx.msk [tilespmem:v59+s17+$0x0], $0xffff;
	[tilespmem:s20+$0x4D0] =	vst v15  }
0x306: {  	v10 =	vadd.s32 v7, v10;
	v15 =	vld.idx.msk [tilespmem:v61+s17+$0x0], $0xffff;
	[tilespmem:s20+$0x2D0] =	vst v17  }
0x307: {  	v13 =	vadd.s32 v7, v13;
	[tilespmem:s5+$0x50] =	vst v16;
	v21 =	vld.idx.msk [tilespmem:v58+s17+$0x0], $0xffff  }
0x308: {  	v9 =	vadd.s32 v7, v9;
	v16 =	vld.idx.msk [tilespmem:v62+s17+$0x0], $0xffff;
	[tilespmem:s20+$0x260] =	vst v20  }
0x309: {  	v12 =	vadd.s32 v7, v12;
	[tilespmem:s20+$0x460] =	vst v14;
	v8 =	vld.idx.msk [tilespmem:v8+s17+$0x0], $0xffff  }
0x30a: {  	v11 =	vld.idx.msk [tilespmem:v11+s17+$0x0], $0xffff;
	[tilespmem:s20+$0x3E0] =	vst v63  }
0x30b: {  	v10 =	vld.idx.msk [tilespmem:v10+s17+$0x0], $0xffff;
	[tilespmem:s20+$0x4E0] =	vst v15  }
0x30c: {  	v13 =	vld.idx.msk [tilespmem:v13+s17+$0x0], $0xffff;
	[tilespmem:s20+$0x2E0] =	vst v21  }
0x30d: {  	[tilespmem:s5+$0x60] =	vst v16;
	v9 =	vld.idx.msk [tilespmem:v9+s17+$0x0], $0xffff  }
0x30e: {  	p0 =	slt.u32 s4, $0xB4;
	[tilespmem:s20+$0x270] =	vst v8;
	v8 =	vld.idx.msk [tilespmem:v12+s17+$0x0], $0xffff  }
.Ltmp4:
0x30f: {  	[tilespmem:s20+$0x470] =	vst v11;
	(pc) =	sbr.rel @p0 .LBB2_11-.Ltmp4, $4  }
0x310: {  	[tilespmem:s20+$0x3F0] =	vst v10  }
0x311: {  	[tilespmem:s20+$0x4F0] =	vst v13  }
0x312: {  	[tilespmem:s20+$0x2F0] =	vst v9  }
0x313: {  	s4 =	sadd.s32 $0x14, s4;
	s18 =	sadd.s32 $0xA00, s18;
	s20 =	sadd.s32 $0xA00, s20;
	[tilespmem:s5+$0x70] =	vst v8  }
0x314: {  	s4 =	sadd.s32 $0x5, s16  }
0x315: {  	s5 =	smulhi.u32 $0xCCCCCCCD, s4;
	_ =	sdelay $0x1  }
0x316: {  	s6 =	sshll.u32 s5, $0x5  }
0x317: {  	s6 =	sand.u32 $0x3FFFFF80, s6  }
0x318: {  	v8 =	vld [tilespmem:s6+$0x0];
	_ =	sdelay $0x2  }
0x319: {  	s5 =	sshrl.u32 s5, $0x2  }
0x31a: {  	s5 =	smul.u32 $0x5, s5  }
0x31b: {  	v8 =	vmul.u32 $0x5, v8  }
0x31c: {  	s4 =	ssub.s32 s4, s5  }
0x31d: {  	v8 =	vadd.s32 s4, v8  }
0x31e: {  	[tilespmem:$0x12F80] =	vst v8  }
0x31f: {  	v8 =	vld [tilespmem:s6+$0x10];
	_ =	sdelay $0x4  }
0x320: {  	v8 =	vmul.u32 $0x5, v8;
	_ =	sdelay $0x1  }
0x321: {  	v8 =	vadd.s32 s4, v8  }
0x322: {  	[tilespmem:$0x12F90] =	vst v8  }
0x323: {  	v8 =	vld [tilespmem:s6+$0x20];
	_ =	sdelay $0x4  }
0x324: {  	v8 =	vmul.u32 $0x5, v8;
	_ =	sdelay $0x1  }
0x325: {  	v8 =	vadd.s32 s4, v8  }
0x326: {  	[tilespmem:$0x12FA0] =	vst v8  }
0x327: {  	v8 =	vld [tilespmem:s6+$0x30];
	_ =	sdelay $0x4  }
0x328: {  	v8 =	vmul.u32 $0x5, v8;
	_ =	sdelay $0x1  }
0x329: {  	v8 =	vadd.s32 s4, v8  }
0x32a: {  	[tilespmem:$0x12FB0] =	vst v8  }
0x32b: {  	v8 =	vld [tilespmem:s6+$0x40];
	_ =	sdelay $0x4  }
0x32c: {  	v8 =	vmul.u32 $0x5, v8;
	_ =	sdelay $0x1  }
0x32d: {  	v8 =	vadd.s32 s4, v8  }
0x32e: {  	[tilespmem:$0x12FC0] =	vst v8  }
0x32f: {  	v8 =	vld [tilespmem:s6+$0x50];
	_ =	sdelay $0x4  }
0x330: {  	v8 =	vmul.u32 $0x5, v8;
	_ =	sdelay $0x1  }
0x331: {  	v8 =	vadd.s32 s4, v8  }
0x332: {  	[tilespmem:$0x12FD0] =	vst v8  }
0x333: {  	v8 =	vld [tilespmem:s6+$0x60];
	_ =	sdelay $0x4  }
0x334: {  	v8 =	vmul.u32 $0x5, v8;
	_ =	sdelay $0x1  }
0x335: {  	v8 =	vadd.s32 s4, v8  }
0x336: {  	[tilespmem:$0x12FE0] =	vst v8  }
0x337: {  	v8 =	vld [tilespmem:s6+$0x70];
	_ =	sdelay $0x4  }
0x338: {  	v8 =	vmul.u32 $0x5, v8;
	_ =	sdelay $0x1  }
0x339: {  	v8 =	vadd.s32 s4, v8  }
0x33a: {  	s18 =	simm.s32 $0x12F80;
	s20 =	sshrl.u32 s19, $0x3;
	[tilespmem:$0x12FF0] =	vst v8  }
0x33b: {  	[tilespmem:s17], [sflag:$0x3] =	stream.indirect.gather [hbm4b:s24+s25], $0xC8, s18, s25, $0xb8;
	[tilespmem:$0x1F800] =	vst v63  }
0x33c: {  	s21 =	simm.s32 $0x13000;
	s4 =	sadd.s32 s2, s20  }
0x33d: {  	[hbm4b:s4+s3] =	stream.linear.scatter [tilespmem:s21], [sflag:$0x4], $0x400, $0x38;
	[tilespmem:$0x1F800] =	vst v63  }
0x33e: {  	s4 =	simm.s32 $0x1000  }
.LBB2_13:
0x33f: {  	p0 =	sne.s32 s4, $0x18000  }
.Ltmp5:
0x340: {  	_ = 	snop;
	(pc) =	sbr.rel @p0 .LBB2_13-.Ltmp5, $4  }
0x341: {  	s19 =	sadd.s32 $0x2000, s19  }
0x342: {  	s5 =	sshra.s32 s4, $0x2;
	s6 =	sshrl.u32 s19, $0x3  }
0x343: {  	s4 =	sadd.s32 $0x1000, s4;
	s5 =	sadd.s32 $0x13000, s5;
	s6 =	sadd.s32 s2, s6  }
0x344: {  	[hbm4b:s6+s3] =	stream.linear.scatter [tilespmem:s5], [sflag:$0x4], $0x400, $0x38;
	[tilespmem:$0x1F800] =	vst v63  }
0x345: {  	s4 =	simm.s32 $0x1  }
0x346: {  	_ =	swait.ge [sflag:s4], $0x6400  }
0x347: {  	[sflag:s4] =	ssyncset.done $0x0  }
0x348: {  	s21 =	simm.s32 $0x5;
	[sflag:s4] =	ssyncadd.s32 $0xFFFF9C00  }
0x349: {  	_ =	swait.ge [sflag:s21], $0x6400  }
0x34a: {  	s18 =	simm.s32 $0x0;
	[sflag:s21] =	ssyncset.done $0x0  }
0x34b: {  	s19 =	simm.s32 $0x19900;
	s4 =	simm.s32 $0x0;
	[sflag:s21] =	ssyncadd.s32 $0xFFFF9C00  }
.LBB2_15:
0x34c: {  	s5 =	sadd.s32 $0x1, s4;
	v9 =	vmov s4  }
0x34d: {  	v8 =	vmov s5;
	v9 =	vand.u32 $0xFC, v9  }
0x34e: {  	v8 =	vand.u32 $0xFD, v8;
	v11 =	vadd.s32 v0, v9  }
0x34f: {  	v10 =	vadd.s32 v0, v8;
	_ =	sdelay $0x3  }
0x350: {  	v11 =	vld.idx.msk [tilespmem:v11+s13+$0x0], $0xffff  }
0x351: {  	v13 =	vadd.s32 v1, v9;
	v10 =	vld.idx.msk [tilespmem:v10+s13+$0x0], $0xffff  }
0x352: {  	v12 =	vadd.s32 v1, v8  }
0x353: {  	s6 =	sadd.s32 $0x80, s18;
	s5 =	sand.u32 $0x7C00, s18  }
0x354: {  	s20 =	sand.u32 $0x280, s6;
	s6 =	sadd.s32 $0x19400, s5  }
0x355: {  	s5 =	sor.u32 s20, s6;
	[tilespmem:s19+$0xFFFFFB00] =	vst v11  }
0x356: {  	[tilespmem:s5+$0x0] =	vst v10;
	v11 =	vld.idx.msk [tilespmem:v13+s13+$0x0], $0xffff  }
0x357: {  	v20 =	vadd.s32 v2, v9;
	v10 =	vld.idx.msk [tilespmem:v12+s13+$0x0], $0xffff  }
0x358: {  	v19 =	vadd.s32 v2, v8;
	_ =	sdelay $0x2  }
0x359: {  	[tilespmem:s19+$0xFFFFFB10] =	vst v11  }
0x35a: {  	[tilespmem:s5+$0x10] =	vst v10;
	v11 =	vld.idx.msk [tilespmem:v20+s13+$0x0], $0xffff  }
0x35b: {  	v22 =	vadd.s32 v3, v9;
	v10 =	vld.idx.msk [tilespmem:v19+s13+$0x0], $0xffff  }
0x35c: {  	v21 =	vadd.s32 v3, v8;
	_ =	sdelay $0x2  }
0x35d: {  	[tilespmem:s19+$0xFFFFFB20] =	vst v11  }
0x35e: {  	[tilespmem:s5+$0x20] =	vst v10;
	v11 =	vld.idx.msk [tilespmem:v22+s13+$0x0], $0xffff  }
0x35f: {  	v24 =	vadd.s32 v4, v9;
	v10 =	vld.idx.msk [tilespmem:v21+s13+$0x0], $0xffff  }
0x360: {  	v23 =	vadd.s32 v4, v8;
	_ =	sdelay $0x2  }
0x361: {  	[tilespmem:s19+$0xFFFFFB30] =	vst v11  }
0x362: {  	[tilespmem:s5+$0x30] =	vst v10;
	v11 =	vld.idx.msk [tilespmem:v24+s13+$0x0], $0xffff  }
0x363: {  	v26 =	vadd.s32 v5, v9;
	v10 =	vld.idx.msk [tilespmem:v23+s13+$0x0], $0xffff  }
0x364: {  	v25 =	vadd.s32 v5, v8;
	_ =	sdelay $0x2  }
0x365: {  	[tilespmem:s19+$0xFFFFFB40] =	vst v11  }
0x366: {  	v28 =	vadd.s32 v6, v9;
	s20 =	sadd.s32 $0x2, s4;
	[tilespmem:s5+$0x40] =	vst v10;
	v11 =	vld.idx.msk [tilespmem:v26+s13+$0x0], $0xffff  }
0x367: {  	v27 =	vadd.s32 v6, v8;
	v14 =	vadd.s32 v7, v8;
	v8 =	vmov s20;
	s20 =	sadd.s32 $0x3, s4;
	v10 =	vld.idx.msk [tilespmem:v25+s13+$0x0], $0xffff  }
0x368: {  	v30 =	vmov s20;
	s20 =	sadd.s32 $0x4, s4  }
0x369: {  	v31 =	vmov s20;
	s20 =	sadd.s32 $0x5, s4  }
0x36a: {  	v32 =	vmov s20  }
0x36b: {  	v12 =	vand.u32 $0x1FD, v32;
	[tilespmem:s19+$0xFFFFFB50] =	vst v11  }
0x36c: {  	v19 =	vadd.s32 v0, v12;
	[tilespmem:s5+$0x50] =	vst v10;
	v13 =	vld.idx.msk [tilespmem:v28+s13+$0x0], $0xffff  }
0x36d: {  	v15 =	vadd.s32 v7, v9;
	v29 =	vld.idx.msk [tilespmem:v27+s13+$0x0], $0xffff  }
0x36e: {  	s20 =	sadd.s32 $0x6, s4;
	v10 =	vand.u32 $0x1FC, v31  }
0x36f: {  	v8 =	vand.u32 $0xFE, v8;
	v33 =	vmov s20;
	s20 =	sadd.s32 $0x7, s4;
	v18 =	vadd.s32 v0, v10  }
0x370: {  	v16 =	vadd.s32 v0, v8;
	v34 =	vand.u32 $0x1FE, v33;
	v35 =	vmov s20  }
0x371: {  	v20 =	vadd.s32 v0, v34;
	v19 =	vld.idx.msk [tilespmem:v19+s13+$0x0], $0xffff;
	v11 =	vand.u32 $0x1FF, v35;
	[tilespmem:s19+$0xFFFFFB60] =	vst v13  }
0x372: {  	v9 =	vand.u32 $0xFF, v30;
	v21 =	vadd.s32 v0, v11;
	[tilespmem:s5+$0x60] =	vst v29;
	v15 =	vld.idx.msk [tilespmem:v15+s13+$0x0], $0xffff  }
0x373: {  	v17 =	vadd.s32 v0, v9;
	v14 =	vld.idx.msk [tilespmem:v14+s13+$0x0], $0xffff  }
0x374: {  	v37 =	vadd.s32 v1, v12;
	v18 =	vld.idx.msk [tilespmem:v18+s13+$0x0], $0xffff  }
0x375: {  	v16 =	vld.idx.msk [tilespmem:v16+s13+$0x0], $0xffff;
	v36 =	vadd.s32 v1, v10  }
0x376: {  	v20 =	vld.idx.msk [tilespmem:v20+s13+$0x0], $0xffff;
	v22 =	vadd.s32 v1, v8;
	[tilespmem:s19+$0xFFFFFD80] =	vst v19  }
0x377: {  	s20 =	sadd.s32 $0x100, s18;
	v38 =	vadd.s32 v1, v34;
	v21 =	vld.idx.msk [tilespmem:v21+s13+$0x0], $0xffff;
	[tilespmem:s19+$0xFFFFFB70] =	vst v15  }
0x378: {  	v17 =	vld.idx.msk [tilespmem:v17+s13+$0x0], $0xffff;
	v39 =	vadd.s32 v1, v11;
	[tilespmem:s5+$0x70] =	vst v14;
	s5 =	sand.u32 $0x300, s20  }
0x379: {  	v23 =	vadd.s32 v1, v9;
	[tilespmem:s19+$0xFFFFFD00] =	vst v18;
	v15 =	vld.idx.msk [tilespmem:v37+s13+$0x0], $0xffff;
	s5 =	sor.u32 s5, s6  }
0x37a: {  	v43 =	vadd.s32 v2, v12;
	s20 =	sadd.s32 $0x180, s18;
	v14 =	vld.idx.msk [tilespmem:v36+s13+$0x0], $0xffff;
	[tilespmem:s5+$0x0] =	vst v16  }
0x37b: {  	[tilespmem:s19+$0xFFFFFE00] =	vst v20;
	v42 =	vadd.s32 v2, v10;
	s20 =	sand.u32 $0x380, s20;
	v22 =	vld.idx.msk [tilespmem:v22+s13+$0x0], $0xffff  }
0x37c: {  	v40 =	vadd.s32 v2, v8;
	[tilespmem:s19+$0xFFFFFE80] =	vst v21;
	s6 =	sor.u32 s20, s6;
	v16 =	vld.idx.msk [tilespmem:v38+s13+$0x0], $0xffff  }
0x37d: {  	v44 =	vadd.s32 v2, v34;
	[tilespmem:s6+$0x0] =	vst v17;
	v17 =	vld.idx.msk [tilespmem:v39+s13+$0x0], $0xffff  }
0x37e: {  	v45 =	vadd.s32 v2, v11;
	v23 =	vld.idx.msk [tilespmem:v23+s13+$0x0], $0xffff;
	[tilespmem:s19+$0xFFFFFD90] =	vst v15  }
0x37f: {  	v41 =	vadd.s32 v2, v9;
	[tilespmem:s19+$0xFFFFFD10] =	vst v14;
	v21 =	vld.idx.msk [tilespmem:v43+s13+$0x0], $0xffff  }
0x380: {  	v49 =	vadd.s32 v3, v12;
	v20 =	vld.idx.msk [tilespmem:v42+s13+$0x0], $0xffff;
	[tilespmem:s5+$0x10] =	vst v22  }
0x381: {  	v48 =	vadd.s32 v3, v10;
	[tilespmem:s19+$0xFFFFFE10] =	vst v16;
	v18 =	vld.idx.msk [tilespmem:v40+s13+$0x0], $0xffff  }
0x382: {  	v46 =	vadd.s32 v3, v8;
	[tilespmem:s19+$0xFFFFFE90] =	vst v17;
	v22 =	vld.idx.msk [tilespmem:v44+s13+$0x0], $0xffff  }
0x383: {  	v50 =	vadd.s32 v3, v34;
	[tilespmem:s6+$0x10] =	vst v23;
	v23 =	vld.idx.msk [tilespmem:v45+s13+$0x0], $0xffff  }
0x384: {  	v51 =	vadd.s32 v3, v11;
	v19 =	vld.idx.msk [tilespmem:v41+s13+$0x0], $0xffff;
	[tilespmem:s19+$0xFFFFFDA0] =	vst v21  }
0x385: {  	v47 =	vadd.s32 v3, v9;
	[tilespmem:s19+$0xFFFFFD20] =	vst v20;
	v17 =	vld.idx.msk [tilespmem:v49+s13+$0x0], $0xffff  }
0x386: {  	v55 =	vadd.s32 v4, v12;
	v16 =	vld.idx.msk [tilespmem:v48+s13+$0x0], $0xffff;
	[tilespmem:s5+$0x20] =	vst v18  }
0x387: {  	v54 =	vadd.s32 v4, v10;
	[tilespmem:s19+$0xFFFFFE20] =	vst v22;
	v14 =	vld.idx.msk [tilespmem:v46+s13+$0x0], $0xffff  }
0x388: {  	v52 =	vadd.s32 v4, v8;
	[tilespmem:s19+$0xFFFFFEA0] =	vst v23;
	v18 =	vld.idx.msk [tilespmem:v50+s13+$0x0], $0xffff  }
0x389: {  	v56 =	vadd.s32 v4, v34;
	[tilespmem:s6+$0x20] =	vst v19;
	v19 =	vld.idx.msk [tilespmem:v51+s13+$0x0], $0xffff  }
0x38a: {  	v57 =	vadd.s32 v4, v11;
	v15 =	vld.idx.msk [tilespmem:v47+s13+$0x0], $0xffff;
	[tilespmem:s19+$0xFFFFFDB0] =	vst v17  }
0x38b: {  	v53 =	vadd.s32 v4, v9;
	[tilespmem:s19+$0xFFFFFD30] =	vst v16;
	v23 =	vld.idx.msk [tilespmem:v55+s13+$0x0], $0xffff  }
0x38c: {  	v61 =	vadd.s32 v5, v12;
	v22 =	vld.idx.msk [tilespmem:v54+s13+$0x0], $0xffff;
	[tilespmem:s5+$0x30] =	vst v14  }
0x38d: {  	v60 =	vadd.s32 v5, v10;
	[tilespmem:s19+$0xFFFFFE30] =	vst v18;
	v20 =	vld.idx.msk [tilespmem:v52+s13+$0x0], $0xffff  }
0x38e: {  	v58 =	vadd.s32 v5, v8;
	[tilespmem:s19+$0xFFFFFEB0] =	vst v19;
	v14 =	vld.idx.msk [tilespmem:v56+s13+$0x0], $0xffff  }
0x38f: {  	v62 =	vadd.s32 v5, v34;
	[tilespmem:s6+$0x30] =	vst v15;
	v15 =	vld.idx.msk [tilespmem:v57+s13+$0x0], $0xffff  }
0x390: {  	v63 =	vadd.s32 v5, v11;
	v21 =	vld.idx.msk [tilespmem:v53+s13+$0x0], $0xffff;
	[tilespmem:s19+$0xFFFFFDC0] =	vst v23  }
0x391: {  	v59 =	vadd.s32 v5, v9;
	[tilespmem:s19+$0xFFFFFD40] =	vst v22;
	v19 =	vld.idx.msk [tilespmem:v61+s13+$0x0], $0xffff  }
0x392: {  	v27 =	vadd.s32 v6, v12;
	v18 =	vld.idx.msk [tilespmem:v60+s13+$0x0], $0xffff;
	[tilespmem:s5+$0x40] =	vst v20  }
0x393: {  	v26 =	vadd.s32 v6, v10;
	[tilespmem:s19+$0xFFFFFE40] =	vst v14;
	v16 =	vld.idx.msk [tilespmem:v58+s13+$0x0], $0xffff  }
0x394: {  	v24 =	vadd.s32 v6, v8;
	[tilespmem:s19+$0xFFFFFEC0] =	vst v15;
	v20 =	vld.idx.msk [tilespmem:v62+s13+$0x0], $0xffff  }
0x395: {  	v28 =	vadd.s32 v6, v34;
	[tilespmem:s6+$0x40] =	vst v21;
	v21 =	vld.idx.msk [tilespmem:v63+s13+$0x0], $0xffff  }
0x396: {  	v29 =	vadd.s32 v6, v11;
	s20 =	sadd.s32 $0x8, s4;
	v17 =	vld.idx.msk [tilespmem:v59+s13+$0x0], $0xffff;
	[tilespmem:s19+$0xFFFFFDD0] =	vst v19  }
0x397: {  	v25 =	vadd.s32 v6, v9;
	v30 =	vmov s20;
	s20 =	sadd.s32 $0x9, s4;
	[tilespmem:s19+$0xFFFFFD50] =	vst v18;
	v15 =	vld.idx.msk [tilespmem:v27+s13+$0x0], $0xffff  }
0x398: {  	v12 =	vadd.s32 v7, v12;
	v33 =	vmov s20;
	s20 =	sadd.s32 $0xA, s4;
	v14 =	vld.idx.msk [tilespmem:v26+s13+$0x0], $0xffff;
	[tilespmem:s5+$0x50] =	vst v16  }
0x399: {  	v10 =	vadd.s32 v7, v10;
	v36 =	vmov s20;
	s20 =	sadd.s32 $0xB, s4;
	[tilespmem:s19+$0xFFFFFE50] =	vst v20;
	v22 =	vld.idx.msk [tilespmem:v24+s13+$0x0], $0xffff  }
0x39a: {  	v8 =	vadd.s32 v7, v8;
	v39 =	vmov s20;
	v16 =	vld.idx.msk [tilespmem:v28+s13+$0x0], $0xffff;
	[tilespmem:s19+$0xFFFFFED0] =	vst v21  }
0x39b: {  	v32 =	vadd.s32 v7, v11;
	v13 =	vadd.s32 v7, v34;
	v11 =	vand.u32 $0x1FF, v39;
	[tilespmem:s6+$0x50] =	vst v17;
	v17 =	vld.idx.msk [tilespmem:v29+s13+$0x0], $0xffff  }
0x39c: {  	v44 =	vadd.s32 v0, v11;
	v23 =	vld.idx.msk [tilespmem:v25+s13+$0x0], $0xffff;
	[tilespmem:s19+$0xFFFFFDE0] =	vst v15  }
0x39d: {  	[tilespmem:s19+$0xFFFFFD60] =	vst v14;
	v40 =	vld.idx.msk [tilespmem:v12+s13+$0x0], $0xffff  }
0x39e: {  	v9 =	vadd.s32 v7, v9;
	s20 =	sadd.s32 $0xC, s4;
	v37 =	vld.idx.msk [tilespmem:v10+s13+$0x0], $0xffff;
	v10 =	vand.u32 $0x1FE, v36;
	[tilespmem:s5+$0x60] =	vst v22  }
0x39f: {  	v42 =	vmov s20;
	[tilespmem:s19+$0xFFFFFE60] =	vst v16;
	v41 =	vadd.s32 v0, v10;
	v31 =	vld.idx.msk [tilespmem:v8+s13+$0x0], $0xffff;
	v8 =	vand.u32 $0x1FC, v30  }
0x3a0: {  	s20 =	sadd.s32 $0xD, s4;
	v43 =	vld.idx.msk [tilespmem:v13+s13+$0x0], $0xffff;
	v13 =	vand.u32 $0x1FC, v42;
	v35 =	vadd.s32 v0, v8  }
0x3a1: {  	v45 =	vmov s20;
	[tilespmem:s19+$0xFFFFFEE0] =	vst v17;
	v17 =	vld.idx.msk [tilespmem:v44+s13+$0x0], $0xffff;
	v47 =	vadd.s32 v0, v13  }
0x3a2: {  	v52 =	vadd.s32 v1, v11;
	v12 =	vand.u32 $0x1FD, v45;
	[tilespmem:s6+$0x60] =	vst v23  }
0x3a3: {  	v48 =	vadd.s32 v0, v12;
	v34 =	vld.idx.msk [tilespmem:v9+s13+$0x0], $0xffff;
	v9 =	vand.u32 $0x1FD, v33;
	[tilespmem:s19+$0xFFFFFDF0] =	vst v40  }
0x3a4: {  	v38 =	vadd.s32 v0, v9;
	[tilespmem:s19+$0xFFFFFD70] =	vst v37;
	v16 =	vld.idx.msk [tilespmem:v41+s13+$0x0], $0xffff  }
0x3a5: {  	v51 =	vadd.s32 v1, v10;
	[tilespmem:s19+$0xFFFFFE70] =	vst v43;
	v14 =	vld.idx.msk [tilespmem:v35+s13+$0x0], $0xffff  }
0x3a6: {  	v49 =	vadd.s32 v1, v8;
	[tilespmem:s19+$0x80] =	vst v17;
	v20 =	vld.idx.msk [tilespmem:v47+s13+$0x0], $0xffff  }
0x3a7: {  	s20 =	sadd.s32 $0x400, s18;
	v53 =	vadd.s32 v1, v13;
	[tilespmem:s5+$0x70] =	vst v31;
	v19 =	vld.idx.msk [tilespmem:v52+s13+$0x0], $0xffff  }
0x3a8: {  	v58 =	vadd.s32 v2, v11;
	v18 =	vld.idx.msk [tilespmem:v48+s13+$0x0], $0xffff;
	s5 =	sand.u32 $0x200, s18;
	[tilespmem:s6+$0x70] =	vst v34;
	s6 =	sand.u32 $0xFC00, s20  }
0x3a9: {  	v54 =	vadd.s32 v1, v12;
	v15 =	vld.idx.msk [tilespmem:v38+s13+$0x0], $0xffff;
	s6 =	sor.u32 s5, s6;
	[tilespmem:s19+$0x0] =	vst v16  }
0x3aa: {  	v50 =	vadd.s32 v1, v9;
	v23 =	vld.idx.msk [tilespmem:v51+s13+$0x0], $0xffff;
	[tilespmem:s6+$0x19400] =	vst v14  }
0x3ab: {  	v57 =	vadd.s32 v2, v10;
	[tilespmem:s19+$0x100] =	vst v20;
	v21 =	vld.idx.msk [tilespmem:v49+s13+$0x0], $0xffff  }
0x3ac: {  	v55 =	vadd.s32 v2, v8;
	[tilespmem:s19+$0x90] =	vst v19;
	v14 =	vld.idx.msk [tilespmem:v53+s13+$0x0], $0xffff  }
0x3ad: {  	v59 =	vadd.s32 v2, v13;
	[tilespmem:s19+$0x180] =	vst v18;
	v18 =	vld.idx.msk [tilespmem:v58+s13+$0x0], $0xffff  }
0x3ae: {  	v24 =	vadd.s32 v3, v11;
	[tilespmem:s19+$0xFFFFFF80] =	vst v15;
	v15 =	vld.idx.msk [tilespmem:v54+s13+$0x0], $0xffff  }
0x3af: {  	v60 =	vadd.s32 v2, v12;
	s6 =	sadd.s32 $0x19400, s6;
	v22 =	vld.idx.msk [tilespmem:v50+s13+$0x0], $0xffff;
	[tilespmem:s19+$0x10] =	vst v23  }
0x3b0: {  	v56 =	vadd.s32 v2, v9;
	v20 =	vld.idx.msk [tilespmem:v57+s13+$0x0], $0xffff;
	[tilespmem:s6+$0x10] =	vst v21  }
0x3b1: {  	v63 =	vadd.s32 v3, v10;
	[tilespmem:s19+$0x110] =	vst v14;
	v16 =	vld.idx.msk [tilespmem:v55+s13+$0x0], $0xffff  }
0x3b2: {  	v61 =	vadd.s32 v3, v8;
	[tilespmem:s19+$0xA0] =	vst v18;
	v21 =	vld.idx.msk [tilespmem:v59+s13+$0x0], $0xffff  }
0x3b3: {  	v25 =	vadd.s32 v3, v13;
	[tilespmem:s19+$0x190] =	vst v15;
	v15 =	vld.idx.msk [tilespmem:v24+s13+$0x0], $0xffff  }
0x3b4: {  	v30 =	vadd.s32 v4, v11;
	[tilespmem:s19+$0xFFFFFF90] =	vst v22;
	v22 =	vld.idx.msk [tilespmem:v60+s13+$0x0], $0xffff  }
0x3b5: {  	v26 =	vadd.s32 v3, v12;
	v17 =	vld.idx.msk [tilespmem:v56+s13+$0x0], $0xffff;
	[tilespmem:s19+$0x20] =	vst v20  }
0x3b6: {  	v62 =	vadd.s32 v3, v9;
	v14 =	vld.idx.msk [tilespmem:v63+s13+$0x0], $0xffff;
	[tilespmem:s6+$0x20] =	vst v16  }
0x3b7: {  	[tilespmem:s19+$0x120] =	vst v21;
	v23 =	vld.idx.msk [tilespmem:v61+s13+$0x0], $0xffff  }
0x3b8: {  	v27 =	vadd.s32 v4, v8;
	[tilespmem:s19+$0xB0] =	vst v15;
	v16 =	vld.idx.msk [tilespmem:v25+s13+$0x0], $0xffff  }
0x3b9: {  	v29 =	vadd.s32 v4, v10;
	[tilespmem:s19+$0x1A0] =	vst v22;
	v22 =	vld.idx.msk [tilespmem:v30+s13+$0x0], $0xffff  }
0x3ba: {  	v31 =	vadd.s32 v4, v13;
	[tilespmem:s19+$0xFFFFFFA0] =	vst v17;
	v17 =	vld.idx.msk [tilespmem:v26+s13+$0x0], $0xffff  }
0x3bb: {  	v36 =	vadd.s32 v5, v11;
	v19 =	vld.idx.msk [tilespmem:v62+s13+$0x0], $0xffff;
	[tilespmem:s19+$0x30] =	vst v14  }
0x3bc: {  	v46 =	vld.idx.msk [tilespmem:v32+s13+$0x0], $0xffff;
	v28 =	vadd.s32 v4, v9;
	[tilespmem:s6+$0x30] =	vst v23  }
0x3bd: {  	v32 =	vadd.s32 v4, v12;
	[tilespmem:s19+$0x130] =	vst v16;
	v20 =	vld.idx.msk [tilespmem:v27+s13+$0x0], $0xffff  }
0x3be: {  	v33 =	vadd.s32 v5, v8;
	v21 =	vld.idx.msk [tilespmem:v29+s13+$0x0], $0xffff;
	[tilespmem:s19+$0xC0] =	vst v22  }
0x3bf: {  	v35 =	vadd.s32 v5, v10;
	[tilespmem:s19+$0x1B0] =	vst v17;
	v23 =	vld.idx.msk [tilespmem:v31+s13+$0x0], $0xffff  }
0x3c0: {  	v37 =	vadd.s32 v5, v13;
	v17 =	vld.idx.msk [tilespmem:v36+s13+$0x0], $0xffff;
	[tilespmem:s19+$0xFFFFFFB0] =	vst v19  }
0x3c1: {  	v42 =	vadd.s32 v6, v11;
	[tilespmem:s19+$0xFFFFFEF0] =	vst v46;
	v18 =	vld.idx.msk [tilespmem:v28+s13+$0x0], $0xffff  }
0x3c2: {  	v34 =	vadd.s32 v5, v9;
	v19 =	vld.idx.msk [tilespmem:v32+s13+$0x0], $0xffff;
	[tilespmem:s6+$0x40] =	vst v20  }
0x3c3: {  	v38 =	vadd.s32 v5, v12;
	[tilespmem:s19+$0x40] =	vst v21;
	v14 =	vld.idx.msk [tilespmem:v33+s13+$0x0], $0xffff  }
0x3c4: {  	v39 =	vadd.s32 v6, v8;
	v16 =	vld.idx.msk [tilespmem:v35+s13+$0x0], $0xffff;
	[tilespmem:s19+$0x140] =	vst v23  }
0x3c5: {  	v41 =	vadd.s32 v6, v10;
	[tilespmem:s19+$0xD0] =	vst v17;
	v20 =	vld.idx.msk [tilespmem:v37+s13+$0x0], $0xffff  }
0x3c6: {  	v43 =	vadd.s32 v6, v13;
	v17 =	vld.idx.msk [tilespmem:v42+s13+$0x0], $0xffff;
	[tilespmem:s19+$0xFFFFFFC0] =	vst v18  }
0x3c7: {  	v11 =	vadd.s32 v7, v11;
	s20 =	sadd.s32 $0xE, s4;
	[tilespmem:s19+$0x1C0] =	vst v19;
	v15 =	vld.idx.msk [tilespmem:v34+s13+$0x0], $0xffff  }
0x3c8: {  	v40 =	vadd.s32 v6, v9;
	v45 =	vmov s20;
	s20 =	sadd.s32 $0xF, s4;
	v18 =	vld.idx.msk [tilespmem:v38+s13+$0x0], $0xffff;
	[tilespmem:s6+$0x50] =	vst v14  }
0x3c9: {  	v44 =	vadd.s32 v6, v12;
	v47 =	vmov s20;
	s20 =	sadd.s32 $0x11, s4;
	[tilespmem:s19+$0x50] =	vst v16;
	v21 =	vld.idx.msk [tilespmem:v39+s13+$0x0], $0xffff  }
0x3ca: {  	v8 =	vadd.s32 v7, v8;
	v50 =	vmov s20;
	s20 =	sadd.s32 $0x12, s4;
	v16 =	vld.idx.msk [tilespmem:v41+s13+$0x0], $0xffff;
	[tilespmem:s19+$0x150] =	vst v20  }
0x3cb: {  	v10 =	vadd.s32 v7, v10;
	v53 =	vmov s20;
	[tilespmem:s19+$0xE0] =	vst v17;
	v14 =	vld.idx.msk [tilespmem:v43+s13+$0x0], $0xffff  }
0x3cc: {  	v13 =	vadd.s32 v7, v13;
	v54 =	vld.idx.msk [tilespmem:v11+s13+$0x0], $0xffff;
	v11 =	vand.u32 $0x1FE, v53;
	[tilespmem:s19+$0xFFFFFFD0] =	vst v15  }
0x3cd: {  	[tilespmem:s19+$0x1D0] =	vst v18;
	v24 =	vadd.s32 v0, v11;
	v22 =	vld.idx.msk [tilespmem:v40+s13+$0x0], $0xffff  }
0x3ce: {  	v9 =	vadd.s32 v7, v9;
	v15 =	vld.idx.msk [tilespmem:v44+s13+$0x0], $0xffff;
	[tilespmem:s6+$0x60] =	vst v21  }
0x3cf: {  	v12 =	vadd.s32 v7, v12;
	[tilespmem:s19+$0x60] =	vst v16;
	v46 =	vld.idx.msk [tilespmem:v8+s13+$0x0], $0xffff;
	v8 =	vand.u32 $0x1FE, v45  }
0x3d0: {  	s20 =	sadd.s32 $0x13, s4;
	v51 =	vld.idx.msk [tilespmem:v10+s13+$0x0], $0xffff;
	[tilespmem:s19+$0x160] =	vst v14;
	v49 =	vadd.s32 v0, v8  }
0x3d1: {  	v55 =	vmov s20;
	v10 =	vand.u32 $0x1FD, v50;
	v57 =	vld.idx.msk [tilespmem:v13+s13+$0x0], $0xffff  }
0x3d2: {  	s20 =	sadd.s32 $0x10, s4;
	v56 =	vadd.s32 v0, v10;
	v13 =	vand.u32 $0x1FF, v55;
	v27 =	vld.idx.msk [tilespmem:v24+s13+$0x0], $0xffff;
	[tilespmem:s19+$0xFFFFFFE0] =	vst v22  }
0x3d3: {  	v58 =	vmov s20;
	[tilespmem:s19+$0x1E0] =	vst v15;
	v60 =	vadd.s32 v0, v13;
	v48 =	vld.idx.msk [tilespmem:v9+s13+$0x0], $0xffff;
	v9 =	vand.u32 $0x1FF, v47  }
0x3d4: {  	[tilespmem:s19+$0xF0] =	vst v54;
	v59 =	vld.idx.msk [tilespmem:v12+s13+$0x0], $0xffff;
	v12 =	vand.u32 $0x1FC, v58;
	v52 =	vadd.s32 v0, v9  }
0x3d5: {  	v61 =	vadd.s32 v0, v12;
	[tilespmem:s19+$0x70] =	vst v51;
	v16 =	vld.idx.msk [tilespmem:v49+s13+$0x0], $0xffff  }
0x3d6: {  	v62 =	vadd.s32 v1, v8;
	[tilespmem:s19+$0x170] =	vst v57  }
0x3d7: {  	v28 =	vadd.s32 v1, v11;
	v25 =	vld.idx.msk [tilespmem:v56+s13+$0x0], $0xffff;
	[tilespmem:s19+$0x400] =	vst v27  }
0x3d8: {  	v26 =	vadd.s32 v1, v10;
	[tilespmem:s6+$0x70] =	vst v46;
	v15 =	vld.idx.msk [tilespmem:v60+s13+$0x0], $0xffff  }
0x3d9: {  	v30 =	vadd.s32 v1, v13;
	[tilespmem:s19+$0x1F0] =	vst v59;
	v17 =	vld.idx.msk [tilespmem:v52+s13+$0x0], $0xffff  }
0x3da: {  	v63 =	vadd.s32 v1, v9;
	v29 =	vld.idx.msk [tilespmem:v61+s13+$0x0], $0xffff;
	[tilespmem:s19+$0x200] =	vst v16  }
0x3db: {  	v31 =	vadd.s32 v1, v12;
	[tilespmem:s19+$0xFFFFFFF0] =	vst v48;
	v20 =	vld.idx.msk [tilespmem:v62+s13+$0x0], $0xffff  }
0x3dc: {  	s20 =	sadd.s32 $0x800, s18;
	v32 =	vadd.s32 v2, v8;
	v14 =	vld.idx.msk [tilespmem:v28+s13+$0x0], $0xffff;
	[tilespmem:s19+$0x380] =	vst v25  }
0x3dd: {  	v35 =	vadd.s32 v2, v11;
	s6 =	sand.u32 $0xFC00, s20;
	v18 =	vld.idx.msk [tilespmem:v26+s13+$0x0], $0xffff;
	[tilespmem:s19+$0x480] =	vst v15  }
0x3de: {  	v34 =	vadd.s32 v2, v10;
	s5 =	sor.u32 s5, s6;
	v19 =	vld.idx.msk [tilespmem:v30+s13+$0x0], $0xffff;
	[tilespmem:s19+$0x280] =	vst v17  }
0x3df: {  	v36 =	vadd.s32 v2, v13;
	[tilespmem:s5+$0x19400] =	vst v29;
	v21 =	vld.idx.msk [tilespmem:v63+s13+$0x0], $0xffff  }
0x3e0: {  	v33 =	vadd.s32 v2, v9;
	v17 =	vld.idx.msk [tilespmem:v31+s13+$0x0], $0xffff;
	[tilespmem:s19+$0x210] =	vst v20  }
0x3e1: {  	v37 =	vadd.s32 v2, v12;
	[tilespmem:s19+$0x410] =	vst v14;
	v22 =	vld.idx.msk [tilespmem:v32+s13+$0x0], $0xffff  }
0x3e2: {  	v38 =	vadd.s32 v3, v8;
	v16 =	vld.idx.msk [tilespmem:v35+s13+$0x0], $0xffff;
	[tilespmem:s19+$0x390] =	vst v18  }
0x3e3: {  	v41 =	vadd.s32 v3, v11;
	v15 =	vld.idx.msk [tilespmem:v34+s13+$0x0], $0xffff;
	[tilespmem:s19+$0x490] =	vst v19  }
0x3e4: {  	v40 =	vadd.s32 v3, v10;
	s5 =	sadd.s32 $0x19400, s5;
	v20 =	vld.idx.msk [tilespmem:v36+s13+$0x0], $0xffff;
	[tilespmem:s19+$0x290] =	vst v21  }
0x3e5: {  	v42 =	vadd.s32 v3, v13;
	[tilespmem:s5+$0x10] =	vst v17;
	v23 =	vld.idx.msk [tilespmem:v33+s13+$0x0], $0xffff  }
0x3e6: {  	v39 =	vadd.s32 v3, v9;
	v21 =	vld.idx.msk [tilespmem:v37+s13+$0x0], $0xffff;
	[tilespmem:s19+$0x220] =	vst v22  }
0x3e7: {  	v43 =	vadd.s32 v3, v12;
	[tilespmem:s19+$0x420] =	vst v16;
	v18 =	vld.idx.msk [tilespmem:v38+s13+$0x0], $0xffff  }
0x3e8: {  	v44 =	vadd.s32 v4, v8;
	v17 =	vld.idx.msk [tilespmem:v41+s13+$0x0], $0xffff;
	[tilespmem:s19+$0x3A0] =	vst v15  }
0x3e9: {  	v47 =	vadd.s32 v4, v11;
	v19 =	vld.idx.msk [tilespmem:v40+s13+$0x0], $0xffff;
	[tilespmem:s19+$0x4A0] =	vst v20  }
0x3ea: {  	v46 =	vadd.s32 v4, v10;
	v22 =	vld.idx.msk [tilespmem:v42+s13+$0x0], $0xffff;
	[tilespmem:s19+$0x2A0] =	vst v23  }
0x3eb: {  	v49 =	vadd.s32 v4, v13;
	[tilespmem:s5+$0x20] =	vst v21;
	v14 =	vld.idx.msk [tilespmem:v39+s13+$0x0], $0xffff  }
0x3ec: {  	v45 =	vadd.s32 v4, v9;
	v48 =	vld.idx.msk [tilespmem:v43+s13+$0x0], $0xffff;
	[tilespmem:s19+$0x230] =	vst v18  }
0x3ed: {  	v50 =	vadd.s32 v4, v12;
	[tilespmem:s19+$0x430] =	vst v17;
	v15 =	vld.idx.msk [tilespmem:v44+s13+$0x0], $0xffff  }
0x3ee: {  	v51 =	vadd.s32 v5, v8;
	v21 =	vld.idx.msk [tilespmem:v47+s13+$0x0], $0xffff;
	[tilespmem:s19+$0x3B0] =	vst v19  }
0x3ef: {  	v54 =	vadd.s32 v5, v11;
	v20 =	vld.idx.msk [tilespmem:v46+s13+$0x0], $0xffff;
	[tilespmem:s19+$0x4B0] =	vst v22  }
0x3f0: {  	v53 =	vadd.s32 v5, v10;
	v23 =	vld.idx.msk [tilespmem:v49+s13+$0x0], $0xffff;
	[tilespmem:s19+$0x2B0] =	vst v14  }
0x3f1: {  	v55 =	vadd.s32 v5, v13;
	[tilespmem:s5+$0x30] =	vst v48;
	v16 =	vld.idx.msk [tilespmem:v45+s13+$0x0], $0xffff  }
0x3f2: {  	v52 =	vadd.s32 v5, v9;
	v14 =	vld.idx.msk [tilespmem:v50+s13+$0x0], $0xffff;
	[tilespmem:s19+$0x240] =	vst v15  }
0x3f3: {  	v56 =	vadd.s32 v5, v12;
	[tilespmem:s19+$0x440] =	vst v21;
	v19 =	vld.idx.msk [tilespmem:v51+s13+$0x0], $0xffff  }
0x3f4: {  	v57 =	vadd.s32 v6, v8;
	v18 =	vld.idx.msk [tilespmem:v54+s13+$0x0], $0xffff;
	[tilespmem:s19+$0x3C0] =	vst v20  }
0x3f5: {  	v60 =	vadd.s32 v6, v11;
	v22 =	vld.idx.msk [tilespmem:v53+s13+$0x0], $0xffff;
	[tilespmem:s19+$0x4C0] =	vst v23  }
0x3f6: {  	v59 =	vadd.s32 v6, v10;
	v15 =	vld.idx.msk [tilespmem:v55+s13+$0x0], $0xffff;
	[tilespmem:s19+$0x2C0] =	vst v16  }
0x3f7: {  	v61 =	vadd.s32 v6, v13;
	[tilespmem:s5+$0x40] =	vst v14;
	v17 =	vld.idx.msk [tilespmem:v52+s13+$0x0], $0xffff  }
0x3f8: {  	v58 =	vadd.s32 v6, v9;
	v16 =	vld.idx.msk [tilespmem:v56+s13+$0x0], $0xffff;
	[tilespmem:s19+$0x250] =	vst v19  }
0x3f9: {  	v62 =	vadd.s32 v6, v12;
	[tilespmem:s19+$0x450] =	vst v18;
	v20 =	vld.idx.msk [tilespmem:v57+s13+$0x0], $0xffff  }
0x3fa: {  	v8 =	vadd.s32 v7, v8;
	v14 =	vld.idx.msk [tilespmem:v60+s13+$0x0], $0xffff;
	[tilespmem:s19+$0x3D0] =	vst v22  }
0x3fb: {  	v11 =	vadd.s32 v7, v11;
	v63 =	vld.idx.msk [tilespmem:v59+s13+$0x0], $0xffff;
	[tilespmem:s19+$0x4D0] =	vst v15  }
0x3fc: {  	v10 =	vadd.s32 v7, v10;
	v15 =	vld.idx.msk [tilespmem:v61+s13+$0x0], $0xffff;
	[tilespmem:s19+$0x2D0] =	vst v17  }
0x3fd: {  	v13 =	vadd.s32 v7, v13;
	[tilespmem:s5+$0x50] =	vst v16;
	v21 =	vld.idx.msk [tilespmem:v58+s13+$0x0], $0xffff  }
0x3fe: {  	v9 =	vadd.s32 v7, v9;
	v16 =	vld.idx.msk [tilespmem:v62+s13+$0x0], $0xffff;
	[tilespmem:s19+$0x260] =	vst v20  }
0x3ff: {  	v12 =	vadd.s32 v7, v12;
	[tilespmem:s19+$0x460] =	vst v14;
	v8 =	vld.idx.msk [tilespmem:v8+s13+$0x0], $0xffff  }
0x400: {  	v11 =	vld.idx.msk [tilespmem:v11+s13+$0x0], $0xffff;
	[tilespmem:s19+$0x3E0] =	vst v63  }
0x401: {  	v10 =	vld.idx.msk [tilespmem:v10+s13+$0x0], $0xffff;
	[tilespmem:s19+$0x4E0] =	vst v15  }
0x402: {  	v13 =	vld.idx.msk [tilespmem:v13+s13+$0x0], $0xffff;
	[tilespmem:s19+$0x2E0] =	vst v21  }
0x403: {  	[tilespmem:s5+$0x60] =	vst v16;
	v9 =	vld.idx.msk [tilespmem:v9+s13+$0x0], $0xffff  }
0x404: {  	p0 =	slt.u32 s4, $0xB4;
	[tilespmem:s19+$0x270] =	vst v8;
	v8 =	vld.idx.msk [tilespmem:v12+s13+$0x0], $0xffff  }
.Ltmp6:
0x405: {  	[tilespmem:s19+$0x470] =	vst v11;
	(pc) =	sbr.rel @p0 .LBB2_15-.Ltmp6, $4  }
0x406: {  	[tilespmem:s19+$0x3F0] =	vst v10  }
0x407: {  	[tilespmem:s19+$0x4F0] =	vst v13  }
0x408: {  	[tilespmem:s19+$0x2F0] =	vst v9  }
0x409: {  	s4 =	sadd.s32 $0x14, s4;
	s18 =	sadd.s32 $0xA00, s18;
	s19 =	sadd.s32 $0xA00, s19;
	[tilespmem:s5+$0x70] =	vst v8  }
0x40a: {  	s4 =	sadd.s32 $0x6, s16  }
0x40b: {  	s5 =	smulhi.u32 $0xCCCCCCCD, s4;
	_ =	sdelay $0x1  }
0x40c: {  	s6 =	sshll.u32 s5, $0x5  }
0x40d: {  	s6 =	sand.u32 $0x3FFFFF80, s6  }
0x40e: {  	v8 =	vld [tilespmem:s6+$0x0];
	_ =	sdelay $0x2  }
0x40f: {  	s5 =	sshrl.u32 s5, $0x2  }
0x410: {  	s5 =	smul.u32 $0x5, s5  }
0x411: {  	v8 =	vmul.u32 $0x5, v8  }
0x412: {  	s4 =	ssub.s32 s4, s5  }
0x413: {  	v8 =	vadd.s32 s4, v8  }
0x414: {  	[tilespmem:$0x12E80] =	vst v8  }
0x415: {  	v8 =	vld [tilespmem:s6+$0x10];
	_ =	sdelay $0x4  }
0x416: {  	v8 =	vmul.u32 $0x5, v8;
	_ =	sdelay $0x1  }
0x417: {  	v8 =	vadd.s32 s4, v8  }
0x418: {  	[tilespmem:$0x12E90] =	vst v8  }
0x419: {  	v8 =	vld [tilespmem:s6+$0x20];
	_ =	sdelay $0x4  }
0x41a: {  	v8 =	vmul.u32 $0x5, v8;
	_ =	sdelay $0x1  }
0x41b: {  	v8 =	vadd.s32 s4, v8  }
0x41c: {  	[tilespmem:$0x12EA0] =	vst v8  }
0x41d: {  	v8 =	vld [tilespmem:s6+$0x30];
	_ =	sdelay $0x4  }
0x41e: {  	v8 =	vmul.u32 $0x5, v8;
	_ =	sdelay $0x1  }
0x41f: {  	v8 =	vadd.s32 s4, v8  }
0x420: {  	[tilespmem:$0x12EB0] =	vst v8  }
0x421: {  	v8 =	vld [tilespmem:s6+$0x40];
	_ =	sdelay $0x4  }
0x422: {  	v8 =	vmul.u32 $0x5, v8;
	_ =	sdelay $0x1  }
0x423: {  	v8 =	vadd.s32 s4, v8  }
0x424: {  	[tilespmem:$0x12EC0] =	vst v8  }
0x425: {  	v8 =	vld [tilespmem:s6+$0x50];
	_ =	sdelay $0x4  }
0x426: {  	v8 =	vmul.u32 $0x5, v8;
	_ =	sdelay $0x1  }
0x427: {  	v8 =	vadd.s32 s4, v8  }
0x428: {  	[tilespmem:$0x12ED0] =	vst v8  }
0x429: {  	v8 =	vld [tilespmem:s6+$0x60];
	_ =	sdelay $0x4  }
0x42a: {  	v8 =	vmul.u32 $0x5, v8;
	_ =	sdelay $0x1  }
0x42b: {  	v8 =	vadd.s32 s4, v8  }
0x42c: {  	[tilespmem:$0x12EE0] =	vst v8  }
0x42d: {  	v8 =	vld [tilespmem:s6+$0x70];
	_ =	sdelay $0x4  }
0x42e: {  	v8 =	vmul.u32 $0x5, v8;
	_ =	sdelay $0x1  }
0x42f: {  	v8 =	vadd.s32 s4, v8  }
0x430: {  	s18 =	simm.s32 $0x12E80;
	s19 =	sshrl.u32 s11, $0x3;
	[tilespmem:$0x12EF0] =	vst v8  }
0x431: {  	[tilespmem:s13], [sflag:$0x1] =	stream.indirect.gather [hbm4b:s24+s25], $0xC8, s18, s25, $0xb8;
	[tilespmem:$0x1F800] =	vst v63  }
0x432: {  	s20 =	simm.s32 $0x19400;
	s4 =	sadd.s32 s2, s19  }
0x433: {  	[hbm4b:s4+s3] =	stream.linear.scatter [tilespmem:s20], [sflag:$0x5], $0x400, $0x38;
	[tilespmem:$0x1F800] =	vst v63  }
0x434: {  	s4 =	simm.s32 $0x1000  }
.LBB2_17:
0x435: {  	p0 =	sne.s32 s4, $0x18000  }
.Ltmp7:
0x436: {  	_ = 	snop;
	(pc) =	sbr.rel @p0 .LBB2_17-.Ltmp7, $4  }
0x437: {  	s11 =	sadd.s32 $0x2000, s11  }
0x438: {  	s5 =	sshra.s32 s4, $0x2;
	s6 =	sshrl.u32 s11, $0x3  }
0x439: {  	s4 =	sadd.s32 $0x1000, s4;
	s5 =	sadd.s32 $0x19400, s5;
	s6 =	sadd.s32 s2, s6  }
0x43a: {  	[hbm4b:s6+s3] =	stream.linear.scatter [tilespmem:s5], [sflag:$0x5], $0x400, $0x38;
	[tilespmem:$0x1F800] =	vst v63  }
0x43b: {  	s4 =	simm.s32 $0x2  }
0x43c: {  	_ =	swait.ge [sflag:s4], $0x6400  }
0x43d: {  	[sflag:s4] =	ssyncset.done $0x0  }
0x43e: {  	s20 =	simm.s32 $0x4;
	[sflag:s4] =	ssyncadd.s32 $0xFFFF9C00  }
0x43f: {  	_ =	swait.ge [sflag:s20], $0x6400  }
0x440: {  	s11 =	simm.s32 $0x0;
	[sflag:s20] =	ssyncset.done $0x0  }
0x441: {  	s18 =	simm.s32 $0x13500;
	s4 =	simm.s32 $0x0;
	[sflag:s20] =	ssyncadd.s32 $0xFFFF9C00  }
.LBB2_19:
0x442: {  	v9 =	vmov s4  }
0x443: {  	s5 =	sadd.s32 $0x1, s4;
	v9 =	vand.u32 $0xFC, v9  }
0x444: {  	v8 =	vmov s5;
	v11 =	vadd.s32 v0, v9  }
0x445: {  	v8 =	vand.u32 $0xFD, v8  }
0x446: {  	v10 =	vadd.s32 v0, v8;
	_ =	sdelay $0x2  }
0x447: {  	v11 =	vld.idx.msk [tilespmem:v11+s15+$0x0], $0xffff  }
0x448: {  	v13 =	vadd.s32 v1, v9  }
0x449: {  	v10 =	vld.idx.msk [tilespmem:v10+s15+$0x0], $0xffff  }
0x44a: {  	v12 =	vadd.s32 v1, v8  }
0x44b: {  	s20 =	sand.u32 $0x7C00, s11;
	s6 =	sadd.s32 $0x80, s11  }
0x44c: {  	s19 =	sand.u32 $0x280, s6;
	s6 =	sadd.s32 $0x13000, s20;
	[tilespmem:s18+$0xFFFFFB00] =	vst v11  }
0x44d: {  	s5 =	sor.u32 s19, s6;
	v11 =	vld.idx.msk [tilespmem:v13+s15+$0x0], $0xffff  }
0x44e: {  	v20 =	vadd.s32 v2, v9;
	[tilespmem:s5+$0x0] =	vst v10  }
0x44f: {  	v10 =	vld.idx.msk [tilespmem:v12+s15+$0x0], $0xffff  }
0x450: {  	v19 =	vadd.s32 v2, v8;
	_ =	sdelay $0x1  }
0x451: {  	[tilespmem:s18+$0xFFFFFB10] =	vst v11  }
0x452: {  	v11 =	vld.idx.msk [tilespmem:v20+s15+$0x0], $0xffff  }
0x453: {  	v22 =	vadd.s32 v3, v9;
	[tilespmem:s5+$0x10] =	vst v10  }
0x454: {  	v10 =	vld.idx.msk [tilespmem:v19+s15+$0x0], $0xffff  }
0x455: {  	v21 =	vadd.s32 v3, v8;
	_ =	sdelay $0x1  }
0x456: {  	[tilespmem:s18+$0xFFFFFB20] =	vst v11  }
0x457: {  	v11 =	vld.idx.msk [tilespmem:v22+s15+$0x0], $0xffff  }
0x458: {  	v24 =	vadd.s32 v4, v9;
	[tilespmem:s5+$0x20] =	vst v10  }
0x459: {  	v10 =	vld.idx.msk [tilespmem:v21+s15+$0x0], $0xffff  }
0x45a: {  	v23 =	vadd.s32 v4, v8;
	_ =	sdelay $0x1  }
0x45b: {  	[tilespmem:s18+$0xFFFFFB30] =	vst v11  }
0x45c: {  	v11 =	vld.idx.msk [tilespmem:v24+s15+$0x0], $0xffff  }
0x45d: {  	v26 =	vadd.s32 v5, v9;
	[tilespmem:s5+$0x30] =	vst v10  }
0x45e: {  	v10 =	vld.idx.msk [tilespmem:v23+s15+$0x0], $0xffff  }
0x45f: {  	v25 =	vadd.s32 v5, v8;
	_ =	sdelay $0x1  }
0x460: {  	[tilespmem:s18+$0xFFFFFB40] =	vst v11  }
0x461: {  	s20 =	sadd.s32 $0x2, s4;
	v28 =	vadd.s32 v6, v9;
	v11 =	vld.idx.msk [tilespmem:v26+s15+$0x0], $0xffff  }
0x462: {  	v27 =	vadd.s32 v6, v8;
	v14 =	vadd.s32 v7, v8;
	v8 =	vmov s20;
	s20 =	sadd.s32 $0x3, s4;
	[tilespmem:s5+$0x40] =	vst v10  }
0x463: {  	v30 =	vmov s20;
	s20 =	sadd.s32 $0x4, s4;
	v10 =	vld.idx.msk [tilespmem:v25+s15+$0x0], $0xffff  }
0x464: {  	v31 =	vmov s20;
	s20 =	sadd.s32 $0x5, s4  }
0x465: {  	v32 =	vmov s20  }
0x466: {  	v12 =	vand.u32 $0x1FD, v32;
	[tilespmem:s18+$0xFFFFFB50] =	vst v11  }
0x467: {  	v19 =	vadd.s32 v0, v12;
	v13 =	vld.idx.msk [tilespmem:v28+s15+$0x0], $0xffff  }
0x468: {  	v15 =	vadd.s32 v7, v9;
	[tilespmem:s5+$0x50] =	vst v10;
	v10 =	vand.u32 $0x1FC, v31  }
0x469: {  	s20 =	sadd.s32 $0x6, s4;
	v29 =	vld.idx.msk [tilespmem:v27+s15+$0x0], $0xffff;
	v18 =	vadd.s32 v0, v10  }
0x46a: {  	v8 =	vand.u32 $0xFE, v8;
	v33 =	vmov s20;
	s20 =	sadd.s32 $0x7, s4  }
0x46b: {  	v16 =	vadd.s32 v0, v8;
	v34 =	vand.u32 $0x1FE, v33;
	v35 =	vmov s20  }
0x46c: {  	v20 =	vadd.s32 v0, v34;
	v19 =	vld.idx.msk [tilespmem:v19+s15+$0x0], $0xffff;
	v11 =	vand.u32 $0x1FF, v35;
	[tilespmem:s18+$0xFFFFFB60] =	vst v13  }
0x46d: {  	v9 =	vand.u32 $0xFF, v30;
	v21 =	vadd.s32 v0, v11;
	v15 =	vld.idx.msk [tilespmem:v15+s15+$0x0], $0xffff  }
0x46e: {  	v17 =	vadd.s32 v0, v9;
	[tilespmem:s5+$0x60] =	vst v29;
	v18 =	vld.idx.msk [tilespmem:v18+s15+$0x0], $0xffff  }
0x46f: {  	v37 =	vadd.s32 v1, v12;
	v14 =	vld.idx.msk [tilespmem:v14+s15+$0x0], $0xffff  }
0x470: {  	v16 =	vld.idx.msk [tilespmem:v16+s15+$0x0], $0xffff;
	v36 =	vadd.s32 v1, v10  }
0x471: {  	v20 =	vld.idx.msk [tilespmem:v20+s15+$0x0], $0xffff;
	v22 =	vadd.s32 v1, v8;
	[tilespmem:s18+$0xFFFFFD80] =	vst v19  }
0x472: {  	s20 =	sadd.s32 $0x100, s11;
	v38 =	vadd.s32 v1, v34;
	v21 =	vld.idx.msk [tilespmem:v21+s15+$0x0], $0xffff;
	[tilespmem:s18+$0xFFFFFB70] =	vst v15  }
0x473: {  	s19 =	sand.u32 $0x300, s20;
	v17 =	vld.idx.msk [tilespmem:v17+s15+$0x0], $0xffff;
	v39 =	vadd.s32 v1, v11;
	[tilespmem:s18+$0xFFFFFD00] =	vst v18  }
0x474: {  	v23 =	vadd.s32 v1, v9;
	v15 =	vld.idx.msk [tilespmem:v37+s15+$0x0], $0xffff;
	[tilespmem:s5+$0x70] =	vst v14;
	s5 =	sor.u32 s19, s6  }
0x475: {  	s20 =	sadd.s32 $0x180, s11;
	v43 =	vadd.s32 v2, v12;
	v14 =	vld.idx.msk [tilespmem:v36+s15+$0x0], $0xffff;
	[tilespmem:s5+$0x0] =	vst v16  }
0x476: {  	[tilespmem:s18+$0xFFFFFE00] =	vst v20;
	v42 =	vadd.s32 v2, v10;
	s19 =	sand.u32 $0x380, s20;
	v22 =	vld.idx.msk [tilespmem:v22+s15+$0x0], $0xffff  }
0x477: {  	v40 =	vadd.s32 v2, v8;
	[tilespmem:s18+$0xFFFFFE80] =	vst v21;
	s6 =	sor.u32 s19, s6;
	v16 =	vld.idx.msk [tilespmem:v38+s15+$0x0], $0xffff  }
0x478: {  	v44 =	vadd.s32 v2, v34;
	[tilespmem:s6+$0x0] =	vst v17;
	v17 =	vld.idx.msk [tilespmem:v39+s15+$0x0], $0xffff  }
0x479: {  	v45 =	vadd.s32 v2, v11;
	v23 =	vld.idx.msk [tilespmem:v23+s15+$0x0], $0xffff;
	[tilespmem:s18+$0xFFFFFD90] =	vst v15  }
0x47a: {  	v41 =	vadd.s32 v2, v9;
	[tilespmem:s18+$0xFFFFFD10] =	vst v14;
	v21 =	vld.idx.msk [tilespmem:v43+s15+$0x0], $0xffff  }
0x47b: {  	v49 =	vadd.s32 v3, v12;
	v20 =	vld.idx.msk [tilespmem:v42+s15+$0x0], $0xffff;
	[tilespmem:s5+$0x10] =	vst v22  }
0x47c: {  	v48 =	vadd.s32 v3, v10;
	[tilespmem:s18+$0xFFFFFE10] =	vst v16;
	v18 =	vld.idx.msk [tilespmem:v40+s15+$0x0], $0xffff  }
0x47d: {  	v46 =	vadd.s32 v3, v8;
	[tilespmem:s18+$0xFFFFFE90] =	vst v17;
	v22 =	vld.idx.msk [tilespmem:v44+s15+$0x0], $0xffff  }
0x47e: {  	v50 =	vadd.s32 v3, v34;
	[tilespmem:s6+$0x10] =	vst v23;
	v23 =	vld.idx.msk [tilespmem:v45+s15+$0x0], $0xffff  }
0x47f: {  	v51 =	vadd.s32 v3, v11;
	v19 =	vld.idx.msk [tilespmem:v41+s15+$0x0], $0xffff;
	[tilespmem:s18+$0xFFFFFDA0] =	vst v21  }
0x480: {  	v47 =	vadd.s32 v3, v9;
	[tilespmem:s18+$0xFFFFFD20] =	vst v20;
	v17 =	vld.idx.msk [tilespmem:v49+s15+$0x0], $0xffff  }
0x481: {  	v55 =	vadd.s32 v4, v12;
	v16 =	vld.idx.msk [tilespmem:v48+s15+$0x0], $0xffff;
	[tilespmem:s5+$0x20] =	vst v18  }
0x482: {  	v54 =	vadd.s32 v4, v10;
	[tilespmem:s18+$0xFFFFFE20] =	vst v22;
	v14 =	vld.idx.msk [tilespmem:v46+s15+$0x0], $0xffff  }
0x483: {  	v52 =	vadd.s32 v4, v8;
	[tilespmem:s18+$0xFFFFFEA0] =	vst v23;
	v18 =	vld.idx.msk [tilespmem:v50+s15+$0x0], $0xffff  }
0x484: {  	v56 =	vadd.s32 v4, v34;
	[tilespmem:s6+$0x20] =	vst v19;
	v19 =	vld.idx.msk [tilespmem:v51+s15+$0x0], $0xffff  }
0x485: {  	v57 =	vadd.s32 v4, v11;
	v15 =	vld.idx.msk [tilespmem:v47+s15+$0x0], $0xffff;
	[tilespmem:s18+$0xFFFFFDB0] =	vst v17  }
0x486: {  	v53 =	vadd.s32 v4, v9;
	[tilespmem:s18+$0xFFFFFD30] =	vst v16;
	v23 =	vld.idx.msk [tilespmem:v55+s15+$0x0], $0xffff  }
0x487: {  	v61 =	vadd.s32 v5, v12;
	v22 =	vld.idx.msk [tilespmem:v54+s15+$0x0], $0xffff;
	[tilespmem:s5+$0x30] =	vst v14  }
0x488: {  	v60 =	vadd.s32 v5, v10;
	[tilespmem:s18+$0xFFFFFE30] =	vst v18;
	v20 =	vld.idx.msk [tilespmem:v52+s15+$0x0], $0xffff  }
0x489: {  	v58 =	vadd.s32 v5, v8;
	[tilespmem:s18+$0xFFFFFEB0] =	vst v19;
	v14 =	vld.idx.msk [tilespmem:v56+s15+$0x0], $0xffff  }
0x48a: {  	v62 =	vadd.s32 v5, v34;
	[tilespmem:s6+$0x30] =	vst v15;
	v15 =	vld.idx.msk [tilespmem:v57+s15+$0x0], $0xffff  }
0x48b: {  	v63 =	vadd.s32 v5, v11;
	v21 =	vld.idx.msk [tilespmem:v53+s15+$0x0], $0xffff;
	[tilespmem:s18+$0xFFFFFDC0] =	vst v23  }
0x48c: {  	v59 =	vadd.s32 v5, v9;
	[tilespmem:s18+$0xFFFFFD40] =	vst v22;
	v19 =	vld.idx.msk [tilespmem:v61+s15+$0x0], $0xffff  }
0x48d: {  	v27 =	vadd.s32 v6, v12;
	v18 =	vld.idx.msk [tilespmem:v60+s15+$0x0], $0xffff;
	[tilespmem:s5+$0x40] =	vst v20  }
0x48e: {  	v26 =	vadd.s32 v6, v10;
	[tilespmem:s18+$0xFFFFFE40] =	vst v14;
	v16 =	vld.idx.msk [tilespmem:v58+s15+$0x0], $0xffff  }
0x48f: {  	v24 =	vadd.s32 v6, v8;
	[tilespmem:s18+$0xFFFFFEC0] =	vst v15;
	v20 =	vld.idx.msk [tilespmem:v62+s15+$0x0], $0xffff  }
0x490: {  	v28 =	vadd.s32 v6, v34;
	[tilespmem:s6+$0x40] =	vst v21;
	v21 =	vld.idx.msk [tilespmem:v63+s15+$0x0], $0xffff  }
0x491: {  	v29 =	vadd.s32 v6, v11;
	s20 =	sadd.s32 $0x8, s4;
	v17 =	vld.idx.msk [tilespmem:v59+s15+$0x0], $0xffff;
	[tilespmem:s18+$0xFFFFFDD0] =	vst v19  }
0x492: {  	v25 =	vadd.s32 v6, v9;
	v30 =	vmov s20;
	s20 =	sadd.s32 $0x9, s4;
	[tilespmem:s18+$0xFFFFFD50] =	vst v18;
	v15 =	vld.idx.msk [tilespmem:v27+s15+$0x0], $0xffff  }
0x493: {  	v12 =	vadd.s32 v7, v12;
	v33 =	vmov s20;
	s20 =	sadd.s32 $0xA, s4;
	v14 =	vld.idx.msk [tilespmem:v26+s15+$0x0], $0xffff;
	[tilespmem:s5+$0x50] =	vst v16  }
0x494: {  	v10 =	vadd.s32 v7, v10;
	v36 =	vmov s20;
	s20 =	sadd.s32 $0xB, s4;
	[tilespmem:s18+$0xFFFFFE50] =	vst v20;
	v22 =	vld.idx.msk [tilespmem:v24+s15+$0x0], $0xffff  }
0x495: {  	v8 =	vadd.s32 v7, v8;
	v39 =	vmov s20;
	v16 =	vld.idx.msk [tilespmem:v28+s15+$0x0], $0xffff;
	[tilespmem:s18+$0xFFFFFED0] =	vst v21  }
0x496: {  	v32 =	vadd.s32 v7, v11;
	v13 =	vadd.s32 v7, v34;
	v11 =	vand.u32 $0x1FF, v39;
	[tilespmem:s6+$0x50] =	vst v17;
	v17 =	vld.idx.msk [tilespmem:v29+s15+$0x0], $0xffff  }
0x497: {  	v44 =	vadd.s32 v0, v11;
	v23 =	vld.idx.msk [tilespmem:v25+s15+$0x0], $0xffff;
	[tilespmem:s18+$0xFFFFFDE0] =	vst v15  }
0x498: {  	[tilespmem:s18+$0xFFFFFD60] =	vst v14;
	v40 =	vld.idx.msk [tilespmem:v12+s15+$0x0], $0xffff  }
0x499: {  	v9 =	vadd.s32 v7, v9;
	s20 =	sadd.s32 $0xC, s4;
	v37 =	vld.idx.msk [tilespmem:v10+s15+$0x0], $0xffff;
	v10 =	vand.u32 $0x1FE, v36;
	[tilespmem:s5+$0x60] =	vst v22  }
0x49a: {  	v42 =	vmov s20;
	[tilespmem:s18+$0xFFFFFE60] =	vst v16;
	v41 =	vadd.s32 v0, v10;
	v31 =	vld.idx.msk [tilespmem:v8+s15+$0x0], $0xffff;
	v8 =	vand.u32 $0x1FC, v30  }
0x49b: {  	s20 =	sadd.s32 $0xD, s4;
	v43 =	vld.idx.msk [tilespmem:v13+s15+$0x0], $0xffff;
	v13 =	vand.u32 $0x1FC, v42;
	v35 =	vadd.s32 v0, v8  }
0x49c: {  	v45 =	vmov s20;
	[tilespmem:s18+$0xFFFFFEE0] =	vst v17;
	v17 =	vld.idx.msk [tilespmem:v44+s15+$0x0], $0xffff;
	v47 =	vadd.s32 v0, v13  }
0x49d: {  	v52 =	vadd.s32 v1, v11;
	v12 =	vand.u32 $0x1FD, v45;
	[tilespmem:s6+$0x60] =	vst v23  }
0x49e: {  	v48 =	vadd.s32 v0, v12;
	v34 =	vld.idx.msk [tilespmem:v9+s15+$0x0], $0xffff;
	v9 =	vand.u32 $0x1FD, v33;
	[tilespmem:s18+$0xFFFFFDF0] =	vst v40  }
0x49f: {  	v38 =	vadd.s32 v0, v9;
	[tilespmem:s18+$0xFFFFFD70] =	vst v37;
	v16 =	vld.idx.msk [tilespmem:v41+s15+$0x0], $0xffff  }
0x4a0: {  	v51 =	vadd.s32 v1, v10;
	[tilespmem:s18+$0xFFFFFE70] =	vst v43;
	v14 =	vld.idx.msk [tilespmem:v35+s15+$0x0], $0xffff  }
0x4a1: {  	v49 =	vadd.s32 v1, v8;
	[tilespmem:s18+$0x80] =	vst v17;
	v20 =	vld.idx.msk [tilespmem:v47+s15+$0x0], $0xffff  }
0x4a2: {  	s19 =	sadd.s32 $0x400, s11;
	v53 =	vadd.s32 v1, v13;
	[tilespmem:s5+$0x70] =	vst v31;
	v19 =	vld.idx.msk [tilespmem:v52+s15+$0x0], $0xffff  }
0x4a3: {  	v58 =	vadd.s32 v2, v11;
	v18 =	vld.idx.msk [tilespmem:v48+s15+$0x0], $0xffff;
	s5 =	sand.u32 $0x200, s11;
	[tilespmem:s6+$0x70] =	vst v34;
	s6 =	sand.u32 $0xFC00, s19  }
0x4a4: {  	v54 =	vadd.s32 v1, v12;
	v15 =	vld.idx.msk [tilespmem:v38+s15+$0x0], $0xffff;
	s6 =	sor.u32 s5, s6;
	[tilespmem:s18+$0x0] =	vst v16  }
0x4a5: {  	v50 =	vadd.s32 v1, v9;
	v23 =	vld.idx.msk [tilespmem:v51+s15+$0x0], $0xffff;
	[tilespmem:s6+$0x13000] =	vst v14  }
0x4a6: {  	v57 =	vadd.s32 v2, v10;
	[tilespmem:s18+$0x100] =	vst v20;
	v21 =	vld.idx.msk [tilespmem:v49+s15+$0x0], $0xffff  }
0x4a7: {  	v55 =	vadd.s32 v2, v8;
	[tilespmem:s18+$0x90] =	vst v19;
	v14 =	vld.idx.msk [tilespmem:v53+s15+$0x0], $0xffff  }
0x4a8: {  	v59 =	vadd.s32 v2, v13;
	[tilespmem:s18+$0x180] =	vst v18;
	v18 =	vld.idx.msk [tilespmem:v58+s15+$0x0], $0xffff  }
0x4a9: {  	v24 =	vadd.s32 v3, v11;
	[tilespmem:s18+$0xFFFFFF80] =	vst v15;
	v15 =	vld.idx.msk [tilespmem:v54+s15+$0x0], $0xffff  }
0x4aa: {  	v60 =	vadd.s32 v2, v12;
	s6 =	sadd.s32 $0x13000, s6;
	v22 =	vld.idx.msk [tilespmem:v50+s15+$0x0], $0xffff;
	[tilespmem:s18+$0x10] =	vst v23  }
0x4ab: {  	v56 =	vadd.s32 v2, v9;
	v20 =	vld.idx.msk [tilespmem:v57+s15+$0x0], $0xffff;
	[tilespmem:s6+$0x10] =	vst v21  }
0x4ac: {  	v63 =	vadd.s32 v3, v10;
	[tilespmem:s18+$0x110] =	vst v14;
	v16 =	vld.idx.msk [tilespmem:v55+s15+$0x0], $0xffff  }
0x4ad: {  	v61 =	vadd.s32 v3, v8;
	[tilespmem:s18+$0xA0] =	vst v18;
	v21 =	vld.idx.msk [tilespmem:v59+s15+$0x0], $0xffff  }
0x4ae: {  	v25 =	vadd.s32 v3, v13;
	[tilespmem:s18+$0x190] =	vst v15;
	v15 =	vld.idx.msk [tilespmem:v24+s15+$0x0], $0xffff  }
0x4af: {  	v30 =	vadd.s32 v4, v11;
	[tilespmem:s18+$0xFFFFFF90] =	vst v22;
	v22 =	vld.idx.msk [tilespmem:v60+s15+$0x0], $0xffff  }
0x4b0: {  	v26 =	vadd.s32 v3, v12;
	v17 =	vld.idx.msk [tilespmem:v56+s15+$0x0], $0xffff;
	[tilespmem:s18+$0x20] =	vst v20  }
0x4b1: {  	v62 =	vadd.s32 v3, v9;
	v14 =	vld.idx.msk [tilespmem:v63+s15+$0x0], $0xffff;
	[tilespmem:s6+$0x20] =	vst v16  }
0x4b2: {  	[tilespmem:s18+$0x120] =	vst v21;
	v23 =	vld.idx.msk [tilespmem:v61+s15+$0x0], $0xffff  }
0x4b3: {  	v27 =	vadd.s32 v4, v8;
	[tilespmem:s18+$0xB0] =	vst v15;
	v16 =	vld.idx.msk [tilespmem:v25+s15+$0x0], $0xffff  }
0x4b4: {  	v29 =	vadd.s32 v4, v10;
	[tilespmem:s18+$0x1A0] =	vst v22;
	v22 =	vld.idx.msk [tilespmem:v30+s15+$0x0], $0xffff  }
0x4b5: {  	v31 =	vadd.s32 v4, v13;
	[tilespmem:s18+$0xFFFFFFA0] =	vst v17;
	v17 =	vld.idx.msk [tilespmem:v26+s15+$0x0], $0xffff  }
0x4b6: {  	v36 =	vadd.s32 v5, v11;
	v19 =	vld.idx.msk [tilespmem:v62+s15+$0x0], $0xffff;
	[tilespmem:s18+$0x30] =	vst v14  }
0x4b7: {  	v46 =	vld.idx.msk [tilespmem:v32+s15+$0x0], $0xffff;
	v28 =	vadd.s32 v4, v9;
	[tilespmem:s6+$0x30] =	vst v23  }
0x4b8: {  	v32 =	vadd.s32 v4, v12;
	[tilespmem:s18+$0x130] =	vst v16;
	v20 =	vld.idx.msk [tilespmem:v27+s15+$0x0], $0xffff  }
0x4b9: {  	v33 =	vadd.s32 v5, v8;
	v21 =	vld.idx.msk [tilespmem:v29+s15+$0x0], $0xffff;
	[tilespmem:s18+$0xC0] =	vst v22  }
0x4ba: {  	v35 =	vadd.s32 v5, v10;
	[tilespmem:s18+$0x1B0] =	vst v17;
	v23 =	vld.idx.msk [tilespmem:v31+s15+$0x0], $0xffff  }
0x4bb: {  	v37 =	vadd.s32 v5, v13;
	v17 =	vld.idx.msk [tilespmem:v36+s15+$0x0], $0xffff;
	[tilespmem:s18+$0xFFFFFFB0] =	vst v19  }
0x4bc: {  	v42 =	vadd.s32 v6, v11;
	[tilespmem:s18+$0xFFFFFEF0] =	vst v46;
	v18 =	vld.idx.msk [tilespmem:v28+s15+$0x0], $0xffff  }
0x4bd: {  	v34 =	vadd.s32 v5, v9;
	v19 =	vld.idx.msk [tilespmem:v32+s15+$0x0], $0xffff;
	[tilespmem:s6+$0x40] =	vst v20  }
0x4be: {  	v38 =	vadd.s32 v5, v12;
	[tilespmem:s18+$0x40] =	vst v21;
	v14 =	vld.idx.msk [tilespmem:v33+s15+$0x0], $0xffff  }
0x4bf: {  	v39 =	vadd.s32 v6, v8;
	v16 =	vld.idx.msk [tilespmem:v35+s15+$0x0], $0xffff;
	[tilespmem:s18+$0x140] =	vst v23  }
0x4c0: {  	v41 =	vadd.s32 v6, v10;
	[tilespmem:s18+$0xD0] =	vst v17;
	v20 =	vld.idx.msk [tilespmem:v37+s15+$0x0], $0xffff  }
0x4c1: {  	v43 =	vadd.s32 v6, v13;
	v17 =	vld.idx.msk [tilespmem:v42+s15+$0x0], $0xffff;
	[tilespmem:s18+$0xFFFFFFC0] =	vst v18  }
0x4c2: {  	s20 =	sadd.s32 $0xE, s4;
	v11 =	vadd.s32 v7, v11;
	[tilespmem:s18+$0x1C0] =	vst v19;
	v15 =	vld.idx.msk [tilespmem:v34+s15+$0x0], $0xffff  }
0x4c3: {  	v45 =	vmov s20;
	s20 =	sadd.s32 $0xF, s4;
	v40 =	vadd.s32 v6, v9;
	v18 =	vld.idx.msk [tilespmem:v38+s15+$0x0], $0xffff;
	[tilespmem:s6+$0x50] =	vst v14  }
0x4c4: {  	v44 =	vadd.s32 v6, v12;
	v47 =	vmov s20;
	s20 =	sadd.s32 $0x11, s4;
	[tilespmem:s18+$0x50] =	vst v16;
	v21 =	vld.idx.msk [tilespmem:v39+s15+$0x0], $0xffff  }
0x4c5: {  	v8 =	vadd.s32 v7, v8;
	v50 =	vmov s20;
	s20 =	sadd.s32 $0x12, s4;
	v16 =	vld.idx.msk [tilespmem:v41+s15+$0x0], $0xffff;
	[tilespmem:s18+$0x150] =	vst v20  }
0x4c6: {  	v10 =	vadd.s32 v7, v10;
	v53 =	vmov s20;
	[tilespmem:s18+$0xE0] =	vst v17;
	v14 =	vld.idx.msk [tilespmem:v43+s15+$0x0], $0xffff  }
0x4c7: {  	v13 =	vadd.s32 v7, v13;
	v54 =	vld.idx.msk [tilespmem:v11+s15+$0x0], $0xffff;
	v11 =	vand.u32 $0x1FE, v53;
	[tilespmem:s18+$0xFFFFFFD0] =	vst v15  }
0x4c8: {  	[tilespmem:s18+$0x1D0] =	vst v18;
	v24 =	vadd.s32 v0, v11;
	v22 =	vld.idx.msk [tilespmem:v40+s15+$0x0], $0xffff  }
0x4c9: {  	v9 =	vadd.s32 v7, v9;
	v15 =	vld.idx.msk [tilespmem:v44+s15+$0x0], $0xffff;
	[tilespmem:s6+$0x60] =	vst v21  }
0x4ca: {  	v12 =	vadd.s32 v7, v12;
	[tilespmem:s18+$0x60] =	vst v16;
	v46 =	vld.idx.msk [tilespmem:v8+s15+$0x0], $0xffff;
	v8 =	vand.u32 $0x1FE, v45  }
0x4cb: {  	s20 =	sadd.s32 $0x13, s4;
	v51 =	vld.idx.msk [tilespmem:v10+s15+$0x0], $0xffff;
	[tilespmem:s18+$0x160] =	vst v14;
	v49 =	vadd.s32 v0, v8  }
0x4cc: {  	v55 =	vmov s20;
	v10 =	vand.u32 $0x1FD, v50;
	v57 =	vld.idx.msk [tilespmem:v13+s15+$0x0], $0xffff  }
0x4cd: {  	s20 =	sadd.s32 $0x10, s4;
	v56 =	vadd.s32 v0, v10;
	v13 =	vand.u32 $0x1FF, v55;
	v27 =	vld.idx.msk [tilespmem:v24+s15+$0x0], $0xffff;
	[tilespmem:s18+$0xFFFFFFE0] =	vst v22  }
0x4ce: {  	v58 =	vmov s20;
	[tilespmem:s18+$0x1E0] =	vst v15;
	v60 =	vadd.s32 v0, v13;
	v48 =	vld.idx.msk [tilespmem:v9+s15+$0x0], $0xffff;
	v9 =	vand.u32 $0x1FF, v47  }
0x4cf: {  	[tilespmem:s18+$0xF0] =	vst v54;
	v59 =	vld.idx.msk [tilespmem:v12+s15+$0x0], $0xffff;
	v12 =	vand.u32 $0x1FC, v58;
	v52 =	vadd.s32 v0, v9  }
0x4d0: {  	v61 =	vadd.s32 v0, v12;
	[tilespmem:s18+$0x70] =	vst v51;
	v16 =	vld.idx.msk [tilespmem:v49+s15+$0x0], $0xffff  }
0x4d1: {  	v62 =	vadd.s32 v1, v8;
	[tilespmem:s18+$0x170] =	vst v57  }
0x4d2: {  	v28 =	vadd.s32 v1, v11;
	v25 =	vld.idx.msk [tilespmem:v56+s15+$0x0], $0xffff;
	[tilespmem:s18+$0x400] =	vst v27  }
0x4d3: {  	v26 =	vadd.s32 v1, v10;
	[tilespmem:s6+$0x70] =	vst v46;
	v15 =	vld.idx.msk [tilespmem:v60+s15+$0x0], $0xffff  }
0x4d4: {  	v30 =	vadd.s32 v1, v13;
	[tilespmem:s18+$0x1F0] =	vst v59;
	v17 =	vld.idx.msk [tilespmem:v52+s15+$0x0], $0xffff  }
0x4d5: {  	v63 =	vadd.s32 v1, v9;
	v29 =	vld.idx.msk [tilespmem:v61+s15+$0x0], $0xffff;
	[tilespmem:s18+$0x200] =	vst v16  }
0x4d6: {  	v31 =	vadd.s32 v1, v12;
	[tilespmem:s18+$0xFFFFFFF0] =	vst v48;
	v20 =	vld.idx.msk [tilespmem:v62+s15+$0x0], $0xffff  }
0x4d7: {  	s20 =	sadd.s32 $0x800, s11;
	v32 =	vadd.s32 v2, v8;
	v14 =	vld.idx.msk [tilespmem:v28+s15+$0x0], $0xffff;
	[tilespmem:s18+$0x380] =	vst v25  }
0x4d8: {  	v35 =	vadd.s32 v2, v11;
	s6 =	sand.u32 $0xFC00, s20;
	v18 =	vld.idx.msk [tilespmem:v26+s15+$0x0], $0xffff;
	[tilespmem:s18+$0x480] =	vst v15  }
0x4d9: {  	v34 =	vadd.s32 v2, v10;
	s5 =	sor.u32 s5, s6;
	v19 =	vld.idx.msk [tilespmem:v30+s15+$0x0], $0xffff;
	[tilespmem:s18+$0x280] =	vst v17  }
0x4da: {  	v36 =	vadd.s32 v2, v13;
	[tilespmem:s5+$0x13000] =	vst v29;
	v21 =	vld.idx.msk [tilespmem:v63+s15+$0x0], $0xffff  }
0x4db: {  	v33 =	vadd.s32 v2, v9;
	v17 =	vld.idx.msk [tilespmem:v31+s15+$0x0], $0xffff;
	[tilespmem:s18+$0x210] =	vst v20  }
0x4dc: {  	v37 =	vadd.s32 v2, v12;
	[tilespmem:s18+$0x410] =	vst v14;
	v22 =	vld.idx.msk [tilespmem:v32+s15+$0x0], $0xffff  }
0x4dd: {  	v38 =	vadd.s32 v3, v8;
	v16 =	vld.idx.msk [tilespmem:v35+s15+$0x0], $0xffff;
	[tilespmem:s18+$0x390] =	vst v18  }
0x4de: {  	v41 =	vadd.s32 v3, v11;
	v15 =	vld.idx.msk [tilespmem:v34+s15+$0x0], $0xffff;
	[tilespmem:s18+$0x490] =	vst v19  }
0x4df: {  	v40 =	vadd.s32 v3, v10;
	s5 =	sadd.s32 $0x13000, s5;
	v20 =	vld.idx.msk [tilespmem:v36+s15+$0x0], $0xffff;
	[tilespmem:s18+$0x290] =	vst v21  }
0x4e0: {  	v42 =	vadd.s32 v3, v13;
	[tilespmem:s5+$0x10] =	vst v17;
	v23 =	vld.idx.msk [tilespmem:v33+s15+$0x0], $0xffff  }
0x4e1: {  	v39 =	vadd.s32 v3, v9;
	v21 =	vld.idx.msk [tilespmem:v37+s15+$0x0], $0xffff;
	[tilespmem:s18+$0x220] =	vst v22  }
0x4e2: {  	v43 =	vadd.s32 v3, v12;
	[tilespmem:s18+$0x420] =	vst v16;
	v18 =	vld.idx.msk [tilespmem:v38+s15+$0x0], $0xffff  }
0x4e3: {  	v44 =	vadd.s32 v4, v8;
	v17 =	vld.idx.msk [tilespmem:v41+s15+$0x0], $0xffff;
	[tilespmem:s18+$0x3A0] =	vst v15  }
0x4e4: {  	v47 =	vadd.s32 v4, v11;
	v19 =	vld.idx.msk [tilespmem:v40+s15+$0x0], $0xffff;
	[tilespmem:s18+$0x4A0] =	vst v20  }
0x4e5: {  	v46 =	vadd.s32 v4, v10;
	v22 =	vld.idx.msk [tilespmem:v42+s15+$0x0], $0xffff;
	[tilespmem:s18+$0x2A0] =	vst v23  }
0x4e6: {  	v49 =	vadd.s32 v4, v13;
	[tilespmem:s5+$0x20] =	vst v21;
	v14 =	vld.idx.msk [tilespmem:v39+s15+$0x0], $0xffff  }
0x4e7: {  	v45 =	vadd.s32 v4, v9;
	v48 =	vld.idx.msk [tilespmem:v43+s15+$0x0], $0xffff;
	[tilespmem:s18+$0x230] =	vst v18  }
0x4e8: {  	v50 =	vadd.s32 v4, v12;
	[tilespmem:s18+$0x430] =	vst v17;
	v15 =	vld.idx.msk [tilespmem:v44+s15+$0x0], $0xffff  }
0x4e9: {  	v51 =	vadd.s32 v5, v8;
	v21 =	vld.idx.msk [tilespmem:v47+s15+$0x0], $0xffff;
	[tilespmem:s18+$0x3B0] =	vst v19  }
0x4ea: {  	v54 =	vadd.s32 v5, v11;
	v20 =	vld.idx.msk [tilespmem:v46+s15+$0x0], $0xffff;
	[tilespmem:s18+$0x4B0] =	vst v22  }
0x4eb: {  	v53 =	vadd.s32 v5, v10;
	v23 =	vld.idx.msk [tilespmem:v49+s15+$0x0], $0xffff;
	[tilespmem:s18+$0x2B0] =	vst v14  }
0x4ec: {  	v55 =	vadd.s32 v5, v13;
	[tilespmem:s5+$0x30] =	vst v48;
	v16 =	vld.idx.msk [tilespmem:v45+s15+$0x0], $0xffff  }
0x4ed: {  	v52 =	vadd.s32 v5, v9;
	v14 =	vld.idx.msk [tilespmem:v50+s15+$0x0], $0xffff;
	[tilespmem:s18+$0x240] =	vst v15  }
0x4ee: {  	v56 =	vadd.s32 v5, v12;
	[tilespmem:s18+$0x440] =	vst v21;
	v19 =	vld.idx.msk [tilespmem:v51+s15+$0x0], $0xffff  }
0x4ef: {  	v57 =	vadd.s32 v6, v8;
	v18 =	vld.idx.msk [tilespmem:v54+s15+$0x0], $0xffff;
	[tilespmem:s18+$0x3C0] =	vst v20  }
0x4f0: {  	v60 =	vadd.s32 v6, v11;
	v22 =	vld.idx.msk [tilespmem:v53+s15+$0x0], $0xffff;
	[tilespmem:s18+$0x4C0] =	vst v23  }
0x4f1: {  	v59 =	vadd.s32 v6, v10;
	v15 =	vld.idx.msk [tilespmem:v55+s15+$0x0], $0xffff;
	[tilespmem:s18+$0x2C0] =	vst v16  }
0x4f2: {  	v61 =	vadd.s32 v6, v13;
	[tilespmem:s5+$0x40] =	vst v14;
	v17 =	vld.idx.msk [tilespmem:v52+s15+$0x0], $0xffff  }
0x4f3: {  	v58 =	vadd.s32 v6, v9;
	v16 =	vld.idx.msk [tilespmem:v56+s15+$0x0], $0xffff;
	[tilespmem:s18+$0x250] =	vst v19  }
0x4f4: {  	v62 =	vadd.s32 v6, v12;
	[tilespmem:s18+$0x450] =	vst v18;
	v20 =	vld.idx.msk [tilespmem:v57+s15+$0x0], $0xffff  }
0x4f5: {  	v8 =	vadd.s32 v7, v8;
	v14 =	vld.idx.msk [tilespmem:v60+s15+$0x0], $0xffff;
	[tilespmem:s18+$0x3D0] =	vst v22  }
0x4f6: {  	v11 =	vadd.s32 v7, v11;
	v63 =	vld.idx.msk [tilespmem:v59+s15+$0x0], $0xffff;
	[tilespmem:s18+$0x4D0] =	vst v15  }
0x4f7: {  	v10 =	vadd.s32 v7, v10;
	v15 =	vld.idx.msk [tilespmem:v61+s15+$0x0], $0xffff;
	[tilespmem:s18+$0x2D0] =	vst v17  }
0x4f8: {  	v13 =	vadd.s32 v7, v13;
	[tilespmem:s5+$0x50] =	vst v16;
	v21 =	vld.idx.msk [tilespmem:v58+s15+$0x0], $0xffff  }
0x4f9: {  	v9 =	vadd.s32 v7, v9;
	v16 =	vld.idx.msk [tilespmem:v62+s15+$0x0], $0xffff;
	[tilespmem:s18+$0x260] =	vst v20  }
0x4fa: {  	v12 =	vadd.s32 v7, v12;
	[tilespmem:s18+$0x460] =	vst v14;
	v8 =	vld.idx.msk [tilespmem:v8+s15+$0x0], $0xffff  }
0x4fb: {  	v11 =	vld.idx.msk [tilespmem:v11+s15+$0x0], $0xffff;
	[tilespmem:s18+$0x3E0] =	vst v63  }
0x4fc: {  	v10 =	vld.idx.msk [tilespmem:v10+s15+$0x0], $0xffff;
	[tilespmem:s18+$0x4E0] =	vst v15  }
0x4fd: {  	v13 =	vld.idx.msk [tilespmem:v13+s15+$0x0], $0xffff;
	[tilespmem:s18+$0x2E0] =	vst v21  }
0x4fe: {  	[tilespmem:s5+$0x60] =	vst v16;
	v9 =	vld.idx.msk [tilespmem:v9+s15+$0x0], $0xffff  }
0x4ff: {  	p0 =	slt.u32 s4, $0xB4;
	[tilespmem:s18+$0x270] =	vst v8;
	v8 =	vld.idx.msk [tilespmem:v12+s15+$0x0], $0xffff  }
.Ltmp8:
0x500: {  	[tilespmem:s18+$0x470] =	vst v11;
	(pc) =	sbr.rel @p0 .LBB2_19-.Ltmp8, $4  }
0x501: {  	[tilespmem:s18+$0x3F0] =	vst v10  }
0x502: {  	[tilespmem:s18+$0x4F0] =	vst v13  }
0x503: {  	[tilespmem:s18+$0x2F0] =	vst v9  }
0x504: {  	s4 =	sadd.s32 $0x14, s4;
	s11 =	sadd.s32 $0xA00, s11;
	s18 =	sadd.s32 $0xA00, s18;
	[tilespmem:s5+$0x70] =	vst v8  }
0x505: {  	p0 =	seq.s32 s23, $0x3  }
0x506: {  	s4 =	sadd.s32 @!p0 $0x7, s16  }
0x507: {  	s5 =	smulhi.u32 @!p0 $0xCCCCCCCD, s4;
	_ =	sdelay $0x1  }
0x508: {  	s6 =	sshll.u32 @!p0 s5, $0x5  }
0x509: {  	s6 =	sand.u32 @!p0 $0x3FFFFF80, s6  }
0x50a: {  	v8 =	vld @!p0 [tilespmem:s6+$0x0];
	_ =	sdelay $0x2  }
0x50b: {  	s5 =	sshrl.u32 @!p0 s5, $0x2  }
0x50c: {  	s5 =	smul.u32 @!p0 $0x5, s5  }
0x50d: {  	v8 =	vmul.u32 @!p0 $0x5, v8  }
0x50e: {  	s4 =	ssub.s32 @!p0 s4, s5  }
0x50f: {  	v8 =	vadd.s32 @!p0 s4, v8  }
0x510: {  	[tilespmem:$0x12F00] =	vst @!p0 v8  }
0x511: {  	v8 =	vld @!p0 [tilespmem:s6+$0x10];
	_ =	sdelay $0x4  }
0x512: {  	v8 =	vmul.u32 @!p0 $0x5, v8;
	_ =	sdelay $0x1  }
0x513: {  	v8 =	vadd.s32 @!p0 s4, v8  }
0x514: {  	[tilespmem:$0x12F10] =	vst @!p0 v8  }
0x515: {  	v8 =	vld @!p0 [tilespmem:s6+$0x20];
	_ =	sdelay $0x4  }
0x516: {  	v8 =	vmul.u32 @!p0 $0x5, v8;
	_ =	sdelay $0x1  }
0x517: {  	v8 =	vadd.s32 @!p0 s4, v8  }
0x518: {  	[tilespmem:$0x12F20] =	vst @!p0 v8  }
0x519: {  	v8 =	vld @!p0 [tilespmem:s6+$0x30];
	_ =	sdelay $0x4  }
0x51a: {  	v8 =	vmul.u32 @!p0 $0x5, v8;
	_ =	sdelay $0x1  }
0x51b: {  	v8 =	vadd.s32 @!p0 s4, v8  }
0x51c: {  	[tilespmem:$0x12F30] =	vst @!p0 v8  }
0x51d: {  	v8 =	vld @!p0 [tilespmem:s6+$0x40];
	_ =	sdelay $0x4  }
0x51e: {  	v8 =	vmul.u32 @!p0 $0x5, v8;
	_ =	sdelay $0x1  }
0x51f: {  	v8 =	vadd.s32 @!p0 s4, v8  }
0x520: {  	[tilespmem:$0x12F40] =	vst @!p0 v8  }
0x521: {  	v8 =	vld @!p0 [tilespmem:s6+$0x50];
	_ =	sdelay $0x4  }
0x522: {  	v8 =	vmul.u32 @!p0 $0x5, v8;
	_ =	sdelay $0x1  }
0x523: {  	v8 =	vadd.s32 @!p0 s4, v8  }
0x524: {  	[tilespmem:$0x12F50] =	vst @!p0 v8  }
0x525: {  	v8 =	vld @!p0 [tilespmem:s6+$0x60];
	_ =	sdelay $0x4  }
0x526: {  	v8 =	vmul.u32 @!p0 $0x5, v8;
	_ =	sdelay $0x1  }
0x527: {  	v8 =	vadd.s32 @!p0 s4, v8  }
0x528: {  	[tilespmem:$0x12F60] =	vst @!p0 v8  }
0x529: {  	v8 =	vld @!p0 [tilespmem:s6+$0x70];
	_ =	sdelay $0x4  }
0x52a: {  	v8 =	vmul.u32 @!p0 $0x5, v8;
	_ =	sdelay $0x1  }
0x52b: {  	s19 =	sshrl.u32 s12, $0x3;
	v8 =	vadd.s32 @!p0 s4, v8  }
0x52c: {  	s5 =	simm.s32 @!p0 $0x12F00;
	s6 =	simm.s32 @!p0 $0x6680;
	s4 =	simm.s32 @!p0 $0x80;
	[tilespmem:$0x12F70] =	vst @!p0 v8  }
0x52d: {  	[tilespmem:s6], [sflag:$0x2] =	stream.indirect.gather @!p0 [hbm4b:s24+s4], $0xC8, s5, s4, $0xb8;
	[tilespmem:$0x1F800] =	vst v63  }
0x52e: {  	s20 =	simm.s32 $0x13000;
	s4 =	sadd.s32 s2, s19  }
0x52f: {  	[hbm4b:s4+s3] =	stream.linear.scatter [tilespmem:s20], [sflag:$0x4], $0x400, $0x38;
	[tilespmem:$0x1F800] =	vst v63  }
0x530: {  	s4 =	simm.s32 $0x1000  }
.LBB2_21:
0x531: {  	p1 =	sne.s32 s4, $0x18000  }
.Ltmp9:
0x532: {  	_ = 	snop;
	(pc) =	sbr.rel @p1 .LBB2_21-.Ltmp9, $4  }
0x533: {  	s12 =	sadd.s32 $0x2000, s12  }
0x534: {  	s5 =	sshra.s32 s4, $0x2;
	s6 =	sshrl.u32 s12, $0x3  }
0x535: {  	s4 =	sadd.s32 $0x1000, s4;
	s5 =	sadd.s32 $0x13000, s5;
	s6 =	sadd.s32 s2, s6  }
0x536: {  	[hbm4b:s6+s3] =	stream.linear.scatter [tilespmem:s5], [sflag:$0x4], $0x400, $0x38;
	[tilespmem:$0x1F800] =	vst v63  }
0x537: {  	_ =	swait.ge [sflag:s22], $0x6400  }
0x538: {  	[sflag:s22] =	ssyncset.done $0x0  }
0x539: {  	[sflag:s22] =	ssyncadd.s32 $0xFFFF9C00  }
0x53a: {  	_ =	swait.ge [sflag:s21], $0x6400  }
0x53b: {  	s11 =	simm.s32 $0x0;
	[sflag:s21] =	ssyncset.done $0x0  }
0x53c: {  	s12 =	simm.s32 $0x19900;
	s4 =	simm.s32 $0x0;
	[sflag:s21] =	ssyncadd.s32 $0xFFFF9C00  }
.LBB2_23:
0x53d: {  	v9 =	vmov s4  }
0x53e: {  	s5 =	sadd.s32 $0x1, s4;
	v9 =	vand.u32 $0xFC, v9  }
0x53f: {  	v8 =	vmov s5;
	v11 =	vadd.s32 v0, v9  }
0x540: {  	v8 =	vand.u32 $0xFD, v8  }
0x541: {  	v10 =	vadd.s32 v0, v8;
	_ =	sdelay $0x2  }
0x542: {  	v11 =	vld.idx.msk [tilespmem:v11+s17+$0x0], $0xffff  }
0x543: {  	v13 =	vadd.s32 v1, v9  }
0x544: {  	v10 =	vld.idx.msk [tilespmem:v10+s17+$0x0], $0xffff  }
0x545: {  	v12 =	vadd.s32 v1, v8  }
0x546: {  	s20 =	sand.u32 $0x7C00, s11;
	s6 =	sadd.s32 $0x80, s11  }
0x547: {  	s18 =	sand.u32 $0x280, s6;
	s6 =	sadd.s32 $0x19400, s20;
	[tilespmem:s12+$0xFFFFFB00] =	vst v11  }
0x548: {  	s5 =	sor.u32 s18, s6;
	v11 =	vld.idx.msk [tilespmem:v13+s17+$0x0], $0xffff  }
0x549: {  	v20 =	vadd.s32 v2, v9;
	[tilespmem:s5+$0x0] =	vst v10  }
0x54a: {  	v10 =	vld.idx.msk [tilespmem:v12+s17+$0x0], $0xffff  }
0x54b: {  	v19 =	vadd.s32 v2, v8;
	_ =	sdelay $0x1  }
0x54c: {  	[tilespmem:s12+$0xFFFFFB10] =	vst v11  }
0x54d: {  	v11 =	vld.idx.msk [tilespmem:v20+s17+$0x0], $0xffff  }
0x54e: {  	v22 =	vadd.s32 v3, v9;
	[tilespmem:s5+$0x10] =	vst v10  }
0x54f: {  	v10 =	vld.idx.msk [tilespmem:v19+s17+$0x0], $0xffff  }
0x550: {  	v21 =	vadd.s32 v3, v8;
	_ =	sdelay $0x1  }
0x551: {  	[tilespmem:s12+$0xFFFFFB20] =	vst v11  }
0x552: {  	v11 =	vld.idx.msk [tilespmem:v22+s17+$0x0], $0xffff  }
0x553: {  	v24 =	vadd.s32 v4, v9;
	[tilespmem:s5+$0x20] =	vst v10  }
0x554: {  	v10 =	vld.idx.msk [tilespmem:v21+s17+$0x0], $0xffff  }
0x555: {  	v23 =	vadd.s32 v4, v8;
	_ =	sdelay $0x1  }
0x556: {  	[tilespmem:s12+$0xFFFFFB30] =	vst v11  }
0x557: {  	v11 =	vld.idx.msk [tilespmem:v24+s17+$0x0], $0xffff  }
0x558: {  	v26 =	vadd.s32 v5, v9;
	[tilespmem:s5+$0x30] =	vst v10  }
0x559: {  	v10 =	vld.idx.msk [tilespmem:v23+s17+$0x0], $0xffff  }
0x55a: {  	v25 =	vadd.s32 v5, v8;
	_ =	sdelay $0x1  }
0x55b: {  	[tilespmem:s12+$0xFFFFFB40] =	vst v11  }
0x55c: {  	v11 =	vld.idx.msk [tilespmem:v26+s17+$0x0], $0xffff  }
0x55d: {  	v28 =	vadd.s32 v6, v9;
	[tilespmem:s5+$0x40] =	vst v10  }
0x55e: {  	s22 =	sadd.s32 $0x2, s4;
	v10 =	vld.idx.msk [tilespmem:v25+s17+$0x0], $0xffff  }
0x55f: {  	v27 =	vadd.s32 v6, v8;
	v14 =	vadd.s32 v7, v8;
	v8 =	vmov s22;
	s22 =	sadd.s32 $0x5, s4  }
0x560: {  	v32 =	vmov s22  }
0x561: {  	s20 =	sadd.s32 $0x4, s4;
	v12 =	vand.u32 $0x1FD, v32;
	[tilespmem:s12+$0xFFFFFB50] =	vst v11  }
0x562: {  	v31 =	vmov s20;
	v19 =	vadd.s32 v0, v12;
	v13 =	vld.idx.msk [tilespmem:v28+s17+$0x0], $0xffff  }
0x563: {  	s19 =	sadd.s32 $0x3, s4;
	v15 =	vadd.s32 v7, v9;
	[tilespmem:s5+$0x50] =	vst v10;
	v10 =	vand.u32 $0x1FC, v31  }
0x564: {  	v30 =	vmov s19;
	s19 =	sadd.s32 $0x6, s4;
	v29 =	vld.idx.msk [tilespmem:v27+s17+$0x0], $0xffff;
	v18 =	vadd.s32 v0, v10  }
0x565: {  	v33 =	vmov s19;
	s20 =	sadd.s32 $0x7, s4;
	v8 =	vand.u32 $0xFE, v8  }
0x566: {  	v34 =	vand.u32 $0x1FE, v33;
	v35 =	vmov s20;
	v16 =	vadd.s32 v0, v8  }
0x567: {  	v20 =	vadd.s32 v0, v34;
	v19 =	vld.idx.msk [tilespmem:v19+s17+$0x0], $0xffff;
	v11 =	vand.u32 $0x1FF, v35;
	[tilespmem:s12+$0xFFFFFB60] =	vst v13  }
0x568: {  	v9 =	vand.u32 $0xFF, v30;
	v21 =	vadd.s32 v0, v11;
	v15 =	vld.idx.msk [tilespmem:v15+s17+$0x0], $0xffff  }
0x569: {  	v17 =	vadd.s32 v0, v9;
	[tilespmem:s5+$0x60] =	vst v29;
	v18 =	vld.idx.msk [tilespmem:v18+s17+$0x0], $0xffff  }
0x56a: {  	v37 =	vadd.s32 v1, v12;
	v14 =	vld.idx.msk [tilespmem:v14+s17+$0x0], $0xffff  }
0x56b: {  	v16 =	vld.idx.msk [tilespmem:v16+s17+$0x0], $0xffff;
	v36 =	vadd.s32 v1, v10  }
0x56c: {  	v20 =	vld.idx.msk [tilespmem:v20+s17+$0x0], $0xffff;
	v22 =	vadd.s32 v1, v8;
	[tilespmem:s12+$0xFFFFFD80] =	vst v19  }
0x56d: {  	s22 =	sadd.s32 $0x100, s11;
	v38 =	vadd.s32 v1, v34;
	v21 =	vld.idx.msk [tilespmem:v21+s17+$0x0], $0xffff;
	[tilespmem:s12+$0xFFFFFB70] =	vst v15  }
0x56e: {  	s18 =	sand.u32 $0x300, s22;
	v17 =	vld.idx.msk [tilespmem:v17+s17+$0x0], $0xffff;
	v39 =	vadd.s32 v1, v11;
	[tilespmem:s12+$0xFFFFFD00] =	vst v18  }
0x56f: {  	v23 =	vadd.s32 v1, v9;
	v15 =	vld.idx.msk [tilespmem:v37+s17+$0x0], $0xffff;
	[tilespmem:s5+$0x70] =	vst v14;
	s5 =	sor.u32 s18, s6  }
0x570: {  	s19 =	sadd.s32 $0x180, s11;
	v43 =	vadd.s32 v2, v12;
	v14 =	vld.idx.msk [tilespmem:v36+s17+$0x0], $0xffff;
	[tilespmem:s5+$0x0] =	vst v16  }
0x571: {  	[tilespmem:s12+$0xFFFFFE00] =	vst v20;
	v42 =	vadd.s32 v2, v10;
	s18 =	sand.u32 $0x380, s19;
	v22 =	vld.idx.msk [tilespmem:v22+s17+$0x0], $0xffff  }
0x572: {  	v40 =	vadd.s32 v2, v8;
	[tilespmem:s12+$0xFFFFFE80] =	vst v21;
	s6 =	sor.u32 s18, s6;
	v16 =	vld.idx.msk [tilespmem:v38+s17+$0x0], $0xffff  }
0x573: {  	v44 =	vadd.s32 v2, v34;
	[tilespmem:s6+$0x0] =	vst v17;
	v17 =	vld.idx.msk [tilespmem:v39+s17+$0x0], $0xffff  }
0x574: {  	v45 =	vadd.s32 v2, v11;
	v23 =	vld.idx.msk [tilespmem:v23+s17+$0x0], $0xffff;
	[tilespmem:s12+$0xFFFFFD90] =	vst v15  }
0x575: {  	v41 =	vadd.s32 v2, v9;
	[tilespmem:s12+$0xFFFFFD10] =	vst v14;
	v21 =	vld.idx.msk [tilespmem:v43+s17+$0x0], $0xffff  }
0x576: {  	v49 =	vadd.s32 v3, v12;
	v20 =	vld.idx.msk [tilespmem:v42+s17+$0x0], $0xffff;
	[tilespmem:s5+$0x10] =	vst v22  }
0x577: {  	v48 =	vadd.s32 v3, v10;
	[tilespmem:s12+$0xFFFFFE10] =	vst v16;
	v18 =	vld.idx.msk [tilespmem:v40+s17+$0x0], $0xffff  }
0x578: {  	v46 =	vadd.s32 v3, v8;
	[tilespmem:s12+$0xFFFFFE90] =	vst v17;
	v22 =	vld.idx.msk [tilespmem:v44+s17+$0x0], $0xffff  }
0x579: {  	v50 =	vadd.s32 v3, v34;
	[tilespmem:s6+$0x10] =	vst v23;
	v23 =	vld.idx.msk [tilespmem:v45+s17+$0x0], $0xffff  }
0x57a: {  	v51 =	vadd.s32 v3, v11;
	v19 =	vld.idx.msk [tilespmem:v41+s17+$0x0], $0xffff;
	[tilespmem:s12+$0xFFFFFDA0] =	vst v21  }
0x57b: {  	v47 =	vadd.s32 v3, v9;
	[tilespmem:s12+$0xFFFFFD20] =	vst v20;
	v17 =	vld.idx.msk [tilespmem:v49+s17+$0x0], $0xffff  }
0x57c: {  	v55 =	vadd.s32 v4, v12;
	v16 =	vld.idx.msk [tilespmem:v48+s17+$0x0], $0xffff;
	[tilespmem:s5+$0x20] =	vst v18  }
0x57d: {  	v54 =	vadd.s32 v4, v10;
	[tilespmem:s12+$0xFFFFFE20] =	vst v22;
	v14 =	vld.idx.msk [tilespmem:v46+s17+$0x0], $0xffff  }
0x57e: {  	v52 =	vadd.s32 v4, v8;
	[tilespmem:s12+$0xFFFFFEA0] =	vst v23;
	v18 =	vld.idx.msk [tilespmem:v50+s17+$0x0], $0xffff  }
0x57f: {  	v56 =	vadd.s32 v4, v34;
	[tilespmem:s6+$0x20] =	vst v19;
	v19 =	vld.idx.msk [tilespmem:v51+s17+$0x0], $0xffff  }
0x580: {  	v57 =	vadd.s32 v4, v11;
	v15 =	vld.idx.msk [tilespmem:v47+s17+$0x0], $0xffff;
	[tilespmem:s12+$0xFFFFFDB0] =	vst v17  }
0x581: {  	v53 =	vadd.s32 v4, v9;
	[tilespmem:s12+$0xFFFFFD30] =	vst v16;
	v23 =	vld.idx.msk [tilespmem:v55+s17+$0x0], $0xffff  }
0x582: {  	v61 =	vadd.s32 v5, v12;
	v22 =	vld.idx.msk [tilespmem:v54+s17+$0x0], $0xffff;
	[tilespmem:s5+$0x30] =	vst v14  }
0x583: {  	v60 =	vadd.s32 v5, v10;
	[tilespmem:s12+$0xFFFFFE30] =	vst v18;
	v20 =	vld.idx.msk [tilespmem:v52+s17+$0x0], $0xffff  }
0x584: {  	v58 =	vadd.s32 v5, v8;
	[tilespmem:s12+$0xFFFFFEB0] =	vst v19;
	v14 =	vld.idx.msk [tilespmem:v56+s17+$0x0], $0xffff  }
0x585: {  	v62 =	vadd.s32 v5, v34;
	[tilespmem:s6+$0x30] =	vst v15;
	v15 =	vld.idx.msk [tilespmem:v57+s17+$0x0], $0xffff  }
0x586: {  	v63 =	vadd.s32 v5, v11;
	v21 =	vld.idx.msk [tilespmem:v53+s17+$0x0], $0xffff;
	[tilespmem:s12+$0xFFFFFDC0] =	vst v23  }
0x587: {  	v59 =	vadd.s32 v5, v9;
	[tilespmem:s12+$0xFFFFFD40] =	vst v22;
	v19 =	vld.idx.msk [tilespmem:v61+s17+$0x0], $0xffff  }
0x588: {  	v27 =	vadd.s32 v6, v12;
	v18 =	vld.idx.msk [tilespmem:v60+s17+$0x0], $0xffff;
	[tilespmem:s5+$0x40] =	vst v20  }
0x589: {  	v26 =	vadd.s32 v6, v10;
	[tilespmem:s12+$0xFFFFFE40] =	vst v14;
	v16 =	vld.idx.msk [tilespmem:v58+s17+$0x0], $0xffff  }
0x58a: {  	v24 =	vadd.s32 v6, v8;
	[tilespmem:s12+$0xFFFFFEC0] =	vst v15;
	v20 =	vld.idx.msk [tilespmem:v62+s17+$0x0], $0xffff  }
0x58b: {  	v28 =	vadd.s32 v6, v34;
	[tilespmem:s6+$0x40] =	vst v21;
	v21 =	vld.idx.msk [tilespmem:v63+s17+$0x0], $0xffff  }
0x58c: {  	v29 =	vadd.s32 v6, v11;
	v17 =	vld.idx.msk [tilespmem:v59+s17+$0x0], $0xffff;
	[tilespmem:s12+$0xFFFFFDD0] =	vst v19  }
0x58d: {  	v25 =	vadd.s32 v6, v9;
	[tilespmem:s12+$0xFFFFFD50] =	vst v18;
	v15 =	vld.idx.msk [tilespmem:v27+s17+$0x0], $0xffff  }
0x58e: {  	s20 =	sadd.s32 $0x8, s4;
	v12 =	vadd.s32 v7, v12;
	v14 =	vld.idx.msk [tilespmem:v26+s17+$0x0], $0xffff;
	[tilespmem:s5+$0x50] =	vst v16  }
0x58f: {  	v30 =	vmov s20;
	s20 =	sadd.s32 $0xB, s4;
	v10 =	vadd.s32 v7, v10;
	[tilespmem:s12+$0xFFFFFE50] =	vst v20;
	v22 =	vld.idx.msk [tilespmem:v24+s17+$0x0], $0xffff  }
0x590: {  	v8 =	vadd.s32 v7, v8;
	v39 =	vmov s20;
	v16 =	vld.idx.msk [tilespmem:v28+s17+$0x0], $0xffff;
	[tilespmem:s12+$0xFFFFFED0] =	vst v21  }
0x591: {  	v32 =	vadd.s32 v7, v11;
	v13 =	vadd.s32 v7, v34;
	v11 =	vand.u32 $0x1FF, v39;
	[tilespmem:s6+$0x50] =	vst v17;
	v17 =	vld.idx.msk [tilespmem:v29+s17+$0x0], $0xffff  }
0x592: {  	s19 =	sadd.s32 $0xA, s4;
	v44 =	vadd.s32 v0, v11;
	v23 =	vld.idx.msk [tilespmem:v25+s17+$0x0], $0xffff;
	[tilespmem:s12+$0xFFFFFDE0] =	vst v15  }
0x593: {  	s22 =	sadd.s32 $0x9, s4;
	v36 =	vmov s19;
	[tilespmem:s12+$0xFFFFFD60] =	vst v14;
	v40 =	vld.idx.msk [tilespmem:v12+s17+$0x0], $0xffff  }
0x594: {  	v33 =	vmov s22;
	s22 =	sadd.s32 $0xC, s4;
	v9 =	vadd.s32 v7, v9;
	v37 =	vld.idx.msk [tilespmem:v10+s17+$0x0], $0xffff;
	v10 =	vand.u32 $0x1FE, v36;
	[tilespmem:s5+$0x60] =	vst v22  }
0x595: {  	v42 =	vmov s22;
	[tilespmem:s12+$0xFFFFFE60] =	vst v16;
	v41 =	vadd.s32 v0, v10;
	v31 =	vld.idx.msk [tilespmem:v8+s17+$0x0], $0xffff;
	v8 =	vand.u32 $0x1FC, v30  }
0x596: {  	s19 =	sadd.s32 $0xD, s4;
	v43 =	vld.idx.msk [tilespmem:v13+s17+$0x0], $0xffff;
	v13 =	vand.u32 $0x1FC, v42;
	v35 =	vadd.s32 v0, v8  }
0x597: {  	v45 =	vmov s19;
	[tilespmem:s12+$0xFFFFFEE0] =	vst v17;
	v17 =	vld.idx.msk [tilespmem:v44+s17+$0x0], $0xffff;
	v47 =	vadd.s32 v0, v13  }
0x598: {  	v52 =	vadd.s32 v1, v11;
	v12 =	vand.u32 $0x1FD, v45;
	[tilespmem:s6+$0x60] =	vst v23  }
0x599: {  	v48 =	vadd.s32 v0, v12;
	v34 =	vld.idx.msk [tilespmem:v9+s17+$0x0], $0xffff;
	v9 =	vand.u32 $0x1FD, v33;
	[tilespmem:s12+$0xFFFFFDF0] =	vst v40  }
0x59a: {  	v38 =	vadd.s32 v0, v9;
	[tilespmem:s12+$0xFFFFFD70] =	vst v37;
	v16 =	vld.idx.msk [tilespmem:v41+s17+$0x0], $0xffff  }
0x59b: {  	v51 =	vadd.s32 v1, v10;
	[tilespmem:s12+$0xFFFFFE70] =	vst v43;
	v14 =	vld.idx.msk [tilespmem:v35+s17+$0x0], $0xffff  }
0x59c: {  	v49 =	vadd.s32 v1, v8;
	[tilespmem:s12+$0x80] =	vst v17;
	v20 =	vld.idx.msk [tilespmem:v47+s17+$0x0], $0xffff  }
0x59d: {  	s20 =	sadd.s32 $0x400, s11;
	v53 =	vadd.s32 v1, v13;
	[tilespmem:s5+$0x70] =	vst v31;
	v19 =	vld.idx.msk [tilespmem:v52+s17+$0x0], $0xffff  }
0x59e: {  	v58 =	vadd.s32 v2, v11;
	v18 =	vld.idx.msk [tilespmem:v48+s17+$0x0], $0xffff;
	s5 =	sand.u32 $0x200, s11;
	[tilespmem:s6+$0x70] =	vst v34;
	s6 =	sand.u32 $0xFC00, s20  }
0x59f: {  	v54 =	vadd.s32 v1, v12;
	v15 =	vld.idx.msk [tilespmem:v38+s17+$0x0], $0xffff;
	s6 =	sor.u32 s5, s6;
	[tilespmem:s12+$0x0] =	vst v16  }
0x5a0: {  	v50 =	vadd.s32 v1, v9;
	v23 =	vld.idx.msk [tilespmem:v51+s17+$0x0], $0xffff;
	[tilespmem:s6+$0x19400] =	vst v14  }
0x5a1: {  	v57 =	vadd.s32 v2, v10;
	[tilespmem:s12+$0x100] =	vst v20;
	v21 =	vld.idx.msk [tilespmem:v49+s17+$0x0], $0xffff  }
0x5a2: {  	v55 =	vadd.s32 v2, v8;
	[tilespmem:s12+$0x90] =	vst v19;
	v14 =	vld.idx.msk [tilespmem:v53+s17+$0x0], $0xffff  }
0x5a3: {  	v59 =	vadd.s32 v2, v13;
	[tilespmem:s12+$0x180] =	vst v18;
	v18 =	vld.idx.msk [tilespmem:v58+s17+$0x0], $0xffff  }
0x5a4: {  	v24 =	vadd.s32 v3, v11;
	[tilespmem:s12+$0xFFFFFF80] =	vst v15;
	v15 =	vld.idx.msk [tilespmem:v54+s17+$0x0], $0xffff  }
0x5a5: {  	v60 =	vadd.s32 v2, v12;
	s6 =	sadd.s32 $0x19400, s6;
	v22 =	vld.idx.msk [tilespmem:v50+s17+$0x0], $0xffff;
	[tilespmem:s12+$0x10] =	vst v23  }
0x5a6: {  	v56 =	vadd.s32 v2, v9;
	v20 =	vld.idx.msk [tilespmem:v57+s17+$0x0], $0xffff;
	[tilespmem:s6+$0x10] =	vst v21  }
0x5a7: {  	v63 =	vadd.s32 v3, v10;
	[tilespmem:s12+$0x110] =	vst v14;
	v16 =	vld.idx.msk [tilespmem:v55+s17+$0x0], $0xffff  }
0x5a8: {  	v61 =	vadd.s32 v3, v8;
	[tilespmem:s12+$0xA0] =	vst v18;
	v21 =	vld.idx.msk [tilespmem:v59+s17+$0x0], $0xffff  }
0x5a9: {  	v25 =	vadd.s32 v3, v13;
	[tilespmem:s12+$0x190] =	vst v15;
	v15 =	vld.idx.msk [tilespmem:v24+s17+$0x0], $0xffff  }
0x5aa: {  	v30 =	vadd.s32 v4, v11;
	[tilespmem:s12+$0xFFFFFF90] =	vst v22;
	v22 =	vld.idx.msk [tilespmem:v60+s17+$0x0], $0xffff  }
0x5ab: {  	v26 =	vadd.s32 v3, v12;
	v17 =	vld.idx.msk [tilespmem:v56+s17+$0x0], $0xffff;
	[tilespmem:s12+$0x20] =	vst v20  }
0x5ac: {  	v62 =	vadd.s32 v3, v9;
	v14 =	vld.idx.msk [tilespmem:v63+s17+$0x0], $0xffff;
	[tilespmem:s6+$0x20] =	vst v16  }
0x5ad: {  	[tilespmem:s12+$0x120] =	vst v21;
	v23 =	vld.idx.msk [tilespmem:v61+s17+$0x0], $0xffff  }
0x5ae: {  	v27 =	vadd.s32 v4, v8;
	[tilespmem:s12+$0xB0] =	vst v15;
	v16 =	vld.idx.msk [tilespmem:v25+s17+$0x0], $0xffff  }
0x5af: {  	v29 =	vadd.s32 v4, v10;
	[tilespmem:s12+$0x1A0] =	vst v22;
	v22 =	vld.idx.msk [tilespmem:v30+s17+$0x0], $0xffff  }
0x5b0: {  	v31 =	vadd.s32 v4, v13;
	[tilespmem:s12+$0xFFFFFFA0] =	vst v17;
	v17 =	vld.idx.msk [tilespmem:v26+s17+$0x0], $0xffff  }
0x5b1: {  	v36 =	vadd.s32 v5, v11;
	v19 =	vld.idx.msk [tilespmem:v62+s17+$0x0], $0xffff;
	[tilespmem:s12+$0x30] =	vst v14  }
0x5b2: {  	v46 =	vld.idx.msk [tilespmem:v32+s17+$0x0], $0xffff;
	v28 =	vadd.s32 v4, v9;
	[tilespmem:s6+$0x30] =	vst v23  }
0x5b3: {  	v32 =	vadd.s32 v4, v12;
	[tilespmem:s12+$0x130] =	vst v16;
	v20 =	vld.idx.msk [tilespmem:v27+s17+$0x0], $0xffff  }
0x5b4: {  	v33 =	vadd.s32 v5, v8;
	v21 =	vld.idx.msk [tilespmem:v29+s17+$0x0], $0xffff;
	[tilespmem:s12+$0xC0] =	vst v22  }
0x5b5: {  	v35 =	vadd.s32 v5, v10;
	[tilespmem:s12+$0x1B0] =	vst v17;
	v23 =	vld.idx.msk [tilespmem:v31+s17+$0x0], $0xffff  }
0x5b6: {  	v37 =	vadd.s32 v5, v13;
	v17 =	vld.idx.msk [tilespmem:v36+s17+$0x0], $0xffff;
	[tilespmem:s12+$0xFFFFFFB0] =	vst v19  }
0x5b7: {  	v42 =	vadd.s32 v6, v11;
	[tilespmem:s12+$0xFFFFFEF0] =	vst v46;
	v18 =	vld.idx.msk [tilespmem:v28+s17+$0x0], $0xffff  }
0x5b8: {  	v34 =	vadd.s32 v5, v9;
	v19 =	vld.idx.msk [tilespmem:v32+s17+$0x0], $0xffff;
	[tilespmem:s6+$0x40] =	vst v20  }
0x5b9: {  	v38 =	vadd.s32 v5, v12;
	[tilespmem:s12+$0x40] =	vst v21;
	v14 =	vld.idx.msk [tilespmem:v33+s17+$0x0], $0xffff  }
0x5ba: {  	v39 =	vadd.s32 v6, v8;
	v16 =	vld.idx.msk [tilespmem:v35+s17+$0x0], $0xffff;
	[tilespmem:s12+$0x140] =	vst v23  }
0x5bb: {  	v41 =	vadd.s32 v6, v10;
	[tilespmem:s12+$0xD0] =	vst v17;
	v20 =	vld.idx.msk [tilespmem:v37+s17+$0x0], $0xffff  }
0x5bc: {  	v43 =	vadd.s32 v6, v13;
	v17 =	vld.idx.msk [tilespmem:v42+s17+$0x0], $0xffff;
	[tilespmem:s12+$0xFFFFFFC0] =	vst v18  }
0x5bd: {  	v11 =	vadd.s32 v7, v11;
	[tilespmem:s12+$0x1C0] =	vst v19;
	v15 =	vld.idx.msk [tilespmem:v34+s17+$0x0], $0xffff  }
0x5be: {  	v40 =	vadd.s32 v6, v9;
	v18 =	vld.idx.msk [tilespmem:v38+s17+$0x0], $0xffff;
	[tilespmem:s6+$0x50] =	vst v14  }
0x5bf: {  	s22 =	sadd.s32 $0xE, s4;
	v44 =	vadd.s32 v6, v12;
	[tilespmem:s12+$0x50] =	vst v16;
	v21 =	vld.idx.msk [tilespmem:v39+s17+$0x0], $0xffff  }
0x5c0: {  	v45 =	vmov s22;
	s22 =	sadd.s32 $0x12, s4;
	v8 =	vadd.s32 v7, v8;
	v16 =	vld.idx.msk [tilespmem:v41+s17+$0x0], $0xffff;
	[tilespmem:s12+$0x150] =	vst v20  }
0x5c1: {  	v10 =	vadd.s32 v7, v10;
	v53 =	vmov s22;
	[tilespmem:s12+$0xE0] =	vst v17;
	v14 =	vld.idx.msk [tilespmem:v43+s17+$0x0], $0xffff  }
0x5c2: {  	v13 =	vadd.s32 v7, v13;
	v54 =	vld.idx.msk [tilespmem:v11+s17+$0x0], $0xffff;
	v11 =	vand.u32 $0x1FE, v53;
	[tilespmem:s12+$0xFFFFFFD0] =	vst v15  }
0x5c3: {  	[tilespmem:s12+$0x1D0] =	vst v18;
	v24 =	vadd.s32 v0, v11;
	v22 =	vld.idx.msk [tilespmem:v40+s17+$0x0], $0xffff  }
0x5c4: {  	v9 =	vadd.s32 v7, v9;
	v15 =	vld.idx.msk [tilespmem:v44+s17+$0x0], $0xffff;
	[tilespmem:s6+$0x60] =	vst v21  }
0x5c5: {  	s19 =	sadd.s32 $0xF, s4;
	s20 =	sadd.s32 $0x11, s4;
	v12 =	vadd.s32 v7, v12;
	[tilespmem:s12+$0x60] =	vst v16;
	v46 =	vld.idx.msk [tilespmem:v8+s17+$0x0], $0xffff;
	v8 =	vand.u32 $0x1FE, v45  }
0x5c6: {  	v47 =	vmov s19;
	s19 =	sadd.s32 $0x13, s4;
	v50 =	vmov s20;
	v51 =	vld.idx.msk [tilespmem:v10+s17+$0x0], $0xffff;
	[tilespmem:s12+$0x160] =	vst v14;
	v49 =	vadd.s32 v0, v8  }
0x5c7: {  	v55 =	vmov s19;
	v10 =	vand.u32 $0x1FD, v50;
	v57 =	vld.idx.msk [tilespmem:v13+s17+$0x0], $0xffff  }
0x5c8: {  	s20 =	sadd.s32 $0x10, s4;
	v56 =	vadd.s32 v0, v10;
	v13 =	vand.u32 $0x1FF, v55;
	v27 =	vld.idx.msk [tilespmem:v24+s17+$0x0], $0xffff;
	[tilespmem:s12+$0xFFFFFFE0] =	vst v22  }
0x5c9: {  	v58 =	vmov s20;
	[tilespmem:s12+$0x1E0] =	vst v15;
	v60 =	vadd.s32 v0, v13;
	v48 =	vld.idx.msk [tilespmem:v9+s17+$0x0], $0xffff;
	v9 =	vand.u32 $0x1FF, v47  }
0x5ca: {  	[tilespmem:s12+$0xF0] =	vst v54;
	v59 =	vld.idx.msk [tilespmem:v12+s17+$0x0], $0xffff;
	v12 =	vand.u32 $0x1FC, v58;
	v52 =	vadd.s32 v0, v9  }
0x5cb: {  	v61 =	vadd.s32 v0, v12;
	[tilespmem:s12+$0x70] =	vst v51;
	v16 =	vld.idx.msk [tilespmem:v49+s17+$0x0], $0xffff  }
0x5cc: {  	v62 =	vadd.s32 v1, v8;
	[tilespmem:s12+$0x170] =	vst v57  }
0x5cd: {  	v28 =	vadd.s32 v1, v11;
	v25 =	vld.idx.msk [tilespmem:v56+s17+$0x0], $0xffff;
	[tilespmem:s12+$0x400] =	vst v27  }
0x5ce: {  	v26 =	vadd.s32 v1, v10;
	[tilespmem:s6+$0x70] =	vst v46;
	v15 =	vld.idx.msk [tilespmem:v60+s17+$0x0], $0xffff  }
0x5cf: {  	v30 =	vadd.s32 v1, v13;
	[tilespmem:s12+$0x1F0] =	vst v59;
	v17 =	vld.idx.msk [tilespmem:v52+s17+$0x0], $0xffff  }
0x5d0: {  	v63 =	vadd.s32 v1, v9;
	v29 =	vld.idx.msk [tilespmem:v61+s17+$0x0], $0xffff;
	[tilespmem:s12+$0x200] =	vst v16  }
0x5d1: {  	v31 =	vadd.s32 v1, v12;
	[tilespmem:s12+$0xFFFFFFF0] =	vst v48;
	v20 =	vld.idx.msk [tilespmem:v62+s17+$0x0], $0xffff  }
0x5d2: {  	s22 =	sadd.s32 $0x800, s11;
	v32 =	vadd.s32 v2, v8;
	v14 =	vld.idx.msk [tilespmem:v28+s17+$0x0], $0xffff;
	[tilespmem:s12+$0x380] =	vst v25  }
0x5d3: {  	v35 =	vadd.s32 v2, v11;
	s6 =	sand.u32 $0xFC00, s22;
	v18 =	vld.idx.msk [tilespmem:v26+s17+$0x0], $0xffff;
	[tilespmem:s12+$0x480] =	vst v15  }
0x5d4: {  	v34 =	vadd.s32 v2, v10;
	s5 =	sor.u32 s5, s6;
	v19 =	vld.idx.msk [tilespmem:v30+s17+$0x0], $0xffff;
	[tilespmem:s12+$0x280] =	vst v17  }
0x5d5: {  	v36 =	vadd.s32 v2, v13;
	[tilespmem:s5+$0x19400] =	vst v29;
	v21 =	vld.idx.msk [tilespmem:v63+s17+$0x0], $0xffff  }
0x5d6: {  	v33 =	vadd.s32 v2, v9;
	v17 =	vld.idx.msk [tilespmem:v31+s17+$0x0], $0xffff;
	[tilespmem:s12+$0x210] =	vst v20  }
0x5d7: {  	v37 =	vadd.s32 v2, v12;
	[tilespmem:s12+$0x410] =	vst v14;
	v22 =	vld.idx.msk [tilespmem:v32+s17+$0x0], $0xffff  }
0x5d8: {  	v38 =	vadd.s32 v3, v8;
	v16 =	vld.idx.msk [tilespmem:v35+s17+$0x0], $0xffff;
	[tilespmem:s12+$0x390] =	vst v18  }
0x5d9: {  	v41 =	vadd.s32 v3, v11;
	v15 =	vld.idx.msk [tilespmem:v34+s17+$0x0], $0xffff;
	[tilespmem:s12+$0x490] =	vst v19  }
0x5da: {  	v40 =	vadd.s32 v3, v10;
	s5 =	sadd.s32 $0x19400, s5;
	v20 =	vld.idx.msk [tilespmem:v36+s17+$0x0], $0xffff;
	[tilespmem:s12+$0x290] =	vst v21  }
0x5db: {  	v42 =	vadd.s32 v3, v13;
	[tilespmem:s5+$0x10] =	vst v17;
	v23 =	vld.idx.msk [tilespmem:v33+s17+$0x0], $0xffff  }
0x5dc: {  	v39 =	vadd.s32 v3, v9;
	v21 =	vld.idx.msk [tilespmem:v37+s17+$0x0], $0xffff;
	[tilespmem:s12+$0x220] =	vst v22  }
0x5dd: {  	v43 =	vadd.s32 v3, v12;
	[tilespmem:s12+$0x420] =	vst v16;
	v18 =	vld.idx.msk [tilespmem:v38+s17+$0x0], $0xffff  }
0x5de: {  	v44 =	vadd.s32 v4, v8;
	v17 =	vld.idx.msk [tilespmem:v41+s17+$0x0], $0xffff;
	[tilespmem:s12+$0x3A0] =	vst v15  }
0x5df: {  	v47 =	vadd.s32 v4, v11;
	v19 =	vld.idx.msk [tilespmem:v40+s17+$0x0], $0xffff;
	[tilespmem:s12+$0x4A0] =	vst v20  }
0x5e0: {  	v46 =	vadd.s32 v4, v10;
	v22 =	vld.idx.msk [tilespmem:v42+s17+$0x0], $0xffff;
	[tilespmem:s12+$0x2A0] =	vst v23  }
0x5e1: {  	v49 =	vadd.s32 v4, v13;
	[tilespmem:s5+$0x20] =	vst v21;
	v14 =	vld.idx.msk [tilespmem:v39+s17+$0x0], $0xffff  }
0x5e2: {  	v45 =	vadd.s32 v4, v9;
	v48 =	vld.idx.msk [tilespmem:v43+s17+$0x0], $0xffff;
	[tilespmem:s12+$0x230] =	vst v18  }
0x5e3: {  	v50 =	vadd.s32 v4, v12;
	[tilespmem:s12+$0x430] =	vst v17;
	v15 =	vld.idx.msk [tilespmem:v44+s17+$0x0], $0xffff  }
0x5e4: {  	v51 =	vadd.s32 v5, v8;
	v21 =	vld.idx.msk [tilespmem:v47+s17+$0x0], $0xffff;
	[tilespmem:s12+$0x3B0] =	vst v19  }
0x5e5: {  	v54 =	vadd.s32 v5, v11;
	v20 =	vld.idx.msk [tilespmem:v46+s17+$0x0], $0xffff;
	[tilespmem:s12+$0x4B0] =	vst v22  }
0x5e6: {  	v53 =	vadd.s32 v5, v10;
	v23 =	vld.idx.msk [tilespmem:v49+s17+$0x0], $0xffff;
	[tilespmem:s12+$0x2B0] =	vst v14  }
0x5e7: {  	v55 =	vadd.s32 v5, v13;
	[tilespmem:s5+$0x30] =	vst v48;
	v16 =	vld.idx.msk [tilespmem:v45+s17+$0x0], $0xffff  }
0x5e8: {  	v52 =	vadd.s32 v5, v9;
	v14 =	vld.idx.msk [tilespmem:v50+s17+$0x0], $0xffff;
	[tilespmem:s12+$0x240] =	vst v15  }
0x5e9: {  	v56 =	vadd.s32 v5, v12;
	[tilespmem:s12+$0x440] =	vst v21;
	v19 =	vld.idx.msk [tilespmem:v51+s17+$0x0], $0xffff  }
0x5ea: {  	v57 =	vadd.s32 v6, v8;
	v18 =	vld.idx.msk [tilespmem:v54+s17+$0x0], $0xffff;
	[tilespmem:s12+$0x3C0] =	vst v20  }
0x5eb: {  	v60 =	vadd.s32 v6, v11;
	v22 =	vld.idx.msk [tilespmem:v53+s17+$0x0], $0xffff;
	[tilespmem:s12+$0x4C0] =	vst v23  }
0x5ec: {  	v59 =	vadd.s32 v6, v10;
	v15 =	vld.idx.msk [tilespmem:v55+s17+$0x0], $0xffff;
	[tilespmem:s12+$0x2C0] =	vst v16  }
0x5ed: {  	v61 =	vadd.s32 v6, v13;
	[tilespmem:s5+$0x40] =	vst v14;
	v17 =	vld.idx.msk [tilespmem:v52+s17+$0x0], $0xffff  }
0x5ee: {  	v58 =	vadd.s32 v6, v9;
	v16 =	vld.idx.msk [tilespmem:v56+s17+$0x0], $0xffff;
	[tilespmem:s12+$0x250] =	vst v19  }
0x5ef: {  	v62 =	vadd.s32 v6, v12;
	[tilespmem:s12+$0x450] =	vst v18;
	v20 =	vld.idx.msk [tilespmem:v57+s17+$0x0], $0xffff  }
0x5f0: {  	v8 =	vadd.s32 v7, v8;
	v14 =	vld.idx.msk [tilespmem:v60+s17+$0x0], $0xffff;
	[tilespmem:s12+$0x3D0] =	vst v22  }
0x5f1: {  	v11 =	vadd.s32 v7, v11;
	v63 =	vld.idx.msk [tilespmem:v59+s17+$0x0], $0xffff;
	[tilespmem:s12+$0x4D0] =	vst v15  }
0x5f2: {  	v10 =	vadd.s32 v7, v10;
	v15 =	vld.idx.msk [tilespmem:v61+s17+$0x0], $0xffff;
	[tilespmem:s12+$0x2D0] =	vst v17  }
0x5f3: {  	v13 =	vadd.s32 v7, v13;
	[tilespmem:s5+$0x50] =	vst v16;
	v21 =	vld.idx.msk [tilespmem:v58+s17+$0x0], $0xffff  }
0x5f4: {  	v9 =	vadd.s32 v7, v9;
	v16 =	vld.idx.msk [tilespmem:v62+s17+$0x0], $0xffff;
	[tilespmem:s12+$0x260] =	vst v20  }
0x5f5: {  	v12 =	vadd.s32 v7, v12;
	[tilespmem:s12+$0x460] =	vst v14;
	v8 =	vld.idx.msk [tilespmem:v8+s17+$0x0], $0xffff  }
0x5f6: {  	v11 =	vld.idx.msk [tilespmem:v11+s17+$0x0], $0xffff;
	[tilespmem:s12+$0x3E0] =	vst v63  }
0x5f7: {  	v10 =	vld.idx.msk [tilespmem:v10+s17+$0x0], $0xffff;
	[tilespmem:s12+$0x4E0] =	vst v15  }
0x5f8: {  	v13 =	vld.idx.msk [tilespmem:v13+s17+$0x0], $0xffff;
	[tilespmem:s12+$0x2E0] =	vst v21  }
0x5f9: {  	[tilespmem:s5+$0x60] =	vst v16;
	v9 =	vld.idx.msk [tilespmem:v9+s17+$0x0], $0xffff  }
0x5fa: {  	p1 =	slt.u32 s4, $0xB4;
	[tilespmem:s12+$0x270] =	vst v8;
	v8 =	vld.idx.msk [tilespmem:v12+s17+$0x0], $0xffff  }
.Ltmp10:
0x5fb: {  	[tilespmem:s12+$0x470] =	vst v11;
	(pc) =	sbr.rel @p1 .LBB2_23-.Ltmp10, $4  }
0x5fc: {  	[tilespmem:s12+$0x3F0] =	vst v10  }
0x5fd: {  	[tilespmem:s12+$0x4F0] =	vst v13  }
0x5fe: {  	[tilespmem:s12+$0x2F0] =	vst v9  }
0x5ff: {  	s11 =	sadd.s32 $0xA00, s11;
	s4 =	sadd.s32 $0x14, s4;
	s12 =	sadd.s32 $0xA00, s12;
	[tilespmem:s5+$0x70] =	vst v8  }
0x600: {  	s4 =	sadd.s32 @!p0 $0x8, s16  }
0x601: {  	s5 =	smulhi.u32 @!p0 $0xCCCCCCCD, s4;
	_ =	sdelay $0x1  }
0x602: {  	s6 =	sshll.u32 @!p0 s5, $0x5  }
0x603: {  	s6 =	sand.u32 @!p0 $0x3FFFFF80, s6  }
0x604: {  	v8 =	vld @!p0 [tilespmem:s6+$0x0];
	_ =	sdelay $0x2  }
0x605: {  	s5 =	sshrl.u32 @!p0 s5, $0x2  }
0x606: {  	s5 =	smul.u32 @!p0 $0x5, s5  }
0x607: {  	v8 =	vmul.u32 @!p0 $0x5, v8  }
0x608: {  	s4 =	ssub.s32 @!p0 s4, s5  }
0x609: {  	v8 =	vadd.s32 @!p0 s4, v8  }
0x60a: {  	[tilespmem:$0x12F80] =	vst @!p0 v8  }
0x60b: {  	v8 =	vld @!p0 [tilespmem:s6+$0x10];
	_ =	sdelay $0x4  }
0x60c: {  	v8 =	vmul.u32 @!p0 $0x5, v8;
	_ =	sdelay $0x1  }
0x60d: {  	v8 =	vadd.s32 @!p0 s4, v8  }
0x60e: {  	[tilespmem:$0x12F90] =	vst @!p0 v8  }
0x60f: {  	v8 =	vld @!p0 [tilespmem:s6+$0x20];
	_ =	sdelay $0x4  }
0x610: {  	v8 =	vmul.u32 @!p0 $0x5, v8;
	_ =	sdelay $0x1  }
0x611: {  	v8 =	vadd.s32 @!p0 s4, v8  }
0x612: {  	[tilespmem:$0x12FA0] =	vst @!p0 v8  }
0x613: {  	v8 =	vld @!p0 [tilespmem:s6+$0x30];
	_ =	sdelay $0x4  }
0x614: {  	v8 =	vmul.u32 @!p0 $0x5, v8;
	_ =	sdelay $0x1  }
0x615: {  	v8 =	vadd.s32 @!p0 s4, v8  }
0x616: {  	[tilespmem:$0x12FB0] =	vst @!p0 v8  }
0x617: {  	v8 =	vld @!p0 [tilespmem:s6+$0x40];
	_ =	sdelay $0x4  }
0x618: {  	v8 =	vmul.u32 @!p0 $0x5, v8;
	_ =	sdelay $0x1  }
0x619: {  	v8 =	vadd.s32 @!p0 s4, v8  }
0x61a: {  	[tilespmem:$0x12FC0] =	vst @!p0 v8  }
0x61b: {  	v8 =	vld @!p0 [tilespmem:s6+$0x50];
	_ =	sdelay $0x4  }
0x61c: {  	v8 =	vmul.u32 @!p0 $0x5, v8;
	_ =	sdelay $0x1  }
0x61d: {  	v8 =	vadd.s32 @!p0 s4, v8  }
0x61e: {  	[tilespmem:$0x12FD0] =	vst @!p0 v8  }
0x61f: {  	v8 =	vld @!p0 [tilespmem:s6+$0x60];
	_ =	sdelay $0x4  }
0x620: {  	v8 =	vmul.u32 @!p0 $0x5, v8;
	_ =	sdelay $0x1  }
0x621: {  	v8 =	vadd.s32 @!p0 s4, v8  }
0x622: {  	[tilespmem:$0x12FE0] =	vst @!p0 v8  }
0x623: {  	v8 =	vld @!p0 [tilespmem:s6+$0x70];
	_ =	sdelay $0x4  }
0x624: {  	v8 =	vmul.u32 @!p0 $0x5, v8;
	_ =	sdelay $0x1  }
0x625: {  	s20 =	sshrl.u32 s14, $0x3;
	v8 =	vadd.s32 @!p0 s4, v8  }
0x626: {  	s5 =	simm.s32 @!p0 $0x12F80;
	s6 =	simm.s32 @!p0 $0xCA80;
	s4 =	simm.s32 @!p0 $0x80;
	[tilespmem:$0x12FF0] =	vst @!p0 v8  }
0x627: {  	[tilespmem:s6], [sflag:$0x3] =	stream.indirect.gather @!p0 [hbm4b:s24+s4], $0xC8, s5, s4, $0xb8;
	[tilespmem:$0x1F800] =	vst v63  }
0x628: {  	s22 =	simm.s32 $0x19400;
	s4 =	sadd.s32 s2, s20  }
0x629: {  	[hbm4b:s4+s3] =	stream.linear.scatter [tilespmem:s22], [sflag:$0x5], $0x400, $0x38;
	[tilespmem:$0x1F800] =	vst v63  }
0x62a: {  	s4 =	simm.s32 $0x1000  }
.LBB2_25:
0x62b: {  	p0 =	sne.s32 s4, $0x18000  }
.Ltmp11:
0x62c: {  	_ = 	snop;
	(pc) =	sbr.rel @p0 .LBB2_25-.Ltmp11, $4  }
0x62d: {  	s14 =	sadd.s32 $0x2000, s14  }
0x62e: {  	s5 =	sshra.s32 s4, $0x2;
	s6 =	sshrl.u32 s14, $0x3  }
0x62f: {  	s4 =	sadd.s32 $0x1000, s4;
	s5 =	sadd.s32 $0x19400, s5;
	s6 =	sadd.s32 s2, s6  }
0x630: {  	[hbm4b:s6+s3] =	stream.linear.scatter [tilespmem:s5], [sflag:$0x5], $0x400, $0x38;
	[tilespmem:$0x1F800] =	vst v63  }
0x631: {  	s23 =	sadd.s32 $0x1, s23  }
0x632: {  	p0 =	sne.s32 s23, $0x4  }
.Ltmp12:
0x633: {  	s10 =	sadd.s32 $0x96, s10;
	s4 =	rddreg [dreg:$0x8];
	(pc) =	sbr.rel @p0 .LBB2_2-.Ltmp12, $4  }
0x634: {  	s8 =	sadd.s32 $0x6, s8;
	s7 =	sadd.s32 $0x6, s7;
	s5 =	rddreg [dreg:$0x9]  }
0x635: {  	s0 =	sadd.s32 $0x6, s0;
	s26 =	sadd.s32 $0x96, s26;
	s1 =	sadd.s32 $0x6, s1  }
0x636: {  	s28 =	sadd.s32 $0x96, s28;
	s31 =	sadd.s32 $0x6, s31;
	s29 =	sadd.s32 $0x96, s29  }
0x637: {  	s30 =	sadd.s32 $0x6, s30;
	s4 =	sadd.s32 $0x96, s4;
	s5 =	sadd.s32 $0x96, s5  }
0x638: {  	s0 =	simm.s32 $0x1  }
0x639: {  	_ =	swait.ge [sflag:s0], $0x6400  }
0x63a: {  	[sflag:s0] =	ssyncset.done $0x0  }
0x63b: {  	s31 =	simm.s32 $0x4;
	[sflag:s0] =	ssyncadd.s32 $0xFFFF9C00  }
0x63c: {  	_ =	swait.ge [sflag:s31], $0x6400  }
0x63d: {  	s1 =	simm.s32 $0x13500;
	[sflag:s31] =	ssyncset.done $0x0  }
0x63e: {  	s7 =	simm.s32 $0x0;
	s0 =	simm.s32 $0x0;
	[sflag:s31] =	ssyncadd.s32 $0xFFFF9C00  }
.LBB2_28:
0x63f: {  	v9 =	vmov s7  }
0x640: {  	s4 =	sadd.s32 $0x1, s7;
	v9 =	vand.u32 $0xFC, v9  }
0x641: {  	v8 =	vmov s4;
	v11 =	vadd.s32 v0, v9  }
0x642: {  	v8 =	vand.u32 $0xFD, v8  }
0x643: {  	v10 =	vadd.s32 v0, v8;
	_ =	sdelay $0x2  }
0x644: {  	v11 =	vld.idx.msk [tilespmem:v11+s13+$0x0], $0xffff  }
0x645: {  	v13 =	vadd.s32 v1, v9  }
0x646: {  	v10 =	vld.idx.msk [tilespmem:v10+s13+$0x0], $0xffff  }
0x647: {  	v12 =	vadd.s32 v1, v8  }
0x648: {  	s19 =	sand.u32 $0x7C00, s0;
	s5 =	sadd.s32 $0x80, s0  }
0x649: {  	s6 =	sand.u32 $0x280, s5;
	s20 =	sadd.s32 $0x13000, s19;
	[tilespmem:s1+$0xFFFFFB00] =	vst v11  }
0x64a: {  	s4 =	sor.u32 s6, s20;
	v11 =	vld.idx.msk [tilespmem:v13+s13+$0x0], $0xffff  }
0x64b: {  	v20 =	vadd.s32 v2, v9;
	[tilespmem:s4+$0x0] =	vst v10  }
0x64c: {  	v10 =	vld.idx.msk [tilespmem:v12+s13+$0x0], $0xffff  }
0x64d: {  	v19 =	vadd.s32 v2, v8;
	_ =	sdelay $0x1  }
0x64e: {  	[tilespmem:s1+$0xFFFFFB10] =	vst v11  }
0x64f: {  	v11 =	vld.idx.msk [tilespmem:v20+s13+$0x0], $0xffff  }
0x650: {  	v22 =	vadd.s32 v3, v9;
	[tilespmem:s4+$0x10] =	vst v10  }
0x651: {  	v10 =	vld.idx.msk [tilespmem:v19+s13+$0x0], $0xffff  }
0x652: {  	v21 =	vadd.s32 v3, v8;
	_ =	sdelay $0x1  }
0x653: {  	[tilespmem:s1+$0xFFFFFB20] =	vst v11  }
0x654: {  	v11 =	vld.idx.msk [tilespmem:v22+s13+$0x0], $0xffff  }
0x655: {  	v24 =	vadd.s32 v4, v9;
	[tilespmem:s4+$0x20] =	vst v10  }
0x656: {  	v10 =	vld.idx.msk [tilespmem:v21+s13+$0x0], $0xffff  }
0x657: {  	v23 =	vadd.s32 v4, v8;
	_ =	sdelay $0x1  }
0x658: {  	[tilespmem:s1+$0xFFFFFB30] =	vst v11  }
0x659: {  	v11 =	vld.idx.msk [tilespmem:v24+s13+$0x0], $0xffff  }
0x65a: {  	v26 =	vadd.s32 v5, v9;
	[tilespmem:s4+$0x30] =	vst v10  }
0x65b: {  	v10 =	vld.idx.msk [tilespmem:v23+s13+$0x0], $0xffff  }
0x65c: {  	v25 =	vadd.s32 v5, v8;
	_ =	sdelay $0x1  }
0x65d: {  	[tilespmem:s1+$0xFFFFFB40] =	vst v11  }
0x65e: {  	v11 =	vld.idx.msk [tilespmem:v26+s13+$0x0], $0xffff  }
0x65f: {  	v28 =	vadd.s32 v6, v9;
	[tilespmem:s4+$0x40] =	vst v10  }
0x660: {  	v10 =	vld.idx.msk [tilespmem:v25+s13+$0x0], $0xffff  }
0x661: {  	s28 =	sadd.s32 $0x5, s7;
	v27 =	vadd.s32 v6, v8  }
0x662: {  	v32 =	vmov s28  }
0x663: {  	s26 =	sadd.s32 $0x4, s7;
	v12 =	vand.u32 $0x1FD, v32;
	[tilespmem:s1+$0xFFFFFB50] =	vst v11  }
0x664: {  	v31 =	vmov s26;
	v19 =	vadd.s32 v0, v12;
	v13 =	vld.idx.msk [tilespmem:v28+s13+$0x0], $0xffff  }
0x665: {  	s22 =	sadd.s32 $0x2, s7;
	v15 =	vadd.s32 v7, v9;
	[tilespmem:s4+$0x50] =	vst v10;
	v10 =	vand.u32 $0x1FC, v31  }
0x666: {  	s29 =	sadd.s32 $0x6, s7;
	v14 =	vadd.s32 v7, v8;
	v8 =	vmov s22;
	v29 =	vld.idx.msk [tilespmem:v27+s13+$0x0], $0xffff;
	v18 =	vadd.s32 v0, v10  }
0x667: {  	s30 =	sadd.s32 $0x7, s7;
	v33 =	vmov s29;
	v8 =	vand.u32 $0xFE, v8  }
0x668: {  	s23 =	sadd.s32 $0x3, s7;
	v35 =	vmov s30;
	v34 =	vand.u32 $0x1FE, v33;
	v16 =	vadd.s32 v0, v8  }
0x669: {  	v30 =	vmov s23;
	v20 =	vadd.s32 v0, v34;
	v19 =	vld.idx.msk [tilespmem:v19+s13+$0x0], $0xffff;
	v11 =	vand.u32 $0x1FF, v35;
	[tilespmem:s1+$0xFFFFFB60] =	vst v13  }
0x66a: {  	v9 =	vand.u32 $0xFF, v30;
	v21 =	vadd.s32 v0, v11;
	v15 =	vld.idx.msk [tilespmem:v15+s13+$0x0], $0xffff  }
0x66b: {  	v17 =	vadd.s32 v0, v9;
	[tilespmem:s4+$0x60] =	vst v29;
	v18 =	vld.idx.msk [tilespmem:v18+s13+$0x0], $0xffff  }
0x66c: {  	v37 =	vadd.s32 v1, v12;
	v14 =	vld.idx.msk [tilespmem:v14+s13+$0x0], $0xffff  }
0x66d: {  	v16 =	vld.idx.msk [tilespmem:v16+s13+$0x0], $0xffff;
	v36 =	vadd.s32 v1, v10  }
0x66e: {  	v20 =	vld.idx.msk [tilespmem:v20+s13+$0x0], $0xffff;
	v22 =	vadd.s32 v1, v8;
	[tilespmem:s1+$0xFFFFFD80] =	vst v19  }
0x66f: {  	s31 =	sadd.s32 $0x100, s0;
	v38 =	vadd.s32 v1, v34;
	v21 =	vld.idx.msk [tilespmem:v21+s13+$0x0], $0xffff;
	[tilespmem:s1+$0xFFFFFB70] =	vst v15  }
0x670: {  	s6 =	sand.u32 $0x300, s31;
	v17 =	vld.idx.msk [tilespmem:v17+s13+$0x0], $0xffff;
	v39 =	vadd.s32 v1, v11;
	[tilespmem:s1+$0xFFFFFD00] =	vst v18  }
0x671: {  	v23 =	vadd.s32 v1, v9;
	v15 =	vld.idx.msk [tilespmem:v37+s13+$0x0], $0xffff;
	[tilespmem:s4+$0x70] =	vst v14;
	s4 =	sor.u32 s6, s20  }
0x672: {  	s8 =	sadd.s32 $0x180, s0;
	v43 =	vadd.s32 v2, v12;
	v14 =	vld.idx.msk [tilespmem:v36+s13+$0x0], $0xffff;
	[tilespmem:s4+$0x0] =	vst v16  }
0x673: {  	[tilespmem:s1+$0xFFFFFE00] =	vst v20;
	v42 =	vadd.s32 v2, v10;
	s6 =	sand.u32 $0x380, s8;
	v22 =	vld.idx.msk [tilespmem:v22+s13+$0x0], $0xffff  }
0x674: {  	v40 =	vadd.s32 v2, v8;
	[tilespmem:s1+$0xFFFFFE80] =	vst v21;
	s5 =	sor.u32 s6, s20;
	v16 =	vld.idx.msk [tilespmem:v38+s13+$0x0], $0xffff  }
0x675: {  	v44 =	vadd.s32 v2, v34;
	[tilespmem:s5+$0x0] =	vst v17;
	v17 =	vld.idx.msk [tilespmem:v39+s13+$0x0], $0xffff  }
0x676: {  	v45 =	vadd.s32 v2, v11;
	v23 =	vld.idx.msk [tilespmem:v23+s13+$0x0], $0xffff;
	[tilespmem:s1+$0xFFFFFD90] =	vst v15  }
0x677: {  	v41 =	vadd.s32 v2, v9;
	[tilespmem:s1+$0xFFFFFD10] =	vst v14;
	v21 =	vld.idx.msk [tilespmem:v43+s13+$0x0], $0xffff  }
0x678: {  	v49 =	vadd.s32 v3, v12;
	v20 =	vld.idx.msk [tilespmem:v42+s13+$0x0], $0xffff;
	[tilespmem:s4+$0x10] =	vst v22  }
0x679: {  	v48 =	vadd.s32 v3, v10;
	[tilespmem:s1+$0xFFFFFE10] =	vst v16;
	v18 =	vld.idx.msk [tilespmem:v40+s13+$0x0], $0xffff  }
0x67a: {  	v46 =	vadd.s32 v3, v8;
	[tilespmem:s1+$0xFFFFFE90] =	vst v17;
	v22 =	vld.idx.msk [tilespmem:v44+s13+$0x0], $0xffff  }
0x67b: {  	v50 =	vadd.s32 v3, v34;
	[tilespmem:s5+$0x10] =	vst v23;
	v23 =	vld.idx.msk [tilespmem:v45+s13+$0x0], $0xffff  }
0x67c: {  	v51 =	vadd.s32 v3, v11;
	v19 =	vld.idx.msk [tilespmem:v41+s13+$0x0], $0xffff;
	[tilespmem:s1+$0xFFFFFDA0] =	vst v21  }
0x67d: {  	v47 =	vadd.s32 v3, v9;
	[tilespmem:s1+$0xFFFFFD20] =	vst v20;
	v17 =	vld.idx.msk [tilespmem:v49+s13+$0x0], $0xffff  }
0x67e: {  	v55 =	vadd.s32 v4, v12;
	v16 =	vld.idx.msk [tilespmem:v48+s13+$0x0], $0xffff;
	[tilespmem:s4+$0x20] =	vst v18  }
0x67f: {  	v54 =	vadd.s32 v4, v10;
	[tilespmem:s1+$0xFFFFFE20] =	vst v22;
	v14 =	vld.idx.msk [tilespmem:v46+s13+$0x0], $0xffff  }
0x680: {  	v52 =	vadd.s32 v4, v8;
	[tilespmem:s1+$0xFFFFFEA0] =	vst v23;
	v18 =	vld.idx.msk [tilespmem:v50+s13+$0x0], $0xffff  }
0x681: {  	v56 =	vadd.s32 v4, v34;
	[tilespmem:s5+$0x20] =	vst v19;
	v19 =	vld.idx.msk [tilespmem:v51+s13+$0x0], $0xffff  }
0x682: {  	v57 =	vadd.s32 v4, v11;
	v15 =	vld.idx.msk [tilespmem:v47+s13+$0x0], $0xffff;
	[tilespmem:s1+$0xFFFFFDB0] =	vst v17  }
0x683: {  	v53 =	vadd.s32 v4, v9;
	[tilespmem:s1+$0xFFFFFD30] =	vst v16;
	v23 =	vld.idx.msk [tilespmem:v55+s13+$0x0], $0xffff  }
0x684: {  	v61 =	vadd.s32 v5, v12;
	v22 =	vld.idx.msk [tilespmem:v54+s13+$0x0], $0xffff;
	[tilespmem:s4+$0x30] =	vst v14  }
0x685: {  	v60 =	vadd.s32 v5, v10;
	[tilespmem:s1+$0xFFFFFE30] =	vst v18;
	v20 =	vld.idx.msk [tilespmem:v52+s13+$0x0], $0xffff  }
0x686: {  	v58 =	vadd.s32 v5, v8;
	[tilespmem:s1+$0xFFFFFEB0] =	vst v19;
	v14 =	vld.idx.msk [tilespmem:v56+s13+$0x0], $0xffff  }
0x687: {  	v62 =	vadd.s32 v5, v34;
	[tilespmem:s5+$0x30] =	vst v15;
	v15 =	vld.idx.msk [tilespmem:v57+s13+$0x0], $0xffff  }
0x688: {  	v63 =	vadd.s32 v5, v11;
	v21 =	vld.idx.msk [tilespmem:v53+s13+$0x0], $0xffff;
	[tilespmem:s1+$0xFFFFFDC0] =	vst v23  }
0x689: {  	v59 =	vadd.s32 v5, v9;
	[tilespmem:s1+$0xFFFFFD40] =	vst v22;
	v19 =	vld.idx.msk [tilespmem:v61+s13+$0x0], $0xffff  }
0x68a: {  	v27 =	vadd.s32 v6, v12;
	v18 =	vld.idx.msk [tilespmem:v60+s13+$0x0], $0xffff;
	[tilespmem:s4+$0x40] =	vst v20  }
0x68b: {  	v26 =	vadd.s32 v6, v10;
	[tilespmem:s1+$0xFFFFFE40] =	vst v14;
	v16 =	vld.idx.msk [tilespmem:v58+s13+$0x0], $0xffff  }
0x68c: {  	v24 =	vadd.s32 v6, v8;
	[tilespmem:s1+$0xFFFFFEC0] =	vst v15;
	v20 =	vld.idx.msk [tilespmem:v62+s13+$0x0], $0xffff  }
0x68d: {  	v28 =	vadd.s32 v6, v34;
	[tilespmem:s5+$0x40] =	vst v21;
	v21 =	vld.idx.msk [tilespmem:v63+s13+$0x0], $0xffff  }
0x68e: {  	v29 =	vadd.s32 v6, v11;
	v17 =	vld.idx.msk [tilespmem:v59+s13+$0x0], $0xffff;
	[tilespmem:s1+$0xFFFFFDD0] =	vst v19  }
0x68f: {  	v25 =	vadd.s32 v6, v9;
	[tilespmem:s1+$0xFFFFFD50] =	vst v18;
	v15 =	vld.idx.msk [tilespmem:v27+s13+$0x0], $0xffff  }
0x690: {  	v12 =	vadd.s32 v7, v12;
	v14 =	vld.idx.msk [tilespmem:v26+s13+$0x0], $0xffff;
	[tilespmem:s4+$0x50] =	vst v16  }
0x691: {  	s14 =	sadd.s32 $0xB, s7;
	v10 =	vadd.s32 v7, v10;
	[tilespmem:s1+$0xFFFFFE50] =	vst v20;
	v22 =	vld.idx.msk [tilespmem:v24+s13+$0x0], $0xffff  }
0x692: {  	v8 =	vadd.s32 v7, v8;
	v39 =	vmov s14;
	v16 =	vld.idx.msk [tilespmem:v28+s13+$0x0], $0xffff;
	[tilespmem:s1+$0xFFFFFED0] =	vst v21  }
0x693: {  	v32 =	vadd.s32 v7, v11;
	v13 =	vadd.s32 v7, v34;
	v11 =	vand.u32 $0x1FF, v39;
	[tilespmem:s5+$0x50] =	vst v17;
	v17 =	vld.idx.msk [tilespmem:v29+s13+$0x0], $0xffff  }
0x694: {  	s12 =	sadd.s32 $0xA, s7;
	v44 =	vadd.s32 v0, v11;
	v23 =	vld.idx.msk [tilespmem:v25+s13+$0x0], $0xffff;
	[tilespmem:s1+$0xFFFFFDE0] =	vst v15  }
0x695: {  	s10 =	sadd.s32 $0x8, s7;
	v36 =	vmov s12;
	[tilespmem:s1+$0xFFFFFD60] =	vst v14;
	v40 =	vld.idx.msk [tilespmem:v12+s13+$0x0], $0xffff  }
0x696: {  	s16 =	sadd.s32 $0xC, s7;
	v30 =	vmov s10;
	v9 =	vadd.s32 v7, v9;
	v37 =	vld.idx.msk [tilespmem:v10+s13+$0x0], $0xffff;
	v10 =	vand.u32 $0x1FE, v36;
	[tilespmem:s4+$0x60] =	vst v22  }
0x697: {  	v42 =	vmov s16;
	[tilespmem:s1+$0xFFFFFE60] =	vst v16;
	v41 =	vadd.s32 v0, v10;
	v31 =	vld.idx.msk [tilespmem:v8+s13+$0x0], $0xffff;
	v8 =	vand.u32 $0x1FC, v30  }
0x698: {  	s18 =	sadd.s32 $0xD, s7;
	v43 =	vld.idx.msk [tilespmem:v13+s13+$0x0], $0xffff;
	v13 =	vand.u32 $0x1FC, v42;
	v35 =	vadd.s32 v0, v8  }
0x699: {  	s11 =	sadd.s32 $0x9, s7;
	v45 =	vmov s18;
	[tilespmem:s1+$0xFFFFFEE0] =	vst v17;
	v17 =	vld.idx.msk [tilespmem:v44+s13+$0x0], $0xffff;
	v47 =	vadd.s32 v0, v13  }
0x69a: {  	v33 =	vmov s11;
	v52 =	vadd.s32 v1, v11;
	v12 =	vand.u32 $0x1FD, v45;
	[tilespmem:s5+$0x60] =	vst v23  }
0x69b: {  	v48 =	vadd.s32 v0, v12;
	v34 =	vld.idx.msk [tilespmem:v9+s13+$0x0], $0xffff;
	v9 =	vand.u32 $0x1FD, v33;
	[tilespmem:s1+$0xFFFFFDF0] =	vst v40  }
0x69c: {  	v38 =	vadd.s32 v0, v9;
	[tilespmem:s1+$0xFFFFFD70] =	vst v37;
	v16 =	vld.idx.msk [tilespmem:v41+s13+$0x0], $0xffff  }
0x69d: {  	v51 =	vadd.s32 v1, v10;
	[tilespmem:s1+$0xFFFFFE70] =	vst v43;
	v14 =	vld.idx.msk [tilespmem:v35+s13+$0x0], $0xffff  }
0x69e: {  	v49 =	vadd.s32 v1, v8;
	[tilespmem:s1+$0x80] =	vst v17;
	v20 =	vld.idx.msk [tilespmem:v47+s13+$0x0], $0xffff  }
0x69f: {  	s19 =	sadd.s32 $0x400, s0;
	v53 =	vadd.s32 v1, v13;
	[tilespmem:s4+$0x70] =	vst v31;
	v19 =	vld.idx.msk [tilespmem:v52+s13+$0x0], $0xffff  }
0x6a0: {  	s20 =	sand.u32 $0x200, s0;
	v58 =	vadd.s32 v2, v11;
	v18 =	vld.idx.msk [tilespmem:v48+s13+$0x0], $0xffff;
	[tilespmem:s5+$0x70] =	vst v34;
	s5 =	sand.u32 $0xFC00, s19  }
0x6a1: {  	v54 =	vadd.s32 v1, v12;
	v15 =	vld.idx.msk [tilespmem:v38+s13+$0x0], $0xffff;
	s5 =	sor.u32 s20, s5;
	[tilespmem:s1+$0x0] =	vst v16  }
0x6a2: {  	v50 =	vadd.s32 v1, v9;
	v23 =	vld.idx.msk [tilespmem:v51+s13+$0x0], $0xffff;
	[tilespmem:s5+$0x13000] =	vst v14  }
0x6a3: {  	v57 =	vadd.s32 v2, v10;
	[tilespmem:s1+$0x100] =	vst v20;
	v21 =	vld.idx.msk [tilespmem:v49+s13+$0x0], $0xffff  }
0x6a4: {  	v55 =	vadd.s32 v2, v8;
	[tilespmem:s1+$0x90] =	vst v19;
	v14 =	vld.idx.msk [tilespmem:v53+s13+$0x0], $0xffff  }
0x6a5: {  	v59 =	vadd.s32 v2, v13;
	[tilespmem:s1+$0x180] =	vst v18;
	v18 =	vld.idx.msk [tilespmem:v58+s13+$0x0], $0xffff  }
0x6a6: {  	v24 =	vadd.s32 v3, v11;
	[tilespmem:s1+$0xFFFFFF80] =	vst v15;
	v15 =	vld.idx.msk [tilespmem:v54+s13+$0x0], $0xffff  }
0x6a7: {  	v60 =	vadd.s32 v2, v12;
	s5 =	sadd.s32 $0x13000, s5;
	v22 =	vld.idx.msk [tilespmem:v50+s13+$0x0], $0xffff;
	[tilespmem:s1+$0x10] =	vst v23  }
0x6a8: {  	v56 =	vadd.s32 v2, v9;
	v20 =	vld.idx.msk [tilespmem:v57+s13+$0x0], $0xffff;
	[tilespmem:s5+$0x10] =	vst v21  }
0x6a9: {  	v63 =	vadd.s32 v3, v10;
	[tilespmem:s1+$0x110] =	vst v14;
	v16 =	vld.idx.msk [tilespmem:v55+s13+$0x0], $0xffff  }
0x6aa: {  	v61 =	vadd.s32 v3, v8;
	[tilespmem:s1+$0xA0] =	vst v18;
	v21 =	vld.idx.msk [tilespmem:v59+s13+$0x0], $0xffff  }
0x6ab: {  	v25 =	vadd.s32 v3, v13;
	[tilespmem:s1+$0x190] =	vst v15;
	v15 =	vld.idx.msk [tilespmem:v24+s13+$0x0], $0xffff  }
0x6ac: {  	v30 =	vadd.s32 v4, v11;
	[tilespmem:s1+$0xFFFFFF90] =	vst v22;
	v22 =	vld.idx.msk [tilespmem:v60+s13+$0x0], $0xffff  }
0x6ad: {  	v26 =	vadd.s32 v3, v12;
	v17 =	vld.idx.msk [tilespmem:v56+s13+$0x0], $0xffff;
	[tilespmem:s1+$0x20] =	vst v20  }
0x6ae: {  	v62 =	vadd.s32 v3, v9;
	v14 =	vld.idx.msk [tilespmem:v63+s13+$0x0], $0xffff;
	[tilespmem:s5+$0x20] =	vst v16  }
0x6af: {  	[tilespmem:s1+$0x120] =	vst v21;
	v23 =	vld.idx.msk [tilespmem:v61+s13+$0x0], $0xffff  }
0x6b0: {  	v27 =	vadd.s32 v4, v8;
	[tilespmem:s1+$0xB0] =	vst v15;
	v16 =	vld.idx.msk [tilespmem:v25+s13+$0x0], $0xffff  }
0x6b1: {  	v29 =	vadd.s32 v4, v10;
	[tilespmem:s1+$0x1A0] =	vst v22;
	v22 =	vld.idx.msk [tilespmem:v30+s13+$0x0], $0xffff  }
0x6b2: {  	v31 =	vadd.s32 v4, v13;
	[tilespmem:s1+$0xFFFFFFA0] =	vst v17;
	v17 =	vld.idx.msk [tilespmem:v26+s13+$0x0], $0xffff  }
0x6b3: {  	v36 =	vadd.s32 v5, v11;
	v19 =	vld.idx.msk [tilespmem:v62+s13+$0x0], $0xffff;
	[tilespmem:s1+$0x30] =	vst v14  }
0x6b4: {  	v46 =	vld.idx.msk [tilespmem:v32+s13+$0x0], $0xffff;
	v28 =	vadd.s32 v4, v9;
	[tilespmem:s5+$0x30] =	vst v23  }
0x6b5: {  	v32 =	vadd.s32 v4, v12;
	[tilespmem:s1+$0x130] =	vst v16;
	v20 =	vld.idx.msk [tilespmem:v27+s13+$0x0], $0xffff  }
0x6b6: {  	v33 =	vadd.s32 v5, v8;
	v21 =	vld.idx.msk [tilespmem:v29+s13+$0x0], $0xffff;
	[tilespmem:s1+$0xC0] =	vst v22  }
0x6b7: {  	v35 =	vadd.s32 v5, v10;
	[tilespmem:s1+$0x1B0] =	vst v17;
	v23 =	vld.idx.msk [tilespmem:v31+s13+$0x0], $0xffff  }
0x6b8: {  	v37 =	vadd.s32 v5, v13;
	v17 =	vld.idx.msk [tilespmem:v36+s13+$0x0], $0xffff;
	[tilespmem:s1+$0xFFFFFFB0] =	vst v19  }
0x6b9: {  	v42 =	vadd.s32 v6, v11;
	[tilespmem:s1+$0xFFFFFEF0] =	vst v46;
	v18 =	vld.idx.msk [tilespmem:v28+s13+$0x0], $0xffff  }
0x6ba: {  	v34 =	vadd.s32 v5, v9;
	v19 =	vld.idx.msk [tilespmem:v32+s13+$0x0], $0xffff;
	[tilespmem:s5+$0x40] =	vst v20  }
0x6bb: {  	v38 =	vadd.s32 v5, v12;
	[tilespmem:s1+$0x40] =	vst v21;
	v14 =	vld.idx.msk [tilespmem:v33+s13+$0x0], $0xffff  }
0x6bc: {  	v39 =	vadd.s32 v6, v8;
	v16 =	vld.idx.msk [tilespmem:v35+s13+$0x0], $0xffff;
	[tilespmem:s1+$0x140] =	vst v23  }
0x6bd: {  	v41 =	vadd.s32 v6, v10;
	[tilespmem:s1+$0xD0] =	vst v17;
	v20 =	vld.idx.msk [tilespmem:v37+s13+$0x0], $0xffff  }
0x6be: {  	v43 =	vadd.s32 v6, v13;
	v17 =	vld.idx.msk [tilespmem:v42+s13+$0x0], $0xffff;
	[tilespmem:s1+$0xFFFFFFC0] =	vst v18  }
0x6bf: {  	v11 =	vadd.s32 v7, v11;
	[tilespmem:s1+$0x1C0] =	vst v19;
	v15 =	vld.idx.msk [tilespmem:v34+s13+$0x0], $0xffff  }
0x6c0: {  	v40 =	vadd.s32 v6, v9;
	v18 =	vld.idx.msk [tilespmem:v38+s13+$0x0], $0xffff;
	[tilespmem:s5+$0x50] =	vst v14  }
0x6c1: {  	v44 =	vadd.s32 v6, v12;
	[tilespmem:s1+$0x50] =	vst v16;
	v21 =	vld.idx.msk [tilespmem:v39+s13+$0x0], $0xffff  }
0x6c2: {  	s28 =	sadd.s32 $0x12, s7;
	v8 =	vadd.s32 v7, v8;
	v16 =	vld.idx.msk [tilespmem:v41+s13+$0x0], $0xffff;
	[tilespmem:s1+$0x150] =	vst v20  }
0x6c3: {  	v10 =	vadd.s32 v7, v10;
	v53 =	vmov s28;
	[tilespmem:s1+$0xE0] =	vst v17;
	v14 =	vld.idx.msk [tilespmem:v43+s13+$0x0], $0xffff  }
0x6c4: {  	v13 =	vadd.s32 v7, v13;
	v54 =	vld.idx.msk [tilespmem:v11+s13+$0x0], $0xffff;
	v11 =	vand.u32 $0x1FE, v53;
	[tilespmem:s1+$0xFFFFFFD0] =	vst v15  }
0x6c5: {  	s22 =	sadd.s32 $0xE, s7;
	[tilespmem:s1+$0x1D0] =	vst v18;
	v24 =	vadd.s32 v0, v11;
	v22 =	vld.idx.msk [tilespmem:v40+s13+$0x0], $0xffff  }
0x6c6: {  	v45 =	vmov s22;
	v9 =	vadd.s32 v7, v9;
	v15 =	vld.idx.msk [tilespmem:v44+s13+$0x0], $0xffff;
	[tilespmem:s5+$0x60] =	vst v21  }
0x6c7: {  	s26 =	sadd.s32 $0x11, s7;
	v12 =	vadd.s32 v7, v12;
	[tilespmem:s1+$0x60] =	vst v16;
	v46 =	vld.idx.msk [tilespmem:v8+s13+$0x0], $0xffff;
	v8 =	vand.u32 $0x1FE, v45  }
0x6c8: {  	s29 =	sadd.s32 $0x13, s7;
	v50 =	vmov s26;
	v51 =	vld.idx.msk [tilespmem:v10+s13+$0x0], $0xffff;
	[tilespmem:s1+$0x160] =	vst v14;
	v49 =	vadd.s32 v0, v8  }
0x6c9: {  	s23 =	sadd.s32 $0xF, s7;
	v55 =	vmov s29;
	v10 =	vand.u32 $0x1FD, v50;
	v57 =	vld.idx.msk [tilespmem:v13+s13+$0x0], $0xffff  }
0x6ca: {  	s30 =	sadd.s32 $0x10, s7;
	v47 =	vmov s23;
	v56 =	vadd.s32 v0, v10;
	v13 =	vand.u32 $0x1FF, v55;
	v27 =	vld.idx.msk [tilespmem:v24+s13+$0x0], $0xffff;
	[tilespmem:s1+$0xFFFFFFE0] =	vst v22  }
0x6cb: {  	v58 =	vmov s30;
	[tilespmem:s1+$0x1E0] =	vst v15;
	v60 =	vadd.s32 v0, v13;
	v48 =	vld.idx.msk [tilespmem:v9+s13+$0x0], $0xffff;
	v9 =	vand.u32 $0x1FF, v47  }
0x6cc: {  	[tilespmem:s1+$0xF0] =	vst v54;
	v59 =	vld.idx.msk [tilespmem:v12+s13+$0x0], $0xffff;
	v12 =	vand.u32 $0x1FC, v58;
	v52 =	vadd.s32 v0, v9  }
0x6cd: {  	v61 =	vadd.s32 v0, v12;
	[tilespmem:s1+$0x70] =	vst v51;
	v16 =	vld.idx.msk [tilespmem:v49+s13+$0x0], $0xffff  }
0x6ce: {  	v62 =	vadd.s32 v1, v8;
	[tilespmem:s1+$0x170] =	vst v57  }
0x6cf: {  	v28 =	vadd.s32 v1, v11;
	v25 =	vld.idx.msk [tilespmem:v56+s13+$0x0], $0xffff;
	[tilespmem:s1+$0x400] =	vst v27  }
0x6d0: {  	v26 =	vadd.s32 v1, v10;
	[tilespmem:s5+$0x70] =	vst v46;
	v15 =	vld.idx.msk [tilespmem:v60+s13+$0x0], $0xffff  }
0x6d1: {  	v30 =	vadd.s32 v1, v13;
	[tilespmem:s1+$0x1F0] =	vst v59;
	v17 =	vld.idx.msk [tilespmem:v52+s13+$0x0], $0xffff  }
0x6d2: {  	v63 =	vadd.s32 v1, v9;
	v29 =	vld.idx.msk [tilespmem:v61+s13+$0x0], $0xffff;
	[tilespmem:s1+$0x200] =	vst v16  }
0x6d3: {  	v31 =	vadd.s32 v1, v12;
	[tilespmem:s1+$0xFFFFFFF0] =	vst v48;
	v20 =	vld.idx.msk [tilespmem:v62+s13+$0x0], $0xffff  }
0x6d4: {  	s31 =	sadd.s32 $0x800, s0;
	v32 =	vadd.s32 v2, v8;
	v14 =	vld.idx.msk [tilespmem:v28+s13+$0x0], $0xffff;
	[tilespmem:s1+$0x380] =	vst v25  }
0x6d5: {  	v35 =	vadd.s32 v2, v11;
	s5 =	sand.u32 $0xFC00, s31;
	v18 =	vld.idx.msk [tilespmem:v26+s13+$0x0], $0xffff;
	[tilespmem:s1+$0x480] =	vst v15  }
0x6d6: {  	v34 =	vadd.s32 v2, v10;
	s4 =	sor.u32 s20, s5;
	v19 =	vld.idx.msk [tilespmem:v30+s13+$0x0], $0xffff;
	[tilespmem:s1+$0x280] =	vst v17  }
0x6d7: {  	v36 =	vadd.s32 v2, v13;
	[tilespmem:s4+$0x13000] =	vst v29;
	v21 =	vld.idx.msk [tilespmem:v63+s13+$0x0], $0xffff  }
0x6d8: {  	v33 =	vadd.s32 v2, v9;
	v17 =	vld.idx.msk [tilespmem:v31+s13+$0x0], $0xffff;
	[tilespmem:s1+$0x210] =	vst v20  }
0x6d9: {  	v37 =	vadd.s32 v2, v12;
	[tilespmem:s1+$0x410] =	vst v14;
	v22 =	vld.idx.msk [tilespmem:v32+s13+$0x0], $0xffff  }
0x6da: {  	v38 =	vadd.s32 v3, v8;
	v16 =	vld.idx.msk [tilespmem:v35+s13+$0x0], $0xffff;
	[tilespmem:s1+$0x390] =	vst v18  }
0x6db: {  	v41 =	vadd.s32 v3, v11;
	v15 =	vld.idx.msk [tilespmem:v34+s13+$0x0], $0xffff;
	[tilespmem:s1+$0x490] =	vst v19  }
0x6dc: {  	v40 =	vadd.s32 v3, v10;
	s4 =	sadd.s32 $0x13000, s4;
	v20 =	vld.idx.msk [tilespmem:v36+s13+$0x0], $0xffff;
	[tilespmem:s1+$0x290] =	vst v21  }
0x6dd: {  	v42 =	vadd.s32 v3, v13;
	[tilespmem:s4+$0x10] =	vst v17;
	v23 =	vld.idx.msk [tilespmem:v33+s13+$0x0], $0xffff  }
0x6de: {  	v39 =	vadd.s32 v3, v9;
	v21 =	vld.idx.msk [tilespmem:v37+s13+$0x0], $0xffff;
	[tilespmem:s1+$0x220] =	vst v22  }
0x6df: {  	v43 =	vadd.s32 v3, v12;
	[tilespmem:s1+$0x420] =	vst v16;
	v18 =	vld.idx.msk [tilespmem:v38+s13+$0x0], $0xffff  }
0x6e0: {  	v44 =	vadd.s32 v4, v8;
	v17 =	vld.idx.msk [tilespmem:v41+s13+$0x0], $0xffff;
	[tilespmem:s1+$0x3A0] =	vst v15  }
0x6e1: {  	v47 =	vadd.s32 v4, v11;
	v19 =	vld.idx.msk [tilespmem:v40+s13+$0x0], $0xffff;
	[tilespmem:s1+$0x4A0] =	vst v20  }
0x6e2: {  	v46 =	vadd.s32 v4, v10;
	v22 =	vld.idx.msk [tilespmem:v42+s13+$0x0], $0xffff;
	[tilespmem:s1+$0x2A0] =	vst v23  }
0x6e3: {  	v49 =	vadd.s32 v4, v13;
	[tilespmem:s4+$0x20] =	vst v21;
	v14 =	vld.idx.msk [tilespmem:v39+s13+$0x0], $0xffff  }
0x6e4: {  	v45 =	vadd.s32 v4, v9;
	v48 =	vld.idx.msk [tilespmem:v43+s13+$0x0], $0xffff;
	[tilespmem:s1+$0x230] =	vst v18  }
0x6e5: {  	v50 =	vadd.s32 v4, v12;
	[tilespmem:s1+$0x430] =	vst v17;
	v15 =	vld.idx.msk [tilespmem:v44+s13+$0x0], $0xffff  }
0x6e6: {  	v51 =	vadd.s32 v5, v8;
	v21 =	vld.idx.msk [tilespmem:v47+s13+$0x0], $0xffff;
	[tilespmem:s1+$0x3B0] =	vst v19  }
0x6e7: {  	v54 =	vadd.s32 v5, v11;
	v20 =	vld.idx.msk [tilespmem:v46+s13+$0x0], $0xffff;
	[tilespmem:s1+$0x4B0] =	vst v22  }
0x6e8: {  	v53 =	vadd.s32 v5, v10;
	v23 =	vld.idx.msk [tilespmem:v49+s13+$0x0], $0xffff;
	[tilespmem:s1+$0x2B0] =	vst v14  }
0x6e9: {  	v55 =	vadd.s32 v5, v13;
	[tilespmem:s4+$0x30] =	vst v48;
	v16 =	vld.idx.msk [tilespmem:v45+s13+$0x0], $0xffff  }
0x6ea: {  	v52 =	vadd.s32 v5, v9;
	v14 =	vld.idx.msk [tilespmem:v50+s13+$0x0], $0xffff;
	[tilespmem:s1+$0x240] =	vst v15  }
0x6eb: {  	v56 =	vadd.s32 v5, v12;
	[tilespmem:s1+$0x440] =	vst v21;
	v19 =	vld.idx.msk [tilespmem:v51+s13+$0x0], $0xffff  }
0x6ec: {  	v57 =	vadd.s32 v6, v8;
	v18 =	vld.idx.msk [tilespmem:v54+s13+$0x0], $0xffff;
	[tilespmem:s1+$0x3C0] =	vst v20  }
0x6ed: {  	v60 =	vadd.s32 v6, v11;
	v22 =	vld.idx.msk [tilespmem:v53+s13+$0x0], $0xffff;
	[tilespmem:s1+$0x4C0] =	vst v23  }
0x6ee: {  	v59 =	vadd.s32 v6, v10;
	v15 =	vld.idx.msk [tilespmem:v55+s13+$0x0], $0xffff;
	[tilespmem:s1+$0x2C0] =	vst v16  }
0x6ef: {  	v61 =	vadd.s32 v6, v13;
	[tilespmem:s4+$0x40] =	vst v14;
	v17 =	vld.idx.msk [tilespmem:v52+s13+$0x0], $0xffff  }
0x6f0: {  	v58 =	vadd.s32 v6, v9;
	v16 =	vld.idx.msk [tilespmem:v56+s13+$0x0], $0xffff;
	[tilespmem:s1+$0x250] =	vst v19  }
0x6f1: {  	v62 =	vadd.s32 v6, v12;
	[tilespmem:s1+$0x450] =	vst v18;
	v20 =	vld.idx.msk [tilespmem:v57+s13+$0x0], $0xffff  }
0x6f2: {  	v8 =	vadd.s32 v7, v8;
	v14 =	vld.idx.msk [tilespmem:v60+s13+$0x0], $0xffff;
	[tilespmem:s1+$0x3D0] =	vst v22  }
0x6f3: {  	v11 =	vadd.s32 v7, v11;
	v63 =	vld.idx.msk [tilespmem:v59+s13+$0x0], $0xffff;
	[tilespmem:s1+$0x4D0] =	vst v15  }
0x6f4: {  	v10 =	vadd.s32 v7, v10;
	v15 =	vld.idx.msk [tilespmem:v61+s13+$0x0], $0xffff;
	[tilespmem:s1+$0x2D0] =	vst v17  }
0x6f5: {  	v13 =	vadd.s32 v7, v13;
	[tilespmem:s4+$0x50] =	vst v16;
	v21 =	vld.idx.msk [tilespmem:v58+s13+$0x0], $0xffff  }
0x6f6: {  	v9 =	vadd.s32 v7, v9;
	v16 =	vld.idx.msk [tilespmem:v62+s13+$0x0], $0xffff;
	[tilespmem:s1+$0x260] =	vst v20  }
0x6f7: {  	v12 =	vadd.s32 v7, v12;
	[tilespmem:s1+$0x460] =	vst v14;
	v8 =	vld.idx.msk [tilespmem:v8+s13+$0x0], $0xffff  }
0x6f8: {  	v11 =	vld.idx.msk [tilespmem:v11+s13+$0x0], $0xffff;
	[tilespmem:s1+$0x3E0] =	vst v63  }
0x6f9: {  	v10 =	vld.idx.msk [tilespmem:v10+s13+$0x0], $0xffff;
	[tilespmem:s1+$0x4E0] =	vst v15  }
0x6fa: {  	v13 =	vld.idx.msk [tilespmem:v13+s13+$0x0], $0xffff;
	[tilespmem:s1+$0x2E0] =	vst v21  }
0x6fb: {  	[tilespmem:s4+$0x60] =	vst v16;
	v9 =	vld.idx.msk [tilespmem:v9+s13+$0x0], $0xffff  }
0x6fc: {  	p0 =	slt.u32 s7, $0xB4;
	[tilespmem:s1+$0x270] =	vst v8;
	v8 =	vld.idx.msk [tilespmem:v12+s13+$0x0], $0xffff  }
.Ltmp13:
0x6fd: {  	[tilespmem:s1+$0x470] =	vst v11;
	(pc) =	sbr.rel @p0 .LBB2_28-.Ltmp13, $4  }
0x6fe: {  	[tilespmem:s1+$0x3F0] =	vst v10  }
0x6ff: {  	[tilespmem:s1+$0x4F0] =	vst v13  }
0x700: {  	s7 =	sadd.s32 $0x14, s7;
	[tilespmem:s1+$0x2F0] =	vst v9  }
0x701: {  	s0 =	sadd.s32 $0xA00, s0;
	s1 =	sadd.s32 $0xA00, s1;
	[tilespmem:s4+$0x70] =	vst v8;
	s4 =	simm.s32 $0x13000  }
0x702: {  	s0 =	simm.s32 $0x400;
	s5 =	sadd.s32 $0x0, s9;
	s1 =	simm.s32 $0x13400  }
.LBB2_30:
0x703: {  	[hbm4b:s5+s3] =	stream.linear.scatter [tilespmem:s4], [sflag:$0x4], $0x400, $0x38;
	[tilespmem:$0x1F800] =	vst v63  }
0x704: {  	s5 =	smov.u32 s0;
	s4 =	smov.u32 s1;
	p0 =	sne.s32 s0, $0x6000  }
.Ltmp14:
0x705: {  	s0 =	sadd.s32 $0x400, s0;
	(pc) =	sbr.rel @p0 .LBB2_30-.Ltmp14, $2  }
0x706: {  	_ =	sdelay $0x2  }
0x707: {  	s1 =	sadd.s32 $0x400, s1;
	s5 =	sadd.s32 s5, s9  }
0x708: {  	[hbm4b:s5+s3] =	stream.linear.scatter [tilespmem:s4], [sflag:$0x4], $0x400, $0x38;
	[tilespmem:$0x1F800] =	vst v63  }
0x709: {  	_ =	swait.ge [sflag:s21], $0x6400  }
0x70a: {  	[sflag:s21] =	ssyncset.done $0x0  }
0x70b: {  	s1 =	simm.s32 $0x4;
	[sflag:s21] =	ssyncadd.s32 $0xFFFF9C00  }
0x70c: {  	_ =	swait.ge [sflag:s1], $0x6400  }
0x70d: {  	s31 =	rddreg [dreg:$0x7]  }
0x70e: {  	s0 =	rddreg [dreg:$0x6];
	s4 =	sadd.s32 $0x1, s31  }
0x70f: {  	p0 =	sne.s32 s4, s0  }
.Ltmp15:
0x710: {  	_ = 	snop;
	(pc) =	sbr.rel @p0 .LBB2_1-.Ltmp15, $3  }
0x711: {  	_ =	sdelay $0x1  }
0x712: {  	[sflag:s1] =	ssyncset.done $0x0  }
0x713: {  	[sflag:s1] =	ssyncadd.s32 $0xFFFF9C00  }
0x714: {  	_ =	sfence.sel $0x180000  }
0x715: {  	[bflag:$0x0] =	sbarrier.arrive $0xFFFF  }
0x716: {  	_ =	strace $0x90000047  }
0x717: {  	s0 =	stileid.u32;
	[bflag:$0x2] =	sbarrier.arrive $0xFFFF  }
0x718: {  	p0 =	sne.s32 s0, $0x0;
	s0 =	rddreg [dreg:$0x2]  }
0x719: {  	s0 =	sadd.s32 @!p0 $0x100000, s0  }
0x71a: {  	[sflag:s0] =	ssyncadd.tile.s32 @!p0 $0x1;
	_ =	shalt  }
.Lfunc_end2:
_tile_overlayer_lowered:
.L_overlay_start_2:
0x71b: {  	(tag) =	ssettag $0x2  }
0x71c: {  	s0 =	rddreg [dreg:$0x0];
	s2 =	stileid.u32  }
0x71d: {  	s1 =	rddreg [dreg:$0x1];
	p0 =	sne.s32 s2, $0x0  }
0x71e: {  	s3 =	rddreg [dreg:$0x2];
	[bflag:$0x3] =	sbarrier.arrive $0xFFFF;
	s2 =	simm.s32 @!p0 $0x1C06  }
0x71f: {  	[timem:s3], [sflag:s2] =	dma.local @!p0 [hbm:s0], s1  }
0x720: {  	s0 =	simm.s32 @!p0 $0x6  }
0x721: {  	_ =	swait.ge @!p0 [sflag:s0], s1  }
0x722: {  	s1 =	ssub.s32 @!p0 $0x0, s1;
	[sflag:s0] =	ssyncset.done @!p0 $0x0  }
0x723: {  	[sflag:s0] =	ssyncadd.s32 @!p0 s1  }
0x724: {  	[bflag:$0x3] =	sbarrier.arrive $0xFFFF  }
0x725: {  	_ =	shalt  }

</sc_bundles>
